<compile_context>
chip_gen: v7x
topology: tpu7x:2x2x1
jax: 0.10.2.dev20260603
libtpu: 0.0.44.dev20260713+nightly
codegen_flags: <defaults>
</compile_context>

<pallas_src>
import dataclasses

import jax
import jax.numpy as jnp
from jax import lax
from jax.experimental import pallas as pl
from jax.experimental.pallas import tpu as pltpu
from jax.experimental.pallas import tpu_sc as plsc

_N_CORES = 2
_N_SUBCORES = 16
_N_LANES = 16
_N_WORKERS = _N_CORES * _N_SUBCORES

_BATCH = 16384
_D = 32
_BPW = _BATCH // _N_WORKERS
_NBUF = 8


def _fire(uft, ift, ub, ib, uslab, islab, ubg, ibg, sems, k, ju, ji):
    cu = pl.multiple_of(lax.shift_right_logical(ju, 7) * 128, 128)
    ci = pl.multiple_of(lax.shift_right_logical(ji, 7) * 128, 128)
    pltpu.async_copy(uft.at[:, pl.ds(cu, 128)], uslab.at[k], sems[k])
    pltpu.async_copy(ift.at[:, pl.ds(ci, 128)], islab.at[k], sems[k])
    pltpu.async_copy(ub.at[pl.ds(cu, 128)], ubg.at[k], sems[k])
    pltpu.async_copy(ib.at[pl.ds(ci, 128)], ibg.at[k], sems[k])


_DRAIN_WORDS = 2 * (_D * 128) + 2 * 128


def _drain(uft, drain_v, sems, k):
    pltpu.make_async_copy(uft.at[0, pl.ds(0, _DRAIN_WORDS)], drain_v,
                          sems[k]).wait()


def _mfpt_body(user_hbm, item_hbm, uft_hbm, ift_hbm, ub_hbm, ib_hbm, out_hbm,
               uidx_v, iidx_v, uslab_v, islab_v, ubg_v, ibg_v, res_v, out_v,
               drain_v, *sems):
    wid = lax.axis_index("s") * _N_CORES + lax.axis_index("c")
    base = wid * _BPW

    pltpu.sync_copy(user_hbm.at[pl.ds(base, _BPW)], uidx_v)
    pltpu.sync_copy(item_hbm.at[pl.ds(base, _BPW)], iidx_v)

    lanes = lax.iota(jnp.int32, _N_LANES)
    c_lo = lanes
    c_hi = lanes + _N_LANES

    def compute(n, k, ju, ji):
        lu = lax.broadcast(lax.bitwise_and(ju, 127), (_N_LANES,))
        li = lax.broadcast(lax.bitwise_and(ji, 127), (_N_LANES,))
        u1 = plsc.load_gather(uslab_v.at[k], [c_lo, lu])
        u2 = plsc.load_gather(uslab_v.at[k], [c_hi, lu])
        v1 = plsc.load_gather(islab_v.at[k], [c_lo, li])
        v2 = plsc.load_gather(islab_v.at[k], [c_hi, li])
        p = u1 * v1 + u2 * v2
        s = jnp.sum(p)
        bu = plsc.load_gather(ubg_v, [lanes * 0 + k, lu])
        bi = plsc.load_gather(ibg_v, [lanes * 0 + k, li])
        tot = s + bu[0] + bi[0]
        m = lanes == lax.bitwise_and(n, 15)
        res_v[...] = lax.select(m, lax.broadcast(tot, (_N_LANES,)), res_v[...])

    vju0 = uidx_v[pl.ds(0, _N_LANES)]
    vji0 = iidx_v[pl.ds(0, _N_LANES)]
    for k in range(_NBUF):
        _fire(uft_hbm, ift_hbm, ub_hbm, ib_hbm,
              uslab_v, islab_v, ubg_v, ibg_v, sems, k, vju0[k], vji0[k])

    @pl.loop(0, _BPW - _NBUF, step=_NBUF)
    def _(i8):
        vju = uidx_v[pl.ds(i8, 2 * _NBUF)]
        vji = iidx_v[pl.ds(i8, 2 * _NBUF)]
        for k in range(_NBUF):
            _drain(uft_hbm, drain_v, sems, k)
            compute(i8 + k, k, vju[k], vji[k])
            _fire(uft_hbm, ift_hbm, ub_hbm, ib_hbm,
                  uslab_v, islab_v, ubg_v, ibg_v, sems, k,
                  vju[k + _NBUF], vji[k + _NBUF])
        out_v[pl.ds(lax.bitwise_and(i8, -16), _N_LANES)] = res_v[...]

    vjuN = uidx_v[pl.ds(_BPW - _N_LANES, _N_LANES)]
    vjiN = iidx_v[pl.ds(_BPW - _N_LANES, _N_LANES)]
    for k in range(_NBUF):
        _drain(uft_hbm, drain_v, sems, k)
        compute(_BPW - _NBUF + k, k, vjuN[k + _NBUF], vjiN[k + _NBUF])
    out_v[pl.ds(_BPW - _N_LANES, _N_LANES)] = res_v[...]

    pltpu.sync_copy(out_v, out_hbm.at[pl.ds(base, _BPW)])


def kernel(user, item, user_factor, item_factor, users_biases, items_biases):
    user = user.astype(jnp.int32)
    item = item.astype(jnp.int32)
    uft = user_factor.T
    ift = item_factor.T
    ub = users_biases.reshape(-1)
    ib = items_biases.reshape(-1)
    mesh = plsc.VectorSubcoreMesh(
        core_axis_name="c", subcore_axis_name="s",
        num_cores=_N_CORES, num_subcores=_N_SUBCORES)
    cp = pltpu.CompilerParams()
    if "needs_layout_passes" in pltpu.CompilerParams.__dataclass_fields__:
        cp = dataclasses.replace(cp, needs_layout_passes=False)
    if "use_tc_tiling_on_sc" in pltpu.CompilerParams.__dataclass_fields__:
        cp = dataclasses.replace(cp, use_tc_tiling_on_sc=True)
    run = pl.kernel(
        _mfpt_body,
        compiler_params=cp,
        out_type=jax.ShapeDtypeStruct((_BATCH,), jnp.float32),
        mesh=mesh,
        scratch_types=[
            pltpu.VMEM((_BPW,), jnp.int32),
            pltpu.VMEM((_BPW,), jnp.int32),
            pltpu.VMEM((_NBUF, _D, 128), jnp.float32),
            pltpu.VMEM((_NBUF, _D, 128), jnp.float32),
            pltpu.VMEM((_NBUF, 128), jnp.float32),
            pltpu.VMEM((_NBUF, 128), jnp.float32),
            pltpu.VMEM((_N_LANES,), jnp.float32),
            pltpu.VMEM((_BPW,), jnp.float32),
            pltpu.VMEM((_DRAIN_WORDS,), jnp.float32),
        ] + [pltpu.SemaphoreType.DMA] * _NBUF,
    )
    return run(user, item, uft, ift, ub, ib)

# --- scband reference (transcript-rebuilt; emitter-appended) ---
"""Pipeline reference for scband-mfpt-20014547599897 (READ-ONLY COPY).

The authoritative reference and input builder live on the scoring server;
editing this copy changes nothing except your own understanding.
"""

import jax, jax.numpy as jnp
import numpy as np

N_USERS = 1000000
N_ITEMS = 1000000
N_FACTORS = 32
BATCH = 16384

def setup_inputs(seed: int = 0) -> dict:
    key = jax.random.key(seed)
    ks = jax.random.split(key, 6)
    user = jax.random.randint(ks[0], (BATCH,), 0, N_USERS)
    item = jax.random.randint(ks[1], (BATCH,), 0, N_ITEMS)
    user_factor = jax.random.normal(ks[2], (N_USERS, N_FACTORS), dtype=jnp.float32) * 0.01
    item_factor = jax.random.normal(ks[3], (N_ITEMS, N_FACTORS), dtype=jnp.float32) * 0.01
    users_biases = jax.random.normal(ks[4], (N_USERS, 1), dtype=jnp.float32) * 0.01
    items_biases = jax.random.normal(ks[5], (N_ITEMS, 1), dtype=jnp.float32) * 0.01
    return {"user": user, "item": item, "user_factor": user_factor, "item_factor": item_factor, "users_biases": users_biases, "items_biases": items_biases}

def reference(user, item, user_factor, item_factor, users_biases, items_biases):
    # user/item embedding gathers
    user_embedding = jnp.take(user_factor, user, axis=0).astype(jnp.float32)
    item_embedding = jnp.take(item_factor, item, axis=0).astype(jnp.float32)
    preds = jnp.take(users_biases, user, axis=0).astype(jnp.float32)
    preds = preds + jnp.take(items_biases, item, axis=0).astype(jnp.float32)
    # dropout_p = 0.0 -> dropout is identity in eval/zero-p case
    preds = preds + jnp.sum(user_embedding * item_embedding, axis=1, keepdims=True)
    return preds.reshape(-1)

if __name__ == "__main__":
    import jax
    _d = setup_inputs()
    print(jax.jit(kernel)(*tuple(_d.values())))

</pallas_src>

<mosaic_0001>
#map = affine_map<(d0, d1) -> (0)>
#map1 = affine_map<(d0, d1) -> (0, 0)>
module attributes {stable_mosaic.version = 14 : i64} {
  func.func @_mfpt_body(%arg0: i32, %arg1: i32, %arg2: memref<16384xi32, #tpu.memory_space<hbm>>, %arg3: memref<16384xi32, #tpu.memory_space<hbm>>, %arg4: memref<32x1000000xf32, #tpu.memory_space<hbm>>, %arg5: memref<32x1000000xf32, #tpu.memory_space<hbm>>, %arg6: memref<1000000xf32, #tpu.memory_space<hbm>>, %arg7: memref<1000000xf32, #tpu.memory_space<hbm>>, %arg8: memref<16384xf32, #tpu.memory_space<hbm>>, %arg9: memref<512xi32, #tpu.memory_space<vmem>>, %arg10: memref<512xi32, #tpu.memory_space<vmem>>, %arg11: memref<8x32x128xf32, #tpu.memory_space<vmem>>, %arg12: memref<8x32x128xf32, #tpu.memory_space<vmem>>, %arg13: memref<8x128xf32, #tpu.memory_space<vmem>>, %arg14: memref<8x128xf32, #tpu.memory_space<vmem>>, %arg15: memref<16xf32, #tpu.memory_space<vmem>>, %arg16: memref<512xf32, #tpu.memory_space<vmem>>, %arg17: memref<8448xf32, #tpu.memory_space<vmem>>, %arg18: memref<!tpu.dma_semaphore, #tpu.memory_space<semaphore_mem>>, %arg19: memref<!tpu.dma_semaphore, #tpu.memory_space<semaphore_mem>>, %arg20: memref<!tpu.dma_semaphore, #tpu.memory_space<semaphore_mem>>, %arg21: memref<!tpu.dma_semaphore, #tpu.memory_space<semaphore_mem>>, %arg22: memref<!tpu.dma_semaphore, #tpu.memory_space<semaphore_mem>>, %arg23: memref<!tpu.dma_semaphore, #tpu.memory_space<semaphore_mem>>, %arg24: memref<!tpu.dma_semaphore, #tpu.memory_space<semaphore_mem>>, %arg25: memref<!tpu.dma_semaphore, #tpu.memory_space<semaphore_mem>>) attributes {dimension_semantics = [#tpu.dimension_semantics<core_parallel>, #tpu.dimension_semantics<subcore_parallel>], iteration_bounds = array<i64: 2, 16>, scalar_prefetch = 0 : i64, scratch_operands = 17 : i64, tpu.core_type = #tpu.core_type<sc_vector_subcore>, window_params = [{transform_indices = #map}, {transform_indices = #map}, {transform_indices = #map1}, {transform_indices = #map1}, {transform_indices = #map}, {transform_indices = #map}, {transform_indices = #map}]} {
    %mul3A = arith.constant 2 : i32
    %mul3A_0 = arith.muli %arg1, %mul3A : i32
    %add3A = arith.addi %mul3A_0, %arg0 : i32
    %mul3A_1 = arith.constant 512 : i32
    %mul3A_2 = arith.muli %add3A, %mul3A_1 : i32
    "tpu.region"() ({
      %run_scoped3A = tpu.sem_alloc : memref<!tpu.dma_semaphore, #tpu.memory_space<semaphore_mem>>
      %dma_start3A_1104 = tpu.memref_slice %arg2[%mul3A_2] : memref<16384xi32, #tpu.memory_space<hbm>> -> memref<512xi32, #tpu.memory_space<hbm>>
      %dma_start3A_1105 = tpu.memref_slice %arg2[%mul3A_2] : memref<16384xi32, #tpu.memory_space<hbm>> -> memref<512xi32, #tpu.memory_space<hbm>>
      tpu.enqueue_dma source(%dma_start3A_1105 : memref<512xi32, #tpu.memory_space<hbm>>) target(%arg9 : memref<512xi32, #tpu.memory_space<vmem>>) target_semaphore(%run_scoped3A : memref<!tpu.dma_semaphore, #tpu.memory_space<semaphore_mem>>)
      %dma_wait3A_1106 = tpu.memref_slice %arg2[%mul3A_2] : memref<16384xi32, #tpu.memory_space<hbm>> -> memref<512xi32, #tpu.memory_space<hbm>>
      %dma_wait3A_1107 = tpu.memref_slice %arg2[%mul3A_2] : memref<16384xi32, #tpu.memory_space<hbm>> -> memref<512xi32, #tpu.memory_space<hbm>>
      tpu.wait_dma2 semaphore(%run_scoped3A : memref<!tpu.dma_semaphore, #tpu.memory_space<semaphore_mem>>) src(%dma_wait3A_1107 : memref<512xi32, #tpu.memory_space<hbm>>) dst(%arg9 : memref<512xi32, #tpu.memory_space<vmem>>)
      tpu.yield
    }) : () -> ()
    "tpu.region"() ({
      %run_scoped3A = tpu.sem_alloc : memref<!tpu.dma_semaphore, #tpu.memory_space<semaphore_mem>>
      %dma_start3A_1104 = tpu.memref_slice %arg3[%mul3A_2] : memref<16384xi32, #tpu.memory_space<hbm>> -> memref<512xi32, #tpu.memory_space<hbm>>
      %dma_start3A_1105 = tpu.memref_slice %arg3[%mul3A_2] : memref<16384xi32, #tpu.memory_space<hbm>> -> memref<512xi32, #tpu.memory_space<hbm>>
      tpu.enqueue_dma source(%dma_start3A_1105 : memref<512xi32, #tpu.memory_space<hbm>>) target(%arg10 : memref<512xi32, #tpu.memory_space<vmem>>) target_semaphore(%run_scoped3A : memref<!tpu.dma_semaphore, #tpu.memory_space<semaphore_mem>>)
      %dma_wait3A_1106 = tpu.memref_slice %arg3[%mul3A_2] : memref<16384xi32, #tpu.memory_space<hbm>> -> memref<512xi32, #tpu.memory_space<hbm>>
      %dma_wait3A_1107 = tpu.memref_slice %arg3[%mul3A_2] : memref<16384xi32, #tpu.memory_space<hbm>> -> memref<512xi32, #tpu.memory_space<hbm>>
      tpu.wait_dma2 semaphore(%run_scoped3A : memref<!tpu.dma_semaphore, #tpu.memory_space<semaphore_mem>>) src(%dma_wait3A_1107 : memref<512xi32, #tpu.memory_space<hbm>>) dst(%arg10 : memref<512xi32, #tpu.memory_space<vmem>>)
      tpu.yield
    }) : () -> ()
    %iota3A = tpu.iota {dimensions = array<i32: 0>} : vector<16xi32>
    %add3A_3 = arith.constant 16 : i32
    %add3A_4 = vector.broadcast %add3A_3 : i32 to vector<16xi32>
    %add3A_5 = arith.addi %iota3A, %add3A_4 : vector<16xi32>
    %get3A = arith.constant 0 : index
    %get3A_6 = tpu.vector_load %arg9[%get3A] {strides = array<i32>} : memref<512xi32, #tpu.memory_space<vmem>>, vector<16xi32>,
    %get3A_7 = arith.constant 0 : index
    %get3A_8 = tpu.vector_load %arg10[%get3A_7] {strides = array<i32>} : memref<512xi32, #tpu.memory_space<vmem>>, vector<16xi32>,
    %slice3A = vector.extract_strided_slice %get3A_6 {offsets = [0], sizes = [1], strides = [1]} : vector<16xi32> to vector<1xi32>
    %squeeze3A = vector.extract %slice3A[0] : i32 from vector<1xi32>
    %slice3A_9 = vector.extract_strided_slice %get3A_8 {offsets = [0], sizes = [1], strides = [1]} : vector<16xi32> to vector<1xi32>
    %squeeze3A_10 = vector.extract %slice3A_9[0] : i32 from vector<1xi32>
    %shift_right_logical3A = arith.constant 7 : i32
    %shift_right_logical3A_11 = arith.shrui %squeeze3A, %shift_right_logical3A : i32
    %mul3A_12 = arith.constant 128 : i32
    %mul3A_13 = arith.muli %shift_right_logical3A_11, %mul3A_12 : i32
    %multiple_of3A = tpu.assume_multiple %mul3A_13, 128 : i32
    %shift_right_logical3A_14 = arith.constant 7 : i32
    %shift_right_logical3A_15 = arith.shrui %squeeze3A_10, %shift_right_logical3A_14 : i32
    %mul3A_16 = arith.constant 128 : i32
    %mul3A_17 = arith.muli %shift_right_logical3A_15, %mul3A_16 : i32
    %multiple_of3A_18 = tpu.assume_multiple %mul3A_17, 128 : i32
    %dma_start3A = arith.constant 0 : i32
    %dma_start3A_19 = arith.constant 0 : i32
    %dma_start3A_20 = arith.constant 0 : i32
    %dma_start3A_21 = tpu.memref_slice %arg11[%dma_start3A, %dma_start3A_19, %dma_start3A_20] : memref<8x32x128xf32, #tpu.memory_space<vmem>> -> memref<1x32x128xf32, #tpu.memory_space<vmem>>
    %dma_start3A_22 = tpu.memref_squeeze %dma_start3A_21 : memref<1x32x128xf32, #tpu.memory_space<vmem>> -> memref<32x128xf32, #tpu.memory_space<vmem>>
    %dma_start3A_23 = arith.constant 0 : i32
    %dma_start3A_24 = tpu.memref_slice %arg4[%dma_start3A_23, %multiple_of3A] : memref<32x1000000xf32, #tpu.memory_space<hbm>> -> memref<32x128xf32, #tpu.memory_space<hbm>>
    %dma_start3A_25 = arith.constant 0 : i32
    %dma_start3A_26 = arith.constant 0 : i32
    %dma_start3A_27 = tpu.memref_slice %arg11[%dma_start3A, %dma_start3A_25, %dma_start3A_26] : memref<8x32x128xf32, #tpu.memory_space<vmem>> -> memref<1x32x128xf32, #tpu.memory_space<vmem>>
    %dma_start3A_28 = tpu.memref_squeeze %dma_start3A_27 : memref<1x32x128xf32, #tpu.memory_space<vmem>> -> memref<32x128xf32, #tpu.memory_space<vmem>>
    %dma_start3A_29 = arith.constant 0 : i32
    %dma_start3A_30 = tpu.memref_slice %arg4[%dma_start3A_29, %multiple_of3A] : memref<32x1000000xf32, #tpu.memory_space<hbm>> -> memref<32x128xf32, #tpu.memory_space<hbm>>
    tpu.enqueue_dma source(%dma_start3A_30 : memref<32x128xf32, #tpu.memory_space<hbm>>) target(%dma_start3A_28 : memref<32x128xf32, #tpu.memory_space<vmem>>) target_semaphore(%arg18 : memref<!tpu.dma_semaphore, #tpu.memory_space<semaphore_mem>>)
    %dma_start3A_31 = arith.constant 0 : i32
    %dma_start3A_32 = arith.constant 0 : i32
    %dma_start3A_33 = arith.constant 0 : i32
    %dma_start3A_34 = tpu.memref_slice %arg12[%dma_start3A_31, %dma_start3A_32, %dma_start3A_33] : memref<8x32x128xf32, #tpu.memory_space<vmem>> -> memref<1x32x128xf32, #tpu.memory_space<vmem>>
    %dma_start3A_35 = tpu.memref_squeeze %dma_start3A_34 : memref<1x32x128xf32, #tpu.memory_space<vmem>> -> memref<32x128xf32, #tpu.memory_space<vmem>>
    %dma_start3A_36 = arith.constant 0 : i32
    %dma_start3A_37 = tpu.memref_slice %arg5[%dma_start3A_36, %multiple_of3A_18] : memref<32x1000000xf32, #tpu.memory_space<hbm>> -> memref<32x128xf32, #tpu.memory_space<hbm>>
    %dma_start3A_38 = arith.constant 0 : i32
    %dma_start3A_39 = arith.constant 0 : i32
    %dma_start3A_40 = tpu.memref_slice %arg12[%dma_start3A_31, %dma_start3A_38, %dma_start3A_39] : memref<8x32x128xf32, #tpu.memory_space<vmem>> -> memref<1x32x128xf32, #tpu.memory_space<vmem>>
    %dma_start3A_41 = tpu.memref_squeeze %dma_start3A_40 : memref<1x32x128xf32, #tpu.memory_space<vmem>> -> memref<32x128xf32, #tpu.memory_space<vmem>>
    %dma_start3A_42 = arith.constant 0 : i32
    %dma_start3A_43 = tpu.memref_slice %arg5[%dma_start3A_42, %multiple_of3A_18] : memref<32x1000000xf32, #tpu.memory_space<hbm>> -> memref<32x128xf32, #tpu.memory_space<hbm>>
    tpu.enqueue_dma source(%dma_start3A_43 : memref<32x128xf32, #tpu.memory_space<hbm>>) target(%dma_start3A_41 : memref<32x128xf32, #tpu.memory_space<vmem>>) target_semaphore(%arg18 : memref<!tpu.dma_semaphore, #tpu.memory_space<semaphore_mem>>)
    %dma_start3A_44 = arith.constant 0 : i32
    %dma_start3A_45 = arith.constant 0 : i32
    %dma_start3A_46 = tpu.memref_slice %arg13[%dma_start3A_44, %dma_start3A_45] : memref<8x128xf32, #tpu.memory_space<vmem>> -> memref<1x128xf32, #tpu.memory_space<vmem>>
    %dma_start3A_47 = tpu.memref_squeeze %dma_start3A_46 : memref<1x128xf32, #tpu.memory_space<vmem>> -> memref<128xf32, #tpu.memory_space<vmem>>
    %dma_start3A_48 = tpu.memref_slice %arg6[%multiple_of3A] : memref<1000000xf32, #tpu.memory_space<hbm>> -> memref<128xf32, #tpu.memory_space<hbm>>
    %dma_start3A_49 = arith.constant 0 : i32
    %dma_start3A_50 = tpu.memref_slice %arg13[%dma_start3A_44, %dma_start3A_49] : memref<8x128xf32, #tpu.memory_space<vmem>> -> memref<1x128xf32, #tpu.memory_space<vmem>>
    %dma_start3A_51 = tpu.memref_squeeze %dma_start3A_50 : memref<1x128xf32, #tpu.memory_space<vmem>> -> memref<128xf32, #tpu.memory_space<vmem>>
    %dma_start3A_52 = tpu.memref_slice %arg6[%multiple_of3A] : memref<1000000xf32, #tpu.memory_space<hbm>> -> memref<128xf32, #tpu.memory_space<hbm>>
    tpu.enqueue_dma source(%dma_start3A_52 : memref<128xf32, #tpu.memory_space<hbm>>) target(%dma_start3A_51 : memref<128xf32, #tpu.memory_space<vmem>>) target_semaphore(%arg18 : memref<!tpu.dma_semaphore, #tpu.memory_space<semaphore_mem>>)
    %dma_start3A_53 = arith.constant 0 : i32
    %dma_start3A_54 = arith.constant 0 : i32
    %dma_start3A_55 = tpu.memref_slice %arg14[%dma_start3A_53, %dma_start3A_54] : memref<8x128xf32, #tpu.memory_space<vmem>> -> memref<1x128xf32, #tpu.memory_space<vmem>>
    %dma_start3A_56 = tpu.memref_squeeze %dma_start3A_55 : memref<1x128xf32, #tpu.memory_space<vmem>> -> memref<128xf32, #tpu.memory_space<vmem>>
    %dma_start3A_57 = tpu.memref_slice %arg7[%multiple_of3A_18] : memref<1000000xf32, #tpu.memory_space<hbm>> -> memref<128xf32, #tpu.memory_space<hbm>>
    %dma_start3A_58 = arith.constant 0 : i32
    %dma_start3A_59 = tpu.memref_slice %arg14[%dma_start3A_53, %dma_start3A_58] : memref<8x128xf32, #tpu.memory_space<vmem>> -> memref<1x128xf32, #tpu.memory_space<vmem>>
    %dma_start3A_60 = tpu.memref_squeeze %dma_start3A_59 : memref<1x128xf32, #tpu.memory_space<vmem>> -> memref<128xf32, #tpu.memory_space<vmem>>
    %dma_start3A_61 = tpu.memref_slice %arg7[%multiple_of3A_18] : memref<1000000xf32, #tpu.memory_space<hbm>> -> memref<128xf32, #tpu.memory_space<hbm>>
    tpu.enqueue_dma source(%dma_start3A_61 : memref<128xf32, #tpu.memory_space<hbm>>) target(%dma_start3A_60 : memref<128xf32, #tpu.memory_space<vmem>>) target_semaphore(%arg18 : memref<!tpu.dma_semaphore, #tpu.memory_space<semaphore_mem>>)
    %slice3A_62 = vector.extract_strided_slice %get3A_6 {offsets = [1], sizes = [1], strides = [1]} : vector<16xi32> to vector<1xi32>
    %squeeze3A_63 = vector.extract %slice3A_62[0] : i32 from vector<1xi32>
    %slice3A_64 = vector.extract_strided_slice %get3A_8 {offsets = [1], sizes = [1], strides = [1]} : vector<16xi32> to vector<1xi32>
    %squeeze3A_65 = vector.extract %slice3A_64[0] : i32 from vector<1xi32>
    %shift_right_logical3A_66 = arith.constant 7 : i32
    %shift_right_logical3A_67 = arith.shrui %squeeze3A_63, %shift_right_logical3A_66 : i32
    %mul3A_68 = arith.constant 128 : i32
    %mul3A_69 = arith.muli %shift_right_logical3A_67, %mul3A_68 : i32
    %multiple_of3A_70 = tpu.assume_multiple %mul3A_69, 128 : i32
    %shift_right_logical3A_71 = arith.constant 7 : i32
    %shift_right_logical3A_72 = arith.shrui %squeeze3A_65, %shift_right_logical3A_71 : i32
    %mul3A_73 = arith.constant 128 : i32
    %mul3A_74 = arith.muli %shift_right_logical3A_72, %mul3A_73 : i32
    %multiple_of3A_75 = tpu.assume_multiple %mul3A_74, 128 : i32
    %dma_start3A_76 = arith.constant 1 : i32
    %dma_start3A_77 = arith.constant 0 : i32
    %dma_start3A_78 = arith.constant 0 : i32
    %dma_start3A_79 = tpu.memref_slice %arg11[%dma_start3A_76, %dma_start3A_77, %dma_start3A_78] : memref<8x32x128xf32, #tpu.memory_space<vmem>> -> memref<1x32x128xf32, #tpu.memory_space<vmem>>
    %dma_start3A_80 = tpu.memref_squeeze %dma_start3A_79 : memref<1x32x128xf32, #tpu.memory_space<vmem>> -> memref<32x128xf32, #tpu.memory_space<vmem>>
    %dma_start3A_81 = arith.constant 0 : i32
    %dma_start3A_82 = tpu.memref_slice %arg4[%dma_start3A_81, %multiple_of3A_70] : memref<32x1000000xf32, #tpu.memory_space<hbm>> -> memref<32x128xf32, #tpu.memory_space<hbm>>
    %dma_start3A_83 = arith.constant 0 : i32
    %dma_start3A_84 = arith.constant 0 : i32
    %dma_start3A_85 = tpu.memref_slice %arg11[%dma_start3A_76, %dma_start3A_83, %dma_start3A_84] : memref<8x32x128xf32, #tpu.memory_space<vmem>> -> memref<1x32x128xf32, #tpu.memory_space<vmem>>
    %dma_start3A_86 = tpu.memref_squeeze %dma_start3A_85 : memref<1x32x128xf32, #tpu.memory_space<vmem>> -> memref<32x128xf32, #tpu.memory_space<vmem>>
    %dma_start3A_87 = arith.constant 0 : i32
    %dma_start3A_88 = tpu.memref_slice %arg4[%dma_start3A_87, %multiple_of3A_70] : memref<32x1000000xf32, #tpu.memory_space<hbm>> -> memref<32x128xf32, #tpu.memory_space<hbm>>
    tpu.enqueue_dma source(%dma_start3A_88 : memref<32x128xf32, #tpu.memory_space<hbm>>) target(%dma_start3A_86 : memref<32x128xf32, #tpu.memory_space<vmem>>) target_semaphore(%arg19 : memref<!tpu.dma_semaphore, #tpu.memory_space<semaphore_mem>>)
    %dma_start3A_89 = arith.constant 1 : i32
    %dma_start3A_90 = arith.constant 0 : i32
    %dma_start3A_91 = arith.constant 0 : i32
    %dma_start3A_92 = tpu.memref_slice %arg12[%dma_start3A_89, %dma_start3A_90, %dma_start3A_91] : memref<8x32x128xf32, #tpu.memory_space<vmem>> -> memref<1x32x128xf32, #tpu.memory_space<vmem>>
    %dma_start3A_93 = tpu.memref_squeeze %dma_start3A_92 : memref<1x32x128xf32, #tpu.memory_space<vmem>> -> memref<32x128xf32, #tpu.memory_space<vmem>>
    %dma_start3A_94 = arith.constant 0 : i32
    %dma_start3A_95 = tpu.memref_slice %arg5[%dma_start3A_94, %multiple_of3A_75] : memref<32x1000000xf32, #tpu.memory_space<hbm>> -> memref<32x128xf32, #tpu.memory_space<hbm>>
    %dma_start3A_96 = arith.constant 0 : i32
    %dma_start3A_97 = arith.constant 0 : i32
    %dma_start3A_98 = tpu.memref_slice %arg12[%dma_start3A_89, %dma_start3A_96, %dma_start3A_97] : memref<8x32x128xf32, #tpu.memory_space<vmem>> -> memref<1x32x128xf32, #tpu.memory_space<vmem>>
    %dma_start3A_99 = tpu.memref_squeeze %dma_start3A_98 : memref<1x32x128xf32, #tpu.memory_space<vmem>> -> memref<32x128xf32, #tpu.memory_space<vmem>>
    %dma_start3A_100 = arith.constant 0 : i32
    %dma_start3A_101 = tpu.memref_slice %arg5[%dma_start3A_100, %multiple_of3A_75] : memref<32x1000000xf32, #tpu.memory_space<hbm>> -> memref<32x128xf32, #tpu.memory_space<hbm>>
    tpu.enqueue_dma source(%dma_start3A_101 : memref<32x128xf32, #tpu.memory_space<hbm>>) target(%dma_start3A_99 : memref<32x128xf32, #tpu.memory_space<vmem>>) target_semaphore(%arg19 : memref<!tpu.dma_semaphore, #tpu.memory_space<semaphore_mem>>)
    %dma_start3A_102 = arith.constant 1 : i32
    %dma_start3A_103 = arith.constant 0 : i32
    %dma_start3A_104 = tpu.memref_slice %arg13[%dma_start3A_102, %dma_start3A_103] : memref<8x128xf32, #tpu.memory_space<vmem>> -> memref<1x128xf32, #tpu.memory_space<vmem>>
    %dma_start3A_105 = tpu.memref_squeeze %dma_start3A_104 : memref<1x128xf32, #tpu.memory_space<vmem>> -> memref<128xf32, #tpu.memory_space<vmem>>
    %dma_start3A_106 = tpu.memref_slice %arg6[%multiple_of3A_70] : memref<1000000xf32, #tpu.memory_space<hbm>> -> memref<128xf32, #tpu.memory_space<hbm>>
    %dma_start3A_107 = arith.constant 0 : i32
    %dma_start3A_108 = tpu.memref_slice %arg13[%dma_start3A_102, %dma_start3A_107] : memref<8x128xf32, #tpu.memory_space<vmem>> -> memref<1x128xf32, #tpu.memory_space<vmem>>
    %dma_start3A_109 = tpu.memref_squeeze %dma_start3A_108 : memref<1x128xf32, #tpu.memory_space<vmem>> -> memref<128xf32, #tpu.memory_space<vmem>>
    %dma_start3A_110 = tpu.memref_slice %arg6[%multiple_of3A_70] : memref<1000000xf32, #tpu.memory_space<hbm>> -> memref<128xf32, #tpu.memory_space<hbm>>
    tpu.enqueue_dma source(%dma_start3A_110 : memref<128xf32, #tpu.memory_space<hbm>>) target(%dma_start3A_109 : memref<128xf32, #tpu.memory_space<vmem>>) target_semaphore(%arg19 : memref<!tpu.dma_semaphore, #tpu.memory_space<semaphore_mem>>)
    %dma_start3A_111 = arith.constant 1 : i32
    %dma_start3A_112 = arith.constant 0 : i32
    %dma_start3A_113 = tpu.memref_slice %arg14[%dma_start3A_111, %dma_start3A_112] : memref<8x128xf32, #tpu.memory_space<vmem>> -> memref<1x128xf32, #tpu.memory_space<vmem>>
    %dma_start3A_114 = tpu.memref_squeeze %dma_start3A_113 : memref<1x128xf32, #tpu.memory_space<vmem>> -> memref<128xf32, #tpu.memory_space<vmem>>
    %dma_start3A_115 = tpu.memref_slice %arg7[%multiple_of3A_75] : memref<1000000xf32, #tpu.memory_space<hbm>> -> memref<128xf32, #tpu.memory_space<hbm>>
    %dma_start3A_116 = arith.constant 0 : i32
    %dma_start3A_117 = tpu.memref_slice %arg14[%dma_start3A_111, %dma_start3A_116] : memref<8x128xf32, #tpu.memory_space<vmem>> -> memref<1x128xf32, #tpu.memory_space<vmem>>
    %dma_start3A_118 = tpu.memref_squeeze %dma_start3A_117 : memref<1x128xf32, #tpu.memory_space<vmem>> -> memref<128xf32, #tpu.memory_space<vmem>>
    %dma_start3A_119 = tpu.memref_slice %arg7[%multiple_of3A_75] : memref<1000000xf32, #tpu.memory_space<hbm>> -> memref<128xf32, #tpu.memory_space<hbm>>
    tpu.enqueue_dma source(%dma_start3A_119 : memref<128xf32, #tpu.memory_space<hbm>>) target(%dma_start3A_118 : memref<128xf32, #tpu.memory_space<vmem>>) target_semaphore(%arg19 : memref<!tpu.dma_semaphore, #tpu.memory_space<semaphore_mem>>)
    %slice3A_120 = vector.extract_strided_slice %get3A_6 {offsets = [2], sizes = [1], strides = [1]} : vector<16xi32> to vector<1xi32>
    %squeeze3A_121 = vector.extract %slice3A_120[0] : i32 from vector<1xi32>
    %slice3A_122 = vector.extract_strided_slice %get3A_8 {offsets = [2], sizes = [1], strides = [1]} : vector<16xi32> to vector<1xi32>
    %squeeze3A_123 = vector.extract %slice3A_122[0] : i32 from vector<1xi32>
    %shift_right_logical3A_124 = arith.constant 7 : i32
    %shift_right_logical3A_125 = arith.shrui %squeeze3A_121, %shift_right_logical3A_124 : i32
    %mul3A_126 = arith.constant 128 : i32
    %mul3A_127 = arith.muli %shift_right_logical3A_125, %mul3A_126 : i32
    %multiple_of3A_128 = tpu.assume_multiple %mul3A_127, 128 : i32
    %shift_right_logical3A_129 = arith.constant 7 : i32
    %shift_right_logical3A_130 = arith.shrui %squeeze3A_123, %shift_right_logical3A_129 : i32
    %mul3A_131 = arith.constant 128 : i32
    %mul3A_132 = arith.muli %shift_right_logical3A_130, %mul3A_131 : i32
    %multiple_of3A_133 = tpu.assume_multiple %mul3A_132, 128 : i32
    %dma_start3A_134 = arith.constant 2 : i32
    %dma_start3A_135 = arith.constant 0 : i32
    %dma_start3A_136 = arith.constant 0 : i32
    %dma_start3A_137 = tpu.memref_slice %arg11[%dma_start3A_134, %dma_start3A_135, %dma_start3A_136] : memref<8x32x128xf32, #tpu.memory_space<vmem>> -> memref<1x32x128xf32, #tpu.memory_space<vmem>>
    %dma_start3A_138 = tpu.memref_squeeze %dma_start3A_137 : memref<1x32x128xf32, #tpu.memory_space<vmem>> -> memref<32x128xf32, #tpu.memory_space<vmem>>
    %dma_start3A_139 = arith.constant 0 : i32
    %dma_start3A_140 = tpu.memref_slice %arg4[%dma_start3A_139, %multiple_of3A_128] : memref<32x1000000xf32, #tpu.memory_space<hbm>> -> memref<32x128xf32, #tpu.memory_space<hbm>>
    %dma_start3A_141 = arith.constant 0 : i32
    %dma_start3A_142 = arith.constant 0 : i32
    %dma_start3A_143 = tpu.memref_slice %arg11[%dma_start3A_134, %dma_start3A_141, %dma_start3A_142] : memref<8x32x128xf32, #tpu.memory_space<vmem>> -> memref<1x32x128xf32, #tpu.memory_space<vmem>>
    %dma_start3A_144 = tpu.memref_squeeze %dma_start3A_143 : memref<1x32x128xf32, #tpu.memory_space<vmem>> -> memref<32x128xf32, #tpu.memory_space<vmem>>
    %dma_start3A_145 = arith.constant 0 : i32
    %dma_start3A_146 = tpu.memref_slice %arg4[%dma_start3A_145, %multiple_of3A_128] : memref<32x1000000xf32, #tpu.memory_space<hbm>> -> memref<32x128xf32, #tpu.memory_space<hbm>>
    tpu.enqueue_dma source(%dma_start3A_146 : memref<32x128xf32, #tpu.memory_space<hbm>>) target(%dma_start3A_144 : memref<32x128xf32, #tpu.memory_space<vmem>>) target_semaphore(%arg20 : memref<!tpu.dma_semaphore, #tpu.memory_space<semaphore_mem>>)
    %dma_start3A_147 = arith.constant 2 : i32
    %dma_start3A_148 = arith.constant 0 : i32
    %dma_start3A_149 = arith.constant 0 : i32
    %dma_start3A_150 = tpu.memref_slice %arg12[%dma_start3A_147, %dma_start3A_148, %dma_start3A_149] : memref<8x32x128xf32, #tpu.memory_space<vmem>> -> memref<1x32x128xf32, #tpu.memory_space<vmem>>
    %dma_start3A_151 = tpu.memref_squeeze %dma_start3A_150 : memref<1x32x128xf32, #tpu.memory_space<vmem>> -> memref<32x128xf32, #tpu.memory_space<vmem>>
    %dma_start3A_152 = arith.constant 0 : i32
    %dma_start3A_153 = tpu.memref_slice %arg5[%dma_start3A_152, %multiple_of3A_133] : memref<32x1000000xf32, #tpu.memory_space<hbm>> -> memref<32x128xf32, #tpu.memory_space<hbm>>
    %dma_start3A_154 = arith.constant 0 : i32
    %dma_start3A_155 = arith.constant 0 : i32
    %dma_start3A_156 = tpu.memref_slice %arg12[%dma_start3A_147, %dma_start3A_154, %dma_start3A_155] : memref<8x32x128xf32, #tpu.memory_space<vmem>> -> memref<1x32x128xf32, #tpu.memory_space<vmem>>
    %dma_start3A_157 = tpu.memref_squeeze %dma_start3A_156 : memref<1x32x128xf32, #tpu.memory_space<vmem>> -> memref<32x128xf32, #tpu.memory_space<vmem>>
    %dma_start3A_158 = arith.constant 0 : i32
    %dma_start3A_159 = tpu.memref_slice %arg5[%dma_start3A_158, %multiple_of3A_133] : memref<32x1000000xf32, #tpu.memory_space<hbm>> -> memref<32x128xf32, #tpu.memory_space<hbm>>
    tpu.enqueue_dma source(%dma_start3A_159 : memref<32x128xf32, #tpu.memory_space<hbm>>) target(%dma_start3A_157 : memref<32x128xf32, #tpu.memory_space<vmem>>) target_semaphore(%arg20 : memref<!tpu.dma_semaphore, #tpu.memory_space<semaphore_mem>>)
    %dma_start3A_160 = arith.constant 2 : i32
    %dma_start3A_161 = arith.constant 0 : i32
    %dma_start3A_162 = tpu.memref_slice %arg13[%dma_start3A_160, %dma_start3A_161] : memref<8x128xf32, #tpu.memory_space<vmem>> -> memref<1x128xf32, #tpu.memory_space<vmem>>
    %dma_start3A_163 = tpu.memref_squeeze %dma_start3A_162 : memref<1x128xf32, #tpu.memory_space<vmem>> -> memref<128xf32, #tpu.memory_space<vmem>>
    %dma_start3A_164 = tpu.memref_slice %arg6[%multiple_of3A_128] : memref<1000000xf32, #tpu.memory_space<hbm>> -> memref<128xf32, #tpu.memory_space<hbm>>
    %dma_start3A_165 = arith.constant 0 : i32
    %dma_start3A_166 = tpu.memref_slice %arg13[%dma_start3A_160, %dma_start3A_165] : memref<8x128xf32, #tpu.memory_space<vmem>> -> memref<1x128xf32, #tpu.memory_space<vmem>>
    %dma_start3A_167 = tpu.memref_squeeze %dma_start3A_166 : memref<1x128xf32, #tpu.memory_space<vmem>> -> memref<128xf32, #tpu.memory_space<vmem>>
    %dma_start3A_168 = tpu.memref_slice %arg6[%multiple_of3A_128] : memref<1000000xf32, #tpu.memory_space<hbm>> -> memref<128xf32, #tpu.memory_space<hbm>>
    tpu.enqueue_dma source(%dma_start3A_168 : memref<128xf32, #tpu.memory_space<hbm>>) target(%dma_start3A_167 : memref<128xf32, #tpu.memory_space<vmem>>) target_semaphore(%arg20 : memref<!tpu.dma_semaphore, #tpu.memory_space<semaphore_mem>>)
    %dma_start3A_169 = arith.constant 2 : i32
    %dma_start3A_170 = arith.constant 0 : i32
    %dma_start3A_171 = tpu.memref_slice %arg14[%dma_start3A_169, %dma_start3A_170] : memref<8x128xf32, #tpu.memory_space<vmem>> -> memref<1x128xf32, #tpu.memory_space<vmem>>
    %dma_start3A_172 = tpu.memref_squeeze %dma_start3A_171 : memref<1x128xf32, #tpu.memory_space<vmem>> -> memref<128xf32, #tpu.memory_space<vmem>>
    %dma_start3A_173 = tpu.memref_slice %arg7[%multiple_of3A_133] : memref<1000000xf32, #tpu.memory_space<hbm>> -> memref<128xf32, #tpu.memory_space<hbm>>
    %dma_start3A_174 = arith.constant 0 : i32
    %dma_start3A_175 = tpu.memref_slice %arg14[%dma_start3A_169, %dma_start3A_174] : memref<8x128xf32, #tpu.memory_space<vmem>> -> memref<1x128xf32, #tpu.memory_space<vmem>>
    %dma_start3A_176 = tpu.memref_squeeze %dma_start3A_175 : memref<1x128xf32, #tpu.memory_space<vmem>> -> memref<128xf32, #tpu.memory_space<vmem>>
    %dma_start3A_177 = tpu.memref_slice %arg7[%multiple_of3A_133] : memref<1000000xf32, #tpu.memory_space<hbm>> -> memref<128xf32, #tpu.memory_space<hbm>>
    tpu.enqueue_dma source(%dma_start3A_177 : memref<128xf32, #tpu.memory_space<hbm>>) target(%dma_start3A_176 : memref<128xf32, #tpu.memory_space<vmem>>) target_semaphore(%arg20 : memref<!tpu.dma_semaphore, #tpu.memory_space<semaphore_mem>>)
    %slice3A_178 = vector.extract_strided_slice %get3A_6 {offsets = [3], sizes = [1], strides = [1]} : vector<16xi32> to vector<1xi32>
    %squeeze3A_179 = vector.extract %slice3A_178[0] : i32 from vector<1xi32>
    %slice3A_180 = vector.extract_strided_slice %get3A_8 {offsets = [3], sizes = [1], strides = [1]} : vector<16xi32> to vector<1xi32>
    %squeeze3A_181 = vector.extract %slice3A_180[0] : i32 from vector<1xi32>
    %shift_right_logical3A_182 = arith.constant 7 : i32
    %shift_right_logical3A_183 = arith.shrui %squeeze3A_179, %shift_right_logical3A_182 : i32
    %mul3A_184 = arith.constant 128 : i32
    %mul3A_185 = arith.muli %shift_right_logical3A_183, %mul3A_184 : i32
    %multiple_of3A_186 = tpu.assume_multiple %mul3A_185, 128 : i32
    %shift_right_logical3A_187 = arith.constant 7 : i32
    %shift_right_logical3A_188 = arith.shrui %squeeze3A_181, %shift_right_logical3A_187 : i32
    %mul3A_189 = arith.constant 128 : i32
    %mul3A_190 = arith.muli %shift_right_logical3A_188, %mul3A_189 : i32
    %multiple_of3A_191 = tpu.assume_multiple %mul3A_190, 128 : i32
    %dma_start3A_192 = arith.constant 3 : i32
    %dma_start3A_193 = arith.constant 0 : i32
    %dma_start3A_194 = arith.constant 0 : i32
    %dma_start3A_195 = tpu.memref_slice %arg11[%dma_start3A_192, %dma_start3A_193, %dma_start3A_194] : memref<8x32x128xf32, #tpu.memory_space<vmem>> -> memref<1x32x128xf32, #tpu.memory_space<vmem>>
    %dma_start3A_196 = tpu.memref_squeeze %dma_start3A_195 : memref<1x32x128xf32, #tpu.memory_space<vmem>> -> memref<32x128xf32, #tpu.memory_space<vmem>>
    %dma_start3A_197 = arith.constant 0 : i32
    %dma_start3A_198 = tpu.memref_slice %arg4[%dma_start3A_197, %multiple_of3A_186] : memref<32x1000000xf32, #tpu.memory_space<hbm>> -> memref<32x128xf32, #tpu.memory_space<hbm>>
    %dma_start3A_199 = arith.constant 0 : i32
    %dma_start3A_200 = arith.constant 0 : i32
    %dma_start3A_201 = tpu.memref_slice %arg11[%dma_start3A_192, %dma_start3A_199, %dma_start3A_200] : memref<8x32x128xf32, #tpu.memory_space<vmem>> -> memref<1x32x128xf32, #tpu.memory_space<vmem>>
    %dma_start3A_202 = tpu.memref_squeeze %dma_start3A_201 : memref<1x32x128xf32, #tpu.memory_space<vmem>> -> memref<32x128xf32, #tpu.memory_space<vmem>>
    %dma_start3A_203 = arith.constant 0 : i32
    %dma_start3A_204 = tpu.memref_slice %arg4[%dma_start3A_203, %multiple_of3A_186] : memref<32x1000000xf32, #tpu.memory_space<hbm>> -> memref<32x128xf32, #tpu.memory_space<hbm>>
    tpu.enqueue_dma source(%dma_start3A_204 : memref<32x128xf32, #tpu.memory_space<hbm>>) target(%dma_start3A_202 : memref<32x128xf32, #tpu.memory_space<vmem>>) target_semaphore(%arg21 : memref<!tpu.dma_semaphore, #tpu.memory_space<semaphore_mem>>)
    %dma_start3A_205 = arith.constant 3 : i32
    %dma_start3A_206 = arith.constant 0 : i32
    %dma_start3A_207 = arith.constant 0 : i32
    %dma_start3A_208 = tpu.memref_slice %arg12[%dma_start3A_205, %dma_start3A_206, %dma_start3A_207] : memref<8x32x128xf32, #tpu.memory_space<vmem>> -> memref<1x32x128xf32, #tpu.memory_space<vmem>>
    %dma_start3A_209 = tpu.memref_squeeze %dma_start3A_208 : memref<1x32x128xf32, #tpu.memory_space<vmem>> -> memref<32x128xf32, #tpu.memory_space<vmem>>
    %dma_start3A_210 = arith.constant 0 : i32
    %dma_start3A_211 = tpu.memref_slice %arg5[%dma_start3A_210, %multiple_of3A_191] : memref<32x1000000xf32, #tpu.memory_space<hbm>> -> memref<32x128xf32, #tpu.memory_space<hbm>>
    %dma_start3A_212 = arith.constant 0 : i32
    %dma_start3A_213 = arith.constant 0 : i32
    %dma_start3A_214 = tpu.memref_slice %arg12[%dma_start3A_205, %dma_start3A_212, %dma_start3A_213] : memref<8x32x128xf32, #tpu.memory_space<vmem>> -> memref<1x32x128xf32, #tpu.memory_space<vmem>>
    %dma_start3A_215 = tpu.memref_squeeze %dma_start3A_214 : memref<1x32x128xf32, #tpu.memory_space<vmem>> -> memref<32x128xf32, #tpu.memory_space<vmem>>
    %dma_start3A_216 = arith.constant 0 : i32
    %dma_start3A_217 = tpu.memref_slice %arg5[%dma_start3A_216, %multiple_of3A_191] : memref<32x1000000xf32, #tpu.memory_space<hbm>> -> memref<32x128xf32, #tpu.memory_space<hbm>>
    tpu.enqueue_dma source(%dma_start3A_217 : memref<32x128xf32, #tpu.memory_space<hbm>>) target(%dma_start3A_215 : memref<32x128xf32, #tpu.memory_space<vmem>>) target_semaphore(%arg21 : memref<!tpu.dma_semaphore, #tpu.memory_space<semaphore_mem>>)
    %dma_start3A_218 = arith.constant 3 : i32
    %dma_start3A_219 = arith.constant 0 : i32
    %dma_start3A_220 = tpu.memref_slice %arg13[%dma_start3A_218, %dma_start3A_219] : memref<8x128xf32, #tpu.memory_space<vmem>> -> memref<1x128xf32, #tpu.memory_space<vmem>>
    %dma_start3A_221 = tpu.memref_squeeze %dma_start3A_220 : memref<1x128xf32, #tpu.memory_space<vmem>> -> memref<128xf32, #tpu.memory_space<vmem>>
    %dma_start3A_222 = tpu.memref_slice %arg6[%multiple_of3A_186] : memref<1000000xf32, #tpu.memory_space<hbm>> -> memref<128xf32, #tpu.memory_space<hbm>>
    %dma_start3A_223 = arith.constant 0 : i32
    %dma_start3A_224 = tpu.memref_slice %arg13[%dma_start3A_218, %dma_start3A_223] : memref<8x128xf32, #tpu.memory_space<vmem>> -> memref<1x128xf32, #tpu.memory_space<vmem>>
    %dma_start3A_225 = tpu.memref_squeeze %dma_start3A_224 : memref<1x128xf32, #tpu.memory_space<vmem>> -> memref<128xf32, #tpu.memory_space<vmem>>
    %dma_start3A_226 = tpu.memref_slice %arg6[%multiple_of3A_186] : memref<1000000xf32, #tpu.memory_space<hbm>> -> memref<128xf32, #tpu.memory_space<hbm>>
    tpu.enqueue_dma source(%dma_start3A_226 : memref<128xf32, #tpu.memory_space<hbm>>) target(%dma_start3A_225 : memref<128xf32, #tpu.memory_space<vmem>>) target_semaphore(%arg21 : memref<!tpu.dma_semaphore, #tpu.memory_space<semaphore_mem>>)
    %dma_start3A_227 = arith.constant 3 : i32
    %dma_start3A_228 = arith.constant 0 : i32
    %dma_start3A_229 = tpu.memref_slice %arg14[%dma_start3A_227, %dma_start3A_228] : memref<8x128xf32, #tpu.memory_space<vmem>> -> memref<1x128xf32, #tpu.memory_space<vmem>>
    %dma_start3A_230 = tpu.memref_squeeze %dma_start3A_229 : memref<1x128xf32, #tpu.memory_space<vmem>> -> memref<128xf32, #tpu.memory_space<vmem>>
    %dma_start3A_231 = tpu.memref_slice %arg7[%multiple_of3A_191] : memref<1000000xf32, #tpu.memory_space<hbm>> -> memref<128xf32, #tpu.memory_space<hbm>>
    %dma_start3A_232 = arith.constant 0 : i32
    %dma_start3A_233 = tpu.memref_slice %arg14[%dma_start3A_227, %dma_start3A_232] : memref<8x128xf32, #tpu.memory_space<vmem>> -> memref<1x128xf32, #tpu.memory_space<vmem>>
    %dma_start3A_234 = tpu.memref_squeeze %dma_start3A_233 : memref<1x128xf32, #tpu.memory_space<vmem>> -> memref<128xf32, #tpu.memory_space<vmem>>
    %dma_start3A_235 = tpu.memref_slice %arg7[%multiple_of3A_191] : memref<1000000xf32, #tpu.memory_space<hbm>> -> memref<128xf32, #tpu.memory_space<hbm>>
    tpu.enqueue_dma source(%dma_start3A_235 : memref<128xf32, #tpu.memory_space<hbm>>) target(%dma_start3A_234 : memref<128xf32, #tpu.memory_space<vmem>>) target_semaphore(%arg21 : memref<!tpu.dma_semaphore, #tpu.memory_space<semaphore_mem>>)
    %slice3A_236 = vector.extract_strided_slice %get3A_6 {offsets = [4], sizes = [1], strides = [1]} : vector<16xi32> to vector<1xi32>
    %squeeze3A_237 = vector.extract %slice3A_236[0] : i32 from vector<1xi32>
    %slice3A_238 = vector.extract_strided_slice %get3A_8 {offsets = [4], sizes = [1], strides = [1]} : vector<16xi32> to vector<1xi32>
    %squeeze3A_239 = vector.extract %slice3A_238[0] : i32 from vector<1xi32>
    %shift_right_logical3A_240 = arith.constant 7 : i32
    %shift_right_logical3A_241 = arith.shrui %squeeze3A_237, %shift_right_logical3A_240 : i32
    %mul3A_242 = arith.constant 128 : i32
    %mul3A_243 = arith.muli %shift_right_logical3A_241, %mul3A_242 : i32
    %multiple_of3A_244 = tpu.assume_multiple %mul3A_243, 128 : i32
    %shift_right_logical3A_245 = arith.constant 7 : i32
    %shift_right_logical3A_246 = arith.shrui %squeeze3A_239, %shift_right_logical3A_245 : i32
    %mul3A_247 = arith.constant 128 : i32
    %mul3A_248 = arith.muli %shift_right_logical3A_246, %mul3A_247 : i32
    %multiple_of3A_249 = tpu.assume_multiple %mul3A_248, 128 : i32
    %dma_start3A_250 = arith.constant 4 : i32
    %dma_start3A_251 = arith.constant 0 : i32
    %dma_start3A_252 = arith.constant 0 : i32
    %dma_start3A_253 = tpu.memref_slice %arg11[%dma_start3A_250, %dma_start3A_251, %dma_start3A_252] : memref<8x32x128xf32, #tpu.memory_space<vmem>> -> memref<1x32x128xf32, #tpu.memory_space<vmem>>
    %dma_start3A_254 = tpu.memref_squeeze %dma_start3A_253 : memref<1x32x128xf32, #tpu.memory_space<vmem>> -> memref<32x128xf32, #tpu.memory_space<vmem>>
    %dma_start3A_255 = arith.constant 0 : i32
    %dma_start3A_256 = tpu.memref_slice %arg4[%dma_start3A_255, %multiple_of3A_244] : memref<32x1000000xf32, #tpu.memory_space<hbm>> -> memref<32x128xf32, #tpu.memory_space<hbm>>
    %dma_start3A_257 = arith.constant 0 : i32
    %dma_start3A_258 = arith.constant 0 : i32
    %dma_start3A_259 = tpu.memref_slice %arg11[%dma_start3A_250, %dma_start3A_257, %dma_start3A_258] : memref<8x32x128xf32, #tpu.memory_space<vmem>> -> memref<1x32x128xf32, #tpu.memory_space<vmem>>
    %dma_start3A_260 = tpu.memref_squeeze %dma_start3A_259 : memref<1x32x128xf32, #tpu.memory_space<vmem>> -> memref<32x128xf32, #tpu.memory_space<vmem>>
    %dma_start3A_261 = arith.constant 0 : i32
    %dma_start3A_262 = tpu.memref_slice %arg4[%dma_start3A_261, %multiple_of3A_244] : memref<32x1000000xf32, #tpu.memory_space<hbm>> -> memref<32x128xf32, #tpu.memory_space<hbm>>
    tpu.enqueue_dma source(%dma_start3A_262 : memref<32x128xf32, #tpu.memory_space<hbm>>) target(%dma_start3A_260 : memref<32x128xf32, #tpu.memory_space<vmem>>) target_semaphore(%arg22 : memref<!tpu.dma_semaphore, #tpu.memory_space<semaphore_mem>>)
    %dma_start3A_263 = arith.constant 4 : i32
    %dma_start3A_264 = arith.constant 0 : i32
    %dma_start3A_265 = arith.constant 0 : i32
    %dma_start3A_266 = tpu.memref_slice %arg12[%dma_start3A_263, %dma_start3A_264, %dma_start3A_265] : memref<8x32x128xf32, #tpu.memory_space<vmem>> -> memref<1x32x128xf32, #tpu.memory_space<vmem>>
    %dma_start3A_267 = tpu.memref_squeeze %dma_start3A_266 : memref<1x32x128xf32, #tpu.memory_space<vmem>> -> memref<32x128xf32, #tpu.memory_space<vmem>>
    %dma_start3A_268 = arith.constant 0 : i32
    %dma_start3A_269 = tpu.memref_slice %arg5[%dma_start3A_268, %multiple_of3A_249] : memref<32x1000000xf32, #tpu.memory_space<hbm>> -> memref<32x128xf32, #tpu.memory_space<hbm>>
    %dma_start3A_270 = arith.constant 0 : i32
    %dma_start3A_271 = arith.constant 0 : i32
    %dma_start3A_272 = tpu.memref_slice %arg12[%dma_start3A_263, %dma_start3A_270, %dma_start3A_271] : memref<8x32x128xf32, #tpu.memory_space<vmem>> -> memref<1x32x128xf32, #tpu.memory_space<vmem>>
    %dma_start3A_273 = tpu.memref_squeeze %dma_start3A_272 : memref<1x32x128xf32, #tpu.memory_space<vmem>> -> memref<32x128xf32, #tpu.memory_space<vmem>>
    %dma_start3A_274 = arith.constant 0 : i32
    %dma_start3A_275 = tpu.memref_slice %arg5[%dma_start3A_274, %multiple_of3A_249] : memref<32x1000000xf32, #tpu.memory_space<hbm>> -> memref<32x128xf32, #tpu.memory_space<hbm>>
    tpu.enqueue_dma source(%dma_start3A_275 : memref<32x128xf32, #tpu.memory_space<hbm>>) target(%dma_start3A_273 : memref<32x128xf32, #tpu.memory_space<vmem>>) target_semaphore(%arg22 : memref<!tpu.dma_semaphore, #tpu.memory_space<semaphore_mem>>)
    %dma_start3A_276 = arith.constant 4 : i32
    %dma_start3A_277 = arith.constant 0 : i32
    %dma_start3A_278 = tpu.memref_slice %arg13[%dma_start3A_276, %dma_start3A_277] : memref<8x128xf32, #tpu.memory_space<vmem>> -> memref<1x128xf32, #tpu.memory_space<vmem>>
    %dma_start3A_279 = tpu.memref_squeeze %dma_start3A_278 : memref<1x128xf32, #tpu.memory_space<vmem>> -> memref<128xf32, #tpu.memory_space<vmem>>
    %dma_start3A_280 = tpu.memref_slice %arg6[%multiple_of3A_244] : memref<1000000xf32, #tpu.memory_space<hbm>> -> memref<128xf32, #tpu.memory_space<hbm>>
    %dma_start3A_281 = arith.constant 0 : i32
    %dma_start3A_282 = tpu.memref_slice %arg13[%dma_start3A_276, %dma_start3A_281] : memref<8x128xf32, #tpu.memory_space<vmem>> -> memref<1x128xf32, #tpu.memory_space<vmem>>
    %dma_start3A_283 = tpu.memref_squeeze %dma_start3A_282 : memref<1x128xf32, #tpu.memory_space<vmem>> -> memref<128xf32, #tpu.memory_space<vmem>>
    %dma_start3A_284 = tpu.memref_slice %arg6[%multiple_of3A_244] : memref<1000000xf32, #tpu.memory_space<hbm>> -> memref<128xf32, #tpu.memory_space<hbm>>
    tpu.enqueue_dma source(%dma_start3A_284 : memref<128xf32, #tpu.memory_space<hbm>>) target(%dma_start3A_283 : memref<128xf32, #tpu.memory_space<vmem>>) target_semaphore(%arg22 : memref<!tpu.dma_semaphore, #tpu.memory_space<semaphore_mem>>)
    %dma_start3A_285 = arith.constant 4 : i32
    %dma_start3A_286 = arith.constant 0 : i32
    %dma_start3A_287 = tpu.memref_slice %arg14[%dma_start3A_285, %dma_start3A_286] : memref<8x128xf32, #tpu.memory_space<vmem>> -> memref<1x128xf32, #tpu.memory_space<vmem>>
    %dma_start3A_288 = tpu.memref_squeeze %dma_start3A_287 : memref<1x128xf32, #tpu.memory_space<vmem>> -> memref<128xf32, #tpu.memory_space<vmem>>
    %dma_start3A_289 = tpu.memref_slice %arg7[%multiple_of3A_249] : memref<1000000xf32, #tpu.memory_space<hbm>> -> memref<128xf32, #tpu.memory_space<hbm>>
    %dma_start3A_290 = arith.constant 0 : i32
    %dma_start3A_291 = tpu.memref_slice %arg14[%dma_start3A_285, %dma_start3A_290] : memref<8x128xf32, #tpu.memory_space<vmem>> -> memref<1x128xf32, #tpu.memory_space<vmem>>
    %dma_start3A_292 = tpu.memref_squeeze %dma_start3A_291 : memref<1x128xf32, #tpu.memory_space<vmem>> -> memref<128xf32, #tpu.memory_space<vmem>>
    %dma_start3A_293 = tpu.memref_slice %arg7[%multiple_of3A_249] : memref<1000000xf32, #tpu.memory_space<hbm>> -> memref<128xf32, #tpu.memory_space<hbm>>
    tpu.enqueue_dma source(%dma_start3A_293 : memref<128xf32, #tpu.memory_space<hbm>>) target(%dma_start3A_292 : memref<128xf32, #tpu.memory_space<vmem>>) target_semaphore(%arg22 : memref<!tpu.dma_semaphore, #tpu.memory_space<semaphore_mem>>)
    %slice3A_294 = vector.extract_strided_slice %get3A_6 {offsets = [5], sizes = [1], strides = [1]} : vector<16xi32> to vector<1xi32>
    %squeeze3A_295 = vector.extract %slice3A_294[0] : i32 from vector<1xi32>
    %slice3A_296 = vector.extract_strided_slice %get3A_8 {offsets = [5], sizes = [1], strides = [1]} : vector<16xi32> to vector<1xi32>
    %squeeze3A_297 = vector.extract %slice3A_296[0] : i32 from vector<1xi32>
    %shift_right_logical3A_298 = arith.constant 7 : i32
    %shift_right_logical3A_299 = arith.shrui %squeeze3A_295, %shift_right_logical3A_298 : i32
    %mul3A_300 = arith.constant 128 : i32
    %mul3A_301 = arith.muli %shift_right_logical3A_299, %mul3A_300 : i32
    %multiple_of3A_302 = tpu.assume_multiple %mul3A_301, 128 : i32
    %shift_right_logical3A_303 = arith.constant 7 : i32
    %shift_right_logical3A_304 = arith.shrui %squeeze3A_297, %shift_right_logical3A_303 : i32
    %mul3A_305 = arith.constant 128 : i32
    %mul3A_306 = arith.muli %shift_right_logical3A_304, %mul3A_305 : i32
    %multiple_of3A_307 = tpu.assume_multiple %mul3A_306, 128 : i32
    %dma_start3A_308 = arith.constant 5 : i32
    %dma_start3A_309 = arith.constant 0 : i32
    %dma_start3A_310 = arith.constant 0 : i32
    %dma_start3A_311 = tpu.memref_slice %arg11[%dma_start3A_308, %dma_start3A_309, %dma_start3A_310] : memref<8x32x128xf32, #tpu.memory_space<vmem>> -> memref<1x32x128xf32, #tpu.memory_space<vmem>>
    %dma_start3A_312 = tpu.memref_squeeze %dma_start3A_311 : memref<1x32x128xf32, #tpu.memory_space<vmem>> -> memref<32x128xf32, #tpu.memory_space<vmem>>
    %dma_start3A_313 = arith.constant 0 : i32
    %dma_start3A_314 = tpu.memref_slice %arg4[%dma_start3A_313, %multiple_of3A_302] : memref<32x1000000xf32, #tpu.memory_space<hbm>> -> memref<32x128xf32, #tpu.memory_space<hbm>>
    %dma_start3A_315 = arith.constant 0 : i32
    %dma_start3A_316 = arith.constant 0 : i32
    %dma_start3A_317 = tpu.memref_slice %arg11[%dma_start3A_308, %dma_start3A_315, %dma_start3A_316] : memref<8x32x128xf32, #tpu.memory_space<vmem>> -> memref<1x32x128xf32, #tpu.memory_space<vmem>>
    %dma_start3A_318 = tpu.memref_squeeze %dma_start3A_317 : memref<1x32x128xf32, #tpu.memory_space<vmem>> -> memref<32x128xf32, #tpu.memory_space<vmem>>
    %dma_start3A_319 = arith.constant 0 : i32
    %dma_start3A_320 = tpu.memref_slice %arg4[%dma_start3A_319, %multiple_of3A_302] : memref<32x1000000xf32, #tpu.memory_space<hbm>> -> memref<32x128xf32, #tpu.memory_space<hbm>>
    tpu.enqueue_dma source(%dma_start3A_320 : memref<32x128xf32, #tpu.memory_space<hbm>>) target(%dma_start3A_318 : memref<32x128xf32, #tpu.memory_space<vmem>>) target_semaphore(%arg23 : memref<!tpu.dma_semaphore, #tpu.memory_space<semaphore_mem>>)
    %dma_start3A_321 = arith.constant 5 : i32
    %dma_start3A_322 = arith.constant 0 : i32
    %dma_start3A_323 = arith.constant 0 : i32
    %dma_start3A_324 = tpu.memref_slice %arg12[%dma_start3A_321, %dma_start3A_322, %dma_start3A_323] : memref<8x32x128xf32, #tpu.memory_space<vmem>> -> memref<1x32x128xf32, #tpu.memory_space<vmem>>
    %dma_start3A_325 = tpu.memref_squeeze %dma_start3A_324 : memref<1x32x128xf32, #tpu.memory_space<vmem>> -> memref<32x128xf32, #tpu.memory_space<vmem>>
    %dma_start3A_326 = arith.constant 0 : i32
    %dma_start3A_327 = tpu.memref_slice %arg5[%dma_start3A_326, %multiple_of3A_307] : memref<32x1000000xf32, #tpu.memory_space<hbm>> -> memref<32x128xf32, #tpu.memory_space<hbm>>
    %dma_start3A_328 = arith.constant 0 : i32
    %dma_start3A_329 = arith.constant 0 : i32
    %dma_start3A_330 = tpu.memref_slice %arg12[%dma_start3A_321, %dma_start3A_328, %dma_start3A_329] : memref<8x32x128xf32, #tpu.memory_space<vmem>> -> memref<1x32x128xf32, #tpu.memory_space<vmem>>
    %dma_start3A_331 = tpu.memref_squeeze %dma_start3A_330 : memref<1x32x128xf32, #tpu.memory_space<vmem>> -> memref<32x128xf32, #tpu.memory_space<vmem>>
    %dma_start3A_332 = arith.constant 0 : i32
    %dma_start3A_333 = tpu.memref_slice %arg5[%dma_start3A_332, %multiple_of3A_307] : memref<32x1000000xf32, #tpu.memory_space<hbm>> -> memref<32x128xf32, #tpu.memory_space<hbm>>
    tpu.enqueue_dma source(%dma_start3A_333 : memref<32x128xf32, #tpu.memory_space<hbm>>) target(%dma_start3A_331 : memref<32x128xf32, #tpu.memory_space<vmem>>) target_semaphore(%arg23 : memref<!tpu.dma_semaphore, #tpu.memory_space<semaphore_mem>>)
    %dma_start3A_334 = arith.constant 5 : i32
    %dma_start3A_335 = arith.constant 0 : i32
    %dma_start3A_336 = tpu.memref_slice %arg13[%dma_start3A_334, %dma_start3A_335] : memref<8x128xf32, #tpu.memory_space<vmem>> -> memref<1x128xf32, #tpu.memory_space<vmem>>
    %dma_start3A_337 = tpu.memref_squeeze %dma_start3A_336 : memref<1x128xf32, #tpu.memory_space<vmem>> -> memref<128xf32, #tpu.memory_space<vmem>>
    %dma_start3A_338 = tpu.memref_slice %arg6[%multiple_of3A_302] : memref<1000000xf32, #tpu.memory_space<hbm>> -> memref<128xf32, #tpu.memory_space<hbm>>
    %dma_start3A_339 = arith.constant 0 : i32
    %dma_start3A_340 = tpu.memref_slice %arg13[%dma_start3A_334, %dma_start3A_339] : memref<8x128xf32, #tpu.memory_space<vmem>> -> memref<1x128xf32, #tpu.memory_space<vmem>>
    %dma_start3A_341 = tpu.memref_squeeze %dma_start3A_340 : memref<1x128xf32, #tpu.memory_space<vmem>> -> memref<128xf32, #tpu.memory_space<vmem>>
    %dma_start3A_342 = tpu.memref_slice %arg6[%multiple_of3A_302] : memref<1000000xf32, #tpu.memory_space<hbm>> -> memref<128xf32, #tpu.memory_space<hbm>>
    tpu.enqueue_dma source(%dma_start3A_342 : memref<128xf32, #tpu.memory_space<hbm>>) target(%dma_start3A_341 : memref<128xf32, #tpu.memory_space<vmem>>) target_semaphore(%arg23 : memref<!tpu.dma_semaphore, #tpu.memory_space<semaphore_mem>>)
    %dma_start3A_343 = arith.constant 5 : i32
    %dma_start3A_344 = arith.constant 0 : i32
    %dma_start3A_345 = tpu.memref_slice %arg14[%dma_start3A_343, %dma_start3A_344] : memref<8x128xf32, #tpu.memory_space<vmem>> -> memref<1x128xf32, #tpu.memory_space<vmem>>
    %dma_start3A_346 = tpu.memref_squeeze %dma_start3A_345 : memref<1x128xf32, #tpu.memory_space<vmem>> -> memref<128xf32, #tpu.memory_space<vmem>>
    %dma_start3A_347 = tpu.memref_slice %arg7[%multiple_of3A_307] : memref<1000000xf32, #tpu.memory_space<hbm>> -> memref<128xf32, #tpu.memory_space<hbm>>
    %dma_start3A_348 = arith.constant 0 : i32
    %dma_start3A_349 = tpu.memref_slice %arg14[%dma_start3A_343, %dma_start3A_348] : memref<8x128xf32, #tpu.memory_space<vmem>> -> memref<1x128xf32, #tpu.memory_space<vmem>>
    %dma_start3A_350 = tpu.memref_squeeze %dma_start3A_349 : memref<1x128xf32, #tpu.memory_space<vmem>> -> memref<128xf32, #tpu.memory_space<vmem>>
    %dma_start3A_351 = tpu.memref_slice %arg7[%multiple_of3A_307] : memref<1000000xf32, #tpu.memory_space<hbm>> -> memref<128xf32, #tpu.memory_space<hbm>>
    tpu.enqueue_dma source(%dma_start3A_351 : memref<128xf32, #tpu.memory_space<hbm>>) target(%dma_start3A_350 : memref<128xf32, #tpu.memory_space<vmem>>) target_semaphore(%arg23 : memref<!tpu.dma_semaphore, #tpu.memory_space<semaphore_mem>>)
    %slice3A_352 = vector.extract_strided_slice %get3A_6 {offsets = [6], sizes = [1], strides = [1]} : vector<16xi32> to vector<1xi32>
    %squeeze3A_353 = vector.extract %slice3A_352[0] : i32 from vector<1xi32>
    %slice3A_354 = vector.extract_strided_slice %get3A_8 {offsets = [6], sizes = [1], strides = [1]} : vector<16xi32> to vector<1xi32>
    %squeeze3A_355 = vector.extract %slice3A_354[0] : i32 from vector<1xi32>
    %shift_right_logical3A_356 = arith.constant 7 : i32
    %shift_right_logical3A_357 = arith.shrui %squeeze3A_353, %shift_right_logical3A_356 : i32
    %mul3A_358 = arith.constant 128 : i32
    %mul3A_359 = arith.muli %shift_right_logical3A_357, %mul3A_358 : i32
    %multiple_of3A_360 = tpu.assume_multiple %mul3A_359, 128 : i32
    %shift_right_logical3A_361 = arith.constant 7 : i32
    %shift_right_logical3A_362 = arith.shrui %squeeze3A_355, %shift_right_logical3A_361 : i32
    %mul3A_363 = arith.constant 128 : i32
    %mul3A_364 = arith.muli %shift_right_logical3A_362, %mul3A_363 : i32
    %multiple_of3A_365 = tpu.assume_multiple %mul3A_364, 128 : i32
    %dma_start3A_366 = arith.constant 6 : i32
    %dma_start3A_367 = arith.constant 0 : i32
    %dma_start3A_368 = arith.constant 0 : i32
    %dma_start3A_369 = tpu.memref_slice %arg11[%dma_start3A_366, %dma_start3A_367, %dma_start3A_368] : memref<8x32x128xf32, #tpu.memory_space<vmem>> -> memref<1x32x128xf32, #tpu.memory_space<vmem>>
    %dma_start3A_370 = tpu.memref_squeeze %dma_start3A_369 : memref<1x32x128xf32, #tpu.memory_space<vmem>> -> memref<32x128xf32, #tpu.memory_space<vmem>>
    %dma_start3A_371 = arith.constant 0 : i32
    %dma_start3A_372 = tpu.memref_slice %arg4[%dma_start3A_371, %multiple_of3A_360] : memref<32x1000000xf32, #tpu.memory_space<hbm>> -> memref<32x128xf32, #tpu.memory_space<hbm>>
    %dma_start3A_373 = arith.constant 0 : i32
    %dma_start3A_374 = arith.constant 0 : i32
    %dma_start3A_375 = tpu.memref_slice %arg11[%dma_start3A_366, %dma_start3A_373, %dma_start3A_374] : memref<8x32x128xf32, #tpu.memory_space<vmem>> -> memref<1x32x128xf32, #tpu.memory_space<vmem>>
    %dma_start3A_376 = tpu.memref_squeeze %dma_start3A_375 : memref<1x32x128xf32, #tpu.memory_space<vmem>> -> memref<32x128xf32, #tpu.memory_space<vmem>>
    %dma_start3A_377 = arith.constant 0 : i32
    %dma_start3A_378 = tpu.memref_slice %arg4[%dma_start3A_377, %multiple_of3A_360] : memref<32x1000000xf32, #tpu.memory_space<hbm>> -> memref<32x128xf32, #tpu.memory_space<hbm>>
    tpu.enqueue_dma source(%dma_start3A_378 : memref<32x128xf32, #tpu.memory_space<hbm>>) target(%dma_start3A_376 : memref<32x128xf32, #tpu.memory_space<vmem>>) target_semaphore(%arg24 : memref<!tpu.dma_semaphore, #tpu.memory_space<semaphore_mem>>)
    %dma_start3A_379 = arith.constant 6 : i32
    %dma_start3A_380 = arith.constant 0 : i32
    %dma_start3A_381 = arith.constant 0 : i32
    %dma_start3A_382 = tpu.memref_slice %arg12[%dma_start3A_379, %dma_start3A_380, %dma_start3A_381] : memref<8x32x128xf32, #tpu.memory_space<vmem>> -> memref<1x32x128xf32, #tpu.memory_space<vmem>>
    %dma_start3A_383 = tpu.memref_squeeze %dma_start3A_382 : memref<1x32x128xf32, #tpu.memory_space<vmem>> -> memref<32x128xf32, #tpu.memory_space<vmem>>
    %dma_start3A_384 = arith.constant 0 : i32
    %dma_start3A_385 = tpu.memref_slice %arg5[%dma_start3A_384, %multiple_of3A_365] : memref<32x1000000xf32, #tpu.memory_space<hbm>> -> memref<32x128xf32, #tpu.memory_space<hbm>>
    %dma_start3A_386 = arith.constant 0 : i32
    %dma_start3A_387 = arith.constant 0 : i32
    %dma_start3A_388 = tpu.memref_slice %arg12[%dma_start3A_379, %dma_start3A_386, %dma_start3A_387] : memref<8x32x128xf32, #tpu.memory_space<vmem>> -> memref<1x32x128xf32, #tpu.memory_space<vmem>>
    %dma_start3A_389 = tpu.memref_squeeze %dma_start3A_388 : memref<1x32x128xf32, #tpu.memory_space<vmem>> -> memref<32x128xf32, #tpu.memory_space<vmem>>
    %dma_start3A_390 = arith.constant 0 : i32
    %dma_start3A_391 = tpu.memref_slice %arg5[%dma_start3A_390, %multiple_of3A_365] : memref<32x1000000xf32, #tpu.memory_space<hbm>> -> memref<32x128xf32, #tpu.memory_space<hbm>>
    tpu.enqueue_dma source(%dma_start3A_391 : memref<32x128xf32, #tpu.memory_space<hbm>>) target(%dma_start3A_389 : memref<32x128xf32, #tpu.memory_space<vmem>>) target_semaphore(%arg24 : memref<!tpu.dma_semaphore, #tpu.memory_space<semaphore_mem>>)
    %dma_start3A_392 = arith.constant 6 : i32
    %dma_start3A_393 = arith.constant 0 : i32
    %dma_start3A_394 = tpu.memref_slice %arg13[%dma_start3A_392, %dma_start3A_393] : memref<8x128xf32, #tpu.memory_space<vmem>> -> memref<1x128xf32, #tpu.memory_space<vmem>>
    %dma_start3A_395 = tpu.memref_squeeze %dma_start3A_394 : memref<1x128xf32, #tpu.memory_space<vmem>> -> memref<128xf32, #tpu.memory_space<vmem>>
    %dma_start3A_396 = tpu.memref_slice %arg6[%multiple_of3A_360] : memref<1000000xf32, #tpu.memory_space<hbm>> -> memref<128xf32, #tpu.memory_space<hbm>>
    %dma_start3A_397 = arith.constant 0 : i32
    %dma_start3A_398 = tpu.memref_slice %arg13[%dma_start3A_392, %dma_start3A_397] : memref<8x128xf32, #tpu.memory_space<vmem>> -> memref<1x128xf32, #tpu.memory_space<vmem>>
    %dma_start3A_399 = tpu.memref_squeeze %dma_start3A_398 : memref<1x128xf32, #tpu.memory_space<vmem>> -> memref<128xf32, #tpu.memory_space<vmem>>
    %dma_start3A_400 = tpu.memref_slice %arg6[%multiple_of3A_360] : memref<1000000xf32, #tpu.memory_space<hbm>> -> memref<128xf32, #tpu.memory_space<hbm>>
    tpu.enqueue_dma source(%dma_start3A_400 : memref<128xf32, #tpu.memory_space<hbm>>) target(%dma_start3A_399 : memref<128xf32, #tpu.memory_space<vmem>>) target_semaphore(%arg24 : memref<!tpu.dma_semaphore, #tpu.memory_space<semaphore_mem>>)
    %dma_start3A_401 = arith.constant 6 : i32
    %dma_start3A_402 = arith.constant 0 : i32
    %dma_start3A_403 = tpu.memref_slice %arg14[%dma_start3A_401, %dma_start3A_402] : memref<8x128xf32, #tpu.memory_space<vmem>> -> memref<1x128xf32, #tpu.memory_space<vmem>>
    %dma_start3A_404 = tpu.memref_squeeze %dma_start3A_403 : memref<1x128xf32, #tpu.memory_space<vmem>> -> memref<128xf32, #tpu.memory_space<vmem>>
    %dma_start3A_405 = tpu.memref_slice %arg7[%multiple_of3A_365] : memref<1000000xf32, #tpu.memory_space<hbm>> -> memref<128xf32, #tpu.memory_space<hbm>>
    %dma_start3A_406 = arith.constant 0 : i32
    %dma_start3A_407 = tpu.memref_slice %arg14[%dma_start3A_401, %dma_start3A_406] : memref<8x128xf32, #tpu.memory_space<vmem>> -> memref<1x128xf32, #tpu.memory_space<vmem>>
    %dma_start3A_408 = tpu.memref_squeeze %dma_start3A_407 : memref<1x128xf32, #tpu.memory_space<vmem>> -> memref<128xf32, #tpu.memory_space<vmem>>
    %dma_start3A_409 = tpu.memref_slice %arg7[%multiple_of3A_365] : memref<1000000xf32, #tpu.memory_space<hbm>> -> memref<128xf32, #tpu.memory_space<hbm>>
    tpu.enqueue_dma source(%dma_start3A_409 : memref<128xf32, #tpu.memory_space<hbm>>) target(%dma_start3A_408 : memref<128xf32, #tpu.memory_space<vmem>>) target_semaphore(%arg24 : memref<!tpu.dma_semaphore, #tpu.memory_space<semaphore_mem>>)
    %slice3A_410 = vector.extract_strided_slice %get3A_6 {offsets = [7], sizes = [1], strides = [1]} : vector<16xi32> to vector<1xi32>
    %squeeze3A_411 = vector.extract %slice3A_410[0] : i32 from vector<1xi32>
    %slice3A_412 = vector.extract_strided_slice %get3A_8 {offsets = [7], sizes = [1], strides = [1]} : vector<16xi32> to vector<1xi32>
    %squeeze3A_413 = vector.extract %slice3A_412[0] : i32 from vector<1xi32>
    %shift_right_logical3A_414 = arith.constant 7 : i32
    %shift_right_logical3A_415 = arith.shrui %squeeze3A_411, %shift_right_logical3A_414 : i32
    %mul3A_416 = arith.constant 128 : i32
    %mul3A_417 = arith.muli %shift_right_logical3A_415, %mul3A_416 : i32
    %multiple_of3A_418 = tpu.assume_multiple %mul3A_417, 128 : i32
    %shift_right_logical3A_419 = arith.constant 7 : i32
    %shift_right_logical3A_420 = arith.shrui %squeeze3A_413, %shift_right_logical3A_419 : i32
    %mul3A_421 = arith.constant 128 : i32
    %mul3A_422 = arith.muli %shift_right_logical3A_420, %mul3A_421 : i32
    %multiple_of3A_423 = tpu.assume_multiple %mul3A_422, 128 : i32
    %dma_start3A_424 = arith.constant 7 : i32
    %dma_start3A_425 = arith.constant 0 : i32
    %dma_start3A_426 = arith.constant 0 : i32
    %dma_start3A_427 = tpu.memref_slice %arg11[%dma_start3A_424, %dma_start3A_425, %dma_start3A_426] : memref<8x32x128xf32, #tpu.memory_space<vmem>> -> memref<1x32x128xf32, #tpu.memory_space<vmem>>
    %dma_start3A_428 = tpu.memref_squeeze %dma_start3A_427 : memref<1x32x128xf32, #tpu.memory_space<vmem>> -> memref<32x128xf32, #tpu.memory_space<vmem>>
    %dma_start3A_429 = arith.constant 0 : i32
    %dma_start3A_430 = tpu.memref_slice %arg4[%dma_start3A_429, %multiple_of3A_418] : memref<32x1000000xf32, #tpu.memory_space<hbm>> -> memref<32x128xf32, #tpu.memory_space<hbm>>
    %dma_start3A_431 = arith.constant 0 : i32
    %dma_start3A_432 = arith.constant 0 : i32
    %dma_start3A_433 = tpu.memref_slice %arg11[%dma_start3A_424, %dma_start3A_431, %dma_start3A_432] : memref<8x32x128xf32, #tpu.memory_space<vmem>> -> memref<1x32x128xf32, #tpu.memory_space<vmem>>
    %dma_start3A_434 = tpu.memref_squeeze %dma_start3A_433 : memref<1x32x128xf32, #tpu.memory_space<vmem>> -> memref<32x128xf32, #tpu.memory_space<vmem>>
    %dma_start3A_435 = arith.constant 0 : i32
    %dma_start3A_436 = tpu.memref_slice %arg4[%dma_start3A_435, %multiple_of3A_418] : memref<32x1000000xf32, #tpu.memory_space<hbm>> -> memref<32x128xf32, #tpu.memory_space<hbm>>
    tpu.enqueue_dma source(%dma_start3A_436 : memref<32x128xf32, #tpu.memory_space<hbm>>) target(%dma_start3A_434 : memref<32x128xf32, #tpu.memory_space<vmem>>) target_semaphore(%arg25 : memref<!tpu.dma_semaphore, #tpu.memory_space<semaphore_mem>>)
    %dma_start3A_437 = arith.constant 7 : i32
    %dma_start3A_438 = arith.constant 0 : i32
    %dma_start3A_439 = arith.constant 0 : i32
    %dma_start3A_440 = tpu.memref_slice %arg12[%dma_start3A_437, %dma_start3A_438, %dma_start3A_439] : memref<8x32x128xf32, #tpu.memory_space<vmem>> -> memref<1x32x128xf32, #tpu.memory_space<vmem>>
    %dma_start3A_441 = tpu.memref_squeeze %dma_start3A_440 : memref<1x32x128xf32, #tpu.memory_space<vmem>> -> memref<32x128xf32, #tpu.memory_space<vmem>>
    %dma_start3A_442 = arith.constant 0 : i32
    %dma_start3A_443 = tpu.memref_slice %arg5[%dma_start3A_442, %multiple_of3A_423] : memref<32x1000000xf32, #tpu.memory_space<hbm>> -> memref<32x128xf32, #tpu.memory_space<hbm>>
    %dma_start3A_444 = arith.constant 0 : i32
    %dma_start3A_445 = arith.constant 0 : i32
    %dma_start3A_446 = tpu.memref_slice %arg12[%dma_start3A_437, %dma_start3A_444, %dma_start3A_445] : memref<8x32x128xf32, #tpu.memory_space<vmem>> -> memref<1x32x128xf32, #tpu.memory_space<vmem>>
    %dma_start3A_447 = tpu.memref_squeeze %dma_start3A_446 : memref<1x32x128xf32, #tpu.memory_space<vmem>> -> memref<32x128xf32, #tpu.memory_space<vmem>>
    %dma_start3A_448 = arith.constant 0 : i32
    %dma_start3A_449 = tpu.memref_slice %arg5[%dma_start3A_448, %multiple_of3A_423] : memref<32x1000000xf32, #tpu.memory_space<hbm>> -> memref<32x128xf32, #tpu.memory_space<hbm>>
    tpu.enqueue_dma source(%dma_start3A_449 : memref<32x128xf32, #tpu.memory_space<hbm>>) target(%dma_start3A_447 : memref<32x128xf32, #tpu.memory_space<vmem>>) target_semaphore(%arg25 : memref<!tpu.dma_semaphore, #tpu.memory_space<semaphore_mem>>)
    %dma_start3A_450 = arith.constant 7 : i32
    %dma_start3A_451 = arith.constant 0 : i32
    %dma_start3A_452 = tpu.memref_slice %arg13[%dma_start3A_450, %dma_start3A_451] : memref<8x128xf32, #tpu.memory_space<vmem>> -> memref<1x128xf32, #tpu.memory_space<vmem>>
    %dma_start3A_453 = tpu.memref_squeeze %dma_start3A_452 : memref<1x128xf32, #tpu.memory_space<vmem>> -> memref<128xf32, #tpu.memory_space<vmem>>
    %dma_start3A_454 = tpu.memref_slice %arg6[%multiple_of3A_418] : memref<1000000xf32, #tpu.memory_space<hbm>> -> memref<128xf32, #tpu.memory_space<hbm>>
    %dma_start3A_455 = arith.constant 0 : i32
    %dma_start3A_456 = tpu.memref_slice %arg13[%dma_start3A_450, %dma_start3A_455] : memref<8x128xf32, #tpu.memory_space<vmem>> -> memref<1x128xf32, #tpu.memory_space<vmem>>
    %dma_start3A_457 = tpu.memref_squeeze %dma_start3A_456 : memref<1x128xf32, #tpu.memory_space<vmem>> -> memref<128xf32, #tpu.memory_space<vmem>>
    %dma_start3A_458 = tpu.memref_slice %arg6[%multiple_of3A_418] : memref<1000000xf32, #tpu.memory_space<hbm>> -> memref<128xf32, #tpu.memory_space<hbm>>
    tpu.enqueue_dma source(%dma_start3A_458 : memref<128xf32, #tpu.memory_space<hbm>>) target(%dma_start3A_457 : memref<128xf32, #tpu.memory_space<vmem>>) target_semaphore(%arg25 : memref<!tpu.dma_semaphore, #tpu.memory_space<semaphore_mem>>)
    %dma_start3A_459 = arith.constant 7 : i32
    %dma_start3A_460 = arith.constant 0 : i32
    %dma_start3A_461 = tpu.memref_slice %arg14[%dma_start3A_459, %dma_start3A_460] : memref<8x128xf32, #tpu.memory_space<vmem>> -> memref<1x128xf32, #tpu.memory_space<vmem>>
    %dma_start3A_462 = tpu.memref_squeeze %dma_start3A_461 : memref<1x128xf32, #tpu.memory_space<vmem>> -> memref<128xf32, #tpu.memory_space<vmem>>
    %dma_start3A_463 = tpu.memref_slice %arg7[%multiple_of3A_423] : memref<1000000xf32, #tpu.memory_space<hbm>> -> memref<128xf32, #tpu.memory_space<hbm>>
    %dma_start3A_464 = arith.constant 0 : i32
    %dma_start3A_465 = tpu.memref_slice %arg14[%dma_start3A_459, %dma_start3A_464] : memref<8x128xf32, #tpu.memory_space<vmem>> -> memref<1x128xf32, #tpu.memory_space<vmem>>
    %dma_start3A_466 = tpu.memref_squeeze %dma_start3A_465 : memref<1x128xf32, #tpu.memory_space<vmem>> -> memref<128xf32, #tpu.memory_space<vmem>>
    %dma_start3A_467 = tpu.memref_slice %arg7[%multiple_of3A_423] : memref<1000000xf32, #tpu.memory_space<hbm>> -> memref<128xf32, #tpu.memory_space<hbm>>
    tpu.enqueue_dma source(%dma_start3A_467 : memref<128xf32, #tpu.memory_space<hbm>>) target(%dma_start3A_466 : memref<128xf32, #tpu.memory_space<vmem>>) target_semaphore(%arg25 : memref<!tpu.dma_semaphore, #tpu.memory_space<semaphore_mem>>)
    %scan3A = arith.constant 0 : i32
    %scan3A_468 = arith.constant 63 : i32
    %scan3A_469 = arith.addi %scan3A, %scan3A_468 : i32
    %scan3A_470 = arith.constant 1 : i32
    scf.for %scan3A_1104 = %scan3A to %scan3A_469 step %scan3A_470  : i32 {
      %mul3A_1105 = arith.constant 8 : i32
      %mul3A_1106 = arith.muli %scan3A_1104, %mul3A_1105 : i32
      %add3A_1107 = arith.constant 0 : i32
      %add3A_1108 = arith.addi %add3A_1107, %mul3A_1106 : i32
      %get3A_1109 = arith.index_cast %add3A_1108 : i32 to index
      %get3A_1110 = tpu.vector_load %arg9[%get3A_1109] {strides = array<i32>} : memref<512xi32, #tpu.memory_space<vmem>>, vector<16xi32>,
      %get3A_1111 = arith.index_cast %add3A_1108 : i32 to index
      %get3A_1112 = tpu.vector_load %arg10[%get3A_1111] {strides = array<i32>} : memref<512xi32, #tpu.memory_space<vmem>>, vector<16xi32>,
      %dma_wait3A_1113 = arith.constant 0 : i32
      %dma_wait3A_1114 = arith.constant 0 : i32
      %dma_wait3A_1115 = tpu.memref_slice %arg4[%dma_wait3A_1113, %dma_wait3A_1114] : memref<32x1000000xf32, #tpu.memory_space<hbm>> -> memref<1x8448xf32, #tpu.memory_space<hbm>>
      %dma_wait3A_1116 = tpu.memref_squeeze %dma_wait3A_1115 : memref<1x8448xf32, #tpu.memory_space<hbm>> -> memref<8448xf32, #tpu.memory_space<hbm>>
      %dma_wait3A_1117 = arith.constant 0 : i32
      %dma_wait3A_1118 = tpu.memref_slice %arg4[%dma_wait3A_1113, %dma_wait3A_1117] : memref<32x1000000xf32, #tpu.memory_space<hbm>> -> memref<1x8448xf32, #tpu.memory_space<hbm>>
      %dma_wait3A_1119 = tpu.memref_squeeze %dma_wait3A_1118 : memref<1x8448xf32, #tpu.memory_space<hbm>> -> memref<8448xf32, #tpu.memory_space<hbm>>
      tpu.wait_dma2 semaphore(%arg18 : memref<!tpu.dma_semaphore, #tpu.memory_space<semaphore_mem>>) src(%dma_wait3A_1119 : memref<8448xf32, #tpu.memory_space<hbm>>) dst(%arg17 : memref<8448xf32, #tpu.memory_space<vmem>>)
      %add3A_1120 = arith.constant 0 : i32
      %add3A_1121 = arith.addi %add3A_1108, %add3A_1120 : i32
      %slice3A_1122 = vector.extract_strided_slice %get3A_1110 {offsets = [0], sizes = [1], strides = [1]} : vector<16xi32> to vector<1xi32>
      %squeeze3A_1123 = vector.extract %slice3A_1122[0] : i32 from vector<1xi32>
      %slice3A_1124 = vector.extract_strided_slice %get3A_1112 {offsets = [0], sizes = [1], strides = [1]} : vector<16xi32> to vector<1xi32>
      %squeeze3A_1125 = vector.extract %slice3A_1124[0] : i32 from vector<1xi32>
      %and3A_1126 = arith.constant 127 : i32
      %and3A_1127 = arith.andi %squeeze3A_1123, %and3A_1126 : i32
      %broadcast_in_dim3A_1128 = vector.broadcast %and3A_1127 : i32 to vector<16xi32>
      %and3A_1129 = arith.constant 127 : i32
      %and3A_1130 = arith.andi %squeeze3A_1125, %and3A_1129 : i32
      %broadcast_in_dim3A_1131 = vector.broadcast %and3A_1130 : i32 to vector<16xi32>
      %gather3A_1132 = arith.constant 0 : i32
      %gather3A_1133 = arith.constant 0 : i32
      %gather3A_1134 = arith.constant 0 : i32
      %gather3A_1135 = tpu.memref_slice %arg11[%gather3A_1132, %gather3A_1133, %gather3A_1134] : memref<8x32x128xf32, #tpu.memory_space<vmem>> -> memref<1x32x128xf32, #tpu.memory_space<vmem>>
      %gather3A_1136 = tpu.memref_squeeze %gather3A_1135 : memref<1x32x128xf32, #tpu.memory_space<vmem>> -> memref<32x128xf32, #tpu.memory_space<vmem>>
      %gather3A_1137 = tpu.vector_load_idx %gather3A_1136[%iota3A, %broadcast_in_dim3A_1128] : memref<32x128xf32, #tpu.memory_space<vmem>>[vector<16xi32>, vector<16xi32>], vector<16xf32>,
      %gather3A_1138 = arith.constant 0 : i32
      %gather3A_1139 = arith.constant 0 : i32
      %gather3A_1140 = arith.constant 0 : i32
      %gather3A_1141 = tpu.memref_slice %arg11[%gather3A_1138, %gather3A_1139, %gather3A_1140] : memref<8x32x128xf32, #tpu.memory_space<vmem>> -> memref<1x32x128xf32, #tpu.memory_space<vmem>>
      %gather3A_1142 = tpu.memref_squeeze %gather3A_1141 : memref<1x32x128xf32, #tpu.memory_space<vmem>> -> memref<32x128xf32, #tpu.memory_space<vmem>>
      %gather3A_1143 = tpu.vector_load_idx %gather3A_1142[%add3A_5, %broadcast_in_dim3A_1128] : memref<32x128xf32, #tpu.memory_space<vmem>>[vector<16xi32>, vector<16xi32>], vector<16xf32>,
      %gather3A_1144 = arith.constant 0 : i32
      %gather3A_1145 = arith.constant 0 : i32
      %gather3A_1146 = arith.constant 0 : i32
      %gather3A_1147 = tpu.memref_slice %arg12[%gather3A_1144, %gather3A_1145, %gather3A_1146] : memref<8x32x128xf32, #tpu.memory_space<vmem>> -> memref<1x32x128xf32, #tpu.memory_space<vmem>>
      %gather3A_1148 = tpu.memref_squeeze %gather3A_1147 : memref<1x32x128xf32, #tpu.memory_space<vmem>> -> memref<32x128xf32, #tpu.memory_space<vmem>>
      %gather3A_1149 = tpu.vector_load_idx %gather3A_1148[%iota3A, %broadcast_in_dim3A_1131] : memref<32x128xf32, #tpu.memory_space<vmem>>[vector<16xi32>, vector<16xi32>], vector<16xf32>,
      %gather3A_1150 = arith.constant 0 : i32
      %gather3A_1151 = arith.constant 0 : i32
      %gather3A_1152 = arith.constant 0 : i32
      %gather3A_1153 = tpu.memref_slice %arg12[%gather3A_1150, %gather3A_1151, %gather3A_1152] : memref<8x32x128xf32, #tpu.memory_space<vmem>> -> memref<1x32x128xf32, #tpu.memory_space<vmem>>
      %gather3A_1154 = tpu.memref_squeeze %gather3A_1153 : memref<1x32x128xf32, #tpu.memory_space<vmem>> -> memref<32x128xf32, #tpu.memory_space<vmem>>
      %gather3A_1155 = tpu.vector_load_idx %gather3A_1154[%add3A_5, %broadcast_in_dim3A_1131] : memref<32x128xf32, #tpu.memory_space<vmem>>[vector<16xi32>, vector<16xi32>], vector<16xf32>,
      %mul3A_1156 = arith.mulf %gather3A_1137, %gather3A_1149 : vector<16xf32>
      %mul3A_1157 = arith.mulf %gather3A_1143, %gather3A_1155 : vector<16xf32>
      %add3A_1158 = arith.addf %mul3A_1156, %mul3A_1157 : vector<16xf32>
      %reduce_sum3A_1159 = arith.constant true
      %reduce_sum3A_1160 = vector.broadcast %reduce_sum3A_1159 : i1 to vector<16xi1>
      %reduce_sum3A_1161 = tpu.scan <sum>, %add3A_1158 masked %reduce_sum3A_1160 : vector<16xf32>, vector<16xi1> -> vector<16xf32>
      %reduce_sum3A_1162 = vector.extract %reduce_sum3A_1161[15] : f32 from vector<16xf32>
      %mul3A_1163 = arith.constant 0 : i32
      %mul3A_1164 = vector.broadcast %mul3A_1163 : i32 to vector<16xi32>
      %mul3A_1165 = arith.muli %iota3A, %mul3A_1164 : vector<16xi32>
      %add3A_1166 = arith.constant 0 : i32
      %add3A_1167 = vector.broadcast %add3A_1166 : i32 to vector<16xi32>
      %add3A_1168 = arith.addi %mul3A_1165, %add3A_1167 : vector<16xi32>
      %gather3A_1169 = tpu.vector_load_idx %arg13[%add3A_1168, %broadcast_in_dim3A_1128] : memref<8x128xf32, #tpu.memory_space<vmem>>[vector<16xi32>, vector<16xi32>], vector<16xf32>,
      %mul3A_1170 = arith.constant 0 : i32
      %mul3A_1171 = vector.broadcast %mul3A_1170 : i32 to vector<16xi32>
      %mul3A_1172 = arith.muli %iota3A, %mul3A_1171 : vector<16xi32>
      %add3A_1173 = arith.constant 0 : i32
      %add3A_1174 = vector.broadcast %add3A_1173 : i32 to vector<16xi32>
      %add3A_1175 = arith.addi %mul3A_1172, %add3A_1174 : vector<16xi32>
      %gather3A_1176 = tpu.vector_load_idx %arg14[%add3A_1175, %broadcast_in_dim3A_1131] : memref<8x128xf32, #tpu.memory_space<vmem>>[vector<16xi32>, vector<16xi32>], vector<16xf32>,
      %slice3A_1177 = vector.extract_strided_slice %gather3A_1169 {offsets = [0], sizes = [1], strides = [1]} : vector<16xf32> to vector<1xf32>
      %squeeze3A_1178 = vector.extract %slice3A_1177[0] : f32 from vector<1xf32>
      %add3A_1179 = arith.addf %reduce_sum3A_1162, %squeeze3A_1178 : f32
      %slice3A_1180 = vector.extract_strided_slice %gather3A_1176 {offsets = [0], sizes = [1], strides = [1]} : vector<16xf32> to vector<1xf32>
      %squeeze3A_1181 = vector.extract %slice3A_1180[0] : f32 from vector<1xf32>
      %add3A_1182 = arith.addf %add3A_1179, %squeeze3A_1181 : f32
      %and3A_1183 = arith.constant 15 : i32
      %and3A_1184 = arith.andi %add3A_1121, %and3A_1183 : i32
      %eq3A_1185 = vector.broadcast %and3A_1184 : i32 to vector<16xi32>
      %eq3A_1186 = arith.cmpi eq, %iota3A, %eq3A_1185 : vector<16xi32>
      %broadcast_in_dim3A_1187 = vector.broadcast %add3A_1182 : f32 to vector<16xf32>
      %get3A_1188 = arith.constant 0 : index
      %get3A_1189 = tpu.vector_load %arg15[%get3A_1188] {strides = array<i32>} : memref<16xf32, #tpu.memory_space<vmem>>, vector<16xf32>,
      %select_n3A_1190 = arith.select %eq3A_1186, %broadcast_in_dim3A_1187, %get3A_1189 : vector<16xi1>, vector<16xf32>
      %swap3A_1191 = arith.constant 0 : index
      %swap3A_1192 = tpu.vector_load %arg15[%swap3A_1191] {strides = array<i32>} : memref<16xf32, #tpu.memory_space<vmem>>, vector<16xf32>,
      tpu.vector_store %arg15[%swap3A_1191], %select_n3A_1190 {strides = array<i32>} : memref<16xf32, #tpu.memory_space<vmem>>, vector<16xf32>,
      %slice3A_1193 = vector.extract_strided_slice %get3A_1110 {offsets = [8], sizes = [1], strides = [1]} : vector<16xi32> to vector<1xi32>
      %squeeze3A_1194 = vector.extract %slice3A_1193[0] : i32 from vector<1xi32>
      %slice3A_1195 = vector.extract_strided_slice %get3A_1112 {offsets = [8], sizes = [1], strides = [1]} : vector<16xi32> to vector<1xi32>
      %squeeze3A_1196 = vector.extract %slice3A_1195[0] : i32 from vector<1xi32>
      %shift_right_logical3A_1197 = arith.constant 7 : i32
      %shift_right_logical3A_1198 = arith.shrui %squeeze3A_1194, %shift_right_logical3A_1197 : i32
      %mul3A_1199 = arith.constant 128 : i32
      %mul3A_1200 = arith.muli %shift_right_logical3A_1198, %mul3A_1199 : i32
      %multiple_of3A_1201 = tpu.assume_multiple %mul3A_1200, 128 : i32
      %shift_right_logical3A_1202 = arith.constant 7 : i32
      %shift_right_logical3A_1203 = arith.shrui %squeeze3A_1196, %shift_right_logical3A_1202 : i32
      %mul3A_1204 = arith.constant 128 : i32
      %mul3A_1205 = arith.muli %shift_right_logical3A_1203, %mul3A_1204 : i32
      %multiple_of3A_1206 = tpu.assume_multiple %mul3A_1205, 128 : i32
      %dma_start3A_1207 = arith.constant 0 : i32
      %dma_start3A_1208 = arith.constant 0 : i32
      %dma_start3A_1209 = arith.constant 0 : i32
      %dma_start3A_1210 = tpu.memref_slice %arg11[%dma_start3A_1207, %dma_start3A_1208, %dma_start3A_1209] : memref<8x32x128xf32, #tpu.memory_space<vmem>> -> memref<1x32x128xf32, #tpu.memory_space<vmem>>
      %dma_start3A_1211 = tpu.memref_squeeze %dma_start3A_1210 : memref<1x32x128xf32, #tpu.memory_space<vmem>> -> memref<32x128xf32, #tpu.memory_space<vmem>>
      %dma_start3A_1212 = arith.constant 0 : i32
      %dma_start3A_1213 = tpu.memref_slice %arg4[%dma_start3A_1212, %multiple_of3A_1201] : memref<32x1000000xf32, #tpu.memory_space<hbm>> -> memref<32x128xf32, #tpu.memory_space<hbm>>
      %dma_start3A_1214 = arith.constant 0 : i32
      %dma_start3A_1215 = arith.constant 0 : i32
      %dma_start3A_1216 = tpu.memref_slice %arg11[%dma_start3A_1207, %dma_start3A_1214, %dma_start3A_1215] : memref<8x32x128xf32, #tpu.memory_space<vmem>> -> memref<1x32x128xf32, #tpu.memory_space<vmem>>
      %dma_start3A_1217 = tpu.memref_squeeze %dma_start3A_1216 : memref<1x32x128xf32, #tpu.memory_space<vmem>> -> memref<32x128xf32, #tpu.memory_space<vmem>>
      %dma_start3A_1218 = arith.constant 0 : i32
      %dma_start3A_1219 = tpu.memref_slice %arg4[%dma_start3A_1218, %multiple_of3A_1201] : memref<32x1000000xf32, #tpu.memory_space<hbm>> -> memref<32x128xf32, #tpu.memory_space<hbm>>
      tpu.enqueue_dma source(%dma_start3A_1219 : memref<32x128xf32, #tpu.memory_space<hbm>>) target(%dma_start3A_1217 : memref<32x128xf32, #tpu.memory_space<vmem>>) target_semaphore(%arg18 : memref<!tpu.dma_semaphore, #tpu.memory_space<semaphore_mem>>)
      %dma_start3A_1220 = arith.constant 0 : i32
      %dma_start3A_1221 = arith.constant 0 : i32
      %dma_start3A_1222 = arith.constant 0 : i32
      %dma_start3A_1223 = tpu.memref_slice %arg12[%dma_start3A_1220, %dma_start3A_1221, %dma_start3A_1222] : memref<8x32x128xf32, #tpu.memory_space<vmem>> -> memref<1x32x128xf32, #tpu.memory_space<vmem>>
      %dma_start3A_1224 = tpu.memref_squeeze %dma_start3A_1223 : memref<1x32x128xf32, #tpu.memory_space<vmem>> -> memref<32x128xf32, #tpu.memory_space<vmem>>
      %dma_start3A_1225 = arith.constant 0 : i32
      %dma_start3A_1226 = tpu.memref_slice %arg5[%dma_start3A_1225, %multiple_of3A_1206] : memref<32x1000000xf32, #tpu.memory_space<hbm>> -> memref<32x128xf32, #tpu.memory_space<hbm>>
      %dma_start3A_1227 = arith.constant 0 : i32
      %dma_start3A_1228 = arith.constant 0 : i32
      %dma_start3A_1229 = tpu.memref_slice %arg12[%dma_start3A_1220, %dma_start3A_1227, %dma_start3A_1228] : memref<8x32x128xf32, #tpu.memory_space<vmem>> -> memref<1x32x128xf32, #tpu.memory_space<vmem>>
      %dma_start3A_1230 = tpu.memref_squeeze %dma_start3A_1229 : memref<1x32x128xf32, #tpu.memory_space<vmem>> -> memref<32x128xf32, #tpu.memory_space<vmem>>
      %dma_start3A_1231 = arith.constant 0 : i32
      %dma_start3A_1232 = tpu.memref_slice %arg5[%dma_start3A_1231, %multiple_of3A_1206] : memref<32x1000000xf32, #tpu.memory_space<hbm>> -> memref<32x128xf32, #tpu.memory_space<hbm>>
      tpu.enqueue_dma source(%dma_start3A_1232 : memref<32x128xf32, #tpu.memory_space<hbm>>) target(%dma_start3A_1230 : memref<32x128xf32, #tpu.memory_space<vmem>>) target_semaphore(%arg18 : memref<!tpu.dma_semaphore, #tpu.memory_space<semaphore_mem>>)
      %dma_start3A_1233 = arith.constant 0 : i32
      %dma_start3A_1234 = arith.constant 0 : i32
      %dma_start3A_1235 = tpu.memref_slice %arg13[%dma_start3A_1233, %dma_start3A_1234] : memref<8x128xf32, #tpu.memory_space<vmem>> -> memref<1x128xf32, #tpu.memory_space<vmem>>
      %dma_start3A_1236 = tpu.memref_squeeze %dma_start3A_1235 : memref<1x128xf32, #tpu.memory_space<vmem>> -> memref<128xf32, #tpu.memory_space<vmem>>
      %dma_start3A_1237 = tpu.memref_slice %arg6[%multiple_of3A_1201] : memref<1000000xf32, #tpu.memory_space<hbm>> -> memref<128xf32, #tpu.memory_space<hbm>>
      %dma_start3A_1238 = arith.constant 0 : i32
      %dma_start3A_1239 = tpu.memref_slice %arg13[%dma_start3A_1233, %dma_start3A_1238] : memref<8x128xf32, #tpu.memory_space<vmem>> -> memref<1x128xf32, #tpu.memory_space<vmem>>
      %dma_start3A_1240 = tpu.memref_squeeze %dma_start3A_1239 : memref<1x128xf32, #tpu.memory_space<vmem>> -> memref<128xf32, #tpu.memory_space<vmem>>
      %dma_start3A_1241 = tpu.memref_slice %arg6[%multiple_of3A_1201] : memref<1000000xf32, #tpu.memory_space<hbm>> -> memref<128xf32, #tpu.memory_space<hbm>>
      tpu.enqueue_dma source(%dma_start3A_1241 : memref<128xf32, #tpu.memory_space<hbm>>) target(%dma_start3A_1240 : memref<128xf32, #tpu.memory_space<vmem>>) target_semaphore(%arg18 : memref<!tpu.dma_semaphore, #tpu.memory_space<semaphore_mem>>)
      %dma_start3A_1242 = arith.constant 0 : i32
      %dma_start3A_1243 = arith.constant 0 : i32
      %dma_start3A_1244 = tpu.memref_slice %arg14[%dma_start3A_1242, %dma_start3A_1243] : memref<8x128xf32, #tpu.memory_space<vmem>> -> memref<1x128xf32, #tpu.memory_space<vmem>>
      %dma_start3A_1245 = tpu.memref_squeeze %dma_start3A_1244 : memref<1x128xf32, #tpu.memory_space<vmem>> -> memref<128xf32, #tpu.memory_space<vmem>>
      %dma_start3A_1246 = tpu.memref_slice %arg7[%multiple_of3A_1206] : memref<1000000xf32, #tpu.memory_space<hbm>> -> memref<128xf32, #tpu.memory_space<hbm>>
      %dma_start3A_1247 = arith.constant 0 : i32
      %dma_start3A_1248 = tpu.memref_slice %arg14[%dma_start3A_1242, %dma_start3A_1247] : memref<8x128xf32, #tpu.memory_space<vmem>> -> memref<1x128xf32, #tpu.memory_space<vmem>>
      %dma_start3A_1249 = tpu.memref_squeeze %dma_start3A_1248 : memref<1x128xf32, #tpu.memory_space<vmem>> -> memref<128xf32, #tpu.memory_space<vmem>>
      %dma_start3A_1250 = tpu.memref_slice %arg7[%multiple_of3A_1206] : memref<1000000xf32, #tpu.memory_space<hbm>> -> memref<128xf32, #tpu.memory_space<hbm>>
      tpu.enqueue_dma source(%dma_start3A_1250 : memref<128xf32, #tpu.memory_space<hbm>>) target(%dma_start3A_1249 : memref<128xf32, #tpu.memory_space<vmem>>) target_semaphore(%arg18 : memref<!tpu.dma_semaphore, #tpu.memory_space<semaphore_mem>>)
      %dma_wait3A_1251 = arith.constant 0 : i32
      %dma_wait3A_1252 = arith.constant 0 : i32
      %dma_wait3A_1253 = tpu.memref_slice %arg4[%dma_wait3A_1251, %dma_wait3A_1252] : memref<32x1000000xf32, #tpu.memory_space<hbm>> -> memref<1x8448xf32, #tpu.memory_space<hbm>>
      %dma_wait3A_1254 = tpu.memref_squeeze %dma_wait3A_1253 : memref<1x8448xf32, #tpu.memory_space<hbm>> -> memref<8448xf32, #tpu.memory_space<hbm>>
      %dma_wait3A_1255 = arith.constant 0 : i32
      %dma_wait3A_1256 = tpu.memref_slice %arg4[%dma_wait3A_1251, %dma_wait3A_1255] : memref<32x1000000xf32, #tpu.memory_space<hbm>> -> memref<1x8448xf32, #tpu.memory_space<hbm>>
      %dma_wait3A_1257 = tpu.memref_squeeze %dma_wait3A_1256 : memref<1x8448xf32, #tpu.memory_space<hbm>> -> memref<8448xf32, #tpu.memory_space<hbm>>
      tpu.wait_dma2 semaphore(%arg19 : memref<!tpu.dma_semaphore, #tpu.memory_space<semaphore_mem>>) src(%dma_wait3A_1257 : memref<8448xf32, #tpu.memory_space<hbm>>) dst(%arg17 : memref<8448xf32, #tpu.memory_space<vmem>>)
      %add3A_1258 = arith.constant 1 : i32
      %add3A_1259 = arith.addi %add3A_1108, %add3A_1258 : i32
      %slice3A_1260 = vector.extract_strided_slice %get3A_1110 {offsets = [1], sizes = [1], strides = [1]} : vector<16xi32> to vector<1xi32>
      %squeeze3A_1261 = vector.extract %slice3A_1260[0] : i32 from vector<1xi32>
      %slice3A_1262 = vector.extract_strided_slice %get3A_1112 {offsets = [1], sizes = [1], strides = [1]} : vector<16xi32> to vector<1xi32>
      %squeeze3A_1263 = vector.extract %slice3A_1262[0] : i32 from vector<1xi32>
      %and3A_1264 = arith.constant 127 : i32
      %and3A_1265 = arith.andi %squeeze3A_1261, %and3A_1264 : i32
      %broadcast_in_dim3A_1266 = vector.broadcast %and3A_1265 : i32 to vector<16xi32>
      %and3A_1267 = arith.constant 127 : i32
      %and3A_1268 = arith.andi %squeeze3A_1263, %and3A_1267 : i32
      %broadcast_in_dim3A_1269 = vector.broadcast %and3A_1268 : i32 to vector<16xi32>
      %gather3A_1270 = arith.constant 1 : i32
      %gather3A_1271 = arith.constant 0 : i32
      %gather3A_1272 = arith.constant 0 : i32
      %gather3A_1273 = tpu.memref_slice %arg11[%gather3A_1270, %gather3A_1271, %gather3A_1272] : memref<8x32x128xf32, #tpu.memory_space<vmem>> -> memref<1x32x128xf32, #tpu.memory_space<vmem>>
      %gather3A_1274 = tpu.memref_squeeze %gather3A_1273 : memref<1x32x128xf32, #tpu.memory_space<vmem>> -> memref<32x128xf32, #tpu.memory_space<vmem>>
      %gather3A_1275 = tpu.vector_load_idx %gather3A_1274[%iota3A, %broadcast_in_dim3A_1266] : memref<32x128xf32, #tpu.memory_space<vmem>>[vector<16xi32>, vector<16xi32>], vector<16xf32>,
      %gather3A_1276 = arith.constant 1 : i32
      %gather3A_1277 = arith.constant 0 : i32
      %gather3A_1278 = arith.constant 0 : i32
      %gather3A_1279 = tpu.memref_slice %arg11[%gather3A_1276, %gather3A_1277, %gather3A_1278] : memref<8x32x128xf32, #tpu.memory_space<vmem>> -> memref<1x32x128xf32, #tpu.memory_space<vmem>>
      %gather3A_1280 = tpu.memref_squeeze %gather3A_1279 : memref<1x32x128xf32, #tpu.memory_space<vmem>> -> memref<32x128xf32, #tpu.memory_space<vmem>>
      %gather3A_1281 = tpu.vector_load_idx %gather3A_1280[%add3A_5, %broadcast_in_dim3A_1266] : memref<32x128xf32, #tpu.memory_space<vmem>>[vector<16xi32>, vector<16xi32>], vector<16xf32>,
      %gather3A_1282 = arith.constant 1 : i32
      %gather3A_1283 = arith.constant 0 : i32
      %gather3A_1284 = arith.constant 0 : i32
      %gather3A_1285 = tpu.memref_slice %arg12[%gather3A_1282, %gather3A_1283, %gather3A_1284] : memref<8x32x128xf32, #tpu.memory_space<vmem>> -> memref<1x32x128xf32, #tpu.memory_space<vmem>>
      %gather3A_1286 = tpu.memref_squeeze %gather3A_1285 : memref<1x32x128xf32, #tpu.memory_space<vmem>> -> memref<32x128xf32, #tpu.memory_space<vmem>>
      %gather3A_1287 = tpu.vector_load_idx %gather3A_1286[%iota3A, %broadcast_in_dim3A_1269] : memref<32x128xf32, #tpu.memory_space<vmem>>[vector<16xi32>, vector<16xi32>], vector<16xf32>,
      %gather3A_1288 = arith.constant 1 : i32
      %gather3A_1289 = arith.constant 0 : i32
      %gather3A_1290 = arith.constant 0 : i32
      %gather3A_1291 = tpu.memref_slice %arg12[%gather3A_1288, %gather3A_1289, %gather3A_1290] : memref<8x32x128xf32, #tpu.memory_space<vmem>> -> memref<1x32x128xf32, #tpu.memory_space<vmem>>
      %gather3A_1292 = tpu.memref_squeeze %gather3A_1291 : memref<1x32x128xf32, #tpu.memory_space<vmem>> -> memref<32x128xf32, #tpu.memory_space<vmem>>
      %gather3A_1293 = tpu.vector_load_idx %gather3A_1292[%add3A_5, %broadcast_in_dim3A_1269] : memref<32x128xf32, #tpu.memory_space<vmem>>[vector<16xi32>, vector<16xi32>], vector<16xf32>,
      %mul3A_1294 = arith.mulf %gather3A_1275, %gather3A_1287 : vector<16xf32>
      %mul3A_1295 = arith.mulf %gather3A_1281, %gather3A_1293 : vector<16xf32>
      %add3A_1296 = arith.addf %mul3A_1294, %mul3A_1295 : vector<16xf32>
      %reduce_sum3A_1297 = arith.constant true
      %reduce_sum3A_1298 = vector.broadcast %reduce_sum3A_1297 : i1 to vector<16xi1>
      %reduce_sum3A_1299 = tpu.scan <sum>, %add3A_1296 masked %reduce_sum3A_1298 : vector<16xf32>, vector<16xi1> -> vector<16xf32>
      %reduce_sum3A_1300 = vector.extract %reduce_sum3A_1299[15] : f32 from vector<16xf32>
      %mul3A_1301 = arith.constant 0 : i32
      %mul3A_1302 = vector.broadcast %mul3A_1301 : i32 to vector<16xi32>
      %mul3A_1303 = arith.muli %iota3A, %mul3A_1302 : vector<16xi32>
      %add3A_1304 = arith.constant 1 : i32
      %add3A_1305 = vector.broadcast %add3A_1304 : i32 to vector<16xi32>
      %add3A_1306 = arith.addi %mul3A_1303, %add3A_1305 : vector<16xi32>
      %gather3A_1307 = tpu.vector_load_idx %arg13[%add3A_1306, %broadcast_in_dim3A_1266] : memref<8x128xf32, #tpu.memory_space<vmem>>[vector<16xi32>, vector<16xi32>], vector<16xf32>,
      %mul3A_1308 = arith.constant 0 : i32
      %mul3A_1309 = vector.broadcast %mul3A_1308 : i32 to vector<16xi32>
      %mul3A_1310 = arith.muli %iota3A, %mul3A_1309 : vector<16xi32>
      %add3A_1311 = arith.constant 1 : i32
      %add3A_1312 = vector.broadcast %add3A_1311 : i32 to vector<16xi32>
      %add3A_1313 = arith.addi %mul3A_1310, %add3A_1312 : vector<16xi32>
      %gather3A_1314 = tpu.vector_load_idx %arg14[%add3A_1313, %broadcast_in_dim3A_1269] : memref<8x128xf32, #tpu.memory_space<vmem>>[vector<16xi32>, vector<16xi32>], vector<16xf32>,
      %slice3A_1315 = vector.extract_strided_slice %gather3A_1307 {offsets = [0], sizes = [1], strides = [1]} : vector<16xf32> to vector<1xf32>
      %squeeze3A_1316 = vector.extract %slice3A_1315[0] : f32 from vector<1xf32>
      %add3A_1317 = arith.addf %reduce_sum3A_1300, %squeeze3A_1316 : f32
      %slice3A_1318 = vector.extract_strided_slice %gather3A_1314 {offsets = [0], sizes = [1], strides = [1]} : vector<16xf32> to vector<1xf32>
      %squeeze3A_1319 = vector.extract %slice3A_1318[0] : f32 from vector<1xf32>
      %add3A_1320 = arith.addf %add3A_1317, %squeeze3A_1319 : f32
      %and3A_1321 = arith.constant 15 : i32
      %and3A_1322 = arith.andi %add3A_1259, %and3A_1321 : i32
      %eq3A_1323 = vector.broadcast %and3A_1322 : i32 to vector<16xi32>
      %eq3A_1324 = arith.cmpi eq, %iota3A, %eq3A_1323 : vector<16xi32>
      %broadcast_in_dim3A_1325 = vector.broadcast %add3A_1320 : f32 to vector<16xf32>
      %get3A_1326 = arith.constant 0 : index
      %get3A_1327 = tpu.vector_load %arg15[%get3A_1326] {strides = array<i32>} : memref<16xf32, #tpu.memory_space<vmem>>, vector<16xf32>,
      %select_n3A_1328 = arith.select %eq3A_1324, %broadcast_in_dim3A_1325, %get3A_1327 : vector<16xi1>, vector<16xf32>
      %swap3A_1329 = arith.constant 0 : index
      %swap3A_1330 = tpu.vector_load %arg15[%swap3A_1329] {strides = array<i32>} : memref<16xf32, #tpu.memory_space<vmem>>, vector<16xf32>,
      tpu.vector_store %arg15[%swap3A_1329], %select_n3A_1328 {strides = array<i32>} : memref<16xf32, #tpu.memory_space<vmem>>, vector<16xf32>,
      %slice3A_1331 = vector.extract_strided_slice %get3A_1110 {offsets = [9], sizes = [1], strides = [1]} : vector<16xi32> to vector<1xi32>
      %squeeze3A_1332 = vector.extract %slice3A_1331[0] : i32 from vector<1xi32>
      %slice3A_1333 = vector.extract_strided_slice %get3A_1112 {offsets = [9], sizes = [1], strides = [1]} : vector<16xi32> to vector<1xi32>
      %squeeze3A_1334 = vector.extract %slice3A_1333[0] : i32 from vector<1xi32>
      %shift_right_logical3A_1335 = arith.constant 7 : i32
      %shift_right_logical3A_1336 = arith.shrui %squeeze3A_1332, %shift_right_logical3A_1335 : i32
      %mul3A_1337 = arith.constant 128 : i32
      %mul3A_1338 = arith.muli %shift_right_logical3A_1336, %mul3A_1337 : i32
      %multiple_of3A_1339 = tpu.assume_multiple %mul3A_1338, 128 : i32
      %shift_right_logical3A_1340 = arith.constant 7 : i32
      %shift_right_logical3A_1341 = arith.shrui %squeeze3A_1334, %shift_right_logical3A_1340 : i32
      %mul3A_1342 = arith.constant 128 : i32
      %mul3A_1343 = arith.muli %shift_right_logical3A_1341, %mul3A_1342 : i32
      %multiple_of3A_1344 = tpu.assume_multiple %mul3A_1343, 128 : i32
      %dma_start3A_1345 = arith.constant 1 : i32
      %dma_start3A_1346 = arith.constant 0 : i32
      %dma_start3A_1347 = arith.constant 0 : i32
      %dma_start3A_1348 = tpu.memref_slice %arg11[%dma_start3A_1345, %dma_start3A_1346, %dma_start3A_1347] : memref<8x32x128xf32, #tpu.memory_space<vmem>> -> memref<1x32x128xf32, #tpu.memory_space<vmem>>
      %dma_start3A_1349 = tpu.memref_squeeze %dma_start3A_1348 : memref<1x32x128xf32, #tpu.memory_space<vmem>> -> memref<32x128xf32, #tpu.memory_space<vmem>>
      %dma_start3A_1350 = arith.constant 0 : i32
      %dma_start3A_1351 = tpu.memref_slice %arg4[%dma_start3A_1350, %multiple_of3A_1339] : memref<32x1000000xf32, #tpu.memory_space<hbm>> -> memref<32x128xf32, #tpu.memory_space<hbm>>
      %dma_start3A_1352 = arith.constant 0 : i32
      %dma_start3A_1353 = arith.constant 0 : i32
      %dma_start3A_1354 = tpu.memref_slice %arg11[%dma_start3A_1345, %dma_start3A_1352, %dma_start3A_1353] : memref<8x32x128xf32, #tpu.memory_space<vmem>> -> memref<1x32x128xf32, #tpu.memory_space<vmem>>
      %dma_start3A_1355 = tpu.memref_squeeze %dma_start3A_1354 : memref<1x32x128xf32, #tpu.memory_space<vmem>> -> memref<32x128xf32, #tpu.memory_space<vmem>>
      %dma_start3A_1356 = arith.constant 0 : i32
      %dma_start3A_1357 = tpu.memref_slice %arg4[%dma_start3A_1356, %multiple_of3A_1339] : memref<32x1000000xf32, #tpu.memory_space<hbm>> -> memref<32x128xf32, #tpu.memory_space<hbm>>
      tpu.enqueue_dma source(%dma_start3A_1357 : memref<32x128xf32, #tpu.memory_space<hbm>>) target(%dma_start3A_1355 : memref<32x128xf32, #tpu.memory_space<vmem>>) target_semaphore(%arg19 : memref<!tpu.dma_semaphore, #tpu.memory_space<semaphore_mem>>)
      %dma_start3A_1358 = arith.constant 1 : i32
      %dma_start3A_1359 = arith.constant 0 : i32
      %dma_start3A_1360 = arith.constant 0 : i32
      %dma_start3A_1361 = tpu.memref_slice %arg12[%dma_start3A_1358, %dma_start3A_1359, %dma_start3A_1360] : memref<8x32x128xf32, #tpu.memory_space<vmem>> -> memref<1x32x128xf32, #tpu.memory_space<vmem>>
      %dma_start3A_1362 = tpu.memref_squeeze %dma_start3A_1361 : memref<1x32x128xf32, #tpu.memory_space<vmem>> -> memref<32x128xf32, #tpu.memory_space<vmem>>
      %dma_start3A_1363 = arith.constant 0 : i32
      %dma_start3A_1364 = tpu.memref_slice %arg5[%dma_start3A_1363, %multiple_of3A_1344] : memref<32x1000000xf32, #tpu.memory_space<hbm>> -> memref<32x128xf32, #tpu.memory_space<hbm>>
      %dma_start3A_1365 = arith.constant 0 : i32
      %dma_start3A_1366 = arith.constant 0 : i32
      %dma_start3A_1367 = tpu.memref_slice %arg12[%dma_start3A_1358, %dma_start3A_1365, %dma_start3A_1366] : memref<8x32x128xf32, #tpu.memory_space<vmem>> -> memref<1x32x128xf32, #tpu.memory_space<vmem>>
      %dma_start3A_1368 = tpu.memref_squeeze %dma_start3A_1367 : memref<1x32x128xf32, #tpu.memory_space<vmem>> -> memref<32x128xf32, #tpu.memory_space<vmem>>
      %dma_start3A_1369 = arith.constant 0 : i32
      %dma_start3A_1370 = tpu.memref_slice %arg5[%dma_start3A_1369, %multiple_of3A_1344] : memref<32x1000000xf32, #tpu.memory_space<hbm>> -> memref<32x128xf32, #tpu.memory_space<hbm>>
      tpu.enqueue_dma source(%dma_start3A_1370 : memref<32x128xf32, #tpu.memory_space<hbm>>) target(%dma_start3A_1368 : memref<32x128xf32, #tpu.memory_space<vmem>>) target_semaphore(%arg19 : memref<!tpu.dma_semaphore, #tpu.memory_space<semaphore_mem>>)
      %dma_start3A_1371 = arith.constant 1 : i32
      %dma_start3A_1372 = arith.constant 0 : i32
      %dma_start3A_1373 = tpu.memref_slice %arg13[%dma_start3A_1371, %dma_start3A_1372] : memref<8x128xf32, #tpu.memory_space<vmem>> -> memref<1x128xf32, #tpu.memory_space<vmem>>
      %dma_start3A_1374 = tpu.memref_squeeze %dma_start3A_1373 : memref<1x128xf32, #tpu.memory_space<vmem>> -> memref<128xf32, #tpu.memory_space<vmem>>
      %dma_start3A_1375 = tpu.memref_slice %arg6[%multiple_of3A_1339] : memref<1000000xf32, #tpu.memory_space<hbm>> -> memref<128xf32, #tpu.memory_space<hbm>>
      %dma_start3A_1376 = arith.constant 0 : i32
      %dma_start3A_1377 = tpu.memref_slice %arg13[%dma_start3A_1371, %dma_start3A_1376] : memref<8x128xf32, #tpu.memory_space<vmem>> -> memref<1x128xf32, #tpu.memory_space<vmem>>
      %dma_start3A_1378 = tpu.memref_squeeze %dma_start3A_1377 : memref<1x128xf32, #tpu.memory_space<vmem>> -> memref<128xf32, #tpu.memory_space<vmem>>
      %dma_start3A_1379 = tpu.memref_slice %arg6[%multiple_of3A_1339] : memref<1000000xf32, #tpu.memory_space<hbm>> -> memref<128xf32, #tpu.memory_space<hbm>>
      tpu.enqueue_dma source(%dma_start3A_1379 : memref<128xf32, #tpu.memory_space<hbm>>) target(%dma_start3A_1378 : memref<128xf32, #tpu.memory_space<vmem>>) target_semaphore(%arg19 : memref<!tpu.dma_semaphore, #tpu.memory_space<semaphore_mem>>)
      %dma_start3A_1380 = arith.constant 1 : i32
      %dma_start3A_1381 = arith.constant 0 : i32
      %dma_start3A_1382 = tpu.memref_slice %arg14[%dma_start3A_1380, %dma_start3A_1381] : memref<8x128xf32, #tpu.memory_space<vmem>> -> memref<1x128xf32, #tpu.memory_space<vmem>>
      %dma_start3A_1383 = tpu.memref_squeeze %dma_start3A_1382 : memref<1x128xf32, #tpu.memory_space<vmem>> -> memref<128xf32, #tpu.memory_space<vmem>>
      %dma_start3A_1384 = tpu.memref_slice %arg7[%multiple_of3A_1344] : memref<1000000xf32, #tpu.memory_space<hbm>> -> memref<128xf32, #tpu.memory_space<hbm>>
      %dma_start3A_1385 = arith.constant 0 : i32
      %dma_start3A_1386 = tpu.memref_slice %arg14[%dma_start3A_1380, %dma_start3A_1385] : memref<8x128xf32, #tpu.memory_space<vmem>> -> memref<1x128xf32, #tpu.memory_space<vmem>>
      %dma_start3A_1387 = tpu.memref_squeeze %dma_start3A_1386 : memref<1x128xf32, #tpu.memory_space<vmem>> -> memref<128xf32, #tpu.memory_space<vmem>>
      %dma_start3A_1388 = tpu.memref_slice %arg7[%multiple_of3A_1344] : memref<1000000xf32, #tpu.memory_space<hbm>> -> memref<128xf32, #tpu.memory_space<hbm>>
      tpu.enqueue_dma source(%dma_start3A_1388 : memref<128xf32, #tpu.memory_space<hbm>>) target(%dma_start3A_1387 : memref<128xf32, #tpu.memory_space<vmem>>) target_semaphore(%arg19 : memref<!tpu.dma_semaphore, #tpu.memory_space<semaphore_mem>>)
      %dma_wait3A_1389 = arith.constant 0 : i32
      %dma_wait3A_1390 = arith.constant 0 : i32
      %dma_wait3A_1391 = tpu.memref_slice %arg4[%dma_wait3A_1389, %dma_wait3A_1390] : memref<32x1000000xf32, #tpu.memory_space<hbm>> -> memref<1x8448xf32, #tpu.memory_space<hbm>>
      %dma_wait3A_1392 = tpu.memref_squeeze %dma_wait3A_1391 : memref<1x8448xf32, #tpu.memory_space<hbm>> -> memref<8448xf32, #tpu.memory_space<hbm>>
      %dma_wait3A_1393 = arith.constant 0 : i32
      %dma_wait3A_1394 = tpu.memref_slice %arg4[%dma_wait3A_1389, %dma_wait3A_1393] : memref<32x1000000xf32, #tpu.memory_space<hbm>> -> memref<1x8448xf32, #tpu.memory_space<hbm>>
      %dma_wait3A_1395 = tpu.memref_squeeze %dma_wait3A_1394 : memref<1x8448xf32, #tpu.memory_space<hbm>> -> memref<8448xf32, #tpu.memory_space<hbm>>
      tpu.wait_dma2 semaphore(%arg20 : memref<!tpu.dma_semaphore, #tpu.memory_space<semaphore_mem>>) src(%dma_wait3A_1395 : memref<8448xf32, #tpu.memory_space<hbm>>) dst(%arg17 : memref<8448xf32, #tpu.memory_space<vmem>>)
      %add3A_1396 = arith.constant 2 : i32
      %add3A_1397 = arith.addi %add3A_1108, %add3A_1396 : i32
      %slice3A_1398 = vector.extract_strided_slice %get3A_1110 {offsets = [2], sizes = [1], strides = [1]} : vector<16xi32> to vector<1xi32>
      %squeeze3A_1399 = vector.extract %slice3A_1398[0] : i32 from vector<1xi32>
      %slice3A_1400 = vector.extract_strided_slice %get3A_1112 {offsets = [2], sizes = [1], strides = [1]} : vector<16xi32> to vector<1xi32>
      %squeeze3A_1401 = vector.extract %slice3A_1400[0] : i32 from vector<1xi32>
      %and3A_1402 = arith.constant 127 : i32
      %and3A_1403 = arith.andi %squeeze3A_1399, %and3A_1402 : i32
      %broadcast_in_dim3A_1404 = vector.broadcast %and3A_1403 : i32 to vector<16xi32>
      %and3A_1405 = arith.constant 127 : i32
      %and3A_1406 = arith.andi %squeeze3A_1401, %and3A_1405 : i32
      %broadcast_in_dim3A_1407 = vector.broadcast %and3A_1406 : i32 to vector<16xi32>
      %gather3A_1408 = arith.constant 2 : i32
      %gather3A_1409 = arith.constant 0 : i32
      %gather3A_1410 = arith.constant 0 : i32
      %gather3A_1411 = tpu.memref_slice %arg11[%gather3A_1408, %gather3A_1409, %gather3A_1410] : memref<8x32x128xf32, #tpu.memory_space<vmem>> -> memref<1x32x128xf32, #tpu.memory_space<vmem>>
      %gather3A_1412 = tpu.memref_squeeze %gather3A_1411 : memref<1x32x128xf32, #tpu.memory_space<vmem>> -> memref<32x128xf32, #tpu.memory_space<vmem>>
      %gather3A_1413 = tpu.vector_load_idx %gather3A_1412[%iota3A, %broadcast_in_dim3A_1404] : memref<32x128xf32, #tpu.memory_space<vmem>>[vector<16xi32>, vector<16xi32>], vector<16xf32>,
      %gather3A_1414 = arith.constant 2 : i32
      %gather3A_1415 = arith.constant 0 : i32
      %gather3A_1416 = arith.constant 0 : i32
      %gather3A_1417 = tpu.memref_slice %arg11[%gather3A_1414, %gather3A_1415, %gather3A_1416] : memref<8x32x128xf32, #tpu.memory_space<vmem>> -> memref<1x32x128xf32, #tpu.memory_space<vmem>>
      %gather3A_1418 = tpu.memref_squeeze %gather3A_1417 : memref<1x32x128xf32, #tpu.memory_space<vmem>> -> memref<32x128xf32, #tpu.memory_space<vmem>>
      %gather3A_1419 = tpu.vector_load_idx %gather3A_1418[%add3A_5, %broadcast_in_dim3A_1404] : memref<32x128xf32, #tpu.memory_space<vmem>>[vector<16xi32>, vector<16xi32>], vector<16xf32>,
      %gather3A_1420 = arith.constant 2 : i32
      %gather3A_1421 = arith.constant 0 : i32
      %gather3A_1422 = arith.constant 0 : i32
      %gather3A_1423 = tpu.memref_slice %arg12[%gather3A_1420, %gather3A_1421, %gather3A_1422] : memref<8x32x128xf32, #tpu.memory_space<vmem>> -> memref<1x32x128xf32, #tpu.memory_space<vmem>>
      %gather3A_1424 = tpu.memref_squeeze %gather3A_1423 : memref<1x32x128xf32, #tpu.memory_space<vmem>> -> memref<32x128xf32, #tpu.memory_space<vmem>>
      %gather3A_1425 = tpu.vector_load_idx %gather3A_1424[%iota3A, %broadcast_in_dim3A_1407] : memref<32x128xf32, #tpu.memory_space<vmem>>[vector<16xi32>, vector<16xi32>], vector<16xf32>,
      %gather3A_1426 = arith.constant 2 : i32
      %gather3A_1427 = arith.constant 0 : i32
      %gather3A_1428 = arith.constant 0 : i32
      %gather3A_1429 = tpu.memref_slice %arg12[%gather3A_1426, %gather3A_1427, %gather3A_1428] : memref<8x32x128xf32, #tpu.memory_space<vmem>> -> memref<1x32x128xf32, #tpu.memory_space<vmem>>
      %gather3A_1430 = tpu.memref_squeeze %gather3A_1429 : memref<1x32x128xf32, #tpu.memory_space<vmem>> -> memref<32x128xf32, #tpu.memory_space<vmem>>
      %gather3A_1431 = tpu.vector_load_idx %gather3A_1430[%add3A_5, %broadcast_in_dim3A_1407] : memref<32x128xf32, #tpu.memory_space<vmem>>[vector<16xi32>, vector<16xi32>], vector<16xf32>,
      %mul3A_1432 = arith.mulf %gather3A_1413, %gather3A_1425 : vector<16xf32>
      %mul3A_1433 = arith.mulf %gather3A_1419, %gather3A_1431 : vector<16xf32>
      %add3A_1434 = arith.addf %mul3A_1432, %mul3A_1433 : vector<16xf32>
      %reduce_sum3A_1435 = arith.constant true
      %reduce_sum3A_1436 = vector.broadcast %reduce_sum3A_1435 : i1 to vector<16xi1>
      %reduce_sum3A_1437 = tpu.scan <sum>, %add3A_1434 masked %reduce_sum3A_1436 : vector<16xf32>, vector<16xi1> -> vector<16xf32>
      %reduce_sum3A_1438 = vector.extract %reduce_sum3A_1437[15] : f32 from vector<16xf32>
      %mul3A_1439 = arith.constant 0 : i32
      %mul3A_1440 = vector.broadcast %mul3A_1439 : i32 to vector<16xi32>
      %mul3A_1441 = arith.muli %iota3A, %mul3A_1440 : vector<16xi32>
      %add3A_1442 = arith.constant 2 : i32
      %add3A_1443 = vector.broadcast %add3A_1442 : i32 to vector<16xi32>
      %add3A_1444 = arith.addi %mul3A_1441, %add3A_1443 : vector<16xi32>
      %gather3A_1445 = tpu.vector_load_idx %arg13[%add3A_1444, %broadcast_in_dim3A_1404] : memref<8x128xf32, #tpu.memory_space<vmem>>[vector<16xi32>, vector<16xi32>], vector<16xf32>,
      %mul3A_1446 = arith.constant 0 : i32
      %mul3A_1447 = vector.broadcast %mul3A_1446 : i32 to vector<16xi32>
      %mul3A_1448 = arith.muli %iota3A, %mul3A_1447 : vector<16xi32>
      %add3A_1449 = arith.constant 2 : i32
      %add3A_1450 = vector.broadcast %add3A_1449 : i32 to vector<16xi32>
      %add3A_1451 = arith.addi %mul3A_1448, %add3A_1450 : vector<16xi32>
      %gather3A_1452 = tpu.vector_load_idx %arg14[%add3A_1451, %broadcast_in_dim3A_1407] : memref<8x128xf32, #tpu.memory_space<vmem>>[vector<16xi32>, vector<16xi32>], vector<16xf32>,
      %slice3A_1453 = vector.extract_strided_slice %gather3A_1445 {offsets = [0], sizes = [1], strides = [1]} : vector<16xf32> to vector<1xf32>
      %squeeze3A_1454 = vector.extract %slice3A_1453[0] : f32 from vector<1xf32>
      %add3A_1455 = arith.addf %reduce_sum3A_1438, %squeeze3A_1454 : f32
      %slice3A_1456 = vector.extract_strided_slice %gather3A_1452 {offsets = [0], sizes = [1], strides = [1]} : vector<16xf32> to vector<1xf32>
      %squeeze3A_1457 = vector.extract %slice3A_1456[0] : f32 from vector<1xf32>
      %add3A_1458 = arith.addf %add3A_1455, %squeeze3A_1457 : f32
      %and3A_1459 = arith.constant 15 : i32
      %and3A_1460 = arith.andi %add3A_1397, %and3A_1459 : i32
      %eq3A_1461 = vector.broadcast %and3A_1460 : i32 to vector<16xi32>
      %eq3A_1462 = arith.cmpi eq, %iota3A, %eq3A_1461 : vector<16xi32>
      %broadcast_in_dim3A_1463 = vector.broadcast %add3A_1458 : f32 to vector<16xf32>
      %get3A_1464 = arith.constant 0 : index
      %get3A_1465 = tpu.vector_load %arg15[%get3A_1464] {strides = array<i32>} : memref<16xf32, #tpu.memory_space<vmem>>, vector<16xf32>,
      %select_n3A_1466 = arith.select %eq3A_1462, %broadcast_in_dim3A_1463, %get3A_1465 : vector<16xi1>, vector<16xf32>
      %swap3A_1467 = arith.constant 0 : index
      %swap3A_1468 = tpu.vector_load %arg15[%swap3A_1467] {strides = array<i32>} : memref<16xf32, #tpu.memory_space<vmem>>, vector<16xf32>,
      tpu.vector_store %arg15[%swap3A_1467], %select_n3A_1466 {strides = array<i32>} : memref<16xf32, #tpu.memory_space<vmem>>, vector<16xf32>,
      %slice3A_1469 = vector.extract_strided_slice %get3A_1110 {offsets = [10], sizes = [1], strides = [1]} : vector<16xi32> to vector<1xi32>
      %squeeze3A_1470 = vector.extract %slice3A_1469[0] : i32 from vector<1xi32>
      %slice3A_1471 = vector.extract_strided_slice %get3A_1112 {offsets = [10], sizes = [1], strides = [1]} : vector<16xi32> to vector<1xi32>
      %squeeze3A_1472 = vector.extract %slice3A_1471[0] : i32 from vector<1xi32>
      %shift_right_logical3A_1473 = arith.constant 7 : i32
      %shift_right_logical3A_1474 = arith.shrui %squeeze3A_1470, %shift_right_logical3A_1473 : i32
      %mul3A_1475 = arith.constant 128 : i32
      %mul3A_1476 = arith.muli %shift_right_logical3A_1474, %mul3A_1475 : i32
      %multiple_of3A_1477 = tpu.assume_multiple %mul3A_1476, 128 : i32
      %shift_right_logical3A_1478 = arith.constant 7 : i32
      %shift_right_logical3A_1479 = arith.shrui %squeeze3A_1472, %shift_right_logical3A_1478 : i32
      %mul3A_1480 = arith.constant 128 : i32
      %mul3A_1481 = arith.muli %shift_right_logical3A_1479, %mul3A_1480 : i32
      %multiple_of3A_1482 = tpu.assume_multiple %mul3A_1481, 128 : i32
      %dma_start3A_1483 = arith.constant 2 : i32
      %dma_start3A_1484 = arith.constant 0 : i32
      %dma_start3A_1485 = arith.constant 0 : i32
      %dma_start3A_1486 = tpu.memref_slice %arg11[%dma_start3A_1483, %dma_start3A_1484, %dma_start3A_1485] : memref<8x32x128xf32, #tpu.memory_space<vmem>> -> memref<1x32x128xf32, #tpu.memory_space<vmem>>
      %dma_start3A_1487 = tpu.memref_squeeze %dma_start3A_1486 : memref<1x32x128xf32, #tpu.memory_space<vmem>> -> memref<32x128xf32, #tpu.memory_space<vmem>>
      %dma_start3A_1488 = arith.constant 0 : i32
      %dma_start3A_1489 = tpu.memref_slice %arg4[%dma_start3A_1488, %multiple_of3A_1477] : memref<32x1000000xf32, #tpu.memory_space<hbm>> -> memref<32x128xf32, #tpu.memory_space<hbm>>
      %dma_start3A_1490 = arith.constant 0 : i32
      %dma_start3A_1491 = arith.constant 0 : i32
      %dma_start3A_1492 = tpu.memref_slice %arg11[%dma_start3A_1483, %dma_start3A_1490, %dma_start3A_1491] : memref<8x32x128xf32, #tpu.memory_space<vmem>> -> memref<1x32x128xf32, #tpu.memory_space<vmem>>
      %dma_start3A_1493 = tpu.memref_squeeze %dma_start3A_1492 : memref<1x32x128xf32, #tpu.memory_space<vmem>> -> memref<32x128xf32, #tpu.memory_space<vmem>>
      %dma_start3A_1494 = arith.constant 0 : i32
      %dma_start3A_1495 = tpu.memref_slice %arg4[%dma_start3A_1494, %multiple_of3A_1477] : memref<32x1000000xf32, #tpu.memory_space<hbm>> -> memref<32x128xf32, #tpu.memory_space<hbm>>
      tpu.enqueue_dma source(%dma_start3A_1495 : memref<32x128xf32, #tpu.memory_space<hbm>>) target(%dma_start3A_1493 : memref<32x128xf32, #tpu.memory_space<vmem>>) target_semaphore(%arg20 : memref<!tpu.dma_semaphore, #tpu.memory_space<semaphore_mem>>)
      %dma_start3A_1496 = arith.constant 2 : i32
      %dma_start3A_1497 = arith.constant 0 : i32
      %dma_start3A_1498 = arith.constant 0 : i32
      %dma_start3A_1499 = tpu.memref_slice %arg12[%dma_start3A_1496, %dma_start3A_1497, %dma_start3A_1498] : memref<8x32x128xf32, #tpu.memory_space<vmem>> -> memref<1x32x128xf32, #tpu.memory_space<vmem>>
      %dma_start3A_1500 = tpu.memref_squeeze %dma_start3A_1499 : memref<1x32x128xf32, #tpu.memory_space<vmem>> -> memref<32x128xf32, #tpu.memory_space<vmem>>
      %dma_start3A_1501 = arith.constant 0 : i32
      %dma_start3A_1502 = tpu.memref_slice %arg5[%dma_start3A_1501, %multiple_of3A_1482] : memref<32x1000000xf32, #tpu.memory_space<hbm>> -> memref<32x128xf32, #tpu.memory_space<hbm>>
      %dma_start3A_1503 = arith.constant 0 : i32
      %dma_start3A_1504 = arith.constant 0 : i32
      %dma_start3A_1505 = tpu.memref_slice %arg12[%dma_start3A_1496, %dma_start3A_1503, %dma_start3A_1504] : memref<8x32x128xf32, #tpu.memory_space<vmem>> -> memref<1x32x128xf32, #tpu.memory_space<vmem>>
      %dma_start3A_1506 = tpu.memref_squeeze %dma_start3A_1505 : memref<1x32x128xf32, #tpu.memory_space<vmem>> -> memref<32x128xf32, #tpu.memory_space<vmem>>
      %dma_start3A_1507 = arith.constant 0 : i32
      %dma_start3A_1508 = tpu.memref_slice %arg5[%dma_start3A_1507, %multiple_of3A_1482] : memref<32x1000000xf32, #tpu.memory_space<hbm>> -> memref<32x128xf32, #tpu.memory_space<hbm>>
      tpu.enqueue_dma source(%dma_start3A_1508 : memref<32x128xf32, #tpu.memory_space<hbm>>) target(%dma_start3A_1506 : memref<32x128xf32, #tpu.memory_space<vmem>>) target_semaphore(%arg20 : memref<!tpu.dma_semaphore, #tpu.memory_space<semaphore_mem>>)
      %dma_start3A_1509 = arith.constant 2 : i32
      %dma_start3A_1510 = arith.constant 0 : i32
      %dma_start3A_1511 = tpu.memref_slice %arg13[%dma_start3A_1509, %dma_start3A_1510] : memref<8x128xf32, #tpu.memory_space<vmem>> -> memref<1x128xf32, #tpu.memory_space<vmem>>
      %dma_start3A_1512 = tpu.memref_squeeze %dma_start3A_1511 : memref<1x128xf32, #tpu.memory_space<vmem>> -> memref<128xf32, #tpu.memory_space<vmem>>
      %dma_start3A_1513 = tpu.memref_slice %arg6[%multiple_of3A_1477] : memref<1000000xf32, #tpu.memory_space<hbm>> -> memref<128xf32, #tpu.memory_space<hbm>>
      %dma_start3A_1514 = arith.constant 0 : i32
      %dma_start3A_1515 = tpu.memref_slice %arg13[%dma_start3A_1509, %dma_start3A_1514] : memref<8x128xf32, #tpu.memory_space<vmem>> -> memref<1x128xf32, #tpu.memory_space<vmem>>
      %dma_start3A_1516 = tpu.memref_squeeze %dma_start3A_1515 : memref<1x128xf32, #tpu.memory_space<vmem>> -> memref<128xf32, #tpu.memory_space<vmem>>
      %dma_start3A_1517 = tpu.memref_slice %arg6[%multiple_of3A_1477] : memref<1000000xf32, #tpu.memory_space<hbm>> -> memref<128xf32, #tpu.memory_space<hbm>>
      tpu.enqueue_dma source(%dma_start3A_1517 : memref<128xf32, #tpu.memory_space<hbm>>) target(%dma_start3A_1516 : memref<128xf32, #tpu.memory_space<vmem>>) target_semaphore(%arg20 : memref<!tpu.dma_semaphore, #tpu.memory_space<semaphore_mem>>)
      %dma_start3A_1518 = arith.constant 2 : i32
      %dma_start3A_1519 = arith.constant 0 : i32
      %dma_start3A_1520 = tpu.memref_slice %arg14[%dma_start3A_1518, %dma_start3A_1519] : memref<8x128xf32, #tpu.memory_space<vmem>> -> memref<1x128xf32, #tpu.memory_space<vmem>>
      %dma_start3A_1521 = tpu.memref_squeeze %dma_start3A_1520 : memref<1x128xf32, #tpu.memory_space<vmem>> -> memref<128xf32, #tpu.memory_space<vmem>>
      %dma_start3A_1522 = tpu.memref_slice %arg7[%multiple_of3A_1482] : memref<1000000xf32, #tpu.memory_space<hbm>> -> memref<128xf32, #tpu.memory_space<hbm>>
      %dma_start3A_1523 = arith.constant 0 : i32
      %dma_start3A_1524 = tpu.memref_slice %arg14[%dma_start3A_1518, %dma_start3A_1523] : memref<8x128xf32, #tpu.memory_space<vmem>> -> memref<1x128xf32, #tpu.memory_space<vmem>>
      %dma_start3A_1525 = tpu.memref_squeeze %dma_start3A_1524 : memref<1x128xf32, #tpu.memory_space<vmem>> -> memref<128xf32, #tpu.memory_space<vmem>>
      %dma_start3A_1526 = tpu.memref_slice %arg7[%multiple_of3A_1482] : memref<1000000xf32, #tpu.memory_space<hbm>> -> memref<128xf32, #tpu.memory_space<hbm>>
      tpu.enqueue_dma source(%dma_start3A_1526 : memref<128xf32, #tpu.memory_space<hbm>>) target(%dma_start3A_1525 : memref<128xf32, #tpu.memory_space<vmem>>) target_semaphore(%arg20 : memref<!tpu.dma_semaphore, #tpu.memory_space<semaphore_mem>>)
      %dma_wait3A_1527 = arith.constant 0 : i32
      %dma_wait3A_1528 = arith.constant 0 : i32
      %dma_wait3A_1529 = tpu.memref_slice %arg4[%dma_wait3A_1527, %dma_wait3A_1528] : memref<32x1000000xf32, #tpu.memory_space<hbm>> -> memref<1x8448xf32, #tpu.memory_space<hbm>>
      %dma_wait3A_1530 = tpu.memref_squeeze %dma_wait3A_1529 : memref<1x8448xf32, #tpu.memory_space<hbm>> -> memref<8448xf32, #tpu.memory_space<hbm>>
      %dma_wait3A_1531 = arith.constant 0 : i32
      %dma_wait3A_1532 = tpu.memref_slice %arg4[%dma_wait3A_1527, %dma_wait3A_1531] : memref<32x1000000xf32, #tpu.memory_space<hbm>> -> memref<1x8448xf32, #tpu.memory_space<hbm>>
      %dma_wait3A_1533 = tpu.memref_squeeze %dma_wait3A_1532 : memref<1x8448xf32, #tpu.memory_space<hbm>> -> memref<8448xf32, #tpu.memory_space<hbm>>
      tpu.wait_dma2 semaphore(%arg21 : memref<!tpu.dma_semaphore, #tpu.memory_space<semaphore_mem>>) src(%dma_wait3A_1533 : memref<8448xf32, #tpu.memory_space<hbm>>) dst(%arg17 : memref<8448xf32, #tpu.memory_space<vmem>>)
      %add3A_1534 = arith.constant 3 : i32
      %add3A_1535 = arith.addi %add3A_1108, %add3A_1534 : i32
      %slice3A_1536 = vector.extract_strided_slice %get3A_1110 {offsets = [3], sizes = [1], strides = [1]} : vector<16xi32> to vector<1xi32>
      %squeeze3A_1537 = vector.extract %slice3A_1536[0] : i32 from vector<1xi32>
      %slice3A_1538 = vector.extract_strided_slice %get3A_1112 {offsets = [3], sizes = [1], strides = [1]} : vector<16xi32> to vector<1xi32>
      %squeeze3A_1539 = vector.extract %slice3A_1538[0] : i32 from vector<1xi32>
      %and3A_1540 = arith.constant 127 : i32
      %and3A_1541 = arith.andi %squeeze3A_1537, %and3A_1540 : i32
      %broadcast_in_dim3A_1542 = vector.broadcast %and3A_1541 : i32 to vector<16xi32>
      %and3A_1543 = arith.constant 127 : i32
      %and3A_1544 = arith.andi %squeeze3A_1539, %and3A_1543 : i32
      %broadcast_in_dim3A_1545 = vector.broadcast %and3A_1544 : i32 to vector<16xi32>
      %gather3A_1546 = arith.constant 3 : i32
      %gather3A_1547 = arith.constant 0 : i32
      %gather3A_1548 = arith.constant 0 : i32
      %gather3A_1549 = tpu.memref_slice %arg11[%gather3A_1546, %gather3A_1547, %gather3A_1548] : memref<8x32x128xf32, #tpu.memory_space<vmem>> -> memref<1x32x128xf32, #tpu.memory_space<vmem>>
      %gather3A_1550 = tpu.memref_squeeze %gather3A_1549 : memref<1x32x128xf32, #tpu.memory_space<vmem>> -> memref<32x128xf32, #tpu.memory_space<vmem>>
      %gather3A_1551 = tpu.vector_load_idx %gather3A_1550[%iota3A, %broadcast_in_dim3A_1542] : memref<32x128xf32, #tpu.memory_space<vmem>>[vector<16xi32>, vector<16xi32>], vector<16xf32>,
      %gather3A_1552 = arith.constant 3 : i32
      %gather3A_1553 = arith.constant 0 : i32
      %gather3A_1554 = arith.constant 0 : i32
      %gather3A_1555 = tpu.memref_slice %arg11[%gather3A_1552, %gather3A_1553, %gather3A_1554] : memref<8x32x128xf32, #tpu.memory_space<vmem>> -> memref<1x32x128xf32, #tpu.memory_space<vmem>>
      %gather3A_1556 = tpu.memref_squeeze %gather3A_1555 : memref<1x32x128xf32, #tpu.memory_space<vmem>> -> memref<32x128xf32, #tpu.memory_space<vmem>>
      %gather3A_1557 = tpu.vector_load_idx %gather3A_1556[%add3A_5, %broadcast_in_dim3A_1542] : memref<32x128xf32, #tpu.memory_space<vmem>>[vector<16xi32>, vector<16xi32>], vector<16xf32>,
      %gather3A_1558 = arith.constant 3 : i32
      %gather3A_1559 = arith.constant 0 : i32
      %gather3A_1560 = arith.constant 0 : i32
      %gather3A_1561 = tpu.memref_slice %arg12[%gather3A_1558, %gather3A_1559, %gather3A_1560] : memref<8x32x128xf32, #tpu.memory_space<vmem>> -> memref<1x32x128xf32, #tpu.memory_space<vmem>>
      %gather3A_1562 = tpu.memref_squeeze %gather3A_1561 : memref<1x32x128xf32, #tpu.memory_space<vmem>> -> memref<32x128xf32, #tpu.memory_space<vmem>>
      %gather3A_1563 = tpu.vector_load_idx %gather3A_1562[%iota3A, %broadcast_in_dim3A_1545] : memref<32x128xf32, #tpu.memory_space<vmem>>[vector<16xi32>, vector<16xi32>], vector<16xf32>,
      %gather3A_1564 = arith.constant 3 : i32
      %gather3A_1565 = arith.constant 0 : i32
      %gather3A_1566 = arith.constant 0 : i32
      %gather3A_1567 = tpu.memref_slice %arg12[%gather3A_1564, %gather3A_1565, %gather3A_1566] : memref<8x32x128xf32, #tpu.memory_space<vmem>> -> memref<1x32x128xf32, #tpu.memory_space<vmem>>
      %gather3A_1568 = tpu.memref_squeeze %gather3A_1567 : memref<1x32x128xf32, #tpu.memory_space<vmem>> -> memref<32x128xf32, #tpu.memory_space<vmem>>
      %gather3A_1569 = tpu.vector_load_idx %gather3A_1568[%add3A_5, %broadcast_in_dim3A_1545] : memref<32x128xf32, #tpu.memory_space<vmem>>[vector<16xi32>, vector<16xi32>], vector<16xf32>,
      %mul3A_1570 = arith.mulf %gather3A_1551, %gather3A_1563 : vector<16xf32>
      %mul3A_1571 = arith.mulf %gather3A_1557, %gather3A_1569 : vector<16xf32>
      %add3A_1572 = arith.addf %mul3A_1570, %mul3A_1571 : vector<16xf32>
      %reduce_sum3A_1573 = arith.constant true
      %reduce_sum3A_1574 = vector.broadcast %reduce_sum3A_1573 : i1 to vector<16xi1>
      %reduce_sum3A_1575 = tpu.scan <sum>, %add3A_1572 masked %reduce_sum3A_1574 : vector<16xf32>, vector<16xi1> -> vector<16xf32>
      %reduce_sum3A_1576 = vector.extract %reduce_sum3A_1575[15] : f32 from vector<16xf32>
      %mul3A_1577 = arith.constant 0 : i32
      %mul3A_1578 = vector.broadcast %mul3A_1577 : i32 to vector<16xi32>
      %mul3A_1579 = arith.muli %iota3A, %mul3A_1578 : vector<16xi32>
      %add3A_1580 = arith.constant 3 : i32
      %add3A_1581 = vector.broadcast %add3A_1580 : i32 to vector<16xi32>
      %add3A_1582 = arith.addi %mul3A_1579, %add3A_1581 : vector<16xi32>
      %gather3A_1583 = tpu.vector_load_idx %arg13[%add3A_1582, %broadcast_in_dim3A_1542] : memref<8x128xf32, #tpu.memory_space<vmem>>[vector<16xi32>, vector<16xi32>], vector<16xf32>,
      %mul3A_1584 = arith.constant 0 : i32
      %mul3A_1585 = vector.broadcast %mul3A_1584 : i32 to vector<16xi32>
      %mul3A_1586 = arith.muli %iota3A, %mul3A_1585 : vector<16xi32>
      %add3A_1587 = arith.constant 3 : i32
      %add3A_1588 = vector.broadcast %add3A_1587 : i32 to vector<16xi32>
      %add3A_1589 = arith.addi %mul3A_1586, %add3A_1588 : vector<16xi32>
      %gather3A_1590 = tpu.vector_load_idx %arg14[%add3A_1589, %broadcast_in_dim3A_1545] : memref<8x128xf32, #tpu.memory_space<vmem>>[vector<16xi32>, vector<16xi32>], vector<16xf32>,
      %slice3A_1591 = vector.extract_strided_slice %gather3A_1583 {offsets = [0], sizes = [1], strides = [1]} : vector<16xf32> to vector<1xf32>
      %squeeze3A_1592 = vector.extract %slice3A_1591[0] : f32 from vector<1xf32>
      %add3A_1593 = arith.addf %reduce_sum3A_1576, %squeeze3A_1592 : f32
      %slice3A_1594 = vector.extract_strided_slice %gather3A_1590 {offsets = [0], sizes = [1], strides = [1]} : vector<16xf32> to vector<1xf32>
      %squeeze3A_1595 = vector.extract %slice3A_1594[0] : f32 from vector<1xf32>
      %add3A_1596 = arith.addf %add3A_1593, %squeeze3A_1595 : f32
      %and3A_1597 = arith.constant 15 : i32
      %and3A_1598 = arith.andi %add3A_1535, %and3A_1597 : i32
      %eq3A_1599 = vector.broadcast %and3A_1598 : i32 to vector<16xi32>
      %eq3A_1600 = arith.cmpi eq, %iota3A, %eq3A_1599 : vector<16xi32>
      %broadcast_in_dim3A_1601 = vector.broadcast %add3A_1596 : f32 to vector<16xf32>
      %get3A_1602 = arith.constant 0 : index
      %get3A_1603 = tpu.vector_load %arg15[%get3A_1602] {strides = array<i32>} : memref<16xf32, #tpu.memory_space<vmem>>, vector<16xf32>,
      %select_n3A_1604 = arith.select %eq3A_1600, %broadcast_in_dim3A_1601, %get3A_1603 : vector<16xi1>, vector<16xf32>
      %swap3A_1605 = arith.constant 0 : index
      %swap3A_1606 = tpu.vector_load %arg15[%swap3A_1605] {strides = array<i32>} : memref<16xf32, #tpu.memory_space<vmem>>, vector<16xf32>,
      tpu.vector_store %arg15[%swap3A_1605], %select_n3A_1604 {strides = array<i32>} : memref<16xf32, #tpu.memory_space<vmem>>, vector<16xf32>,
      %slice3A_1607 = vector.extract_strided_slice %get3A_1110 {offsets = [11], sizes = [1], strides = [1]} : vector<16xi32> to vector<1xi32>
      %squeeze3A_1608 = vector.extract %slice3A_1607[0] : i32 from vector<1xi32>
      %slice3A_1609 = vector.extract_strided_slice %get3A_1112 {offsets = [11], sizes = [1], strides = [1]} : vector<16xi32> to vector<1xi32>
      %squeeze3A_1610 = vector.extract %slice3A_1609[0] : i32 from vector<1xi32>
      %shift_right_logical3A_1611 = arith.constant 7 : i32
      %shift_right_logical3A_1612 = arith.shrui %squeeze3A_1608, %shift_right_logical3A_1611 : i32
      %mul3A_1613 = arith.constant 128 : i32
      %mul3A_1614 = arith.muli %shift_right_logical3A_1612, %mul3A_1613 : i32
      %multiple_of3A_1615 = tpu.assume_multiple %mul3A_1614, 128 : i32
      %shift_right_logical3A_1616 = arith.constant 7 : i32
      %shift_right_logical3A_1617 = arith.shrui %squeeze3A_1610, %shift_right_logical3A_1616 : i32
      %mul3A_1618 = arith.constant 128 : i32
      %mul3A_1619 = arith.muli %shift_right_logical3A_1617, %mul3A_1618 : i32
      %multiple_of3A_1620 = tpu.assume_multiple %mul3A_1619, 128 : i32
      %dma_start3A_1621 = arith.constant 3 : i32
      %dma_start3A_1622 = arith.constant 0 : i32
      %dma_start3A_1623 = arith.constant 0 : i32
      %dma_start3A_1624 = tpu.memref_slice %arg11[%dma_start3A_1621, %dma_start3A_1622, %dma_start3A_1623] : memref<8x32x128xf32, #tpu.memory_space<vmem>> -> memref<1x32x128xf32, #tpu.memory_space<vmem>>
      %dma_start3A_1625 = tpu.memref_squeeze %dma_start3A_1624 : memref<1x32x128xf32, #tpu.memory_space<vmem>> -> memref<32x128xf32, #tpu.memory_space<vmem>>
      %dma_start3A_1626 = arith.constant 0 : i32
      %dma_start3A_1627 = tpu.memref_slice %arg4[%dma_start3A_1626, %multiple_of3A_1615] : memref<32x1000000xf32, #tpu.memory_space<hbm>> -> memref<32x128xf32, #tpu.memory_space<hbm>>
      %dma_start3A_1628 = arith.constant 0 : i32
      %dma_start3A_1629 = arith.constant 0 : i32
      %dma_start3A_1630 = tpu.memref_slice %arg11[%dma_start3A_1621, %dma_start3A_1628, %dma_start3A_1629] : memref<8x32x128xf32, #tpu.memory_space<vmem>> -> memref<1x32x128xf32, #tpu.memory_space<vmem>>
      %dma_start3A_1631 = tpu.memref_squeeze %dma_start3A_1630 : memref<1x32x128xf32, #tpu.memory_space<vmem>> -> memref<32x128xf32, #tpu.memory_space<vmem>>
      %dma_start3A_1632 = arith.constant 0 : i32
      %dma_start3A_1633 = tpu.memref_slice %arg4[%dma_start3A_1632, %multiple_of3A_1615] : memref<32x1000000xf32, #tpu.memory_space<hbm>> -> memref<32x128xf32, #tpu.memory_space<hbm>>
      tpu.enqueue_dma source(%dma_start3A_1633 : memref<32x128xf32, #tpu.memory_space<hbm>>) target(%dma_start3A_1631 : memref<32x128xf32, #tpu.memory_space<vmem>>) target_semaphore(%arg21 : memref<!tpu.dma_semaphore, #tpu.memory_space<semaphore_mem>>)
      %dma_start3A_1634 = arith.constant 3 : i32
      %dma_start3A_1635 = arith.constant 0 : i32
      %dma_start3A_1636 = arith.constant 0 : i32
      %dma_start3A_1637 = tpu.memref_slice %arg12[%dma_start3A_1634, %dma_start3A_1635, %dma_start3A_1636] : memref<8x32x128xf32, #tpu.memory_space<vmem>> -> memref<1x32x128xf32, #tpu.memory_space<vmem>>
      %dma_start3A_1638 = tpu.memref_squeeze %dma_start3A_1637 : memref<1x32x128xf32, #tpu.memory_space<vmem>> -> memref<32x128xf32, #tpu.memory_space<vmem>>
      %dma_start3A_1639 = arith.constant 0 : i32
      %dma_start3A_1640 = tpu.memref_slice %arg5[%dma_start3A_1639, %multiple_of3A_1620] : memref<32x1000000xf32, #tpu.memory_space<hbm>> -> memref<32x128xf32, #tpu.memory_space<hbm>>
      %dma_start3A_1641 = arith.constant 0 : i32
      %dma_start3A_1642 = arith.constant 0 : i32
      %dma_start3A_1643 = tpu.memref_slice %arg12[%dma_start3A_1634, %dma_start3A_1641, %dma_start3A_1642] : memref<8x32x128xf32, #tpu.memory_space<vmem>> -> memref<1x32x128xf32, #tpu.memory_space<vmem>>
      %dma_start3A_1644 = tpu.memref_squeeze %dma_start3A_1643 : memref<1x32x128xf32, #tpu.memory_space<vmem>> -> memref<32x128xf32, #tpu.memory_space<vmem>>
      %dma_start3A_1645 = arith.constant 0 : i32
      %dma_start3A_1646 = tpu.memref_slice %arg5[%dma_start3A_1645, %multiple_of3A_1620] : memref<32x1000000xf32, #tpu.memory_space<hbm>> -> memref<32x128xf32, #tpu.memory_space<hbm>>
      tpu.enqueue_dma source(%dma_start3A_1646 : memref<32x128xf32, #tpu.memory_space<hbm>>) target(%dma_start3A_1644 : memref<32x128xf32, #tpu.memory_space<vmem>>) target_semaphore(%arg21 : memref<!tpu.dma_semaphore, #tpu.memory_space<semaphore_mem>>)
      %dma_start3A_1647 = arith.constant 3 : i32
      %dma_start3A_1648 = arith.constant 0 : i32
      %dma_start3A_1649 = tpu.memref_slice %arg13[%dma_start3A_1647, %dma_start3A_1648] : memref<8x128xf32, #tpu.memory_space<vmem>> -> memref<1x128xf32, #tpu.memory_space<vmem>>
      %dma_start3A_1650 = tpu.memref_squeeze %dma_start3A_1649 : memref<1x128xf32, #tpu.memory_space<vmem>> -> memref<128xf32, #tpu.memory_space<vmem>>
      %dma_start3A_1651 = tpu.memref_slice %arg6[%multiple_of3A_1615] : memref<1000000xf32, #tpu.memory_space<hbm>> -> memref<128xf32, #tpu.memory_space<hbm>>
      %dma_start3A_1652 = arith.constant 0 : i32
      %dma_start3A_1653 = tpu.memref_slice %arg13[%dma_start3A_1647, %dma_start3A_1652] : memref<8x128xf32, #tpu.memory_space<vmem>> -> memref<1x128xf32, #tpu.memory_space<vmem>>
      %dma_start3A_1654 = tpu.memref_squeeze %dma_start3A_1653 : memref<1x128xf32, #tpu.memory_space<vmem>> -> memref<128xf32, #tpu.memory_space<vmem>>
      %dma_start3A_1655 = tpu.memref_slice %arg6[%multiple_of3A_1615] : memref<1000000xf32, #tpu.memory_space<hbm>> -> memref<128xf32, #tpu.memory_space<hbm>>
      tpu.enqueue_dma source(%dma_start3A_1655 : memref<128xf32, #tpu.memory_space<hbm>>) target(%dma_start3A_1654 : memref<128xf32, #tpu.memory_space<vmem>>) target_semaphore(%arg21 : memref<!tpu.dma_semaphore, #tpu.memory_space<semaphore_mem>>)
      %dma_start3A_1656 = arith.constant 3 : i32
      %dma_start3A_1657 = arith.constant 0 : i32
      %dma_start3A_1658 = tpu.memref_slice %arg14[%dma_start3A_1656, %dma_start3A_1657] : memref<8x128xf32, #tpu.memory_space<vmem>> -> memref<1x128xf32, #tpu.memory_space<vmem>>
      %dma_start3A_1659 = tpu.memref_squeeze %dma_start3A_1658 : memref<1x128xf32, #tpu.memory_space<vmem>> -> memref<128xf32, #tpu.memory_space<vmem>>
      %dma_start3A_1660 = tpu.memref_slice %arg7[%multiple_of3A_1620] : memref<1000000xf32, #tpu.memory_space<hbm>> -> memref<128xf32, #tpu.memory_space<hbm>>
      %dma_start3A_1661 = arith.constant 0 : i32
      %dma_start3A_1662 = tpu.memref_slice %arg14[%dma_start3A_1656, %dma_start3A_1661] : memref<8x128xf32, #tpu.memory_space<vmem>> -> memref<1x128xf32, #tpu.memory_space<vmem>>
      %dma_start3A_1663 = tpu.memref_squeeze %dma_start3A_1662 : memref<1x128xf32, #tpu.memory_space<vmem>> -> memref<128xf32, #tpu.memory_space<vmem>>
      %dma_start3A_1664 = tpu.memref_slice %arg7[%multiple_of3A_1620] : memref<1000000xf32, #tpu.memory_space<hbm>> -> memref<128xf32, #tpu.memory_space<hbm>>
      tpu.enqueue_dma source(%dma_start3A_1664 : memref<128xf32, #tpu.memory_space<hbm>>) target(%dma_start3A_1663 : memref<128xf32, #tpu.memory_space<vmem>>) target_semaphore(%arg21 : memref<!tpu.dma_semaphore, #tpu.memory_space<semaphore_mem>>)
      %dma_wait3A_1665 = arith.constant 0 : i32
      %dma_wait3A_1666 = arith.constant 0 : i32
      %dma_wait3A_1667 = tpu.memref_slice %arg4[%dma_wait3A_1665, %dma_wait3A_1666] : memref<32x1000000xf32, #tpu.memory_space<hbm>> -> memref<1x8448xf32, #tpu.memory_space<hbm>>
      %dma_wait3A_1668 = tpu.memref_squeeze %dma_wait3A_1667 : memref<1x8448xf32, #tpu.memory_space<hbm>> -> memref<8448xf32, #tpu.memory_space<hbm>>
      %dma_wait3A_1669 = arith.constant 0 : i32
      %dma_wait3A_1670 = tpu.memref_slice %arg4[%dma_wait3A_1665, %dma_wait3A_1669] : memref<32x1000000xf32, #tpu.memory_space<hbm>> -> memref<1x8448xf32, #tpu.memory_space<hbm>>
      %dma_wait3A_1671 = tpu.memref_squeeze %dma_wait3A_1670 : memref<1x8448xf32, #tpu.memory_space<hbm>> -> memref<8448xf32, #tpu.memory_space<hbm>>
      tpu.wait_dma2 semaphore(%arg22 : memref<!tpu.dma_semaphore, #tpu.memory_space<semaphore_mem>>) src(%dma_wait3A_1671 : memref<8448xf32, #tpu.memory_space<hbm>>) dst(%arg17 : memref<8448xf32, #tpu.memory_space<vmem>>)
      %add3A_1672 = arith.constant 4 : i32
      %add3A_1673 = arith.addi %add3A_1108, %add3A_1672 : i32
      %slice3A_1674 = vector.extract_strided_slice %get3A_1110 {offsets = [4], sizes = [1], strides = [1]} : vector<16xi32> to vector<1xi32>
      %squeeze3A_1675 = vector.extract %slice3A_1674[0] : i32 from vector<1xi32>
      %slice3A_1676 = vector.extract_strided_slice %get3A_1112 {offsets = [4], sizes = [1], strides = [1]} : vector<16xi32> to vector<1xi32>
      %squeeze3A_1677 = vector.extract %slice3A_1676[0] : i32 from vector<1xi32>
      %and3A_1678 = arith.constant 127 : i32
      %and3A_1679 = arith.andi %squeeze3A_1675, %and3A_1678 : i32
      %broadcast_in_dim3A_1680 = vector.broadcast %and3A_1679 : i32 to vector<16xi32>
      %and3A_1681 = arith.constant 127 : i32
      %and3A_1682 = arith.andi %squeeze3A_1677, %and3A_1681 : i32
      %broadcast_in_dim3A_1683 = vector.broadcast %and3A_1682 : i32 to vector<16xi32>
      %gather3A_1684 = arith.constant 4 : i32
      %gather3A_1685 = arith.constant 0 : i32
      %gather3A_1686 = arith.constant 0 : i32
      %gather3A_1687 = tpu.memref_slice %arg11[%gather3A_1684, %gather3A_1685, %gather3A_1686] : memref<8x32x128xf32, #tpu.memory_space<vmem>> -> memref<1x32x128xf32, #tpu.memory_space<vmem>>
      %gather3A_1688 = tpu.memref_squeeze %gather3A_1687 : memref<1x32x128xf32, #tpu.memory_space<vmem>> -> memref<32x128xf32, #tpu.memory_space<vmem>>
      %gather3A_1689 = tpu.vector_load_idx %gather3A_1688[%iota3A, %broadcast_in_dim3A_1680] : memref<32x128xf32, #tpu.memory_space<vmem>>[vector<16xi32>, vector<16xi32>], vector<16xf32>,
      %gather3A_1690 = arith.constant 4 : i32
      %gather3A_1691 = arith.constant 0 : i32
      %gather3A_1692 = arith.constant 0 : i32
      %gather3A_1693 = tpu.memref_slice %arg11[%gather3A_1690, %gather3A_1691, %gather3A_1692] : memref<8x32x128xf32, #tpu.memory_space<vmem>> -> memref<1x32x128xf32, #tpu.memory_space<vmem>>
      %gather3A_1694 = tpu.memref_squeeze %gather3A_1693 : memref<1x32x128xf32, #tpu.memory_space<vmem>> -> memref<32x128xf32, #tpu.memory_space<vmem>>
      %gather3A_1695 = tpu.vector_load_idx %gather3A_1694[%add3A_5, %broadcast_in_dim3A_1680] : memref<32x128xf32, #tpu.memory_space<vmem>>[vector<16xi32>, vector<16xi32>], vector<16xf32>,
      %gather3A_1696 = arith.constant 4 : i32
      %gather3A_1697 = arith.constant 0 : i32
      %gather3A_1698 = arith.constant 0 : i32
      %gather3A_1699 = tpu.memref_slice %arg12[%gather3A_1696, %gather3A_1697, %gather3A_1698] : memref<8x32x128xf32, #tpu.memory_space<vmem>> -> memref<1x32x128xf32, #tpu.memory_space<vmem>>
      %gather3A_1700 = tpu.memref_squeeze %gather3A_1699 : memref<1x32x128xf32, #tpu.memory_space<vmem>> -> memref<32x128xf32, #tpu.memory_space<vmem>>
      %gather3A_1701 = tpu.vector_load_idx %gather3A_1700[%iota3A, %broadcast_in_dim3A_1683] : memref<32x128xf32, #tpu.memory_space<vmem>>[vector<16xi32>, vector<16xi32>], vector<16xf32>,
      %gather3A_1702 = arith.constant 4 : i32
      %gather3A_1703 = arith.constant 0 : i32
      %gather3A_1704 = arith.constant 0 : i32
      %gather3A_1705 = tpu.memref_slice %arg12[%gather3A_1702, %gather3A_1703, %gather3A_1704] : memref<8x32x128xf32, #tpu.memory_space<vmem>> -> memref<1x32x128xf32, #tpu.memory_space<vmem>>
      %gather3A_1706 = tpu.memref_squeeze %gather3A_1705 : memref<1x32x128xf32, #tpu.memory_space<vmem>> -> memref<32x128xf32, #tpu.memory_space<vmem>>
      %gather3A_1707 = tpu.vector_load_idx %gather3A_1706[%add3A_5, %broadcast_in_dim3A_1683] : memref<32x128xf32, #tpu.memory_space<vmem>>[vector<16xi32>, vector<16xi32>], vector<16xf32>,
      %mul3A_1708 = arith.mulf %gather3A_1689, %gather3A_1701 : vector<16xf32>
      %mul3A_1709 = arith.mulf %gather3A_1695, %gather3A_1707 : vector<16xf32>
      %add3A_1710 = arith.addf %mul3A_1708, %mul3A_1709 : vector<16xf32>
      %reduce_sum3A_1711 = arith.constant true
      %reduce_sum3A_1712 = vector.broadcast %reduce_sum3A_1711 : i1 to vector<16xi1>
      %reduce_sum3A_1713 = tpu.scan <sum>, %add3A_1710 masked %reduce_sum3A_1712 : vector<16xf32>, vector<16xi1> -> vector<16xf32>
      %reduce_sum3A_1714 = vector.extract %reduce_sum3A_1713[15] : f32 from vector<16xf32>
      %mul3A_1715 = arith.constant 0 : i32
      %mul3A_1716 = vector.broadcast %mul3A_1715 : i32 to vector<16xi32>
      %mul3A_1717 = arith.muli %iota3A, %mul3A_1716 : vector<16xi32>
      %add3A_1718 = arith.constant 4 : i32
      %add3A_1719 = vector.broadcast %add3A_1718 : i32 to vector<16xi32>
      %add3A_1720 = arith.addi %mul3A_1717, %add3A_1719 : vector<16xi32>
      %gather3A_1721 = tpu.vector_load_idx %arg13[%add3A_1720, %broadcast_in_dim3A_1680] : memref<8x128xf32, #tpu.memory_space<vmem>>[vector<16xi32>, vector<16xi32>], vector<16xf32>,
      %mul3A_1722 = arith.constant 0 : i32
      %mul3A_1723 = vector.broadcast %mul3A_1722 : i32 to vector<16xi32>
      %mul3A_1724 = arith.muli %iota3A, %mul3A_1723 : vector<16xi32>
      %add3A_1725 = arith.constant 4 : i32
      %add3A_1726 = vector.broadcast %add3A_1725 : i32 to vector<16xi32>
      %add3A_1727 = arith.addi %mul3A_1724, %add3A_1726 : vector<16xi32>
      %gather3A_1728 = tpu.vector_load_idx %arg14[%add3A_1727, %broadcast_in_dim3A_1683] : memref<8x128xf32, #tpu.memory_space<vmem>>[vector<16xi32>, vector<16xi32>], vector<16xf32>,
      %slice3A_1729 = vector.extract_strided_slice %gather3A_1721 {offsets = [0], sizes = [1], strides = [1]} : vector<16xf32> to vector<1xf32>
      %squeeze3A_1730 = vector.extract %slice3A_1729[0] : f32 from vector<1xf32>
      %add3A_1731 = arith.addf %reduce_sum3A_1714, %squeeze3A_1730 : f32
      %slice3A_1732 = vector.extract_strided_slice %gather3A_1728 {offsets = [0], sizes = [1], strides = [1]} : vector<16xf32> to vector<1xf32>
      %squeeze3A_1733 = vector.extract %slice3A_1732[0] : f32 from vector<1xf32>
      %add3A_1734 = arith.addf %add3A_1731, %squeeze3A_1733 : f32
      %and3A_1735 = arith.constant 15 : i32
      %and3A_1736 = arith.andi %add3A_1673, %and3A_1735 : i32
      %eq3A_1737 = vector.broadcast %and3A_1736 : i32 to vector<16xi32>
      %eq3A_1738 = arith.cmpi eq, %iota3A, %eq3A_1737 : vector<16xi32>
      %broadcast_in_dim3A_1739 = vector.broadcast %add3A_1734 : f32 to vector<16xf32>
      %get3A_1740 = arith.constant 0 : index
      %get3A_1741 = tpu.vector_load %arg15[%get3A_1740] {strides = array<i32>} : memref<16xf32, #tpu.memory_space<vmem>>, vector<16xf32>,
      %select_n3A_1742 = arith.select %eq3A_1738, %broadcast_in_dim3A_1739, %get3A_1741 : vector<16xi1>, vector<16xf32>
      %swap3A_1743 = arith.constant 0 : index
      %swap3A_1744 = tpu.vector_load %arg15[%swap3A_1743] {strides = array<i32>} : memref<16xf32, #tpu.memory_space<vmem>>, vector<16xf32>,
      tpu.vector_store %arg15[%swap3A_1743], %select_n3A_1742 {strides = array<i32>} : memref<16xf32, #tpu.memory_space<vmem>>, vector<16xf32>,
      %slice3A_1745 = vector.extract_strided_slice %get3A_1110 {offsets = [12], sizes = [1], strides = [1]} : vector<16xi32> to vector<1xi32>
      %squeeze3A_1746 = vector.extract %slice3A_1745[0] : i32 from vector<1xi32>
      %slice3A_1747 = vector.extract_strided_slice %get3A_1112 {offsets = [12], sizes = [1], strides = [1]} : vector<16xi32> to vector<1xi32>
      %squeeze3A_1748 = vector.extract %slice3A_1747[0] : i32 from vector<1xi32>
      %shift_right_logical3A_1749 = arith.constant 7 : i32
      %shift_right_logical3A_1750 = arith.shrui %squeeze3A_1746, %shift_right_logical3A_1749 : i32
      %mul3A_1751 = arith.constant 128 : i32
      %mul3A_1752 = arith.muli %shift_right_logical3A_1750, %mul3A_1751 : i32
      %multiple_of3A_1753 = tpu.assume_multiple %mul3A_1752, 128 : i32
      %shift_right_logical3A_1754 = arith.constant 7 : i32
      %shift_right_logical3A_1755 = arith.shrui %squeeze3A_1748, %shift_right_logical3A_1754 : i32
      %mul3A_1756 = arith.constant 128 : i32
      %mul3A_1757 = arith.muli %shift_right_logical3A_1755, %mul3A_1756 : i32
      %multiple_of3A_1758 = tpu.assume_multiple %mul3A_1757, 128 : i32
      %dma_start3A_1759 = arith.constant 4 : i32
      %dma_start3A_1760 = arith.constant 0 : i32
      %dma_start3A_1761 = arith.constant 0 : i32
      %dma_start3A_1762 = tpu.memref_slice %arg11[%dma_start3A_1759, %dma_start3A_1760, %dma_start3A_1761] : memref<8x32x128xf32, #tpu.memory_space<vmem>> -> memref<1x32x128xf32, #tpu.memory_space<vmem>>
      %dma_start3A_1763 = tpu.memref_squeeze %dma_start3A_1762 : memref<1x32x128xf32, #tpu.memory_space<vmem>> -> memref<32x128xf32, #tpu.memory_space<vmem>>
      %dma_start3A_1764 = arith.constant 0 : i32
      %dma_start3A_1765 = tpu.memref_slice %arg4[%dma_start3A_1764, %multiple_of3A_1753] : memref<32x1000000xf32, #tpu.memory_space<hbm>> -> memref<32x128xf32, #tpu.memory_space<hbm>>
      %dma_start3A_1766 = arith.constant 0 : i32
      %dma_start3A_1767 = arith.constant 0 : i32
      %dma_start3A_1768 = tpu.memref_slice %arg11[%dma_start3A_1759, %dma_start3A_1766, %dma_start3A_1767] : memref<8x32x128xf32, #tpu.memory_space<vmem>> -> memref<1x32x128xf32, #tpu.memory_space<vmem>>
      %dma_start3A_1769 = tpu.memref_squeeze %dma_start3A_1768 : memref<1x32x128xf32, #tpu.memory_space<vmem>> -> memref<32x128xf32, #tpu.memory_space<vmem>>
      %dma_start3A_1770 = arith.constant 0 : i32
      %dma_start3A_1771 = tpu.memref_slice %arg4[%dma_start3A_1770, %multiple_of3A_1753] : memref<32x1000000xf32, #tpu.memory_space<hbm>> -> memref<32x128xf32, #tpu.memory_space<hbm>>
      tpu.enqueue_dma source(%dma_start3A_1771 : memref<32x128xf32, #tpu.memory_space<hbm>>) target(%dma_start3A_1769 : memref<32x128xf32, #tpu.memory_space<vmem>>) target_semaphore(%arg22 : memref<!tpu.dma_semaphore, #tpu.memory_space<semaphore_mem>>)
      %dma_start3A_1772 = arith.constant 4 : i32
      %dma_start3A_1773 = arith.constant 0 : i32
      %dma_start3A_1774 = arith.constant 0 : i32
      %dma_start3A_1775 = tpu.memref_slice %arg12[%dma_start3A_1772, %dma_start3A_1773, %dma_start3A_1774] : memref<8x32x128xf32, #tpu.memory_space<vmem>> -> memref<1x32x128xf32, #tpu.memory_space<vmem>>
      %dma_start3A_1776 = tpu.memref_squeeze %dma_start3A_1775 : memref<1x32x128xf32, #tpu.memory_space<vmem>> -> memref<32x128xf32, #tpu.memory_space<vmem>>
      %dma_start3A_1777 = arith.constant 0 : i32
      %dma_start3A_1778 = tpu.memref_slice %arg5[%dma_start3A_1777, %multiple_of3A_1758] : memref<32x1000000xf32, #tpu.memory_space<hbm>> -> memref<32x128xf32, #tpu.memory_space<hbm>>
      %dma_start3A_1779 = arith.constant 0 : i32
      %dma_start3A_1780 = arith.constant 0 : i32
      %dma_start3A_1781 = tpu.memref_slice %arg12[%dma_start3A_1772, %dma_start3A_1779, %dma_start3A_1780] : memref<8x32x128xf32, #tpu.memory_space<vmem>> -> memref<1x32x128xf32, #tpu.memory_space<vmem>>
      %dma_start3A_1782 = tpu.memref_squeeze %dma_start3A_1781 : memref<1x32x128xf32, #tpu.memory_space<vmem>> -> memref<32x128xf32, #tpu.memory_space<vmem>>
      %dma_start3A_1783 = arith.constant 0 : i32
      %dma_start3A_1784 = tpu.memref_slice %arg5[%dma_start3A_1783, %multiple_of3A_1758] : memref<32x1000000xf32, #tpu.memory_space<hbm>> -> memref<32x128xf32, #tpu.memory_space<hbm>>
      tpu.enqueue_dma source(%dma_start3A_1784 : memref<32x128xf32, #tpu.memory_space<hbm>>) target(%dma_start3A_1782 : memref<32x128xf32, #tpu.memory_space<vmem>>) target_semaphore(%arg22 : memref<!tpu.dma_semaphore, #tpu.memory_space<semaphore_mem>>)
      %dma_start3A_1785 = arith.constant 4 : i32
      %dma_start3A_1786 = arith.constant 0 : i32
      %dma_start3A_1787 = tpu.memref_slice %arg13[%dma_start3A_1785, %dma_start3A_1786] : memref<8x128xf32, #tpu.memory_space<vmem>> -> memref<1x128xf32, #tpu.memory_space<vmem>>
      %dma_start3A_1788 = tpu.memref_squeeze %dma_start3A_1787 : memref<1x128xf32, #tpu.memory_space<vmem>> -> memref<128xf32, #tpu.memory_space<vmem>>
      %dma_start3A_1789 = tpu.memref_slice %arg6[%multiple_of3A_1753] : memref<1000000xf32, #tpu.memory_space<hbm>> -> memref<128xf32, #tpu.memory_space<hbm>>
      %dma_start3A_1790 = arith.constant 0 : i32
      %dma_start3A_1791 = tpu.memref_slice %arg13[%dma_start3A_1785, %dma_start3A_1790] : memref<8x128xf32, #tpu.memory_space<vmem>> -> memref<1x128xf32, #tpu.memory_space<vmem>>
      %dma_start3A_1792 = tpu.memref_squeeze %dma_start3A_1791 : memref<1x128xf32, #tpu.memory_space<vmem>> -> memref<128xf32, #tpu.memory_space<vmem>>
      %dma_start3A_1793 = tpu.memref_slice %arg6[%multiple_of3A_1753] : memref<1000000xf32, #tpu.memory_space<hbm>> -> memref<128xf32, #tpu.memory_space<hbm>>
      tpu.enqueue_dma source(%dma_start3A_1793 : memref<128xf32, #tpu.memory_space<hbm>>) target(%dma_start3A_1792 : memref<128xf32, #tpu.memory_space<vmem>>) target_semaphore(%arg22 : memref<!tpu.dma_semaphore, #tpu.memory_space<semaphore_mem>>)
      %dma_start3A_1794 = arith.constant 4 : i32
      %dma_start3A_1795 = arith.constant 0 : i32
      %dma_start3A_1796 = tpu.memref_slice %arg14[%dma_start3A_1794, %dma_start3A_1795] : memref<8x128xf32, #tpu.memory_space<vmem>> -> memref<1x128xf32, #tpu.memory_space<vmem>>
      %dma_start3A_1797 = tpu.memref_squeeze %dma_start3A_1796 : memref<1x128xf32, #tpu.memory_space<vmem>> -> memref<128xf32, #tpu.memory_space<vmem>>
      %dma_start3A_1798 = tpu.memref_slice %arg7[%multiple_of3A_1758] : memref<1000000xf32, #tpu.memory_space<hbm>> -> memref<128xf32, #tpu.memory_space<hbm>>
      %dma_start3A_1799 = arith.constant 0 : i32
      %dma_start3A_1800 = tpu.memref_slice %arg14[%dma_start3A_1794, %dma_start3A_1799] : memref<8x128xf32, #tpu.memory_space<vmem>> -> memref<1x128xf32, #tpu.memory_space<vmem>>
      %dma_start3A_1801 = tpu.memref_squeeze %dma_start3A_1800 : memref<1x128xf32, #tpu.memory_space<vmem>> -> memref<128xf32, #tpu.memory_space<vmem>>
      %dma_start3A_1802 = tpu.memref_slice %arg7[%multiple_of3A_1758] : memref<1000000xf32, #tpu.memory_space<hbm>> -> memref<128xf32, #tpu.memory_space<hbm>>
      tpu.enqueue_dma source(%dma_start3A_1802 : memref<128xf32, #tpu.memory_space<hbm>>) target(%dma_start3A_1801 : memref<128xf32, #tpu.memory_space<vmem>>) target_semaphore(%arg22 : memref<!tpu.dma_semaphore, #tpu.memory_space<semaphore_mem>>)
      %dma_wait3A_1803 = arith.constant 0 : i32
      %dma_wait3A_1804 = arith.constant 0 : i32
      %dma_wait3A_1805 = tpu.memref_slice %arg4[%dma_wait3A_1803, %dma_wait3A_1804] : memref<32x1000000xf32, #tpu.memory_space<hbm>> -> memref<1x8448xf32, #tpu.memory_space<hbm>>
      %dma_wait3A_1806 = tpu.memref_squeeze %dma_wait3A_1805 : memref<1x8448xf32, #tpu.memory_space<hbm>> -> memref<8448xf32, #tpu.memory_space<hbm>>
      %dma_wait3A_1807 = arith.constant 0 : i32
      %dma_wait3A_1808 = tpu.memref_slice %arg4[%dma_wait3A_1803, %dma_wait3A_1807] : memref<32x1000000xf32, #tpu.memory_space<hbm>> -> memref<1x8448xf32, #tpu.memory_space<hbm>>
      %dma_wait3A_1809 = tpu.memref_squeeze %dma_wait3A_1808 : memref<1x8448xf32, #tpu.memory_space<hbm>> -> memref<8448xf32, #tpu.memory_space<hbm>>
      tpu.wait_dma2 semaphore(%arg23 : memref<!tpu.dma_semaphore, #tpu.memory_space<semaphore_mem>>) src(%dma_wait3A_1809 : memref<8448xf32, #tpu.memory_space<hbm>>) dst(%arg17 : memref<8448xf32, #tpu.memory_space<vmem>>)
      %add3A_1810 = arith.constant 5 : i32
      %add3A_1811 = arith.addi %add3A_1108, %add3A_1810 : i32
      %slice3A_1812 = vector.extract_strided_slice %get3A_1110 {offsets = [5], sizes = [1], strides = [1]} : vector<16xi32> to vector<1xi32>
      %squeeze3A_1813 = vector.extract %slice3A_1812[0] : i32 from vector<1xi32>
      %slice3A_1814 = vector.extract_strided_slice %get3A_1112 {offsets = [5], sizes = [1], strides = [1]} : vector<16xi32> to vector<1xi32>
      %squeeze3A_1815 = vector.extract %slice3A_1814[0] : i32 from vector<1xi32>
      %and3A_1816 = arith.constant 127 : i32
      %and3A_1817 = arith.andi %squeeze3A_1813, %and3A_1816 : i32
      %broadcast_in_dim3A_1818 = vector.broadcast %and3A_1817 : i32 to vector<16xi32>
      %and3A_1819 = arith.constant 127 : i32
      %and3A_1820 = arith.andi %squeeze3A_1815, %and3A_1819 : i32
      %broadcast_in_dim3A_1821 = vector.broadcast %and3A_1820 : i32 to vector<16xi32>
      %gather3A_1822 = arith.constant 5 : i32
      %gather3A_1823 = arith.constant 0 : i32
      %gather3A_1824 = arith.constant 0 : i32
      %gather3A_1825 = tpu.memref_slice %arg11[%gather3A_1822, %gather3A_1823, %gather3A_1824] : memref<8x32x128xf32, #tpu.memory_space<vmem>> -> memref<1x32x128xf32, #tpu.memory_space<vmem>>
      %gather3A_1826 = tpu.memref_squeeze %gather3A_1825 : memref<1x32x128xf32, #tpu.memory_space<vmem>> -> memref<32x128xf32, #tpu.memory_space<vmem>>
      %gather3A_1827 = tpu.vector_load_idx %gather3A_1826[%iota3A, %broadcast_in_dim3A_1818] : memref<32x128xf32, #tpu.memory_space<vmem>>[vector<16xi32>, vector<16xi32>], vector<16xf32>,
      %gather3A_1828 = arith.constant 5 : i32
      %gather3A_1829 = arith.constant 0 : i32
      %gather3A_1830 = arith.constant 0 : i32
      %gather3A_1831 = tpu.memref_slice %arg11[%gather3A_1828, %gather3A_1829, %gather3A_1830] : memref<8x32x128xf32, #tpu.memory_space<vmem>> -> memref<1x32x128xf32, #tpu.memory_space<vmem>>
      %gather3A_1832 = tpu.memref_squeeze %gather3A_1831 : memref<1x32x128xf32, #tpu.memory_space<vmem>> -> memref<32x128xf32, #tpu.memory_space<vmem>>
      %gather3A_1833 = tpu.vector_load_idx %gather3A_1832[%add3A_5, %broadcast_in_dim3A_1818] : memref<32x128xf32, #tpu.memory_space<vmem>>[vector<16xi32>, vector<16xi32>], vector<16xf32>,
      %gather3A_1834 = arith.constant 5 : i32
      %gather3A_1835 = arith.constant 0 : i32
      %gather3A_1836 = arith.constant 0 : i32
      %gather3A_1837 = tpu.memref_slice %arg12[%gather3A_1834, %gather3A_1835, %gather3A_1836] : memref<8x32x128xf32, #tpu.memory_space<vmem>> -> memref<1x32x128xf32, #tpu.memory_space<vmem>>
      %gather3A_1838 = tpu.memref_squeeze %gather3A_1837 : memref<1x32x128xf32, #tpu.memory_space<vmem>> -> memref<32x128xf32, #tpu.memory_space<vmem>>
      %gather3A_1839 = tpu.vector_load_idx %gather3A_1838[%iota3A, %broadcast_in_dim3A_1821] : memref<32x128xf32, #tpu.memory_space<vmem>>[vector<16xi32>, vector<16xi32>], vector<16xf32>,
      %gather3A_1840 = arith.constant 5 : i32
      %gather3A_1841 = arith.constant 0 : i32
      %gather3A_1842 = arith.constant 0 : i32
      %gather3A_1843 = tpu.memref_slice %arg12[%gather3A_1840, %gather3A_1841, %gather3A_1842] : memref<8x32x128xf32, #tpu.memory_space<vmem>> -> memref<1x32x128xf32, #tpu.memory_space<vmem>>
      %gather3A_1844 = tpu.memref_squeeze %gather3A_1843 : memref<1x32x128xf32, #tpu.memory_space<vmem>> -> memref<32x128xf32, #tpu.memory_space<vmem>>
      %gather3A_1845 = tpu.vector_load_idx %gather3A_1844[%add3A_5, %broadcast_in_dim3A_1821] : memref<32x128xf32, #tpu.memory_space<vmem>>[vector<16xi32>, vector<16xi32>], vector<16xf32>,
      %mul3A_1846 = arith.mulf %gather3A_1827, %gather3A_1839 : vector<16xf32>
      %mul3A_1847 = arith.mulf %gather3A_1833, %gather3A_1845 : vector<16xf32>
      %add3A_1848 = arith.addf %mul3A_1846, %mul3A_1847 : vector<16xf32>
      %reduce_sum3A_1849 = arith.constant true
      %reduce_sum3A_1850 = vector.broadcast %reduce_sum3A_1849 : i1 to vector<16xi1>
      %reduce_sum3A_1851 = tpu.scan <sum>, %add3A_1848 masked %reduce_sum3A_1850 : vector<16xf32>, vector<16xi1> -> vector<16xf32>
      %reduce_sum3A_1852 = vector.extract %reduce_sum3A_1851[15] : f32 from vector<16xf32>
      %mul3A_1853 = arith.constant 0 : i32
      %mul3A_1854 = vector.broadcast %mul3A_1853 : i32 to vector<16xi32>
      %mul3A_1855 = arith.muli %iota3A, %mul3A_1854 : vector<16xi32>
      %add3A_1856 = arith.constant 5 : i32
      %add3A_1857 = vector.broadcast %add3A_1856 : i32 to vector<16xi32>
      %add3A_1858 = arith.addi %mul3A_1855, %add3A_1857 : vector<16xi32>
      %gather3A_1859 = tpu.vector_load_idx %arg13[%add3A_1858, %broadcast_in_dim3A_1818] : memref<8x128xf32, #tpu.memory_space<vmem>>[vector<16xi32>, vector<16xi32>], vector<16xf32>,
      %mul3A_1860 = arith.constant 0 : i32
      %mul3A_1861 = vector.broadcast %mul3A_1860 : i32 to vector<16xi32>
      %mul3A_1862 = arith.muli %iota3A, %mul3A_1861 : vector<16xi32>
      %add3A_1863 = arith.constant 5 : i32
      %add3A_1864 = vector.broadcast %add3A_1863 : i32 to vector<16xi32>
      %add3A_1865 = arith.addi %mul3A_1862, %add3A_1864 : vector<16xi32>
      %gather3A_1866 = tpu.vector_load_idx %arg14[%add3A_1865, %broadcast_in_dim3A_1821] : memref<8x128xf32, #tpu.memory_space<vmem>>[vector<16xi32>, vector<16xi32>], vector<16xf32>,
      %slice3A_1867 = vector.extract_strided_slice %gather3A_1859 {offsets = [0], sizes = [1], strides = [1]} : vector<16xf32> to vector<1xf32>
      %squeeze3A_1868 = vector.extract %slice3A_1867[0] : f32 from vector<1xf32>
      %add3A_1869 = arith.addf %reduce_sum3A_1852, %squeeze3A_1868 : f32
      %slice3A_1870 = vector.extract_strided_slice %gather3A_1866 {offsets = [0], sizes = [1], strides = [1]} : vector<16xf32> to vector<1xf32>
      %squeeze3A_1871 = vector.extract %slice3A_1870[0] : f32 from vector<1xf32>
      %add3A_1872 = arith.addf %add3A_1869, %squeeze3A_1871 : f32
      %and3A_1873 = arith.constant 15 : i32
      %and3A_1874 = arith.andi %add3A_1811, %and3A_1873 : i32
      %eq3A_1875 = vector.broadcast %and3A_1874 : i32 to vector<16xi32>
      %eq3A_1876 = arith.cmpi eq, %iota3A, %eq3A_1875 : vector<16xi32>
      %broadcast_in_dim3A_1877 = vector.broadcast %add3A_1872 : f32 to vector<16xf32>
      %get3A_1878 = arith.constant 0 : index
      %get3A_1879 = tpu.vector_load %arg15[%get3A_1878] {strides = array<i32>} : memref<16xf32, #tpu.memory_space<vmem>>, vector<16xf32>,
      %select_n3A_1880 = arith.select %eq3A_1876, %broadcast_in_dim3A_1877, %get3A_1879 : vector<16xi1>, vector<16xf32>
      %swap3A_1881 = arith.constant 0 : index
      %swap3A_1882 = tpu.vector_load %arg15[%swap3A_1881] {strides = array<i32>} : memref<16xf32, #tpu.memory_space<vmem>>, vector<16xf32>,
      tpu.vector_store %arg15[%swap3A_1881], %select_n3A_1880 {strides = array<i32>} : memref<16xf32, #tpu.memory_space<vmem>>, vector<16xf32>,
      %slice3A_1883 = vector.extract_strided_slice %get3A_1110 {offsets = [13], sizes = [1], strides = [1]} : vector<16xi32> to vector<1xi32>
      %squeeze3A_1884 = vector.extract %slice3A_1883[0] : i32 from vector<1xi32>
      %slice3A_1885 = vector.extract_strided_slice %get3A_1112 {offsets = [13], sizes = [1], strides = [1]} : vector<16xi32> to vector<1xi32>
      %squeeze3A_1886 = vector.extract %slice3A_1885[0] : i32 from vector<1xi32>
      %shift_right_logical3A_1887 = arith.constant 7 : i32
      %shift_right_logical3A_1888 = arith.shrui %squeeze3A_1884, %shift_right_logical3A_1887 : i32
      %mul3A_1889 = arith.constant 128 : i32
      %mul3A_1890 = arith.muli %shift_right_logical3A_1888, %mul3A_1889 : i32
      %multiple_of3A_1891 = tpu.assume_multiple %mul3A_1890, 128 : i32
      %shift_right_logical3A_1892 = arith.constant 7 : i32
      %shift_right_logical3A_1893 = arith.shrui %squeeze3A_1886, %shift_right_logical3A_1892 : i32
      %mul3A_1894 = arith.constant 128 : i32
      %mul3A_1895 = arith.muli %shift_right_logical3A_1893, %mul3A_1894 : i32
      %multiple_of3A_1896 = tpu.assume_multiple %mul3A_1895, 128 : i32
      %dma_start3A_1897 = arith.constant 5 : i32
      %dma_start3A_1898 = arith.constant 0 : i32
      %dma_start3A_1899 = arith.constant 0 : i32
      %dma_start3A_1900 = tpu.memref_slice %arg11[%dma_start3A_1897, %dma_start3A_1898, %dma_start3A_1899] : memref<8x32x128xf32, #tpu.memory_space<vmem>> -> memref<1x32x128xf32, #tpu.memory_space<vmem>>
      %dma_start3A_1901 = tpu.memref_squeeze %dma_start3A_1900 : memref<1x32x128xf32, #tpu.memory_space<vmem>> -> memref<32x128xf32, #tpu.memory_space<vmem>>
      %dma_start3A_1902 = arith.constant 0 : i32
      %dma_start3A_1903 = tpu.memref_slice %arg4[%dma_start3A_1902, %multiple_of3A_1891] : memref<32x1000000xf32, #tpu.memory_space<hbm>> -> memref<32x128xf32, #tpu.memory_space<hbm>>
      %dma_start3A_1904 = arith.constant 0 : i32
      %dma_start3A_1905 = arith.constant 0 : i32
      %dma_start3A_1906 = tpu.memref_slice %arg11[%dma_start3A_1897, %dma_start3A_1904, %dma_start3A_1905] : memref<8x32x128xf32, #tpu.memory_space<vmem>> -> memref<1x32x128xf32, #tpu.memory_space<vmem>>
      %dma_start3A_1907 = tpu.memref_squeeze %dma_start3A_1906 : memref<1x32x128xf32, #tpu.memory_space<vmem>> -> memref<32x128xf32, #tpu.memory_space<vmem>>
      %dma_start3A_1908 = arith.constant 0 : i32
      %dma_start3A_1909 = tpu.memref_slice %arg4[%dma_start3A_1908, %multiple_of3A_1891] : memref<32x1000000xf32, #tpu.memory_space<hbm>> -> memref<32x128xf32, #tpu.memory_space<hbm>>
      tpu.enqueue_dma source(%dma_start3A_1909 : memref<32x128xf32, #tpu.memory_space<hbm>>) target(%dma_start3A_1907 : memref<32x128xf32, #tpu.memory_space<vmem>>) target_semaphore(%arg23 : memref<!tpu.dma_semaphore, #tpu.memory_space<semaphore_mem>>)
      %dma_start3A_1910 = arith.constant 5 : i32
      %dma_start3A_1911 = arith.constant 0 : i32
      %dma_start3A_1912 = arith.constant 0 : i32
      %dma_start3A_1913 = tpu.memref_slice %arg12[%dma_start3A_1910, %dma_start3A_1911, %dma_start3A_1912] : memref<8x32x128xf32, #tpu.memory_space<vmem>> -> memref<1x32x128xf32, #tpu.memory_space<vmem>>
      %dma_start3A_1914 = tpu.memref_squeeze %dma_start3A_1913 : memref<1x32x128xf32, #tpu.memory_space<vmem>> -> memref<32x128xf32, #tpu.memory_space<vmem>>
      %dma_start3A_1915 = arith.constant 0 : i32
      %dma_start3A_1916 = tpu.memref_slice %arg5[%dma_start3A_1915, %multiple_of3A_1896] : memref<32x1000000xf32, #tpu.memory_space<hbm>> -> memref<32x128xf32, #tpu.memory_space<hbm>>
      %dma_start3A_1917 = arith.constant 0 : i32
      %dma_start3A_1918 = arith.constant 0 : i32
      %dma_start3A_1919 = tpu.memref_slice %arg12[%dma_start3A_1910, %dma_start3A_1917, %dma_start3A_1918] : memref<8x32x128xf32, #tpu.memory_space<vmem>> -> memref<1x32x128xf32, #tpu.memory_space<vmem>>
      %dma_start3A_1920 = tpu.memref_squeeze %dma_start3A_1919 : memref<1x32x128xf32, #tpu.memory_space<vmem>> -> memref<32x128xf32, #tpu.memory_space<vmem>>
      %dma_start3A_1921 = arith.constant 0 : i32
      %dma_start3A_1922 = tpu.memref_slice %arg5[%dma_start3A_1921, %multiple_of3A_1896] : memref<32x1000000xf32, #tpu.memory_space<hbm>> -> memref<32x128xf32, #tpu.memory_space<hbm>>
      tpu.enqueue_dma source(%dma_start3A_1922 : memref<32x128xf32, #tpu.memory_space<hbm>>) target(%dma_start3A_1920 : memref<32x128xf32, #tpu.memory_space<vmem>>) target_semaphore(%arg23 : memref<!tpu.dma_semaphore, #tpu.memory_space<semaphore_mem>>)
      %dma_start3A_1923 = arith.constant 5 : i32
      %dma_start3A_1924 = arith.constant 0 : i32
      %dma_start3A_1925 = tpu.memref_slice %arg13[%dma_start3A_1923, %dma_start3A_1924] : memref<8x128xf32, #tpu.memory_space<vmem>> -> memref<1x128xf32, #tpu.memory_space<vmem>>
      %dma_start3A_1926 = tpu.memref_squeeze %dma_start3A_1925 : memref<1x128xf32, #tpu.memory_space<vmem>> -> memref<128xf32, #tpu.memory_space<vmem>>
      %dma_start3A_1927 = tpu.memref_slice %arg6[%multiple_of3A_1891] : memref<1000000xf32, #tpu.memory_space<hbm>> -> memref<128xf32, #tpu.memory_space<hbm>>
      %dma_start3A_1928 = arith.constant 0 : i32
      %dma_start3A_1929 = tpu.memref_slice %arg13[%dma_start3A_1923, %dma_start3A_1928] : memref<8x128xf32, #tpu.memory_space<vmem>> -> memref<1x128xf32, #tpu.memory_space<vmem>>
      %dma_start3A_1930 = tpu.memref_squeeze %dma_start3A_1929 : memref<1x128xf32, #tpu.memory_space<vmem>> -> memref<128xf32, #tpu.memory_space<vmem>>
      %dma_start3A_1931 = tpu.memref_slice %arg6[%multiple_of3A_1891] : memref<1000000xf32, #tpu.memory_space<hbm>> -> memref<128xf32, #tpu.memory_space<hbm>>
      tpu.enqueue_dma source(%dma_start3A_1931 : memref<128xf32, #tpu.memory_space<hbm>>) target(%dma_start3A_1930 : memref<128xf32, #tpu.memory_space<vmem>>) target_semaphore(%arg23 : memref<!tpu.dma_semaphore, #tpu.memory_space<semaphore_mem>>)
      %dma_start3A_1932 = arith.constant 5 : i32
      %dma_start3A_1933 = arith.constant 0 : i32
      %dma_start3A_1934 = tpu.memref_slice %arg14[%dma_start3A_1932, %dma_start3A_1933] : memref<8x128xf32, #tpu.memory_space<vmem>> -> memref<1x128xf32, #tpu.memory_space<vmem>>
      %dma_start3A_1935 = tpu.memref_squeeze %dma_start3A_1934 : memref<1x128xf32, #tpu.memory_space<vmem>> -> memref<128xf32, #tpu.memory_space<vmem>>
      %dma_start3A_1936 = tpu.memref_slice %arg7[%multiple_of3A_1896] : memref<1000000xf32, #tpu.memory_space<hbm>> -> memref<128xf32, #tpu.memory_space<hbm>>
      %dma_start3A_1937 = arith.constant 0 : i32
      %dma_start3A_1938 = tpu.memref_slice %arg14[%dma_start3A_1932, %dma_start3A_1937] : memref<8x128xf32, #tpu.memory_space<vmem>> -> memref<1x128xf32, #tpu.memory_space<vmem>>
      %dma_start3A_1939 = tpu.memref_squeeze %dma_start3A_1938 : memref<1x128xf32, #tpu.memory_space<vmem>> -> memref<128xf32, #tpu.memory_space<vmem>>
      %dma_start3A_1940 = tpu.memref_slice %arg7[%multiple_of3A_1896] : memref<1000000xf32, #tpu.memory_space<hbm>> -> memref<128xf32, #tpu.memory_space<hbm>>
      tpu.enqueue_dma source(%dma_start3A_1940 : memref<128xf32, #tpu.memory_space<hbm>>) target(%dma_start3A_1939 : memref<128xf32, #tpu.memory_space<vmem>>) target_semaphore(%arg23 : memref<!tpu.dma_semaphore, #tpu.memory_space<semaphore_mem>>)
      %dma_wait3A_1941 = arith.constant 0 : i32
      %dma_wait3A_1942 = arith.constant 0 : i32
      %dma_wait3A_1943 = tpu.memref_slice %arg4[%dma_wait3A_1941, %dma_wait3A_1942] : memref<32x1000000xf32, #tpu.memory_space<hbm>> -> memref<1x8448xf32, #tpu.memory_space<hbm>>
      %dma_wait3A_1944 = tpu.memref_squeeze %dma_wait3A_1943 : memref<1x8448xf32, #tpu.memory_space<hbm>> -> memref<8448xf32, #tpu.memory_space<hbm>>
      %dma_wait3A_1945 = arith.constant 0 : i32
      %dma_wait3A_1946 = tpu.memref_slice %arg4[%dma_wait3A_1941, %dma_wait3A_1945] : memref<32x1000000xf32, #tpu.memory_space<hbm>> -> memref<1x8448xf32, #tpu.memory_space<hbm>>
      %dma_wait3A_1947 = tpu.memref_squeeze %dma_wait3A_1946 : memref<1x8448xf32, #tpu.memory_space<hbm>> -> memref<8448xf32, #tpu.memory_space<hbm>>
      tpu.wait_dma2 semaphore(%arg24 : memref<!tpu.dma_semaphore, #tpu.memory_space<semaphore_mem>>) src(%dma_wait3A_1947 : memref<8448xf32, #tpu.memory_space<hbm>>) dst(%arg17 : memref<8448xf32, #tpu.memory_space<vmem>>)
      %add3A_1948 = arith.constant 6 : i32
      %add3A_1949 = arith.addi %add3A_1108, %add3A_1948 : i32
      %slice3A_1950 = vector.extract_strided_slice %get3A_1110 {offsets = [6], sizes = [1], strides = [1]} : vector<16xi32> to vector<1xi32>
      %squeeze3A_1951 = vector.extract %slice3A_1950[0] : i32 from vector<1xi32>
      %slice3A_1952 = vector.extract_strided_slice %get3A_1112 {offsets = [6], sizes = [1], strides = [1]} : vector<16xi32> to vector<1xi32>
      %squeeze3A_1953 = vector.extract %slice3A_1952[0] : i32 from vector<1xi32>
      %and3A_1954 = arith.constant 127 : i32
      %and3A_1955 = arith.andi %squeeze3A_1951, %and3A_1954 : i32
      %broadcast_in_dim3A_1956 = vector.broadcast %and3A_1955 : i32 to vector<16xi32>
      %and3A_1957 = arith.constant 127 : i32
      %and3A_1958 = arith.andi %squeeze3A_1953, %and3A_1957 : i32
      %broadcast_in_dim3A_1959 = vector.broadcast %and3A_1958 : i32 to vector<16xi32>
      %gather3A_1960 = arith.constant 6 : i32
      %gather3A_1961 = arith.constant 0 : i32
      %gather3A_1962 = arith.constant 0 : i32
      %gather3A_1963 = tpu.memref_slice %arg11[%gather3A_1960, %gather3A_1961, %gather3A_1962] : memref<8x32x128xf32, #tpu.memory_space<vmem>> -> memref<1x32x128xf32, #tpu.memory_space<vmem>>
      %gather3A_1964 = tpu.memref_squeeze %gather3A_1963 : memref<1x32x128xf32, #tpu.memory_space<vmem>> -> memref<32x128xf32, #tpu.memory_space<vmem>>
      %gather3A_1965 = tpu.vector_load_idx %gather3A_1964[%iota3A, %broadcast_in_dim3A_1956] : memref<32x128xf32, #tpu.memory_space<vmem>>[vector<16xi32>, vector<16xi32>], vector<16xf32>,
      %gather3A_1966 = arith.constant 6 : i32
      %gather3A_1967 = arith.constant 0 : i32
      %gather3A_1968 = arith.constant 0 : i32
      %gather3A_1969 = tpu.memref_slice %arg11[%gather3A_1966, %gather3A_1967, %gather3A_1968] : memref<8x32x128xf32, #tpu.memory_space<vmem>> -> memref<1x32x128xf32, #tpu.memory_space<vmem>>
      %gather3A_1970 = tpu.memref_squeeze %gather3A_1969 : memref<1x32x128xf32, #tpu.memory_space<vmem>> -> memref<32x128xf32, #tpu.memory_space<vmem>>
      %gather3A_1971 = tpu.vector_load_idx %gather3A_1970[%add3A_5, %broadcast_in_dim3A_1956] : memref<32x128xf32, #tpu.memory_space<vmem>>[vector<16xi32>, vector<16xi32>], vector<16xf32>,
      %gather3A_1972 = arith.constant 6 : i32
      %gather3A_1973 = arith.constant 0 : i32
      %gather3A_1974 = arith.constant 0 : i32
      %gather3A_1975 = tpu.memref_slice %arg12[%gather3A_1972, %gather3A_1973, %gather3A_1974] : memref<8x32x128xf32, #tpu.memory_space<vmem>> -> memref<1x32x128xf32, #tpu.memory_space<vmem>>
      %gather3A_1976 = tpu.memref_squeeze %gather3A_1975 : memref<1x32x128xf32, #tpu.memory_space<vmem>> -> memref<32x128xf32, #tpu.memory_space<vmem>>
      %gather3A_1977 = tpu.vector_load_idx %gather3A_1976[%iota3A, %broadcast_in_dim3A_1959] : memref<32x128xf32, #tpu.memory_space<vmem>>[vector<16xi32>, vector<16xi32>], vector<16xf32>,
      %gather3A_1978 = arith.constant 6 : i32
      %gather3A_1979 = arith.constant 0 : i32
      %gather3A_1980 = arith.constant 0 : i32
      %gather3A_1981 = tpu.memref_slice %arg12[%gather3A_1978, %gather3A_1979, %gather3A_1980] : memref<8x32x128xf32, #tpu.memory_space<vmem>> -> memref<1x32x128xf32, #tpu.memory_space<vmem>>
      %gather3A_1982 = tpu.memref_squeeze %gather3A_1981 : memref<1x32x128xf32, #tpu.memory_space<vmem>> -> memref<32x128xf32, #tpu.memory_space<vmem>>
      %gather3A_1983 = tpu.vector_load_idx %gather3A_1982[%add3A_5, %broadcast_in_dim3A_1959] : memref<32x128xf32, #tpu.memory_space<vmem>>[vector<16xi32>, vector<16xi32>], vector<16xf32>,
      %mul3A_1984 = arith.mulf %gather3A_1965, %gather3A_1977 : vector<16xf32>
      %mul3A_1985 = arith.mulf %gather3A_1971, %gather3A_1983 : vector<16xf32>
      %add3A_1986 = arith.addf %mul3A_1984, %mul3A_1985 : vector<16xf32>
      %reduce_sum3A_1987 = arith.constant true
      %reduce_sum3A_1988 = vector.broadcast %reduce_sum3A_1987 : i1 to vector<16xi1>
      %reduce_sum3A_1989 = tpu.scan <sum>, %add3A_1986 masked %reduce_sum3A_1988 : vector<16xf32>, vector<16xi1> -> vector<16xf32>
      %reduce_sum3A_1990 = vector.extract %reduce_sum3A_1989[15] : f32 from vector<16xf32>
      %mul3A_1991 = arith.constant 0 : i32
      %mul3A_1992 = vector.broadcast %mul3A_1991 : i32 to vector<16xi32>
      %mul3A_1993 = arith.muli %iota3A, %mul3A_1992 : vector<16xi32>
      %add3A_1994 = arith.constant 6 : i32
      %add3A_1995 = vector.broadcast %add3A_1994 : i32 to vector<16xi32>
      %add3A_1996 = arith.addi %mul3A_1993, %add3A_1995 : vector<16xi32>
      %gather3A_1997 = tpu.vector_load_idx %arg13[%add3A_1996, %broadcast_in_dim3A_1956] : memref<8x128xf32, #tpu.memory_space<vmem>>[vector<16xi32>, vector<16xi32>], vector<16xf32>,
      %mul3A_1998 = arith.constant 0 : i32
      %mul3A_1999 = vector.broadcast %mul3A_1998 : i32 to vector<16xi32>
      %mul3A_2000 = arith.muli %iota3A, %mul3A_1999 : vector<16xi32>
      %add3A_2001 = arith.constant 6 : i32
      %add3A_2002 = vector.broadcast %add3A_2001 : i32 to vector<16xi32>
      %add3A_2003 = arith.addi %mul3A_2000, %add3A_2002 : vector<16xi32>
      %gather3A_2004 = tpu.vector_load_idx %arg14[%add3A_2003, %broadcast_in_dim3A_1959] : memref<8x128xf32, #tpu.memory_space<vmem>>[vector<16xi32>, vector<16xi32>], vector<16xf32>,
      %slice3A_2005 = vector.extract_strided_slice %gather3A_1997 {offsets = [0], sizes = [1], strides = [1]} : vector<16xf32> to vector<1xf32>
      %squeeze3A_2006 = vector.extract %slice3A_2005[0] : f32 from vector<1xf32>
      %add3A_2007 = arith.addf %reduce_sum3A_1990, %squeeze3A_2006 : f32
      %slice3A_2008 = vector.extract_strided_slice %gather3A_2004 {offsets = [0], sizes = [1], strides = [1]} : vector<16xf32> to vector<1xf32>
      %squeeze3A_2009 = vector.extract %slice3A_2008[0] : f32 from vector<1xf32>
      %add3A_2010 = arith.addf %add3A_2007, %squeeze3A_2009 : f32
      %and3A_2011 = arith.constant 15 : i32
      %and3A_2012 = arith.andi %add3A_1949, %and3A_2011 : i32
      %eq3A_2013 = vector.broadcast %and3A_2012 : i32 to vector<16xi32>
      %eq3A_2014 = arith.cmpi eq, %iota3A, %eq3A_2013 : vector<16xi32>
      %broadcast_in_dim3A_2015 = vector.broadcast %add3A_2010 : f32 to vector<16xf32>
      %get3A_2016 = arith.constant 0 : index
      %get3A_2017 = tpu.vector_load %arg15[%get3A_2016] {strides = array<i32>} : memref<16xf32, #tpu.memory_space<vmem>>, vector<16xf32>,
      %select_n3A_2018 = arith.select %eq3A_2014, %broadcast_in_dim3A_2015, %get3A_2017 : vector<16xi1>, vector<16xf32>
      %swap3A_2019 = arith.constant 0 : index
      %swap3A_2020 = tpu.vector_load %arg15[%swap3A_2019] {strides = array<i32>} : memref<16xf32, #tpu.memory_space<vmem>>, vector<16xf32>,
      tpu.vector_store %arg15[%swap3A_2019], %select_n3A_2018 {strides = array<i32>} : memref<16xf32, #tpu.memory_space<vmem>>, vector<16xf32>,
      %slice3A_2021 = vector.extract_strided_slice %get3A_1110 {offsets = [14], sizes = [1], strides = [1]} : vector<16xi32> to vector<1xi32>
      %squeeze3A_2022 = vector.extract %slice3A_2021[0] : i32 from vector<1xi32>
      %slice3A_2023 = vector.extract_strided_slice %get3A_1112 {offsets = [14], sizes = [1], strides = [1]} : vector<16xi32> to vector<1xi32>
      %squeeze3A_2024 = vector.extract %slice3A_2023[0] : i32 from vector<1xi32>
      %shift_right_logical3A_2025 = arith.constant 7 : i32
      %shift_right_logical3A_2026 = arith.shrui %squeeze3A_2022, %shift_right_logical3A_2025 : i32
      %mul3A_2027 = arith.constant 128 : i32
      %mul3A_2028 = arith.muli %shift_right_logical3A_2026, %mul3A_2027 : i32
      %multiple_of3A_2029 = tpu.assume_multiple %mul3A_2028, 128 : i32
      %shift_right_logical3A_2030 = arith.constant 7 : i32
      %shift_right_logical3A_2031 = arith.shrui %squeeze3A_2024, %shift_right_logical3A_2030 : i32
      %mul3A_2032 = arith.constant 128 : i32
      %mul3A_2033 = arith.muli %shift_right_logical3A_2031, %mul3A_2032 : i32
      %multiple_of3A_2034 = tpu.assume_multiple %mul3A_2033, 128 : i32
      %dma_start3A_2035 = arith.constant 6 : i32
      %dma_start3A_2036 = arith.constant 0 : i32
      %dma_start3A_2037 = arith.constant 0 : i32
      %dma_start3A_2038 = tpu.memref_slice %arg11[%dma_start3A_2035, %dma_start3A_2036, %dma_start3A_2037] : memref<8x32x128xf32, #tpu.memory_space<vmem>> -> memref<1x32x128xf32, #tpu.memory_space<vmem>>
      %dma_start3A_2039 = tpu.memref_squeeze %dma_start3A_2038 : memref<1x32x128xf32, #tpu.memory_space<vmem>> -> memref<32x128xf32, #tpu.memory_space<vmem>>
      %dma_start3A_2040 = arith.constant 0 : i32
      %dma_start3A_2041 = tpu.memref_slice %arg4[%dma_start3A_2040, %multiple_of3A_2029] : memref<32x1000000xf32, #tpu.memory_space<hbm>> -> memref<32x128xf32, #tpu.memory_space<hbm>>
      %dma_start3A_2042 = arith.constant 0 : i32
      %dma_start3A_2043 = arith.constant 0 : i32
      %dma_start3A_2044 = tpu.memref_slice %arg11[%dma_start3A_2035, %dma_start3A_2042, %dma_start3A_2043] : memref<8x32x128xf32, #tpu.memory_space<vmem>> -> memref<1x32x128xf32, #tpu.memory_space<vmem>>
      %dma_start3A_2045 = tpu.memref_squeeze %dma_start3A_2044 : memref<1x32x128xf32, #tpu.memory_space<vmem>> -> memref<32x128xf32, #tpu.memory_space<vmem>>
      %dma_start3A_2046 = arith.constant 0 : i32
      %dma_start3A_2047 = tpu.memref_slice %arg4[%dma_start3A_2046, %multiple_of3A_2029] : memref<32x1000000xf32, #tpu.memory_space<hbm>> -> memref<32x128xf32, #tpu.memory_space<hbm>>
      tpu.enqueue_dma source(%dma_start3A_2047 : memref<32x128xf32, #tpu.memory_space<hbm>>) target(%dma_start3A_2045 : memref<32x128xf32, #tpu.memory_space<vmem>>) target_semaphore(%arg24 : memref<!tpu.dma_semaphore, #tpu.memory_space<semaphore_mem>>)
      %dma_start3A_2048 = arith.constant 6 : i32
      %dma_start3A_2049 = arith.constant 0 : i32
      %dma_start3A_2050 = arith.constant 0 : i32
      %dma_start3A_2051 = tpu.memref_slice %arg12[%dma_start3A_2048, %dma_start3A_2049, %dma_start3A_2050] : memref<8x32x128xf32, #tpu.memory_space<vmem>> -> memref<1x32x128xf32, #tpu.memory_space<vmem>>
      %dma_start3A_2052 = tpu.memref_squeeze %dma_start3A_2051 : memref<1x32x128xf32, #tpu.memory_space<vmem>> -> memref<32x128xf32, #tpu.memory_space<vmem>>
      %dma_start3A_2053 = arith.constant 0 : i32
      %dma_start3A_2054 = tpu.memref_slice %arg5[%dma_start3A_2053, %multiple_of3A_2034] : memref<32x1000000xf32, #tpu.memory_space<hbm>> -> memref<32x128xf32, #tpu.memory_space<hbm>>
      %dma_start3A_2055 = arith.constant 0 : i32
      %dma_start3A_2056 = arith.constant 0 : i32
      %dma_start3A_2057 = tpu.memref_slice %arg12[%dma_start3A_2048, %dma_start3A_2055, %dma_start3A_2056] : memref<8x32x128xf32, #tpu.memory_space<vmem>> -> memref<1x32x128xf32, #tpu.memory_space<vmem>>
      %dma_start3A_2058 = tpu.memref_squeeze %dma_start3A_2057 : memref<1x32x128xf32, #tpu.memory_space<vmem>> -> memref<32x128xf32, #tpu.memory_space<vmem>>
      %dma_start3A_2059 = arith.constant 0 : i32
      %dma_start3A_2060 = tpu.memref_slice %arg5[%dma_start3A_2059, %multiple_of3A_2034] : memref<32x1000000xf32, #tpu.memory_space<hbm>> -> memref<32x128xf32, #tpu.memory_space<hbm>>
      tpu.enqueue_dma source(%dma_start3A_2060 : memref<32x128xf32, #tpu.memory_space<hbm>>) target(%dma_start3A_2058 : memref<32x128xf32, #tpu.memory_space<vmem>>) target_semaphore(%arg24 : memref<!tpu.dma_semaphore, #tpu.memory_space<semaphore_mem>>)
      %dma_start3A_2061 = arith.constant 6 : i32
      %dma_start3A_2062 = arith.constant 0 : i32
      %dma_start3A_2063 = tpu.memref_slice %arg13[%dma_start3A_2061, %dma_start3A_2062] : memref<8x128xf32, #tpu.memory_space<vmem>> -> memref<1x128xf32, #tpu.memory_space<vmem>>
      %dma_start3A_2064 = tpu.memref_squeeze %dma_start3A_2063 : memref<1x128xf32, #tpu.memory_space<vmem>> -> memref<128xf32, #tpu.memory_space<vmem>>
      %dma_start3A_2065 = tpu.memref_slice %arg6[%multiple_of3A_2029] : memref<1000000xf32, #tpu.memory_space<hbm>> -> memref<128xf32, #tpu.memory_space<hbm>>
      %dma_start3A_2066 = arith.constant 0 : i32
      %dma_start3A_2067 = tpu.memref_slice %arg13[%dma_start3A_2061, %dma_start3A_2066] : memref<8x128xf32, #tpu.memory_space<vmem>> -> memref<1x128xf32, #tpu.memory_space<vmem>>
      %dma_start3A_2068 = tpu.memref_squeeze %dma_start3A_2067 : memref<1x128xf32, #tpu.memory_space<vmem>> -> memref<128xf32, #tpu.memory_space<vmem>>
      %dma_start3A_2069 = tpu.memref_slice %arg6[%multiple_of3A_2029] : memref<1000000xf32, #tpu.memory_space<hbm>> -> memref<128xf32, #tpu.memory_space<hbm>>
      tpu.enqueue_dma source(%dma_start3A_2069 : memref<128xf32, #tpu.memory_space<hbm>>) target(%dma_start3A_2068 : memref<128xf32, #tpu.memory_space<vmem>>) target_semaphore(%arg24 : memref<!tpu.dma_semaphore, #tpu.memory_space<semaphore_mem>>)
      %dma_start3A_2070 = arith.constant 6 : i32
      %dma_start3A_2071 = arith.constant 0 : i32
      %dma_start3A_2072 = tpu.memref_slice %arg14[%dma_start3A_2070, %dma_start3A_2071] : memref<8x128xf32, #tpu.memory_space<vmem>> -> memref<1x128xf32, #tpu.memory_space<vmem>>
      %dma_start3A_2073 = tpu.memref_squeeze %dma_start3A_2072 : memref<1x128xf32, #tpu.memory_space<vmem>> -> memref<128xf32, #tpu.memory_space<vmem>>
      %dma_start3A_2074 = tpu.memref_slice %arg7[%multiple_of3A_2034] : memref<1000000xf32, #tpu.memory_space<hbm>> -> memref<128xf32, #tpu.memory_space<hbm>>
      %dma_start3A_2075 = arith.constant 0 : i32
      %dma_start3A_2076 = tpu.memref_slice %arg14[%dma_start3A_2070, %dma_start3A_2075] : memref<8x128xf32, #tpu.memory_space<vmem>> -> memref<1x128xf32, #tpu.memory_space<vmem>>
      %dma_start3A_2077 = tpu.memref_squeeze %dma_start3A_2076 : memref<1x128xf32, #tpu.memory_space<vmem>> -> memref<128xf32, #tpu.memory_space<vmem>>
      %dma_start3A_2078 = tpu.memref_slice %arg7[%multiple_of3A_2034] : memref<1000000xf32, #tpu.memory_space<hbm>> -> memref<128xf32, #tpu.memory_space<hbm>>
      tpu.enqueue_dma source(%dma_start3A_2078 : memref<128xf32, #tpu.memory_space<hbm>>) target(%dma_start3A_2077 : memref<128xf32, #tpu.memory_space<vmem>>) target_semaphore(%arg24 : memref<!tpu.dma_semaphore, #tpu.memory_space<semaphore_mem>>)
      %dma_wait3A_2079 = arith.constant 0 : i32
      %dma_wait3A_2080 = arith.constant 0 : i32
      %dma_wait3A_2081 = tpu.memref_slice %arg4[%dma_wait3A_2079, %dma_wait3A_2080] : memref<32x1000000xf32, #tpu.memory_space<hbm>> -> memref<1x8448xf32, #tpu.memory_space<hbm>>
      %dma_wait3A_2082 = tpu.memref_squeeze %dma_wait3A_2081 : memref<1x8448xf32, #tpu.memory_space<hbm>> -> memref<8448xf32, #tpu.memory_space<hbm>>
      %dma_wait3A_2083 = arith.constant 0 : i32
      %dma_wait3A_2084 = tpu.memref_slice %arg4[%dma_wait3A_2079, %dma_wait3A_2083] : memref<32x1000000xf32, #tpu.memory_space<hbm>> -> memref<1x8448xf32, #tpu.memory_space<hbm>>
      %dma_wait3A_2085 = tpu.memref_squeeze %dma_wait3A_2084 : memref<1x8448xf32, #tpu.memory_space<hbm>> -> memref<8448xf32, #tpu.memory_space<hbm>>
      tpu.wait_dma2 semaphore(%arg25 : memref<!tpu.dma_semaphore, #tpu.memory_space<semaphore_mem>>) src(%dma_wait3A_2085 : memref<8448xf32, #tpu.memory_space<hbm>>) dst(%arg17 : memref<8448xf32, #tpu.memory_space<vmem>>)
      %add3A_2086 = arith.constant 7 : i32
      %add3A_2087 = arith.addi %add3A_1108, %add3A_2086 : i32
      %slice3A_2088 = vector.extract_strided_slice %get3A_1110 {offsets = [7], sizes = [1], strides = [1]} : vector<16xi32> to vector<1xi32>
      %squeeze3A_2089 = vector.extract %slice3A_2088[0] : i32 from vector<1xi32>
      %slice3A_2090 = vector.extract_strided_slice %get3A_1112 {offsets = [7], sizes = [1], strides = [1]} : vector<16xi32> to vector<1xi32>
      %squeeze3A_2091 = vector.extract %slice3A_2090[0] : i32 from vector<1xi32>
      %and3A_2092 = arith.constant 127 : i32
      %and3A_2093 = arith.andi %squeeze3A_2089, %and3A_2092 : i32
      %broadcast_in_dim3A_2094 = vector.broadcast %and3A_2093 : i32 to vector<16xi32>
      %and3A_2095 = arith.constant 127 : i32
      %and3A_2096 = arith.andi %squeeze3A_2091, %and3A_2095 : i32
      %broadcast_in_dim3A_2097 = vector.broadcast %and3A_2096 : i32 to vector<16xi32>
      %gather3A_2098 = arith.constant 7 : i32
      %gather3A_2099 = arith.constant 0 : i32
      %gather3A_2100 = arith.constant 0 : i32
      %gather3A_2101 = tpu.memref_slice %arg11[%gather3A_2098, %gather3A_2099, %gather3A_2100] : memref<8x32x128xf32, #tpu.memory_space<vmem>> -> memref<1x32x128xf32, #tpu.memory_space<vmem>>
      %gather3A_2102 = tpu.memref_squeeze %gather3A_2101 : memref<1x32x128xf32, #tpu.memory_space<vmem>> -> memref<32x128xf32, #tpu.memory_space<vmem>>
      %gather3A_2103 = tpu.vector_load_idx %gather3A_2102[%iota3A, %broadcast_in_dim3A_2094] : memref<32x128xf32, #tpu.memory_space<vmem>>[vector<16xi32>, vector<16xi32>], vector<16xf32>,
      %gather3A_2104 = arith.constant 7 : i32
      %gather3A_2105 = arith.constant 0 : i32
      %gather3A_2106 = arith.constant 0 : i32
      %gather3A_2107 = tpu.memref_slice %arg11[%gather3A_2104, %gather3A_2105, %gather3A_2106] : memref<8x32x128xf32, #tpu.memory_space<vmem>> -> memref<1x32x128xf32, #tpu.memory_space<vmem>>
      %gather3A_2108 = tpu.memref_squeeze %gather3A_2107 : memref<1x32x128xf32, #tpu.memory_space<vmem>> -> memref<32x128xf32, #tpu.memory_space<vmem>>
      %gather3A_2109 = tpu.vector_load_idx %gather3A_2108[%add3A_5, %broadcast_in_dim3A_2094] : memref<32x128xf32, #tpu.memory_space<vmem>>[vector<16xi32>, vector<16xi32>], vector<16xf32>,
      %gather3A_2110 = arith.constant 7 : i32
      %gather3A_2111 = arith.constant 0 : i32
      %gather3A_2112 = arith.constant 0 : i32
      %gather3A_2113 = tpu.memref_slice %arg12[%gather3A_2110, %gather3A_2111, %gather3A_2112] : memref<8x32x128xf32, #tpu.memory_space<vmem>> -> memref<1x32x128xf32, #tpu.memory_space<vmem>>
      %gather3A_2114 = tpu.memref_squeeze %gather3A_2113 : memref<1x32x128xf32, #tpu.memory_space<vmem>> -> memref<32x128xf32, #tpu.memory_space<vmem>>
      %gather3A_2115 = tpu.vector_load_idx %gather3A_2114[%iota3A, %broadcast_in_dim3A_2097] : memref<32x128xf32, #tpu.memory_space<vmem>>[vector<16xi32>, vector<16xi32>], vector<16xf32>,
      %gather3A_2116 = arith.constant 7 : i32
      %gather3A_2117 = arith.constant 0 : i32
      %gather3A_2118 = arith.constant 0 : i32
      %gather3A_2119 = tpu.memref_slice %arg12[%gather3A_2116, %gather3A_2117, %gather3A_2118] : memref<8x32x128xf32, #tpu.memory_space<vmem>> -> memref<1x32x128xf32, #tpu.memory_space<vmem>>
      %gather3A_2120 = tpu.memref_squeeze %gather3A_2119 : memref<1x32x128xf32, #tpu.memory_space<vmem>> -> memref<32x128xf32, #tpu.memory_space<vmem>>
      %gather3A_2121 = tpu.vector_load_idx %gather3A_2120[%add3A_5, %broadcast_in_dim3A_2097] : memref<32x128xf32, #tpu.memory_space<vmem>>[vector<16xi32>, vector<16xi32>], vector<16xf32>,
      %mul3A_2122 = arith.mulf %gather3A_2103, %gather3A_2115 : vector<16xf32>
      %mul3A_2123 = arith.mulf %gather3A_2109, %gather3A_2121 : vector<16xf32>
      %add3A_2124 = arith.addf %mul3A_2122, %mul3A_2123 : vector<16xf32>
      %reduce_sum3A_2125 = arith.constant true
      %reduce_sum3A_2126 = vector.broadcast %reduce_sum3A_2125 : i1 to vector<16xi1>
      %reduce_sum3A_2127 = tpu.scan <sum>, %add3A_2124 masked %reduce_sum3A_2126 : vector<16xf32>, vector<16xi1> -> vector<16xf32>
      %reduce_sum3A_2128 = vector.extract %reduce_sum3A_2127[15] : f32 from vector<16xf32>
      %mul3A_2129 = arith.constant 0 : i32
      %mul3A_2130 = vector.broadcast %mul3A_2129 : i32 to vector<16xi32>
      %mul3A_2131 = arith.muli %iota3A, %mul3A_2130 : vector<16xi32>
      %add3A_2132 = arith.constant 7 : i32
      %add3A_2133 = vector.broadcast %add3A_2132 : i32 to vector<16xi32>
      %add3A_2134 = arith.addi %mul3A_2131, %add3A_2133 : vector<16xi32>
      %gather3A_2135 = tpu.vector_load_idx %arg13[%add3A_2134, %broadcast_in_dim3A_2094] : memref<8x128xf32, #tpu.memory_space<vmem>>[vector<16xi32>, vector<16xi32>], vector<16xf32>,
      %mul3A_2136 = arith.constant 0 : i32
      %mul3A_2137 = vector.broadcast %mul3A_2136 : i32 to vector<16xi32>
      %mul3A_2138 = arith.muli %iota3A, %mul3A_2137 : vector<16xi32>
      %add3A_2139 = arith.constant 7 : i32
      %add3A_2140 = vector.broadcast %add3A_2139 : i32 to vector<16xi32>
      %add3A_2141 = arith.addi %mul3A_2138, %add3A_2140 : vector<16xi32>
      %gather3A_2142 = tpu.vector_load_idx %arg14[%add3A_2141, %broadcast_in_dim3A_2097] : memref<8x128xf32, #tpu.memory_space<vmem>>[vector<16xi32>, vector<16xi32>], vector<16xf32>,
      %slice3A_2143 = vector.extract_strided_slice %gather3A_2135 {offsets = [0], sizes = [1], strides = [1]} : vector<16xf32> to vector<1xf32>
      %squeeze3A_2144 = vector.extract %slice3A_2143[0] : f32 from vector<1xf32>
      %add3A_2145 = arith.addf %reduce_sum3A_2128, %squeeze3A_2144 : f32
      %slice3A_2146 = vector.extract_strided_slice %gather3A_2142 {offsets = [0], sizes = [1], strides = [1]} : vector<16xf32> to vector<1xf32>
      %squeeze3A_2147 = vector.extract %slice3A_2146[0] : f32 from vector<1xf32>
      %add3A_2148 = arith.addf %add3A_2145, %squeeze3A_2147 : f32
      %and3A_2149 = arith.constant 15 : i32
      %and3A_2150 = arith.andi %add3A_2087, %and3A_2149 : i32
      %eq3A_2151 = vector.broadcast %and3A_2150 : i32 to vector<16xi32>
      %eq3A_2152 = arith.cmpi eq, %iota3A, %eq3A_2151 : vector<16xi32>
      %broadcast_in_dim3A_2153 = vector.broadcast %add3A_2148 : f32 to vector<16xf32>
      %get3A_2154 = arith.constant 0 : index
      %get3A_2155 = tpu.vector_load %arg15[%get3A_2154] {strides = array<i32>} : memref<16xf32, #tpu.memory_space<vmem>>, vector<16xf32>,
      %select_n3A_2156 = arith.select %eq3A_2152, %broadcast_in_dim3A_2153, %get3A_2155 : vector<16xi1>, vector<16xf32>
      %swap3A_2157 = arith.constant 0 : index
      %swap3A_2158 = tpu.vector_load %arg15[%swap3A_2157] {strides = array<i32>} : memref<16xf32, #tpu.memory_space<vmem>>, vector<16xf32>,
      tpu.vector_store %arg15[%swap3A_2157], %select_n3A_2156 {strides = array<i32>} : memref<16xf32, #tpu.memory_space<vmem>>, vector<16xf32>,
      %slice3A_2159 = vector.extract_strided_slice %get3A_1110 {offsets = [15], sizes = [1], strides = [1]} : vector<16xi32> to vector<1xi32>
      %squeeze3A_2160 = vector.extract %slice3A_2159[0] : i32 from vector<1xi32>
      %slice3A_2161 = vector.extract_strided_slice %get3A_1112 {offsets = [15], sizes = [1], strides = [1]} : vector<16xi32> to vector<1xi32>
      %squeeze3A_2162 = vector.extract %slice3A_2161[0] : i32 from vector<1xi32>
      %shift_right_logical3A_2163 = arith.constant 7 : i32
      %shift_right_logical3A_2164 = arith.shrui %squeeze3A_2160, %shift_right_logical3A_2163 : i32
      %mul3A_2165 = arith.constant 128 : i32
      %mul3A_2166 = arith.muli %shift_right_logical3A_2164, %mul3A_2165 : i32
      %multiple_of3A_2167 = tpu.assume_multiple %mul3A_2166, 128 : i32
      %shift_right_logical3A_2168 = arith.constant 7 : i32
      %shift_right_logical3A_2169 = arith.shrui %squeeze3A_2162, %shift_right_logical3A_2168 : i32
      %mul3A_2170 = arith.constant 128 : i32
      %mul3A_2171 = arith.muli %shift_right_logical3A_2169, %mul3A_2170 : i32
      %multiple_of3A_2172 = tpu.assume_multiple %mul3A_2171, 128 : i32
      %dma_start3A_2173 = arith.constant 7 : i32
      %dma_start3A_2174 = arith.constant 0 : i32
      %dma_start3A_2175 = arith.constant 0 : i32
      %dma_start3A_2176 = tpu.memref_slice %arg11[%dma_start3A_2173, %dma_start3A_2174, %dma_start3A_2175] : memref<8x32x128xf32, #tpu.memory_space<vmem>> -> memref<1x32x128xf32, #tpu.memory_space<vmem>>
      %dma_start3A_2177 = tpu.memref_squeeze %dma_start3A_2176 : memref<1x32x128xf32, #tpu.memory_space<vmem>> -> memref<32x128xf32, #tpu.memory_space<vmem>>
      %dma_start3A_2178 = arith.constant 0 : i32
      %dma_start3A_2179 = tpu.memref_slice %arg4[%dma_start3A_2178, %multiple_of3A_2167] : memref<32x1000000xf32, #tpu.memory_space<hbm>> -> memref<32x128xf32, #tpu.memory_space<hbm>>
      %dma_start3A_2180 = arith.constant 0 : i32
      %dma_start3A_2181 = arith.constant 0 : i32
      %dma_start3A_2182 = tpu.memref_slice %arg11[%dma_start3A_2173, %dma_start3A_2180, %dma_start3A_2181] : memref<8x32x128xf32, #tpu.memory_space<vmem>> -> memref<1x32x128xf32, #tpu.memory_space<vmem>>
      %dma_start3A_2183 = tpu.memref_squeeze %dma_start3A_2182 : memref<1x32x128xf32, #tpu.memory_space<vmem>> -> memref<32x128xf32, #tpu.memory_space<vmem>>
      %dma_start3A_2184 = arith.constant 0 : i32
      %dma_start3A_2185 = tpu.memref_slice %arg4[%dma_start3A_2184, %multiple_of3A_2167] : memref<32x1000000xf32, #tpu.memory_space<hbm>> -> memref<32x128xf32, #tpu.memory_space<hbm>>
      tpu.enqueue_dma source(%dma_start3A_2185 : memref<32x128xf32, #tpu.memory_space<hbm>>) target(%dma_start3A_2183 : memref<32x128xf32, #tpu.memory_space<vmem>>) target_semaphore(%arg25 : memref<!tpu.dma_semaphore, #tpu.memory_space<semaphore_mem>>)
      %dma_start3A_2186 = arith.constant 7 : i32
      %dma_start3A_2187 = arith.constant 0 : i32
      %dma_start3A_2188 = arith.constant 0 : i32
      %dma_start3A_2189 = tpu.memref_slice %arg12[%dma_start3A_2186, %dma_start3A_2187, %dma_start3A_2188] : memref<8x32x128xf32, #tpu.memory_space<vmem>> -> memref<1x32x128xf32, #tpu.memory_space<vmem>>
      %dma_start3A_2190 = tpu.memref_squeeze %dma_start3A_2189 : memref<1x32x128xf32, #tpu.memory_space<vmem>> -> memref<32x128xf32, #tpu.memory_space<vmem>>
      %dma_start3A_2191 = arith.constant 0 : i32
      %dma_start3A_2192 = tpu.memref_slice %arg5[%dma_start3A_2191, %multiple_of3A_2172] : memref<32x1000000xf32, #tpu.memory_space<hbm>> -> memref<32x128xf32, #tpu.memory_space<hbm>>
      %dma_start3A_2193 = arith.constant 0 : i32
      %dma_start3A_2194 = arith.constant 0 : i32
      %dma_start3A_2195 = tpu.memref_slice %arg12[%dma_start3A_2186, %dma_start3A_2193, %dma_start3A_2194] : memref<8x32x128xf32, #tpu.memory_space<vmem>> -> memref<1x32x128xf32, #tpu.memory_space<vmem>>
      %dma_start3A_2196 = tpu.memref_squeeze %dma_start3A_2195 : memref<1x32x128xf32, #tpu.memory_space<vmem>> -> memref<32x128xf32, #tpu.memory_space<vmem>>
      %dma_start3A_2197 = arith.constant 0 : i32
      %dma_start3A_2198 = tpu.memref_slice %arg5[%dma_start3A_2197, %multiple_of3A_2172] : memref<32x1000000xf32, #tpu.memory_space<hbm>> -> memref<32x128xf32, #tpu.memory_space<hbm>>
      tpu.enqueue_dma source(%dma_start3A_2198 : memref<32x128xf32, #tpu.memory_space<hbm>>) target(%dma_start3A_2196 : memref<32x128xf32, #tpu.memory_space<vmem>>) target_semaphore(%arg25 : memref<!tpu.dma_semaphore, #tpu.memory_space<semaphore_mem>>)
      %dma_start3A_2199 = arith.constant 7 : i32
      %dma_start3A_2200 = arith.constant 0 : i32
      %dma_start3A_2201 = tpu.memref_slice %arg13[%dma_start3A_2199, %dma_start3A_2200] : memref<8x128xf32, #tpu.memory_space<vmem>> -> memref<1x128xf32, #tpu.memory_space<vmem>>
      %dma_start3A_2202 = tpu.memref_squeeze %dma_start3A_2201 : memref<1x128xf32, #tpu.memory_space<vmem>> -> memref<128xf32, #tpu.memory_space<vmem>>
      %dma_start3A_2203 = tpu.memref_slice %arg6[%multiple_of3A_2167] : memref<1000000xf32, #tpu.memory_space<hbm>> -> memref<128xf32, #tpu.memory_space<hbm>>
      %dma_start3A_2204 = arith.constant 0 : i32
      %dma_start3A_2205 = tpu.memref_slice %arg13[%dma_start3A_2199, %dma_start3A_2204] : memref<8x128xf32, #tpu.memory_space<vmem>> -> memref<1x128xf32, #tpu.memory_space<vmem>>
      %dma_start3A_2206 = tpu.memref_squeeze %dma_start3A_2205 : memref<1x128xf32, #tpu.memory_space<vmem>> -> memref<128xf32, #tpu.memory_space<vmem>>
      %dma_start3A_2207 = tpu.memref_slice %arg6[%multiple_of3A_2167] : memref<1000000xf32, #tpu.memory_space<hbm>> -> memref<128xf32, #tpu.memory_space<hbm>>
      tpu.enqueue_dma source(%dma_start3A_2207 : memref<128xf32, #tpu.memory_space<hbm>>) target(%dma_start3A_2206 : memref<128xf32, #tpu.memory_space<vmem>>) target_semaphore(%arg25 : memref<!tpu.dma_semaphore, #tpu.memory_space<semaphore_mem>>)
      %dma_start3A_2208 = arith.constant 7 : i32
      %dma_start3A_2209 = arith.constant 0 : i32
      %dma_start3A_2210 = tpu.memref_slice %arg14[%dma_start3A_2208, %dma_start3A_2209] : memref<8x128xf32, #tpu.memory_space<vmem>> -> memref<1x128xf32, #tpu.memory_space<vmem>>
      %dma_start3A_2211 = tpu.memref_squeeze %dma_start3A_2210 : memref<1x128xf32, #tpu.memory_space<vmem>> -> memref<128xf32, #tpu.memory_space<vmem>>
      %dma_start3A_2212 = tpu.memref_slice %arg7[%multiple_of3A_2172] : memref<1000000xf32, #tpu.memory_space<hbm>> -> memref<128xf32, #tpu.memory_space<hbm>>
      %dma_start3A_2213 = arith.constant 0 : i32
      %dma_start3A_2214 = tpu.memref_slice %arg14[%dma_start3A_2208, %dma_start3A_2213] : memref<8x128xf32, #tpu.memory_space<vmem>> -> memref<1x128xf32, #tpu.memory_space<vmem>>
      %dma_start3A_2215 = tpu.memref_squeeze %dma_start3A_2214 : memref<1x128xf32, #tpu.memory_space<vmem>> -> memref<128xf32, #tpu.memory_space<vmem>>
      %dma_start3A_2216 = tpu.memref_slice %arg7[%multiple_of3A_2172] : memref<1000000xf32, #tpu.memory_space<hbm>> -> memref<128xf32, #tpu.memory_space<hbm>>
      tpu.enqueue_dma source(%dma_start3A_2216 : memref<128xf32, #tpu.memory_space<hbm>>) target(%dma_start3A_2215 : memref<128xf32, #tpu.memory_space<vmem>>) target_semaphore(%arg25 : memref<!tpu.dma_semaphore, #tpu.memory_space<semaphore_mem>>)
      %get3A_2217 = arith.constant 0 : index
      %get3A_2218 = tpu.vector_load %arg15[%get3A_2217] {strides = array<i32>} : memref<16xf32, #tpu.memory_space<vmem>>, vector<16xf32>,
      %and3A_2219 = arith.constant -16 : i32
      %and3A_2220 = arith.andi %add3A_1108, %and3A_2219 : i32
      %swap3A_2221 = arith.index_cast %and3A_2220 : i32 to index
      %swap3A_2222 = tpu.vector_load %arg16[%swap3A_2221] {strides = array<i32>} : memref<512xf32, #tpu.memory_space<vmem>>, vector<16xf32>,
      tpu.vector_store %arg16[%swap3A_2221], %get3A_2218 {strides = array<i32>} : memref<512xf32, #tpu.memory_space<vmem>>, vector<16xf32>,
    }
    %scan3A_471 = arith.constant 63 : i32
    %get3A_472 = arith.constant 496 : index
    %get3A_473 = tpu.vector_load %arg9[%get3A_472] {strides = array<i32>} : memref<512xi32, #tpu.memory_space<vmem>>, vector<16xi32>,
    %get3A_474 = arith.constant 496 : index
    %get3A_475 = tpu.vector_load %arg10[%get3A_474] {strides = array<i32>} : memref<512xi32, #tpu.memory_space<vmem>>, vector<16xi32>,
    %dma_wait3A = arith.constant 0 : i32
    %dma_wait3A_476 = arith.constant 0 : i32
    %dma_wait3A_477 = tpu.memref_slice %arg4[%dma_wait3A, %dma_wait3A_476] : memref<32x1000000xf32, #tpu.memory_space<hbm>> -> memref<1x8448xf32, #tpu.memory_space<hbm>>
    %dma_wait3A_478 = tpu.memref_squeeze %dma_wait3A_477 : memref<1x8448xf32, #tpu.memory_space<hbm>> -> memref<8448xf32, #tpu.memory_space<hbm>>
    %dma_wait3A_479 = arith.constant 0 : i32
    %dma_wait3A_480 = tpu.memref_slice %arg4[%dma_wait3A, %dma_wait3A_479] : memref<32x1000000xf32, #tpu.memory_space<hbm>> -> memref<1x8448xf32, #tpu.memory_space<hbm>>
    %dma_wait3A_481 = tpu.memref_squeeze %dma_wait3A_480 : memref<1x8448xf32, #tpu.memory_space<hbm>> -> memref<8448xf32, #tpu.memory_space<hbm>>
    tpu.wait_dma2 semaphore(%arg18 : memref<!tpu.dma_semaphore, #tpu.memory_space<semaphore_mem>>) src(%dma_wait3A_481 : memref<8448xf32, #tpu.memory_space<hbm>>) dst(%arg17 : memref<8448xf32, #tpu.memory_space<vmem>>)
    %slice3A_482 = vector.extract_strided_slice %get3A_473 {offsets = [8], sizes = [1], strides = [1]} : vector<16xi32> to vector<1xi32>
    %squeeze3A_483 = vector.extract %slice3A_482[0] : i32 from vector<1xi32>
    %slice3A_484 = vector.extract_strided_slice %get3A_475 {offsets = [8], sizes = [1], strides = [1]} : vector<16xi32> to vector<1xi32>
    %squeeze3A_485 = vector.extract %slice3A_484[0] : i32 from vector<1xi32>
    %and3A = arith.constant 127 : i32
    %and3A_486 = arith.andi %squeeze3A_483, %and3A : i32
    %broadcast_in_dim3A = vector.broadcast %and3A_486 : i32 to vector<16xi32>
    %and3A_487 = arith.constant 127 : i32
    %and3A_488 = arith.andi %squeeze3A_485, %and3A_487 : i32
    %broadcast_in_dim3A_489 = vector.broadcast %and3A_488 : i32 to vector<16xi32>
    %gather3A = arith.constant 0 : i32
    %gather3A_490 = arith.constant 0 : i32
    %gather3A_491 = arith.constant 0 : i32
    %gather3A_492 = tpu.memref_slice %arg11[%gather3A, %gather3A_490, %gather3A_491] : memref<8x32x128xf32, #tpu.memory_space<vmem>> -> memref<1x32x128xf32, #tpu.memory_space<vmem>>
    %gather3A_493 = tpu.memref_squeeze %gather3A_492 : memref<1x32x128xf32, #tpu.memory_space<vmem>> -> memref<32x128xf32, #tpu.memory_space<vmem>>
    %gather3A_494 = tpu.vector_load_idx %gather3A_493[%iota3A, %broadcast_in_dim3A] : memref<32x128xf32, #tpu.memory_space<vmem>>[vector<16xi32>, vector<16xi32>], vector<16xf32>,
    %gather3A_495 = arith.constant 0 : i32
    %gather3A_496 = arith.constant 0 : i32
    %gather3A_497 = arith.constant 0 : i32
    %gather3A_498 = tpu.memref_slice %arg11[%gather3A_495, %gather3A_496, %gather3A_497] : memref<8x32x128xf32, #tpu.memory_space<vmem>> -> memref<1x32x128xf32, #tpu.memory_space<vmem>>
    %gather3A_499 = tpu.memref_squeeze %gather3A_498 : memref<1x32x128xf32, #tpu.memory_space<vmem>> -> memref<32x128xf32, #tpu.memory_space<vmem>>
    %gather3A_500 = tpu.vector_load_idx %gather3A_499[%add3A_5, %broadcast_in_dim3A] : memref<32x128xf32, #tpu.memory_space<vmem>>[vector<16xi32>, vector<16xi32>], vector<16xf32>,
    %gather3A_501 = arith.constant 0 : i32
    %gather3A_502 = arith.constant 0 : i32
    %gather3A_503 = arith.constant 0 : i32
    %gather3A_504 = tpu.memref_slice %arg12[%gather3A_501, %gather3A_502, %gather3A_503] : memref<8x32x128xf32, #tpu.memory_space<vmem>> -> memref<1x32x128xf32, #tpu.memory_space<vmem>>
    %gather3A_505 = tpu.memref_squeeze %gather3A_504 : memref<1x32x128xf32, #tpu.memory_space<vmem>> -> memref<32x128xf32, #tpu.memory_space<vmem>>
    %gather3A_506 = tpu.vector_load_idx %gather3A_505[%iota3A, %broadcast_in_dim3A_489] : memref<32x128xf32, #tpu.memory_space<vmem>>[vector<16xi32>, vector<16xi32>], vector<16xf32>,
    %gather3A_507 = arith.constant 0 : i32
    %gather3A_508 = arith.constant 0 : i32
    %gather3A_509 = arith.constant 0 : i32
    %gather3A_510 = tpu.memref_slice %arg12[%gather3A_507, %gather3A_508, %gather3A_509] : memref<8x32x128xf32, #tpu.memory_space<vmem>> -> memref<1x32x128xf32, #tpu.memory_space<vmem>>
    %gather3A_511 = tpu.memref_squeeze %gather3A_510 : memref<1x32x128xf32, #tpu.memory_space<vmem>> -> memref<32x128xf32, #tpu.memory_space<vmem>>
    %gather3A_512 = tpu.vector_load_idx %gather3A_511[%add3A_5, %broadcast_in_dim3A_489] : memref<32x128xf32, #tpu.memory_space<vmem>>[vector<16xi32>, vector<16xi32>], vector<16xf32>,
    %mul3A_513 = arith.mulf %gather3A_494, %gather3A_506 : vector<16xf32>
    %mul3A_514 = arith.mulf %gather3A_500, %gather3A_512 : vector<16xf32>
    %add3A_515 = arith.addf %mul3A_513, %mul3A_514 : vector<16xf32>
    %reduce_sum3A = arith.constant true
    %reduce_sum3A_516 = vector.broadcast %reduce_sum3A : i1 to vector<16xi1>
    %reduce_sum3A_517 = tpu.scan <sum>, %add3A_515 masked %reduce_sum3A_516 : vector<16xf32>, vector<16xi1> -> vector<16xf32>
    %reduce_sum3A_518 = vector.extract %reduce_sum3A_517[15] : f32 from vector<16xf32>
    %mul3A_519 = arith.constant 0 : i32
    %mul3A_520 = vector.broadcast %mul3A_519 : i32 to vector<16xi32>
    %mul3A_521 = arith.muli %iota3A, %mul3A_520 : vector<16xi32>
    %add3A_522 = arith.constant 0 : i32
    %add3A_523 = vector.broadcast %add3A_522 : i32 to vector<16xi32>
    %add3A_524 = arith.addi %mul3A_521, %add3A_523 : vector<16xi32>
    %gather3A_525 = tpu.vector_load_idx %arg13[%add3A_524, %broadcast_in_dim3A] : memref<8x128xf32, #tpu.memory_space<vmem>>[vector<16xi32>, vector<16xi32>], vector<16xf32>,
    %mul3A_526 = arith.constant 0 : i32
    %mul3A_527 = vector.broadcast %mul3A_526 : i32 to vector<16xi32>
    %mul3A_528 = arith.muli %iota3A, %mul3A_527 : vector<16xi32>
    %add3A_529 = arith.constant 0 : i32
    %add3A_530 = vector.broadcast %add3A_529 : i32 to vector<16xi32>
    %add3A_531 = arith.addi %mul3A_528, %add3A_530 : vector<16xi32>
    %gather3A_532 = tpu.vector_load_idx %arg14[%add3A_531, %broadcast_in_dim3A_489] : memref<8x128xf32, #tpu.memory_space<vmem>>[vector<16xi32>, vector<16xi32>], vector<16xf32>,
    %slice3A_533 = vector.extract_strided_slice %gather3A_525 {offsets = [0], sizes = [1], strides = [1]} : vector<16xf32> to vector<1xf32>
    %squeeze3A_534 = vector.extract %slice3A_533[0] : f32 from vector<1xf32>
    %add3A_535 = arith.addf %reduce_sum3A_518, %squeeze3A_534 : f32
    %slice3A_536 = vector.extract_strided_slice %gather3A_532 {offsets = [0], sizes = [1], strides = [1]} : vector<16xf32> to vector<1xf32>
    %squeeze3A_537 = vector.extract %slice3A_536[0] : f32 from vector<1xf32>
    %add3A_538 = arith.addf %add3A_535, %squeeze3A_537 : f32
    %and3A_539 = arith.constant 504 : i32
    %and3A_540 = arith.constant 15 : i32
    %and3A_541 = arith.andi %and3A_539, %and3A_540 : i32
    %eq3A = vector.broadcast %and3A_541 : i32 to vector<16xi32>
    %eq3A_542 = arith.cmpi eq, %iota3A, %eq3A : vector<16xi32>
    %broadcast_in_dim3A_543 = vector.broadcast %add3A_538 : f32 to vector<16xf32>
    %get3A_544 = arith.constant 0 : index
    %get3A_545 = tpu.vector_load %arg15[%get3A_544] {strides = array<i32>} : memref<16xf32, #tpu.memory_space<vmem>>, vector<16xf32>,
    %select_n3A = arith.select %eq3A_542, %broadcast_in_dim3A_543, %get3A_545 : vector<16xi1>, vector<16xf32>
    %swap3A = arith.constant 0 : index
    %swap3A_546 = tpu.vector_load %arg15[%swap3A] {strides = array<i32>} : memref<16xf32, #tpu.memory_space<vmem>>, vector<16xf32>,
    tpu.vector_store %arg15[%swap3A], %select_n3A {strides = array<i32>} : memref<16xf32, #tpu.memory_space<vmem>>, vector<16xf32>,
    %dma_wait3A_547 = arith.constant 0 : i32
    %dma_wait3A_548 = arith.constant 0 : i32
    %dma_wait3A_549 = tpu.memref_slice %arg4[%dma_wait3A_547, %dma_wait3A_548] : memref<32x1000000xf32, #tpu.memory_space<hbm>> -> memref<1x8448xf32, #tpu.memory_space<hbm>>
    %dma_wait3A_550 = tpu.memref_squeeze %dma_wait3A_549 : memref<1x8448xf32, #tpu.memory_space<hbm>> -> memref<8448xf32, #tpu.memory_space<hbm>>
    %dma_wait3A_551 = arith.constant 0 : i32
    %dma_wait3A_552 = tpu.memref_slice %arg4[%dma_wait3A_547, %dma_wait3A_551] : memref<32x1000000xf32, #tpu.memory_space<hbm>> -> memref<1x8448xf32, #tpu.memory_space<hbm>>
    %dma_wait3A_553 = tpu.memref_squeeze %dma_wait3A_552 : memref<1x8448xf32, #tpu.memory_space<hbm>> -> memref<8448xf32, #tpu.memory_space<hbm>>
    tpu.wait_dma2 semaphore(%arg19 : memref<!tpu.dma_semaphore, #tpu.memory_space<semaphore_mem>>) src(%dma_wait3A_553 : memref<8448xf32, #tpu.memory_space<hbm>>) dst(%arg17 : memref<8448xf32, #tpu.memory_space<vmem>>)
    %slice3A_554 = vector.extract_strided_slice %get3A_473 {offsets = [9], sizes = [1], strides = [1]} : vector<16xi32> to vector<1xi32>
    %squeeze3A_555 = vector.extract %slice3A_554[0] : i32 from vector<1xi32>
    %slice3A_556 = vector.extract_strided_slice %get3A_475 {offsets = [9], sizes = [1], strides = [1]} : vector<16xi32> to vector<1xi32>
    %squeeze3A_557 = vector.extract %slice3A_556[0] : i32 from vector<1xi32>
    %and3A_558 = arith.constant 127 : i32
    %and3A_559 = arith.andi %squeeze3A_555, %and3A_558 : i32
    %broadcast_in_dim3A_560 = vector.broadcast %and3A_559 : i32 to vector<16xi32>
    %and3A_561 = arith.constant 127 : i32
    %and3A_562 = arith.andi %squeeze3A_557, %and3A_561 : i32
    %broadcast_in_dim3A_563 = vector.broadcast %and3A_562 : i32 to vector<16xi32>
    %gather3A_564 = arith.constant 1 : i32
    %gather3A_565 = arith.constant 0 : i32
    %gather3A_566 = arith.constant 0 : i32
    %gather3A_567 = tpu.memref_slice %arg11[%gather3A_564, %gather3A_565, %gather3A_566] : memref<8x32x128xf32, #tpu.memory_space<vmem>> -> memref<1x32x128xf32, #tpu.memory_space<vmem>>
    %gather3A_568 = tpu.memref_squeeze %gather3A_567 : memref<1x32x128xf32, #tpu.memory_space<vmem>> -> memref<32x128xf32, #tpu.memory_space<vmem>>
    %gather3A_569 = tpu.vector_load_idx %gather3A_568[%iota3A, %broadcast_in_dim3A_560] : memref<32x128xf32, #tpu.memory_space<vmem>>[vector<16xi32>, vector<16xi32>], vector<16xf32>,
    %gather3A_570 = arith.constant 1 : i32
    %gather3A_571 = arith.constant 0 : i32
    %gather3A_572 = arith.constant 0 : i32
    %gather3A_573 = tpu.memref_slice %arg11[%gather3A_570, %gather3A_571, %gather3A_572] : memref<8x32x128xf32, #tpu.memory_space<vmem>> -> memref<1x32x128xf32, #tpu.memory_space<vmem>>
    %gather3A_574 = tpu.memref_squeeze %gather3A_573 : memref<1x32x128xf32, #tpu.memory_space<vmem>> -> memref<32x128xf32, #tpu.memory_space<vmem>>
    %gather3A_575 = tpu.vector_load_idx %gather3A_574[%add3A_5, %broadcast_in_dim3A_560] : memref<32x128xf32, #tpu.memory_space<vmem>>[vector<16xi32>, vector<16xi32>], vector<16xf32>,
    %gather3A_576 = arith.constant 1 : i32
    %gather3A_577 = arith.constant 0 : i32
    %gather3A_578 = arith.constant 0 : i32
    %gather3A_579 = tpu.memref_slice %arg12[%gather3A_576, %gather3A_577, %gather3A_578] : memref<8x32x128xf32, #tpu.memory_space<vmem>> -> memref<1x32x128xf32, #tpu.memory_space<vmem>>
    %gather3A_580 = tpu.memref_squeeze %gather3A_579 : memref<1x32x128xf32, #tpu.memory_space<vmem>> -> memref<32x128xf32, #tpu.memory_space<vmem>>
    %gather3A_581 = tpu.vector_load_idx %gather3A_580[%iota3A, %broadcast_in_dim3A_563] : memref<32x128xf32, #tpu.memory_space<vmem>>[vector<16xi32>, vector<16xi32>], vector<16xf32>,
    %gather3A_582 = arith.constant 1 : i32
    %gather3A_583 = arith.constant 0 : i32
    %gather3A_584 = arith.constant 0 : i32
    %gather3A_585 = tpu.memref_slice %arg12[%gather3A_582, %gather3A_583, %gather3A_584] : memref<8x32x128xf32, #tpu.memory_space<vmem>> -> memref<1x32x128xf32, #tpu.memory_space<vmem>>
    %gather3A_586 = tpu.memref_squeeze %gather3A_585 : memref<1x32x128xf32, #tpu.memory_space<vmem>> -> memref<32x128xf32, #tpu.memory_space<vmem>>
    %gather3A_587 = tpu.vector_load_idx %gather3A_586[%add3A_5, %broadcast_in_dim3A_563] : memref<32x128xf32, #tpu.memory_space<vmem>>[vector<16xi32>, vector<16xi32>], vector<16xf32>,
    %mul3A_588 = arith.mulf %gather3A_569, %gather3A_581 : vector<16xf32>
    %mul3A_589 = arith.mulf %gather3A_575, %gather3A_587 : vector<16xf32>
    %add3A_590 = arith.addf %mul3A_588, %mul3A_589 : vector<16xf32>
    %reduce_sum3A_591 = arith.constant true
    %reduce_sum3A_592 = vector.broadcast %reduce_sum3A_591 : i1 to vector<16xi1>
    %reduce_sum3A_593 = tpu.scan <sum>, %add3A_590 masked %reduce_sum3A_592 : vector<16xf32>, vector<16xi1> -> vector<16xf32>
    %reduce_sum3A_594 = vector.extract %reduce_sum3A_593[15] : f32 from vector<16xf32>
    %mul3A_595 = arith.constant 0 : i32
    %mul3A_596 = vector.broadcast %mul3A_595 : i32 to vector<16xi32>
    %mul3A_597 = arith.muli %iota3A, %mul3A_596 : vector<16xi32>
    %add3A_598 = arith.constant 1 : i32
    %add3A_599 = vector.broadcast %add3A_598 : i32 to vector<16xi32>
    %add3A_600 = arith.addi %mul3A_597, %add3A_599 : vector<16xi32>
    %gather3A_601 = tpu.vector_load_idx %arg13[%add3A_600, %broadcast_in_dim3A_560] : memref<8x128xf32, #tpu.memory_space<vmem>>[vector<16xi32>, vector<16xi32>], vector<16xf32>,
    %mul3A_602 = arith.constant 0 : i32
    %mul3A_603 = vector.broadcast %mul3A_602 : i32 to vector<16xi32>
    %mul3A_604 = arith.muli %iota3A, %mul3A_603 : vector<16xi32>
    %add3A_605 = arith.constant 1 : i32
    %add3A_606 = vector.broadcast %add3A_605 : i32 to vector<16xi32>
    %add3A_607 = arith.addi %mul3A_604, %add3A_606 : vector<16xi32>
    %gather3A_608 = tpu.vector_load_idx %arg14[%add3A_607, %broadcast_in_dim3A_563] : memref<8x128xf32, #tpu.memory_space<vmem>>[vector<16xi32>, vector<16xi32>], vector<16xf32>,
    %slice3A_609 = vector.extract_strided_slice %gather3A_601 {offsets = [0], sizes = [1], strides = [1]} : vector<16xf32> to vector<1xf32>
    %squeeze3A_610 = vector.extract %slice3A_609[0] : f32 from vector<1xf32>
    %add3A_611 = arith.addf %reduce_sum3A_594, %squeeze3A_610 : f32
    %slice3A_612 = vector.extract_strided_slice %gather3A_608 {offsets = [0], sizes = [1], strides = [1]} : vector<16xf32> to vector<1xf32>
    %squeeze3A_613 = vector.extract %slice3A_612[0] : f32 from vector<1xf32>
    %add3A_614 = arith.addf %add3A_611, %squeeze3A_613 : f32
    %and3A_615 = arith.constant 505 : i32
    %and3A_616 = arith.constant 15 : i32
    %and3A_617 = arith.andi %and3A_615, %and3A_616 : i32
    %eq3A_618 = vector.broadcast %and3A_617 : i32 to vector<16xi32>
    %eq3A_619 = arith.cmpi eq, %iota3A, %eq3A_618 : vector<16xi32>
    %broadcast_in_dim3A_620 = vector.broadcast %add3A_614 : f32 to vector<16xf32>
    %get3A_621 = arith.constant 0 : index
    %get3A_622 = tpu.vector_load %arg15[%get3A_621] {strides = array<i32>} : memref<16xf32, #tpu.memory_space<vmem>>, vector<16xf32>,
    %select_n3A_623 = arith.select %eq3A_619, %broadcast_in_dim3A_620, %get3A_622 : vector<16xi1>, vector<16xf32>
    %swap3A_624 = arith.constant 0 : index
    %swap3A_625 = tpu.vector_load %arg15[%swap3A_624] {strides = array<i32>} : memref<16xf32, #tpu.memory_space<vmem>>, vector<16xf32>,
    tpu.vector_store %arg15[%swap3A_624], %select_n3A_623 {strides = array<i32>} : memref<16xf32, #tpu.memory_space<vmem>>, vector<16xf32>,
    %dma_wait3A_626 = arith.constant 0 : i32
    %dma_wait3A_627 = arith.constant 0 : i32
    %dma_wait3A_628 = tpu.memref_slice %arg4[%dma_wait3A_626, %dma_wait3A_627] : memref<32x1000000xf32, #tpu.memory_space<hbm>> -> memref<1x8448xf32, #tpu.memory_space<hbm>>
    %dma_wait3A_629 = tpu.memref_squeeze %dma_wait3A_628 : memref<1x8448xf32, #tpu.memory_space<hbm>> -> memref<8448xf32, #tpu.memory_space<hbm>>
    %dma_wait3A_630 = arith.constant 0 : i32
    %dma_wait3A_631 = tpu.memref_slice %arg4[%dma_wait3A_626, %dma_wait3A_630] : memref<32x1000000xf32, #tpu.memory_space<hbm>> -> memref<1x8448xf32, #tpu.memory_space<hbm>>
    %dma_wait3A_632 = tpu.memref_squeeze %dma_wait3A_631 : memref<1x8448xf32, #tpu.memory_space<hbm>> -> memref<8448xf32, #tpu.memory_space<hbm>>
    tpu.wait_dma2 semaphore(%arg20 : memref<!tpu.dma_semaphore, #tpu.memory_space<semaphore_mem>>) src(%dma_wait3A_632 : memref<8448xf32, #tpu.memory_space<hbm>>) dst(%arg17 : memref<8448xf32, #tpu.memory_space<vmem>>)
    %slice3A_633 = vector.extract_strided_slice %get3A_473 {offsets = [10], sizes = [1], strides = [1]} : vector<16xi32> to vector<1xi32>
    %squeeze3A_634 = vector.extract %slice3A_633[0] : i32 from vector<1xi32>
    %slice3A_635 = vector.extract_strided_slice %get3A_475 {offsets = [10], sizes = [1], strides = [1]} : vector<16xi32> to vector<1xi32>
    %squeeze3A_636 = vector.extract %slice3A_635[0] : i32 from vector<1xi32>
    %and3A_637 = arith.constant 127 : i32
    %and3A_638 = arith.andi %squeeze3A_634, %and3A_637 : i32
    %broadcast_in_dim3A_639 = vector.broadcast %and3A_638 : i32 to vector<16xi32>
    %and3A_640 = arith.constant 127 : i32
    %and3A_641 = arith.andi %squeeze3A_636, %and3A_640 : i32
    %broadcast_in_dim3A_642 = vector.broadcast %and3A_641 : i32 to vector<16xi32>
    %gather3A_643 = arith.constant 2 : i32
    %gather3A_644 = arith.constant 0 : i32
    %gather3A_645 = arith.constant 0 : i32
    %gather3A_646 = tpu.memref_slice %arg11[%gather3A_643, %gather3A_644, %gather3A_645] : memref<8x32x128xf32, #tpu.memory_space<vmem>> -> memref<1x32x128xf32, #tpu.memory_space<vmem>>
    %gather3A_647 = tpu.memref_squeeze %gather3A_646 : memref<1x32x128xf32, #tpu.memory_space<vmem>> -> memref<32x128xf32, #tpu.memory_space<vmem>>
    %gather3A_648 = tpu.vector_load_idx %gather3A_647[%iota3A, %broadcast_in_dim3A_639] : memref<32x128xf32, #tpu.memory_space<vmem>>[vector<16xi32>, vector<16xi32>], vector<16xf32>,
    %gather3A_649 = arith.constant 2 : i32
    %gather3A_650 = arith.constant 0 : i32
    %gather3A_651 = arith.constant 0 : i32
    %gather3A_652 = tpu.memref_slice %arg11[%gather3A_649, %gather3A_650, %gather3A_651] : memref<8x32x128xf32, #tpu.memory_space<vmem>> -> memref<1x32x128xf32, #tpu.memory_space<vmem>>
    %gather3A_653 = tpu.memref_squeeze %gather3A_652 : memref<1x32x128xf32, #tpu.memory_space<vmem>> -> memref<32x128xf32, #tpu.memory_space<vmem>>
    %gather3A_654 = tpu.vector_load_idx %gather3A_653[%add3A_5, %broadcast_in_dim3A_639] : memref<32x128xf32, #tpu.memory_space<vmem>>[vector<16xi32>, vector<16xi32>], vector<16xf32>,
    %gather3A_655 = arith.constant 2 : i32
    %gather3A_656 = arith.constant 0 : i32
    %gather3A_657 = arith.constant 0 : i32
    %gather3A_658 = tpu.memref_slice %arg12[%gather3A_655, %gather3A_656, %gather3A_657] : memref<8x32x128xf32, #tpu.memory_space<vmem>> -> memref<1x32x128xf32, #tpu.memory_space<vmem>>
    %gather3A_659 = tpu.memref_squeeze %gather3A_658 : memref<1x32x128xf32, #tpu.memory_space<vmem>> -> memref<32x128xf32, #tpu.memory_space<vmem>>
    %gather3A_660 = tpu.vector_load_idx %gather3A_659[%iota3A, %broadcast_in_dim3A_642] : memref<32x128xf32, #tpu.memory_space<vmem>>[vector<16xi32>, vector<16xi32>], vector<16xf32>,
    %gather3A_661 = arith.constant 2 : i32
    %gather3A_662 = arith.constant 0 : i32
    %gather3A_663 = arith.constant 0 : i32
    %gather3A_664 = tpu.memref_slice %arg12[%gather3A_661, %gather3A_662, %gather3A_663] : memref<8x32x128xf32, #tpu.memory_space<vmem>> -> memref<1x32x128xf32, #tpu.memory_space<vmem>>
    %gather3A_665 = tpu.memref_squeeze %gather3A_664 : memref<1x32x128xf32, #tpu.memory_space<vmem>> -> memref<32x128xf32, #tpu.memory_space<vmem>>
    %gather3A_666 = tpu.vector_load_idx %gather3A_665[%add3A_5, %broadcast_in_dim3A_642] : memref<32x128xf32, #tpu.memory_space<vmem>>[vector<16xi32>, vector<16xi32>], vector<16xf32>,
    %mul3A_667 = arith.mulf %gather3A_648, %gather3A_660 : vector<16xf32>
    %mul3A_668 = arith.mulf %gather3A_654, %gather3A_666 : vector<16xf32>
    %add3A_669 = arith.addf %mul3A_667, %mul3A_668 : vector<16xf32>
    %reduce_sum3A_670 = arith.constant true
    %reduce_sum3A_671 = vector.broadcast %reduce_sum3A_670 : i1 to vector<16xi1>
    %reduce_sum3A_672 = tpu.scan <sum>, %add3A_669 masked %reduce_sum3A_671 : vector<16xf32>, vector<16xi1> -> vector<16xf32>
    %reduce_sum3A_673 = vector.extract %reduce_sum3A_672[15] : f32 from vector<16xf32>
    %mul3A_674 = arith.constant 0 : i32
    %mul3A_675 = vector.broadcast %mul3A_674 : i32 to vector<16xi32>
    %mul3A_676 = arith.muli %iota3A, %mul3A_675 : vector<16xi32>
    %add3A_677 = arith.constant 2 : i32
    %add3A_678 = vector.broadcast %add3A_677 : i32 to vector<16xi32>
    %add3A_679 = arith.addi %mul3A_676, %add3A_678 : vector<16xi32>
    %gather3A_680 = tpu.vector_load_idx %arg13[%add3A_679, %broadcast_in_dim3A_639] : memref<8x128xf32, #tpu.memory_space<vmem>>[vector<16xi32>, vector<16xi32>], vector<16xf32>,
    %mul3A_681 = arith.constant 0 : i32
    %mul3A_682 = vector.broadcast %mul3A_681 : i32 to vector<16xi32>
    %mul3A_683 = arith.muli %iota3A, %mul3A_682 : vector<16xi32>
    %add3A_684 = arith.constant 2 : i32
    %add3A_685 = vector.broadcast %add3A_684 : i32 to vector<16xi32>
    %add3A_686 = arith.addi %mul3A_683, %add3A_685 : vector<16xi32>
    %gather3A_687 = tpu.vector_load_idx %arg14[%add3A_686, %broadcast_in_dim3A_642] : memref<8x128xf32, #tpu.memory_space<vmem>>[vector<16xi32>, vector<16xi32>], vector<16xf32>,
    %slice3A_688 = vector.extract_strided_slice %gather3A_680 {offsets = [0], sizes = [1], strides = [1]} : vector<16xf32> to vector<1xf32>
    %squeeze3A_689 = vector.extract %slice3A_688[0] : f32 from vector<1xf32>
    %add3A_690 = arith.addf %reduce_sum3A_673, %squeeze3A_689 : f32
    %slice3A_691 = vector.extract_strided_slice %gather3A_687 {offsets = [0], sizes = [1], strides = [1]} : vector<16xf32> to vector<1xf32>
    %squeeze3A_692 = vector.extract %slice3A_691[0] : f32 from vector<1xf32>
    %add3A_693 = arith.addf %add3A_690, %squeeze3A_692 : f32
    %and3A_694 = arith.constant 506 : i32
    %and3A_695 = arith.constant 15 : i32
    %and3A_696 = arith.andi %and3A_694, %and3A_695 : i32
    %eq3A_697 = vector.broadcast %and3A_696 : i32 to vector<16xi32>
    %eq3A_698 = arith.cmpi eq, %iota3A, %eq3A_697 : vector<16xi32>
    %broadcast_in_dim3A_699 = vector.broadcast %add3A_693 : f32 to vector<16xf32>
    %get3A_700 = arith.constant 0 : index
    %get3A_701 = tpu.vector_load %arg15[%get3A_700] {strides = array<i32>} : memref<16xf32, #tpu.memory_space<vmem>>, vector<16xf32>,
    %select_n3A_702 = arith.select %eq3A_698, %broadcast_in_dim3A_699, %get3A_701 : vector<16xi1>, vector<16xf32>
    %swap3A_703 = arith.constant 0 : index
    %swap3A_704 = tpu.vector_load %arg15[%swap3A_703] {strides = array<i32>} : memref<16xf32, #tpu.memory_space<vmem>>, vector<16xf32>,
    tpu.vector_store %arg15[%swap3A_703], %select_n3A_702 {strides = array<i32>} : memref<16xf32, #tpu.memory_space<vmem>>, vector<16xf32>,
    %dma_wait3A_705 = arith.constant 0 : i32
    %dma_wait3A_706 = arith.constant 0 : i32
    %dma_wait3A_707 = tpu.memref_slice %arg4[%dma_wait3A_705, %dma_wait3A_706] : memref<32x1000000xf32, #tpu.memory_space<hbm>> -> memref<1x8448xf32, #tpu.memory_space<hbm>>
    %dma_wait3A_708 = tpu.memref_squeeze %dma_wait3A_707 : memref<1x8448xf32, #tpu.memory_space<hbm>> -> memref<8448xf32, #tpu.memory_space<hbm>>
    %dma_wait3A_709 = arith.constant 0 : i32
    %dma_wait3A_710 = tpu.memref_slice %arg4[%dma_wait3A_705, %dma_wait3A_709] : memref<32x1000000xf32, #tpu.memory_space<hbm>> -> memref<1x8448xf32, #tpu.memory_space<hbm>>
    %dma_wait3A_711 = tpu.memref_squeeze %dma_wait3A_710 : memref<1x8448xf32, #tpu.memory_space<hbm>> -> memref<8448xf32, #tpu.memory_space<hbm>>
    tpu.wait_dma2 semaphore(%arg21 : memref<!tpu.dma_semaphore, #tpu.memory_space<semaphore_mem>>) src(%dma_wait3A_711 : memref<8448xf32, #tpu.memory_space<hbm>>) dst(%arg17 : memref<8448xf32, #tpu.memory_space<vmem>>)
    %slice3A_712 = vector.extract_strided_slice %get3A_473 {offsets = [11], sizes = [1], strides = [1]} : vector<16xi32> to vector<1xi32>
    %squeeze3A_713 = vector.extract %slice3A_712[0] : i32 from vector<1xi32>
    %slice3A_714 = vector.extract_strided_slice %get3A_475 {offsets = [11], sizes = [1], strides = [1]} : vector<16xi32> to vector<1xi32>
    %squeeze3A_715 = vector.extract %slice3A_714[0] : i32 from vector<1xi32>
    %and3A_716 = arith.constant 127 : i32
    %and3A_717 = arith.andi %squeeze3A_713, %and3A_716 : i32
    %broadcast_in_dim3A_718 = vector.broadcast %and3A_717 : i32 to vector<16xi32>
    %and3A_719 = arith.constant 127 : i32
    %and3A_720 = arith.andi %squeeze3A_715, %and3A_719 : i32
    %broadcast_in_dim3A_721 = vector.broadcast %and3A_720 : i32 to vector<16xi32>
    %gather3A_722 = arith.constant 3 : i32
    %gather3A_723 = arith.constant 0 : i32
    %gather3A_724 = arith.constant 0 : i32
    %gather3A_725 = tpu.memref_slice %arg11[%gather3A_722, %gather3A_723, %gather3A_724] : memref<8x32x128xf32, #tpu.memory_space<vmem>> -> memref<1x32x128xf32, #tpu.memory_space<vmem>>
    %gather3A_726 = tpu.memref_squeeze %gather3A_725 : memref<1x32x128xf32, #tpu.memory_space<vmem>> -> memref<32x128xf32, #tpu.memory_space<vmem>>
    %gather3A_727 = tpu.vector_load_idx %gather3A_726[%iota3A, %broadcast_in_dim3A_718] : memref<32x128xf32, #tpu.memory_space<vmem>>[vector<16xi32>, vector<16xi32>], vector<16xf32>,
    %gather3A_728 = arith.constant 3 : i32
    %gather3A_729 = arith.constant 0 : i32
    %gather3A_730 = arith.constant 0 : i32
    %gather3A_731 = tpu.memref_slice %arg11[%gather3A_728, %gather3A_729, %gather3A_730] : memref<8x32x128xf32, #tpu.memory_space<vmem>> -> memref<1x32x128xf32, #tpu.memory_space<vmem>>
    %gather3A_732 = tpu.memref_squeeze %gather3A_731 : memref<1x32x128xf32, #tpu.memory_space<vmem>> -> memref<32x128xf32, #tpu.memory_space<vmem>>
    %gather3A_733 = tpu.vector_load_idx %gather3A_732[%add3A_5, %broadcast_in_dim3A_718] : memref<32x128xf32, #tpu.memory_space<vmem>>[vector<16xi32>, vector<16xi32>], vector<16xf32>,
    %gather3A_734 = arith.constant 3 : i32
    %gather3A_735 = arith.constant 0 : i32
    %gather3A_736 = arith.constant 0 : i32
    %gather3A_737 = tpu.memref_slice %arg12[%gather3A_734, %gather3A_735, %gather3A_736] : memref<8x32x128xf32, #tpu.memory_space<vmem>> -> memref<1x32x128xf32, #tpu.memory_space<vmem>>
    %gather3A_738 = tpu.memref_squeeze %gather3A_737 : memref<1x32x128xf32, #tpu.memory_space<vmem>> -> memref<32x128xf32, #tpu.memory_space<vmem>>
    %gather3A_739 = tpu.vector_load_idx %gather3A_738[%iota3A, %broadcast_in_dim3A_721] : memref<32x128xf32, #tpu.memory_space<vmem>>[vector<16xi32>, vector<16xi32>], vector<16xf32>,
    %gather3A_740 = arith.constant 3 : i32
    %gather3A_741 = arith.constant 0 : i32
    %gather3A_742 = arith.constant 0 : i32
    %gather3A_743 = tpu.memref_slice %arg12[%gather3A_740, %gather3A_741, %gather3A_742] : memref<8x32x128xf32, #tpu.memory_space<vmem>> -> memref<1x32x128xf32, #tpu.memory_space<vmem>>
    %gather3A_744 = tpu.memref_squeeze %gather3A_743 : memref<1x32x128xf32, #tpu.memory_space<vmem>> -> memref<32x128xf32, #tpu.memory_space<vmem>>
    %gather3A_745 = tpu.vector_load_idx %gather3A_744[%add3A_5, %broadcast_in_dim3A_721] : memref<32x128xf32, #tpu.memory_space<vmem>>[vector<16xi32>, vector<16xi32>], vector<16xf32>,
    %mul3A_746 = arith.mulf %gather3A_727, %gather3A_739 : vector<16xf32>
    %mul3A_747 = arith.mulf %gather3A_733, %gather3A_745 : vector<16xf32>
    %add3A_748 = arith.addf %mul3A_746, %mul3A_747 : vector<16xf32>
    %reduce_sum3A_749 = arith.constant true
    %reduce_sum3A_750 = vector.broadcast %reduce_sum3A_749 : i1 to vector<16xi1>
    %reduce_sum3A_751 = tpu.scan <sum>, %add3A_748 masked %reduce_sum3A_750 : vector<16xf32>, vector<16xi1> -> vector<16xf32>
    %reduce_sum3A_752 = vector.extract %reduce_sum3A_751[15] : f32 from vector<16xf32>
    %mul3A_753 = arith.constant 0 : i32
    %mul3A_754 = vector.broadcast %mul3A_753 : i32 to vector<16xi32>
    %mul3A_755 = arith.muli %iota3A, %mul3A_754 : vector<16xi32>
    %add3A_756 = arith.constant 3 : i32
    %add3A_757 = vector.broadcast %add3A_756 : i32 to vector<16xi32>
    %add3A_758 = arith.addi %mul3A_755, %add3A_757 : vector<16xi32>
    %gather3A_759 = tpu.vector_load_idx %arg13[%add3A_758, %broadcast_in_dim3A_718] : memref<8x128xf32, #tpu.memory_space<vmem>>[vector<16xi32>, vector<16xi32>], vector<16xf32>,
    %mul3A_760 = arith.constant 0 : i32
    %mul3A_761 = vector.broadcast %mul3A_760 : i32 to vector<16xi32>
    %mul3A_762 = arith.muli %iota3A, %mul3A_761 : vector<16xi32>
    %add3A_763 = arith.constant 3 : i32
    %add3A_764 = vector.broadcast %add3A_763 : i32 to vector<16xi32>
    %add3A_765 = arith.addi %mul3A_762, %add3A_764 : vector<16xi32>
    %gather3A_766 = tpu.vector_load_idx %arg14[%add3A_765, %broadcast_in_dim3A_721] : memref<8x128xf32, #tpu.memory_space<vmem>>[vector<16xi32>, vector<16xi32>], vector<16xf32>,
    %slice3A_767 = vector.extract_strided_slice %gather3A_759 {offsets = [0], sizes = [1], strides = [1]} : vector<16xf32> to vector<1xf32>
    %squeeze3A_768 = vector.extract %slice3A_767[0] : f32 from vector<1xf32>
    %add3A_769 = arith.addf %reduce_sum3A_752, %squeeze3A_768 : f32
    %slice3A_770 = vector.extract_strided_slice %gather3A_766 {offsets = [0], sizes = [1], strides = [1]} : vector<16xf32> to vector<1xf32>
    %squeeze3A_771 = vector.extract %slice3A_770[0] : f32 from vector<1xf32>
    %add3A_772 = arith.addf %add3A_769, %squeeze3A_771 : f32
    %and3A_773 = arith.constant 507 : i32
    %and3A_774 = arith.constant 15 : i32
    %and3A_775 = arith.andi %and3A_773, %and3A_774 : i32
    %eq3A_776 = vector.broadcast %and3A_775 : i32 to vector<16xi32>
    %eq3A_777 = arith.cmpi eq, %iota3A, %eq3A_776 : vector<16xi32>
    %broadcast_in_dim3A_778 = vector.broadcast %add3A_772 : f32 to vector<16xf32>
    %get3A_779 = arith.constant 0 : index
    %get3A_780 = tpu.vector_load %arg15[%get3A_779] {strides = array<i32>} : memref<16xf32, #tpu.memory_space<vmem>>, vector<16xf32>,
    %select_n3A_781 = arith.select %eq3A_777, %broadcast_in_dim3A_778, %get3A_780 : vector<16xi1>, vector<16xf32>
    %swap3A_782 = arith.constant 0 : index
    %swap3A_783 = tpu.vector_load %arg15[%swap3A_782] {strides = array<i32>} : memref<16xf32, #tpu.memory_space<vmem>>, vector<16xf32>,
    tpu.vector_store %arg15[%swap3A_782], %select_n3A_781 {strides = array<i32>} : memref<16xf32, #tpu.memory_space<vmem>>, vector<16xf32>,
    %dma_wait3A_784 = arith.constant 0 : i32
    %dma_wait3A_785 = arith.constant 0 : i32
    %dma_wait3A_786 = tpu.memref_slice %arg4[%dma_wait3A_784, %dma_wait3A_785] : memref<32x1000000xf32, #tpu.memory_space<hbm>> -> memref<1x8448xf32, #tpu.memory_space<hbm>>
    %dma_wait3A_787 = tpu.memref_squeeze %dma_wait3A_786 : memref<1x8448xf32, #tpu.memory_space<hbm>> -> memref<8448xf32, #tpu.memory_space<hbm>>
    %dma_wait3A_788 = arith.constant 0 : i32
    %dma_wait3A_789 = tpu.memref_slice %arg4[%dma_wait3A_784, %dma_wait3A_788] : memref<32x1000000xf32, #tpu.memory_space<hbm>> -> memref<1x8448xf32, #tpu.memory_space<hbm>>
    %dma_wait3A_790 = tpu.memref_squeeze %dma_wait3A_789 : memref<1x8448xf32, #tpu.memory_space<hbm>> -> memref<8448xf32, #tpu.memory_space<hbm>>
    tpu.wait_dma2 semaphore(%arg22 : memref<!tpu.dma_semaphore, #tpu.memory_space<semaphore_mem>>) src(%dma_wait3A_790 : memref<8448xf32, #tpu.memory_space<hbm>>) dst(%arg17 : memref<8448xf32, #tpu.memory_space<vmem>>)
    %slice3A_791 = vector.extract_strided_slice %get3A_473 {offsets = [12], sizes = [1], strides = [1]} : vector<16xi32> to vector<1xi32>
    %squeeze3A_792 = vector.extract %slice3A_791[0] : i32 from vector<1xi32>
    %slice3A_793 = vector.extract_strided_slice %get3A_475 {offsets = [12], sizes = [1], strides = [1]} : vector<16xi32> to vector<1xi32>
    %squeeze3A_794 = vector.extract %slice3A_793[0] : i32 from vector<1xi32>
    %and3A_795 = arith.constant 127 : i32
    %and3A_796 = arith.andi %squeeze3A_792, %and3A_795 : i32
    %broadcast_in_dim3A_797 = vector.broadcast %and3A_796 : i32 to vector<16xi32>
    %and3A_798 = arith.constant 127 : i32
    %and3A_799 = arith.andi %squeeze3A_794, %and3A_798 : i32
    %broadcast_in_dim3A_800 = vector.broadcast %and3A_799 : i32 to vector<16xi32>
    %gather3A_801 = arith.constant 4 : i32
    %gather3A_802 = arith.constant 0 : i32
    %gather3A_803 = arith.constant 0 : i32
    %gather3A_804 = tpu.memref_slice %arg11[%gather3A_801, %gather3A_802, %gather3A_803] : memref<8x32x128xf32, #tpu.memory_space<vmem>> -> memref<1x32x128xf32, #tpu.memory_space<vmem>>
    %gather3A_805 = tpu.memref_squeeze %gather3A_804 : memref<1x32x128xf32, #tpu.memory_space<vmem>> -> memref<32x128xf32, #tpu.memory_space<vmem>>
    %gather3A_806 = tpu.vector_load_idx %gather3A_805[%iota3A, %broadcast_in_dim3A_797] : memref<32x128xf32, #tpu.memory_space<vmem>>[vector<16xi32>, vector<16xi32>], vector<16xf32>,
    %gather3A_807 = arith.constant 4 : i32
    %gather3A_808 = arith.constant 0 : i32
    %gather3A_809 = arith.constant 0 : i32
    %gather3A_810 = tpu.memref_slice %arg11[%gather3A_807, %gather3A_808, %gather3A_809] : memref<8x32x128xf32, #tpu.memory_space<vmem>> -> memref<1x32x128xf32, #tpu.memory_space<vmem>>
    %gather3A_811 = tpu.memref_squeeze %gather3A_810 : memref<1x32x128xf32, #tpu.memory_space<vmem>> -> memref<32x128xf32, #tpu.memory_space<vmem>>
    %gather3A_812 = tpu.vector_load_idx %gather3A_811[%add3A_5, %broadcast_in_dim3A_797] : memref<32x128xf32, #tpu.memory_space<vmem>>[vector<16xi32>, vector<16xi32>], vector<16xf32>,
    %gather3A_813 = arith.constant 4 : i32
    %gather3A_814 = arith.constant 0 : i32
    %gather3A_815 = arith.constant 0 : i32
    %gather3A_816 = tpu.memref_slice %arg12[%gather3A_813, %gather3A_814, %gather3A_815] : memref<8x32x128xf32, #tpu.memory_space<vmem>> -> memref<1x32x128xf32, #tpu.memory_space<vmem>>
    %gather3A_817 = tpu.memref_squeeze %gather3A_816 : memref<1x32x128xf32, #tpu.memory_space<vmem>> -> memref<32x128xf32, #tpu.memory_space<vmem>>
    %gather3A_818 = tpu.vector_load_idx %gather3A_817[%iota3A, %broadcast_in_dim3A_800] : memref<32x128xf32, #tpu.memory_space<vmem>>[vector<16xi32>, vector<16xi32>], vector<16xf32>,
    %gather3A_819 = arith.constant 4 : i32
    %gather3A_820 = arith.constant 0 : i32
    %gather3A_821 = arith.constant 0 : i32
    %gather3A_822 = tpu.memref_slice %arg12[%gather3A_819, %gather3A_820, %gather3A_821] : memref<8x32x128xf32, #tpu.memory_space<vmem>> -> memref<1x32x128xf32, #tpu.memory_space<vmem>>
    %gather3A_823 = tpu.memref_squeeze %gather3A_822 : memref<1x32x128xf32, #tpu.memory_space<vmem>> -> memref<32x128xf32, #tpu.memory_space<vmem>>
    %gather3A_824 = tpu.vector_load_idx %gather3A_823[%add3A_5, %broadcast_in_dim3A_800] : memref<32x128xf32, #tpu.memory_space<vmem>>[vector<16xi32>, vector<16xi32>], vector<16xf32>,
    %mul3A_825 = arith.mulf %gather3A_806, %gather3A_818 : vector<16xf32>
    %mul3A_826 = arith.mulf %gather3A_812, %gather3A_824 : vector<16xf32>
    %add3A_827 = arith.addf %mul3A_825, %mul3A_826 : vector<16xf32>
    %reduce_sum3A_828 = arith.constant true
    %reduce_sum3A_829 = vector.broadcast %reduce_sum3A_828 : i1 to vector<16xi1>
    %reduce_sum3A_830 = tpu.scan <sum>, %add3A_827 masked %reduce_sum3A_829 : vector<16xf32>, vector<16xi1> -> vector<16xf32>
    %reduce_sum3A_831 = vector.extract %reduce_sum3A_830[15] : f32 from vector<16xf32>
    %mul3A_832 = arith.constant 0 : i32
    %mul3A_833 = vector.broadcast %mul3A_832 : i32 to vector<16xi32>
    %mul3A_834 = arith.muli %iota3A, %mul3A_833 : vector<16xi32>
    %add3A_835 = arith.constant 4 : i32
    %add3A_836 = vector.broadcast %add3A_835 : i32 to vector<16xi32>
    %add3A_837 = arith.addi %mul3A_834, %add3A_836 : vector<16xi32>
    %gather3A_838 = tpu.vector_load_idx %arg13[%add3A_837, %broadcast_in_dim3A_797] : memref<8x128xf32, #tpu.memory_space<vmem>>[vector<16xi32>, vector<16xi32>], vector<16xf32>,
    %mul3A_839 = arith.constant 0 : i32
    %mul3A_840 = vector.broadcast %mul3A_839 : i32 to vector<16xi32>
    %mul3A_841 = arith.muli %iota3A, %mul3A_840 : vector<16xi32>
    %add3A_842 = arith.constant 4 : i32
    %add3A_843 = vector.broadcast %add3A_842 : i32 to vector<16xi32>
    %add3A_844 = arith.addi %mul3A_841, %add3A_843 : vector<16xi32>
    %gather3A_845 = tpu.vector_load_idx %arg14[%add3A_844, %broadcast_in_dim3A_800] : memref<8x128xf32, #tpu.memory_space<vmem>>[vector<16xi32>, vector<16xi32>], vector<16xf32>,
    %slice3A_846 = vector.extract_strided_slice %gather3A_838 {offsets = [0], sizes = [1], strides = [1]} : vector<16xf32> to vector<1xf32>
    %squeeze3A_847 = vector.extract %slice3A_846[0] : f32 from vector<1xf32>
    %add3A_848 = arith.addf %reduce_sum3A_831, %squeeze3A_847 : f32
    %slice3A_849 = vector.extract_strided_slice %gather3A_845 {offsets = [0], sizes = [1], strides = [1]} : vector<16xf32> to vector<1xf32>
    %squeeze3A_850 = vector.extract %slice3A_849[0] : f32 from vector<1xf32>
    %add3A_851 = arith.addf %add3A_848, %squeeze3A_850 : f32
    %and3A_852 = arith.constant 508 : i32
    %and3A_853 = arith.constant 15 : i32
    %and3A_854 = arith.andi %and3A_852, %and3A_853 : i32
    %eq3A_855 = vector.broadcast %and3A_854 : i32 to vector<16xi32>
    %eq3A_856 = arith.cmpi eq, %iota3A, %eq3A_855 : vector<16xi32>
    %broadcast_in_dim3A_857 = vector.broadcast %add3A_851 : f32 to vector<16xf32>
    %get3A_858 = arith.constant 0 : index
    %get3A_859 = tpu.vector_load %arg15[%get3A_858] {strides = array<i32>} : memref<16xf32, #tpu.memory_space<vmem>>, vector<16xf32>,
    %select_n3A_860 = arith.select %eq3A_856, %broadcast_in_dim3A_857, %get3A_859 : vector<16xi1>, vector<16xf32>
    %swap3A_861 = arith.constant 0 : index
    %swap3A_862 = tpu.vector_load %arg15[%swap3A_861] {strides = array<i32>} : memref<16xf32, #tpu.memory_space<vmem>>, vector<16xf32>,
    tpu.vector_store %arg15[%swap3A_861], %select_n3A_860 {strides = array<i32>} : memref<16xf32, #tpu.memory_space<vmem>>, vector<16xf32>,
    %dma_wait3A_863 = arith.constant 0 : i32
    %dma_wait3A_864 = arith.constant 0 : i32
    %dma_wait3A_865 = tpu.memref_slice %arg4[%dma_wait3A_863, %dma_wait3A_864] : memref<32x1000000xf32, #tpu.memory_space<hbm>> -> memref<1x8448xf32, #tpu.memory_space<hbm>>
    %dma_wait3A_866 = tpu.memref_squeeze %dma_wait3A_865 : memref<1x8448xf32, #tpu.memory_space<hbm>> -> memref<8448xf32, #tpu.memory_space<hbm>>
    %dma_wait3A_867 = arith.constant 0 : i32
    %dma_wait3A_868 = tpu.memref_slice %arg4[%dma_wait3A_863, %dma_wait3A_867] : memref<32x1000000xf32, #tpu.memory_space<hbm>> -> memref<1x8448xf32, #tpu.memory_space<hbm>>
    %dma_wait3A_869 = tpu.memref_squeeze %dma_wait3A_868 : memref<1x8448xf32, #tpu.memory_space<hbm>> -> memref<8448xf32, #tpu.memory_space<hbm>>
    tpu.wait_dma2 semaphore(%arg23 : memref<!tpu.dma_semaphore, #tpu.memory_space<semaphore_mem>>) src(%dma_wait3A_869 : memref<8448xf32, #tpu.memory_space<hbm>>) dst(%arg17 : memref<8448xf32, #tpu.memory_space<vmem>>)
    %slice3A_870 = vector.extract_strided_slice %get3A_473 {offsets = [13], sizes = [1], strides = [1]} : vector<16xi32> to vector<1xi32>
    %squeeze3A_871 = vector.extract %slice3A_870[0] : i32 from vector<1xi32>
    %slice3A_872 = vector.extract_strided_slice %get3A_475 {offsets = [13], sizes = [1], strides = [1]} : vector<16xi32> to vector<1xi32>
    %squeeze3A_873 = vector.extract %slice3A_872[0] : i32 from vector<1xi32>
    %and3A_874 = arith.constant 127 : i32
    %and3A_875 = arith.andi %squeeze3A_871, %and3A_874 : i32
    %broadcast_in_dim3A_876 = vector.broadcast %and3A_875 : i32 to vector<16xi32>
    %and3A_877 = arith.constant 127 : i32
    %and3A_878 = arith.andi %squeeze3A_873, %and3A_877 : i32
    %broadcast_in_dim3A_879 = vector.broadcast %and3A_878 : i32 to vector<16xi32>
    %gather3A_880 = arith.constant 5 : i32
    %gather3A_881 = arith.constant 0 : i32
    %gather3A_882 = arith.constant 0 : i32
    %gather3A_883 = tpu.memref_slice %arg11[%gather3A_880, %gather3A_881, %gather3A_882] : memref<8x32x128xf32, #tpu.memory_space<vmem>> -> memref<1x32x128xf32, #tpu.memory_space<vmem>>
    %gather3A_884 = tpu.memref_squeeze %gather3A_883 : memref<1x32x128xf32, #tpu.memory_space<vmem>> -> memref<32x128xf32, #tpu.memory_space<vmem>>
    %gather3A_885 = tpu.vector_load_idx %gather3A_884[%iota3A, %broadcast_in_dim3A_876] : memref<32x128xf32, #tpu.memory_space<vmem>>[vector<16xi32>, vector<16xi32>], vector<16xf32>,
    %gather3A_886 = arith.constant 5 : i32
    %gather3A_887 = arith.constant 0 : i32
    %gather3A_888 = arith.constant 0 : i32
    %gather3A_889 = tpu.memref_slice %arg11[%gather3A_886, %gather3A_887, %gather3A_888] : memref<8x32x128xf32, #tpu.memory_space<vmem>> -> memref<1x32x128xf32, #tpu.memory_space<vmem>>
    %gather3A_890 = tpu.memref_squeeze %gather3A_889 : memref<1x32x128xf32, #tpu.memory_space<vmem>> -> memref<32x128xf32, #tpu.memory_space<vmem>>
    %gather3A_891 = tpu.vector_load_idx %gather3A_890[%add3A_5, %broadcast_in_dim3A_876] : memref<32x128xf32, #tpu.memory_space<vmem>>[vector<16xi32>, vector<16xi32>], vector<16xf32>,
    %gather3A_892 = arith.constant 5 : i32
    %gather3A_893 = arith.constant 0 : i32
    %gather3A_894 = arith.constant 0 : i32
    %gather3A_895 = tpu.memref_slice %arg12[%gather3A_892, %gather3A_893, %gather3A_894] : memref<8x32x128xf32, #tpu.memory_space<vmem>> -> memref<1x32x128xf32, #tpu.memory_space<vmem>>
    %gather3A_896 = tpu.memref_squeeze %gather3A_895 : memref<1x32x128xf32, #tpu.memory_space<vmem>> -> memref<32x128xf32, #tpu.memory_space<vmem>>
    %gather3A_897 = tpu.vector_load_idx %gather3A_896[%iota3A, %broadcast_in_dim3A_879] : memref<32x128xf32, #tpu.memory_space<vmem>>[vector<16xi32>, vector<16xi32>], vector<16xf32>,
    %gather3A_898 = arith.constant 5 : i32
    %gather3A_899 = arith.constant 0 : i32
    %gather3A_900 = arith.constant 0 : i32
    %gather3A_901 = tpu.memref_slice %arg12[%gather3A_898, %gather3A_899, %gather3A_900] : memref<8x32x128xf32, #tpu.memory_space<vmem>> -> memref<1x32x128xf32, #tpu.memory_space<vmem>>
    %gather3A_902 = tpu.memref_squeeze %gather3A_901 : memref<1x32x128xf32, #tpu.memory_space<vmem>> -> memref<32x128xf32, #tpu.memory_space<vmem>>
    %gather3A_903 = tpu.vector_load_idx %gather3A_902[%add3A_5, %broadcast_in_dim3A_879] : memref<32x128xf32, #tpu.memory_space<vmem>>[vector<16xi32>, vector<16xi32>], vector<16xf32>,
    %mul3A_904 = arith.mulf %gather3A_885, %gather3A_897 : vector<16xf32>
    %mul3A_905 = arith.mulf %gather3A_891, %gather3A_903 : vector<16xf32>
    %add3A_906 = arith.addf %mul3A_904, %mul3A_905 : vector<16xf32>
    %reduce_sum3A_907 = arith.constant true
    %reduce_sum3A_908 = vector.broadcast %reduce_sum3A_907 : i1 to vector<16xi1>
    %reduce_sum3A_909 = tpu.scan <sum>, %add3A_906 masked %reduce_sum3A_908 : vector<16xf32>, vector<16xi1> -> vector<16xf32>
    %reduce_sum3A_910 = vector.extract %reduce_sum3A_909[15] : f32 from vector<16xf32>
    %mul3A_911 = arith.constant 0 : i32
    %mul3A_912 = vector.broadcast %mul3A_911 : i32 to vector<16xi32>
    %mul3A_913 = arith.muli %iota3A, %mul3A_912 : vector<16xi32>
    %add3A_914 = arith.constant 5 : i32
    %add3A_915 = vector.broadcast %add3A_914 : i32 to vector<16xi32>
    %add3A_916 = arith.addi %mul3A_913, %add3A_915 : vector<16xi32>
    %gather3A_917 = tpu.vector_load_idx %arg13[%add3A_916, %broadcast_in_dim3A_876] : memref<8x128xf32, #tpu.memory_space<vmem>>[vector<16xi32>, vector<16xi32>], vector<16xf32>,
    %mul3A_918 = arith.constant 0 : i32
    %mul3A_919 = vector.broadcast %mul3A_918 : i32 to vector<16xi32>
    %mul3A_920 = arith.muli %iota3A, %mul3A_919 : vector<16xi32>
    %add3A_921 = arith.constant 5 : i32
    %add3A_922 = vector.broadcast %add3A_921 : i32 to vector<16xi32>
    %add3A_923 = arith.addi %mul3A_920, %add3A_922 : vector<16xi32>
    %gather3A_924 = tpu.vector_load_idx %arg14[%add3A_923, %broadcast_in_dim3A_879] : memref<8x128xf32, #tpu.memory_space<vmem>>[vector<16xi32>, vector<16xi32>], vector<16xf32>,
    %slice3A_925 = vector.extract_strided_slice %gather3A_917 {offsets = [0], sizes = [1], strides = [1]} : vector<16xf32> to vector<1xf32>
    %squeeze3A_926 = vector.extract %slice3A_925[0] : f32 from vector<1xf32>
    %add3A_927 = arith.addf %reduce_sum3A_910, %squeeze3A_926 : f32
    %slice3A_928 = vector.extract_strided_slice %gather3A_924 {offsets = [0], sizes = [1], strides = [1]} : vector<16xf32> to vector<1xf32>
    %squeeze3A_929 = vector.extract %slice3A_928[0] : f32 from vector<1xf32>
    %add3A_930 = arith.addf %add3A_927, %squeeze3A_929 : f32
    %and3A_931 = arith.constant 509 : i32
    %and3A_932 = arith.constant 15 : i32
    %and3A_933 = arith.andi %and3A_931, %and3A_932 : i32
    %eq3A_934 = vector.broadcast %and3A_933 : i32 to vector<16xi32>
    %eq3A_935 = arith.cmpi eq, %iota3A, %eq3A_934 : vector<16xi32>
    %broadcast_in_dim3A_936 = vector.broadcast %add3A_930 : f32 to vector<16xf32>
    %get3A_937 = arith.constant 0 : index
    %get3A_938 = tpu.vector_load %arg15[%get3A_937] {strides = array<i32>} : memref<16xf32, #tpu.memory_space<vmem>>, vector<16xf32>,
    %select_n3A_939 = arith.select %eq3A_935, %broadcast_in_dim3A_936, %get3A_938 : vector<16xi1>, vector<16xf32>
    %swap3A_940 = arith.constant 0 : index
    %swap3A_941 = tpu.vector_load %arg15[%swap3A_940] {strides = array<i32>} : memref<16xf32, #tpu.memory_space<vmem>>, vector<16xf32>,
    tpu.vector_store %arg15[%swap3A_940], %select_n3A_939 {strides = array<i32>} : memref<16xf32, #tpu.memory_space<vmem>>, vector<16xf32>,
    %dma_wait3A_942 = arith.constant 0 : i32
    %dma_wait3A_943 = arith.constant 0 : i32
    %dma_wait3A_944 = tpu.memref_slice %arg4[%dma_wait3A_942, %dma_wait3A_943] : memref<32x1000000xf32, #tpu.memory_space<hbm>> -> memref<1x8448xf32, #tpu.memory_space<hbm>>
    %dma_wait3A_945 = tpu.memref_squeeze %dma_wait3A_944 : memref<1x8448xf32, #tpu.memory_space<hbm>> -> memref<8448xf32, #tpu.memory_space<hbm>>
    %dma_wait3A_946 = arith.constant 0 : i32
    %dma_wait3A_947 = tpu.memref_slice %arg4[%dma_wait3A_942, %dma_wait3A_946] : memref<32x1000000xf32, #tpu.memory_space<hbm>> -> memref<1x8448xf32, #tpu.memory_space<hbm>>
    %dma_wait3A_948 = tpu.memref_squeeze %dma_wait3A_947 : memref<1x8448xf32, #tpu.memory_space<hbm>> -> memref<8448xf32, #tpu.memory_space<hbm>>
    tpu.wait_dma2 semaphore(%arg24 : memref<!tpu.dma_semaphore, #tpu.memory_space<semaphore_mem>>) src(%dma_wait3A_948 : memref<8448xf32, #tpu.memory_space<hbm>>) dst(%arg17 : memref<8448xf32, #tpu.memory_space<vmem>>)
    %slice3A_949 = vector.extract_strided_slice %get3A_473 {offsets = [14], sizes = [1], strides = [1]} : vector<16xi32> to vector<1xi32>
    %squeeze3A_950 = vector.extract %slice3A_949[0] : i32 from vector<1xi32>
    %slice3A_951 = vector.extract_strided_slice %get3A_475 {offsets = [14], sizes = [1], strides = [1]} : vector<16xi32> to vector<1xi32>
    %squeeze3A_952 = vector.extract %slice3A_951[0] : i32 from vector<1xi32>
    %and3A_953 = arith.constant 127 : i32
    %and3A_954 = arith.andi %squeeze3A_950, %and3A_953 : i32
    %broadcast_in_dim3A_955 = vector.broadcast %and3A_954 : i32 to vector<16xi32>
    %and3A_956 = arith.constant 127 : i32
    %and3A_957 = arith.andi %squeeze3A_952, %and3A_956 : i32
    %broadcast_in_dim3A_958 = vector.broadcast %and3A_957 : i32 to vector<16xi32>
    %gather3A_959 = arith.constant 6 : i32
    %gather3A_960 = arith.constant 0 : i32
    %gather3A_961 = arith.constant 0 : i32
    %gather3A_962 = tpu.memref_slice %arg11[%gather3A_959, %gather3A_960, %gather3A_961] : memref<8x32x128xf32, #tpu.memory_space<vmem>> -> memref<1x32x128xf32, #tpu.memory_space<vmem>>
    %gather3A_963 = tpu.memref_squeeze %gather3A_962 : memref<1x32x128xf32, #tpu.memory_space<vmem>> -> memref<32x128xf32, #tpu.memory_space<vmem>>
    %gather3A_964 = tpu.vector_load_idx %gather3A_963[%iota3A, %broadcast_in_dim3A_955] : memref<32x128xf32, #tpu.memory_space<vmem>>[vector<16xi32>, vector<16xi32>], vector<16xf32>,
    %gather3A_965 = arith.constant 6 : i32
    %gather3A_966 = arith.constant 0 : i32
    %gather3A_967 = arith.constant 0 : i32
    %gather3A_968 = tpu.memref_slice %arg11[%gather3A_965, %gather3A_966, %gather3A_967] : memref<8x32x128xf32, #tpu.memory_space<vmem>> -> memref<1x32x128xf32, #tpu.memory_space<vmem>>
    %gather3A_969 = tpu.memref_squeeze %gather3A_968 : memref<1x32x128xf32, #tpu.memory_space<vmem>> -> memref<32x128xf32, #tpu.memory_space<vmem>>
    %gather3A_970 = tpu.vector_load_idx %gather3A_969[%add3A_5, %broadcast_in_dim3A_955] : memref<32x128xf32, #tpu.memory_space<vmem>>[vector<16xi32>, vector<16xi32>], vector<16xf32>,
    %gather3A_971 = arith.constant 6 : i32
    %gather3A_972 = arith.constant 0 : i32
    %gather3A_973 = arith.constant 0 : i32
    %gather3A_974 = tpu.memref_slice %arg12[%gather3A_971, %gather3A_972, %gather3A_973] : memref<8x32x128xf32, #tpu.memory_space<vmem>> -> memref<1x32x128xf32, #tpu.memory_space<vmem>>
    %gather3A_975 = tpu.memref_squeeze %gather3A_974 : memref<1x32x128xf32, #tpu.memory_space<vmem>> -> memref<32x128xf32, #tpu.memory_space<vmem>>
    %gather3A_976 = tpu.vector_load_idx %gather3A_975[%iota3A, %broadcast_in_dim3A_958] : memref<32x128xf32, #tpu.memory_space<vmem>>[vector<16xi32>, vector<16xi32>], vector<16xf32>,
    %gather3A_977 = arith.constant 6 : i32
    %gather3A_978 = arith.constant 0 : i32
    %gather3A_979 = arith.constant 0 : i32
    %gather3A_980 = tpu.memref_slice %arg12[%gather3A_977, %gather3A_978, %gather3A_979] : memref<8x32x128xf32, #tpu.memory_space<vmem>> -> memref<1x32x128xf32, #tpu.memory_space<vmem>>
    %gather3A_981 = tpu.memref_squeeze %gather3A_980 : memref<1x32x128xf32, #tpu.memory_space<vmem>> -> memref<32x128xf32, #tpu.memory_space<vmem>>
    %gather3A_982 = tpu.vector_load_idx %gather3A_981[%add3A_5, %broadcast_in_dim3A_958] : memref<32x128xf32, #tpu.memory_space<vmem>>[vector<16xi32>, vector<16xi32>], vector<16xf32>,
    %mul3A_983 = arith.mulf %gather3A_964, %gather3A_976 : vector<16xf32>
    %mul3A_984 = arith.mulf %gather3A_970, %gather3A_982 : vector<16xf32>
    %add3A_985 = arith.addf %mul3A_983, %mul3A_984 : vector<16xf32>
    %reduce_sum3A_986 = arith.constant true
    %reduce_sum3A_987 = vector.broadcast %reduce_sum3A_986 : i1 to vector<16xi1>
    %reduce_sum3A_988 = tpu.scan <sum>, %add3A_985 masked %reduce_sum3A_987 : vector<16xf32>, vector<16xi1> -> vector<16xf32>
    %reduce_sum3A_989 = vector.extract %reduce_sum3A_988[15] : f32 from vector<16xf32>
    %mul3A_990 = arith.constant 0 : i32
    %mul3A_991 = vector.broadcast %mul3A_990 : i32 to vector<16xi32>
    %mul3A_992 = arith.muli %iota3A, %mul3A_991 : vector<16xi32>
    %add3A_993 = arith.constant 6 : i32
    %add3A_994 = vector.broadcast %add3A_993 : i32 to vector<16xi32>
    %add3A_995 = arith.addi %mul3A_992, %add3A_994 : vector<16xi32>
    %gather3A_996 = tpu.vector_load_idx %arg13[%add3A_995, %broadcast_in_dim3A_955] : memref<8x128xf32, #tpu.memory_space<vmem>>[vector<16xi32>, vector<16xi32>], vector<16xf32>,
    %mul3A_997 = arith.constant 0 : i32
    %mul3A_998 = vector.broadcast %mul3A_997 : i32 to vector<16xi32>
    %mul3A_999 = arith.muli %iota3A, %mul3A_998 : vector<16xi32>
    %add3A_1000 = arith.constant 6 : i32
    %add3A_1001 = vector.broadcast %add3A_1000 : i32 to vector<16xi32>
    %add3A_1002 = arith.addi %mul3A_999, %add3A_1001 : vector<16xi32>
    %gather3A_1003 = tpu.vector_load_idx %arg14[%add3A_1002, %broadcast_in_dim3A_958] : memref<8x128xf32, #tpu.memory_space<vmem>>[vector<16xi32>, vector<16xi32>], vector<16xf32>,
    %slice3A_1004 = vector.extract_strided_slice %gather3A_996 {offsets = [0], sizes = [1], strides = [1]} : vector<16xf32> to vector<1xf32>
    %squeeze3A_1005 = vector.extract %slice3A_1004[0] : f32 from vector<1xf32>
    %add3A_1006 = arith.addf %reduce_sum3A_989, %squeeze3A_1005 : f32
    %slice3A_1007 = vector.extract_strided_slice %gather3A_1003 {offsets = [0], sizes = [1], strides = [1]} : vector<16xf32> to vector<1xf32>
    %squeeze3A_1008 = vector.extract %slice3A_1007[0] : f32 from vector<1xf32>
    %add3A_1009 = arith.addf %add3A_1006, %squeeze3A_1008 : f32
    %and3A_1010 = arith.constant 510 : i32
    %and3A_1011 = arith.constant 15 : i32
    %and3A_1012 = arith.andi %and3A_1010, %and3A_1011 : i32
    %eq3A_1013 = vector.broadcast %and3A_1012 : i32 to vector<16xi32>
    %eq3A_1014 = arith.cmpi eq, %iota3A, %eq3A_1013 : vector<16xi32>
    %broadcast_in_dim3A_1015 = vector.broadcast %add3A_1009 : f32 to vector<16xf32>
    %get3A_1016 = arith.constant 0 : index
    %get3A_1017 = tpu.vector_load %arg15[%get3A_1016] {strides = array<i32>} : memref<16xf32, #tpu.memory_space<vmem>>, vector<16xf32>,
    %select_n3A_1018 = arith.select %eq3A_1014, %broadcast_in_dim3A_1015, %get3A_1017 : vector<16xi1>, vector<16xf32>
    %swap3A_1019 = arith.constant 0 : index
    %swap3A_1020 = tpu.vector_load %arg15[%swap3A_1019] {strides = array<i32>} : memref<16xf32, #tpu.memory_space<vmem>>, vector<16xf32>,
    tpu.vector_store %arg15[%swap3A_1019], %select_n3A_1018 {strides = array<i32>} : memref<16xf32, #tpu.memory_space<vmem>>, vector<16xf32>,
    %dma_wait3A_1021 = arith.constant 0 : i32
    %dma_wait3A_1022 = arith.constant 0 : i32
    %dma_wait3A_1023 = tpu.memref_slice %arg4[%dma_wait3A_1021, %dma_wait3A_1022] : memref<32x1000000xf32, #tpu.memory_space<hbm>> -> memref<1x8448xf32, #tpu.memory_space<hbm>>
    %dma_wait3A_1024 = tpu.memref_squeeze %dma_wait3A_1023 : memref<1x8448xf32, #tpu.memory_space<hbm>> -> memref<8448xf32, #tpu.memory_space<hbm>>
    %dma_wait3A_1025 = arith.constant 0 : i32
    %dma_wait3A_1026 = tpu.memref_slice %arg4[%dma_wait3A_1021, %dma_wait3A_1025] : memref<32x1000000xf32, #tpu.memory_space<hbm>> -> memref<1x8448xf32, #tpu.memory_space<hbm>>
    %dma_wait3A_1027 = tpu.memref_squeeze %dma_wait3A_1026 : memref<1x8448xf32, #tpu.memory_space<hbm>> -> memref<8448xf32, #tpu.memory_space<hbm>>
    tpu.wait_dma2 semaphore(%arg25 : memref<!tpu.dma_semaphore, #tpu.memory_space<semaphore_mem>>) src(%dma_wait3A_1027 : memref<8448xf32, #tpu.memory_space<hbm>>) dst(%arg17 : memref<8448xf32, #tpu.memory_space<vmem>>)
    %slice3A_1028 = vector.extract_strided_slice %get3A_473 {offsets = [15], sizes = [1], strides = [1]} : vector<16xi32> to vector<1xi32>
    %squeeze3A_1029 = vector.extract %slice3A_1028[0] : i32 from vector<1xi32>
    %slice3A_1030 = vector.extract_strided_slice %get3A_475 {offsets = [15], sizes = [1], strides = [1]} : vector<16xi32> to vector<1xi32>
    %squeeze3A_1031 = vector.extract %slice3A_1030[0] : i32 from vector<1xi32>
    %and3A_1032 = arith.constant 127 : i32
    %and3A_1033 = arith.andi %squeeze3A_1029, %and3A_1032 : i32
    %broadcast_in_dim3A_1034 = vector.broadcast %and3A_1033 : i32 to vector<16xi32>
    %and3A_1035 = arith.constant 127 : i32
    %and3A_1036 = arith.andi %squeeze3A_1031, %and3A_1035 : i32
    %broadcast_in_dim3A_1037 = vector.broadcast %and3A_1036 : i32 to vector<16xi32>
    %gather3A_1038 = arith.constant 7 : i32
    %gather3A_1039 = arith.constant 0 : i32
    %gather3A_1040 = arith.constant 0 : i32
    %gather3A_1041 = tpu.memref_slice %arg11[%gather3A_1038, %gather3A_1039, %gather3A_1040] : memref<8x32x128xf32, #tpu.memory_space<vmem>> -> memref<1x32x128xf32, #tpu.memory_space<vmem>>
    %gather3A_1042 = tpu.memref_squeeze %gather3A_1041 : memref<1x32x128xf32, #tpu.memory_space<vmem>> -> memref<32x128xf32, #tpu.memory_space<vmem>>
    %gather3A_1043 = tpu.vector_load_idx %gather3A_1042[%iota3A, %broadcast_in_dim3A_1034] : memref<32x128xf32, #tpu.memory_space<vmem>>[vector<16xi32>, vector<16xi32>], vector<16xf32>,
    %gather3A_1044 = arith.constant 7 : i32
    %gather3A_1045 = arith.constant 0 : i32
    %gather3A_1046 = arith.constant 0 : i32
    %gather3A_1047 = tpu.memref_slice %arg11[%gather3A_1044, %gather3A_1045, %gather3A_1046] : memref<8x32x128xf32, #tpu.memory_space<vmem>> -> memref<1x32x128xf32, #tpu.memory_space<vmem>>
    %gather3A_1048 = tpu.memref_squeeze %gather3A_1047 : memref<1x32x128xf32, #tpu.memory_space<vmem>> -> memref<32x128xf32, #tpu.memory_space<vmem>>
    %gather3A_1049 = tpu.vector_load_idx %gather3A_1048[%add3A_5, %broadcast_in_dim3A_1034] : memref<32x128xf32, #tpu.memory_space<vmem>>[vector<16xi32>, vector<16xi32>], vector<16xf32>,
    %gather3A_1050 = arith.constant 7 : i32
    %gather3A_1051 = arith.constant 0 : i32
    %gather3A_1052 = arith.constant 0 : i32
    %gather3A_1053 = tpu.memref_slice %arg12[%gather3A_1050, %gather3A_1051, %gather3A_1052] : memref<8x32x128xf32, #tpu.memory_space<vmem>> -> memref<1x32x128xf32, #tpu.memory_space<vmem>>
    %gather3A_1054 = tpu.memref_squeeze %gather3A_1053 : memref<1x32x128xf32, #tpu.memory_space<vmem>> -> memref<32x128xf32, #tpu.memory_space<vmem>>
    %gather3A_1055 = tpu.vector_load_idx %gather3A_1054[%iota3A, %broadcast_in_dim3A_1037] : memref<32x128xf32, #tpu.memory_space<vmem>>[vector<16xi32>, vector<16xi32>], vector<16xf32>,
    %gather3A_1056 = arith.constant 7 : i32
    %gather3A_1057 = arith.constant 0 : i32
    %gather3A_1058 = arith.constant 0 : i32
    %gather3A_1059 = tpu.memref_slice %arg12[%gather3A_1056, %gather3A_1057, %gather3A_1058] : memref<8x32x128xf32, #tpu.memory_space<vmem>> -> memref<1x32x128xf32, #tpu.memory_space<vmem>>
    %gather3A_1060 = tpu.memref_squeeze %gather3A_1059 : memref<1x32x128xf32, #tpu.memory_space<vmem>> -> memref<32x128xf32, #tpu.memory_space<vmem>>
    %gather3A_1061 = tpu.vector_load_idx %gather3A_1060[%add3A_5, %broadcast_in_dim3A_1037] : memref<32x128xf32, #tpu.memory_space<vmem>>[vector<16xi32>, vector<16xi32>], vector<16xf32>,
    %mul3A_1062 = arith.mulf %gather3A_1043, %gather3A_1055 : vector<16xf32>
    %mul3A_1063 = arith.mulf %gather3A_1049, %gather3A_1061 : vector<16xf32>
    %add3A_1064 = arith.addf %mul3A_1062, %mul3A_1063 : vector<16xf32>
    %reduce_sum3A_1065 = arith.constant true
    %reduce_sum3A_1066 = vector.broadcast %reduce_sum3A_1065 : i1 to vector<16xi1>
    %reduce_sum3A_1067 = tpu.scan <sum>, %add3A_1064 masked %reduce_sum3A_1066 : vector<16xf32>, vector<16xi1> -> vector<16xf32>
    %reduce_sum3A_1068 = vector.extract %reduce_sum3A_1067[15] : f32 from vector<16xf32>
    %mul3A_1069 = arith.constant 0 : i32
    %mul3A_1070 = vector.broadcast %mul3A_1069 : i32 to vector<16xi32>
    %mul3A_1071 = arith.muli %iota3A, %mul3A_1070 : vector<16xi32>
    %add3A_1072 = arith.constant 7 : i32
    %add3A_1073 = vector.broadcast %add3A_1072 : i32 to vector<16xi32>
    %add3A_1074 = arith.addi %mul3A_1071, %add3A_1073 : vector<16xi32>
    %gather3A_1075 = tpu.vector_load_idx %arg13[%add3A_1074, %broadcast_in_dim3A_1034] : memref<8x128xf32, #tpu.memory_space<vmem>>[vector<16xi32>, vector<16xi32>], vector<16xf32>,
    %mul3A_1076 = arith.constant 0 : i32
    %mul3A_1077 = vector.broadcast %mul3A_1076 : i32 to vector<16xi32>
    %mul3A_1078 = arith.muli %iota3A, %mul3A_1077 : vector<16xi32>
    %add3A_1079 = arith.constant 7 : i32
    %add3A_1080 = vector.broadcast %add3A_1079 : i32 to vector<16xi32>
    %add3A_1081 = arith.addi %mul3A_1078, %add3A_1080 : vector<16xi32>
    %gather3A_1082 = tpu.vector_load_idx %arg14[%add3A_1081, %broadcast_in_dim3A_1037] : memref<8x128xf32, #tpu.memory_space<vmem>>[vector<16xi32>, vector<16xi32>], vector<16xf32>,
    %slice3A_1083 = vector.extract_strided_slice %gather3A_1075 {offsets = [0], sizes = [1], strides = [1]} : vector<16xf32> to vector<1xf32>
    %squeeze3A_1084 = vector.extract %slice3A_1083[0] : f32 from vector<1xf32>
    %add3A_1085 = arith.addf %reduce_sum3A_1068, %squeeze3A_1084 : f32
    %slice3A_1086 = vector.extract_strided_slice %gather3A_1082 {offsets = [0], sizes = [1], strides = [1]} : vector<16xf32> to vector<1xf32>
    %squeeze3A_1087 = vector.extract %slice3A_1086[0] : f32 from vector<1xf32>
    %add3A_1088 = arith.addf %add3A_1085, %squeeze3A_1087 : f32
    %and3A_1089 = arith.constant 511 : i32
    %and3A_1090 = arith.constant 15 : i32
    %and3A_1091 = arith.andi %and3A_1089, %and3A_1090 : i32
    %eq3A_1092 = vector.broadcast %and3A_1091 : i32 to vector<16xi32>
    %eq3A_1093 = arith.cmpi eq, %iota3A, %eq3A_1092 : vector<16xi32>
    %broadcast_in_dim3A_1094 = vector.broadcast %add3A_1088 : f32 to vector<16xf32>
    %get3A_1095 = arith.constant 0 : index
    %get3A_1096 = tpu.vector_load %arg15[%get3A_1095] {strides = array<i32>} : memref<16xf32, #tpu.memory_space<vmem>>, vector<16xf32>,
    %select_n3A_1097 = arith.select %eq3A_1093, %broadcast_in_dim3A_1094, %get3A_1096 : vector<16xi1>, vector<16xf32>
    %swap3A_1098 = arith.constant 0 : index
    %swap3A_1099 = tpu.vector_load %arg15[%swap3A_1098] {strides = array<i32>} : memref<16xf32, #tpu.memory_space<vmem>>, vector<16xf32>,
    tpu.vector_store %arg15[%swap3A_1098], %select_n3A_1097 {strides = array<i32>} : memref<16xf32, #tpu.memory_space<vmem>>, vector<16xf32>,
    %get3A_1100 = arith.constant 0 : index
    %get3A_1101 = tpu.vector_load %arg15[%get3A_1100] {strides = array<i32>} : memref<16xf32, #tpu.memory_space<vmem>>, vector<16xf32>,
    %swap3A_1102 = arith.constant 496 : index
    %swap3A_1103 = tpu.vector_load %arg16[%swap3A_1102] {strides = array<i32>} : memref<512xf32, #tpu.memory_space<vmem>>, vector<16xf32>,
    tpu.vector_store %arg16[%swap3A_1102], %get3A_1101 {strides = array<i32>} : memref<512xf32, #tpu.memory_space<vmem>>, vector<16xf32>,
    "tpu.region"() ({
      %run_scoped3A = tpu.sem_alloc : memref<!tpu.dma_semaphore, #tpu.memory_space<semaphore_mem>>
      %dma_start3A_1104 = tpu.memref_slice %arg8[%mul3A_2] : memref<16384xf32, #tpu.memory_space<hbm>> -> memref<512xf32, #tpu.memory_space<hbm>>
      %dma_start3A_1105 = tpu.memref_slice %arg8[%mul3A_2] : memref<16384xf32, #tpu.memory_space<hbm>> -> memref<512xf32, #tpu.memory_space<hbm>>
      tpu.enqueue_dma source(%arg16 : memref<512xf32, #tpu.memory_space<vmem>>) target(%dma_start3A_1105 : memref<512xf32, #tpu.memory_space<hbm>>) target_semaphore(%run_scoped3A : memref<!tpu.dma_semaphore, #tpu.memory_space<semaphore_mem>>)
      %dma_wait3A_1106 = tpu.memref_slice %arg8[%mul3A_2] : memref<16384xf32, #tpu.memory_space<hbm>> -> memref<512xf32, #tpu.memory_space<hbm>>
      %dma_wait3A_1107 = tpu.memref_slice %arg8[%mul3A_2] : memref<16384xf32, #tpu.memory_space<hbm>> -> memref<512xf32, #tpu.memory_space<hbm>>
      tpu.wait_dma2 semaphore(%run_scoped3A : memref<!tpu.dma_semaphore, #tpu.memory_space<semaphore_mem>>) src(%arg16 : memref<512xf32, #tpu.memory_space<vmem>>) dst(%dma_wait3A_1107 : memref<512xf32, #tpu.memory_space<hbm>>)
      tpu.yield
    }) : () -> ()
    return
  }
}

</mosaic_0001>

<sc_bundles>
// kernel: kernel.3.cloned.1.call-start
scs
__scs_entry_jumppad:
0x0: {  	(pc) =	sbr.rel $0x88, $3  }
0x1: {  	(tag) =	ssettag $0x0;
	lr =	simm.s32 $0x1  }
0x2: {  	[smem:$0x3F9B] =	sst lr;
	_ =	strace $0xD0000000  }
0x3: {  	_ = 	snop  }
0x4: {  	_ = 	snop  }
0x5: {  	_ = 	snop  }
0x6: {  	_ = 	snop  }
0x7: {  	_ = 	snop  }
__scs_overlays_trampoline_lowered:
0x8: {  	[smem:$0x3FAA] =	sst s0  }
0x9: {  	[smem:$0x3FAB] =	sst s1  }
0xa: {  	[smem:$0x3FAC] =	sst s2  }
0xb: {  	[smem:$0x3FAD] =	sst s3  }
0xc: {  	[smem:$0x3FAE] =	sst s4  }
0xd: {  	[smem:$0x3FAF] =	sst s5  }
0xe: {  	[smem:$0x3FB0] =	sst s6  }
0xf: {  	[smem:$0x3FB1] =	sst s7  }
0x10: {  	[smem:$0x3FB2] =	sst s8  }
0x11: {  	[smem:$0x3FB3] =	sst s9;
	s0 =	simm.s32 @!p0 $0x0  }
0x12: {  	s1 =	sld [smem:$0x3F99];
	s0 =	simm.s32 @p0 $0x1  }
0x13: {  	[smem:$0x3FB4] =	sst s0;
	s0 =	simm.s32 @!p1 $0x0  }
0x14: {  	s2 =	sld [smem:$0x3F98];
	s0 =	simm.s32 @p1 $0x1  }
0x15: {  	[smem:$0x3FB5] =	sst s0;
	s0 =	simm.s32 @!p2 $0x0  }
0x16: {  	s3 =	sld [smem:$0x3FDB];
	s0 =	simm.s32 @p2 $0x1  }
0x17: {  	s4 =	simm.s32 $0x1BF5;
	[smem:$0x3FB7] =	sst s0  }
0x18: {  	s0 =	sld [smem:$0x3F9A];
	_ =	swait.ge [sflag:s4], $0x0  }
0x19: {  	s7 =	sld [smem:$0x3F9B]  }
0x1a: {  	s8 =	sadd.s32 $0xFFFFE003, lr  }
0x1b: {  	s9 =	sadd.s32 $0xFFFFFEF7, lr;
	s5 =	simm.s32 $0xFFFFFFFF;
	p2 =	slt.u32 s8, $0xFFFFF086  }
0x1c: {  	p1 =	slt.u32 s9, $0xF7A;
	s5 =	simm.s32 @!p2 $0x0  }
0x1d: {  	s5 =	simm.s32 @p1 $0x1;
	p0 =	seq.s32 s7, s2  }
0x1e: {  	s7 =	smul.u32 @!p0 $0xF7A, s2;
	p2 =	seq.s32 @!p0 s5, $0x0  }
0x1f: {  	s9 =	smul.u32 $0xF7A, s1;
	s8 =	simm.s32 @!p0 $0x1BF5;
	p2 =	por !p2, p0  }
0x20: {  	[sflag:s8] =	ssyncset.s32 @!p0 $0xFFFFF086;
	s6 =	sadd.s32 @!p0 s3, s7;
	s7 =	simm.s32 @!p0 $0x108  }
0x21: {  	s3 =	sadd.s32 s3, s9;
	s6 =	sadd.s32 @!p0 $0x88, s6;
	s7 =	simm.s32 @p2 $0x1082  }
0x22: {  	[simem:s7], [sflag:s8] =	dma.local @!p0 [hbm:s6], $0xF7A  }
0x23: {  	s9 =	sor.u32 $0xD0000000, s2;
	s6 =	simm.s32 $0x108;
	_ =	swait.ge @!p0 [sflag:s8], $0x0  }
0x24: {  	s3 =	sadd.s32 $0x88, s3;
	s6 =	simm.s32 @!p1 $0x1082;
	[sflag:s4] =	ssyncset.s32 $0xFFFFF086  }
0x25: {  	[simem:s6], [sflag:s4] =	dma.local [hbm:s3], $0xF7A  }
0x26: {  	[smem:$0x3F9B] =	sst s1;
	(tag) =	ssettag s2;
	_ =	strace s9  }
0x27: {  	s1 =	sld [smem:$0x3FAB]  }
0x28: {  	s2 =	sld [smem:$0x3FAC]  }
0x29: {  	s4 =	sld [smem:$0x3FAE]  }
0x2a: {  	p0 =	seq.s32 s5, $0x0;
	s5 =	sld [smem:$0x3FAF]  }
0x2b: {  	s6 =	sld [smem:$0x3FB0]  }
0x2c: {  	s7 =	sld [smem:$0x3FB1]  }
0x2d: {  	s3 =	simm.s32 $0x108;
	s8 =	sld [smem:$0x3FB2]  }
0x2e: {  	s3 =	simm.s32 @!p0 $0x1082;
	s9 =	sld [smem:$0x3FB3]  }
0x2f: {  	lr =	sadd.s32 s0, s3;
	s0 =	sld [smem:$0x3FAA]  }
0x30: {  	s3 =	sld [smem:$0x3FAD]  }
0x31: {  	[smem:$0x3FB6] =	sst s10  }
0x32: {  	s10 =	sld [smem:$0x3FB4];
	_ =	sdelay $0x3  }
0x33: {  	p0 =	seq.s32 s10, $0x1;
	s10 =	sld [smem:$0x3FB6];
	_ =	sdelay $0x3  }
0x34: {  	[smem:$0x3FB6] =	sst s10  }
0x35: {  	s10 =	sld [smem:$0x3FB5];
	_ =	sdelay $0x3  }
0x36: {  	p1 =	seq.s32 s10, $0x1;
	s10 =	sld [smem:$0x3FB6];
	_ =	sdelay $0x3  }
0x37: {  	[smem:$0x3FB6] =	sst s10  }
0x38: {  	s10 =	sld [smem:$0x3FB7]  }
0x39: {  	_ = 	snop;
	(pc) =	sbr.ind lr, $3  }
0x3a: {  	_ = 	snop  }
0x3b: {  	_ = 	snop  }
0x3c: {  	p2 =	seq.s32 s10, $0x1;
	s10 =	sld [smem:$0x3FB6]  }
0x3d: {  	_ =	shalt  }
0x3e: {  	_ =	shalt  }
0x3f: {  	_ =	shalt  }
0x40: {  	_ =	shalt  }
0x41: {  	_ =	shalt  }
0x42: {  	_ =	shalt  }
0x43: {  	_ =	shalt  }
0x44: {  	_ =	shalt  }
0x45: {  	_ =	shalt  }
0x46: {  	_ =	shalt  }
0x47: {  	_ =	shalt  }
0x48: {  	_ =	shalt  }
0x49: {  	_ =	shalt  }
0x4a: {  	_ =	shalt  }
0x4b: {  	_ =	shalt  }
0x4c: {  	_ =	shalt  }
0x4d: {  	_ =	shalt  }
0x4e: {  	_ =	shalt  }
0x4f: {  	_ =	shalt  }
0x50: {  	_ =	shalt  }
0x51: {  	_ =	shalt  }
0x52: {  	_ =	shalt  }
0x53: {  	_ =	shalt  }
0x54: {  	_ =	shalt  }
0x55: {  	_ =	shalt  }
0x56: {  	_ =	shalt  }
0x57: {  	_ =	shalt  }
0x58: {  	_ =	shalt  }
0x59: {  	_ =	shalt  }
0x5a: {  	_ =	shalt  }
0x5b: {  	_ =	shalt  }
0x5c: {  	_ =	shalt  }
0x5d: {  	_ =	shalt  }
0x5e: {  	_ =	shalt  }
0x5f: {  	_ =	shalt  }
0x60: {  	_ =	shalt  }
0x61: {  	_ =	shalt  }
0x62: {  	_ =	shalt  }
0x63: {  	_ =	shalt  }
0x64: {  	_ =	shalt  }
0x65: {  	_ =	shalt  }
0x66: {  	_ =	shalt  }
0x67: {  	_ =	shalt  }
0x68: {  	_ =	shalt  }
0x69: {  	_ =	shalt  }
0x6a: {  	_ =	shalt  }
0x6b: {  	_ =	shalt  }
0x6c: {  	_ =	shalt  }
0x6d: {  	_ =	shalt  }
0x6e: {  	_ =	shalt  }
0x6f: {  	_ =	shalt  }
0x70: {  	_ =	shalt  }
0x71: {  	_ =	shalt  }
0x72: {  	_ =	shalt  }
0x73: {  	_ =	shalt  }
0x74: {  	_ =	shalt  }
0x75: {  	_ =	shalt  }
0x76: {  	_ =	shalt  }
0x77: {  	_ =	shalt  }
0x78: {  	_ =	shalt  }
0x79: {  	_ =	shalt  }
0x7a: {  	_ =	shalt  }
0x7b: {  	_ =	shalt  }
0x7c: {  	_ =	shalt  }
0x7d: {  	_ =	shalt  }
0x7e: {  	_ =	shalt  }
0x7f: {  	_ =	shalt  }
0x80: {  	_ =	shalt  }
0x81: {  	_ =	shalt  }
0x82: {  	_ =	shalt  }
0x83: {  	_ =	shalt  }
0x84: {  	_ =	shalt  }
0x85: {  	_ =	shalt  }
0x86: {  	_ =	shalt  }
0x87: {  	_ =	shalt  }
.Lfunc_end0:
.L_simem_size_0:
called_computation_lowered:
.L_overlay_start_0:
0x88: {  	s2 =	sld [smem:$0x3FD9]  }
0x89: {  	s3 =	sld [smem:$0x3FFE];
	_ =	sdelay $0x1  }
0x8a: {  	s1 =	srdreg.scid  }
0x8b: {  	s0 =	sand.u32 $0x1, s1  }
0x8c: {  	s17 =	sshll.u32 s0, $0xA;
	s2 =	sadd.s32 s3, s2  }
0x8d: {  	s2 =	sadd.s32 s2, s17  }
0x8e: {  	[smem:$0x3FC2] =	sst s2  }
0x8f: {  	_ = 	snop  }
0x90: {  	s2 =	sld [smem:$0x3FC9]  }
0x91: {  	s18 =	sld [smem:$0x3FC8]  }
0x92: {  	s4 =	sld [smem:$0x3FC7]  }
0x93: {  	s5 =	sld [smem:$0x3FC6]  }
0x94: {  	s6 =	sld [smem:$0x3FD0];
	(tm) =	ssettm $0x1  }
0x95: {  	s7 =	sld [smem:$0x3FFB];
	_ =	sdelay $0x3  }
0x96: {  	_ =	strace s7  }
0x97: {  	s7 =	sld [smem:$0x3FFC];
	_ =	sdelay $0x3  }
0x98: {  	_ =	strace s7  }
0x99: {  	s7 =	sld [smem:$0x3FFD];
	_ =	sdelay $0x3  }
0x9a: {  	_ =	strace s7  }
0x9b: {  	_ =	strace $0x8FFFFFFF  }
0x9c: {  	s19 =	sld [smem:$0x3FDB];
	_ =	sdelay $0x1  }
0x9d: {  	s8 =	simm.s32 $_scs_section_size  }
0x9e: {  	s9 =	simm.s32 $_size__tile_overlayer_lowered;
	s10 =	simm.s32 $_tile_overlayer_lowered  }
0x9f: {  	s22 =	simm.s32 $0x1BFF;
	s21 =	sshll.u32 s10, $0x1;
	s7 =	sadd.s32 s8, s19  }
0xa0: {  	s11 =	simm.s32 $0x0;
	s20 =	sshll.u32 s9, $0x1;
	s9 =	sadd.s32 s21, s7  }
0xa1: {  	[timem:s11], [sflag:s22] =	dma.local [hbm:s9], s20  }
0xa2: {  	_ =	swait.ge [sflag:s22], s20  }
0xa3: {  	s8 =	ssub.s32 $0x0, s20;
	[sflag:s22] =	ssyncset.done $0x0  }
0xa4: {  	[sflag:s22] =	ssyncadd.s32 s8;
	_ =	sdelay $0x1  }
0xa5: {  	s23 =	simm.s32 $0x1B8B  }
0xa6: {  	_ =	swait.ge [sflag:s23], $0x1  }
0xa7: {  	[sflag:s23] =	ssyncset.done $0x0  }
0xa8: {  	s25 =	simm.s32 $0x1B8E;
	s24 =	sld [smem:$0x3FFE];
	[sflag:s23] =	ssyncadd.s32 $0xFFFFFFFF  }
0xa9: {  	s26 =	simm.s32 $execute0_lowered;
	[smem:$0x3FD2] =	sst s25  }
0xaa: {  	s9 =	sshll.u32 s26, $0x1;
	_ =	strace $0x80000046;
	[dreg:$0x1] =	wrdreg $0xFFFFFFFF  }
0xab: {  	s28 =	simm.s32 $_size_execute0_lowered;
	s7 =	sadd.s32 s7, s9;
	[dreg:$0x0] =	wrdreg $0x0  }
0xac: {  	s9 =	sshll.u32 s28, $0x1;
	[dreg:$0x2] =	wrdreg s7  }
0xad: {  	[dreg:$0x3] =	wrdreg s9  }
0xae: {  	[dreg:$0x4] =	wrdreg $0xC0  }
0xaf: {  	_ =	task [dreg:s11], $0x5FFFF  }
0xb0: {  	[dreg:$0x1] =	wrdreg $0xFFFFFFFF  }
0xb1: {  	[dreg:$0x0] =	wrdreg $0x60  }
0xb2: {  	[dreg:$0x2] =	wrdreg s2  }
0xb3: {  	[dreg:$0x3] =	wrdreg s18  }
0xb4: {  	[dreg:$0x4] =	wrdreg s4  }
0xb5: {  	[dreg:$0x5] =	wrdreg s5  }
0xb6: {  	[dreg:$0x6] =	wrdreg s24  }
0xb7: {  	[dreg:$0x7] =	wrdreg s6  }
0xb8: {  	[dreg:$0x8] =	wrdreg $0x9  }
0xb9: {  	_ =	task.clear_ibuf [dreg:s11], $0x9FFFF;
	_ =	strace $0x90000046  }
0xba: {  	s29 =	simm.s32 $0x9;
	_ =	strace $0x80000048  }
0xbb: {  	_ =	swait.ge [sflag:s29], $0x1  }
0xbc: {  	[sflag:s29] =	ssyncadd.s32 $0xFFFFFFFF  }
0xbd: {  	_ =	strace $0x90000048  }
0xbe: {  	_ =	sfence  }
0xbf: {  	s30 =	sld [smem:$0x0];
	_ =	sdelay $0x2  }
0xc0: {  	s31 =	sshll.u32 s1, $0xD;
	s1 =	sshrl.u32 s1, $0x2  }
0xc1: {  	s3 =	sand.u32 $0x4000, s31;
	s1 =	sadd.s32 s1, s30  }
0xc2: {  	s0 =	sor.u32 s3, s0;
	s1 =	sshll.u32 s1, $0x11  }
0xc3: {  	s0 =	sor.u32 s1, s0  }
0xc4: {  	s0 =	sadd.s32 $0x8F2B, s0  }
0xc5: {  	[sflag:s0] =	ssyncadd.remote.s32 $0x1  }
0xc6: {  	_ =	sfence.sel $0xFFFF  }
0xc7: {  	[dreg:$0x0] =	wrdreg $0xFFFFFFFF;
	(pc) =	sbr.abs _section_cstart, $3  }
0xc8: {  	[dreg:$0x1] =	wrdreg $0xFFFFFFFF  }
0xc9: {  	_ =	task.clear_ibuf [dreg:s11], $0x2FFFF;
	_ =	strace $0x9FFFFFFF  }
0xca: {  	(tm) =	ssettm $0x7FFFFFFF  }
0xcb: {  	_ =	shalt  }
tec
execute0_lowered:
.L_overlay_start_1:
0x0: {  	(tag) =	ssettag $0x1  }
0x1: {  	s0 =	rddreg [dreg:$0x0]  }
0x2: {  	s5 =	rddreg [dreg:$0x1]  }
0x3: {  	s1 =	rddreg [dreg:$0x2]  }
0x4: {  	s2 =	rddreg [dreg:$0x3]  }
0x5: {  	s3 =	rddreg [dreg:$0x4]  }
0x6: {  	s7 =	rddreg [dreg:$0x5];
	s4 =	simm.s32 $0x0;
	s6 =	srdreg.scid  }
0x7: {  	s10 =	stileid.u32;
	s21 =	simm.s32 $0x9;
	s12 =	simm.s32 $0x7A1400  }
0x8: {  	s13 =	simm.s32 $0x400;
	s15 =	simm.s32 $0x10400;
	s16 =	simm.s32 $0x10800  }
0x9: {  	s31 =	simm.s32 $0x10480;
	s19 =	simm.s32 $0x10600;
	s28 =	simm.s32 $0x10700  }
0xa: {  	s30 =	simm.s32 $0xF400;
	s20 =	simm.s32 $0x4;
	s29 =	simm.s32 $0x6  }
0xb: {  	s14 =	simm.s32 $0x8;
	s18 =	simm.s32 $0x0;
	[smem:$0x7FF] =	sst s4  }
0xc: {  	s6 =	sand.u32 $0x1, s6;
	s10 =	sshll.u32 s10, $0x7;
	_ =	strace $0x80000047  }
0xd: {  	s8 =	ssub.s32 $0x2, s6;
	s11 =	sshll.u32 s6, $0x6;
	s6 =	sadd.s32 $0x1EA00, s3  }
0xe: {  	s9 =	sshrl.u32 s8, $0x1;
	s23 =	sor.u32 s11, s10;
	s11 =	simm.s32 $0x10580  }
0xf: {  	s10 =	simm.s32 $0x3;
	s8 =	ssub.s32 s8, s9;
	s0 =	sadd.s32 s0, s23  }
0x10: {  	s24 =	sadd.s32 s5, s23;
	s25 =	sadd.s32 s7, s23;
	[dreg:$0x7] =	wrdreg s0  }
0x11: {  	v0 =	vlaneseq.u32;
	s7 =	simm.s32 $0x10880;
	s5 =	simm.s32 $0x1;
	[dreg:$0x8] =	wrdreg s24  }
0x12: {  	v1 =	vmul.u32 $0x80, v0;
	s9 =	simm.s32 $0x2;
	s23 =	simm.s32 $0x5;
	[dreg:$0x9] =	wrdreg s25  }
0x13: {  	s26 =	smax.u32 s8, $0x1;
	s8 =	simm.s32 $0x10500;
	s24 =	simm.s32 $0x10680  }
0x14: {  	v2 =	vor.u32 $0x800, v1;
	s25 =	simm.s32 $0x7400;
	s0 =	simm.s32 $0x7;
	[dreg:$0xa] =	wrdreg s26  }
.LBB2_1:
0x15: {  	[dreg:$0xb] =	wrdreg s18  }
0x16: {  	s17 =	rddreg [dreg:$0x7]  }
0x17: {  	[tilespmem:s4], [sflag:$0x9] =	stream.linear.gather [hbm4b:s17+s4], $0x200, $0x38;
	[tilespmem:$0x10E80] =	vst v63  }
0x18: {  	_ =	swait.ge [sflag:s21], $0x200  }
0x19: {  	[sflag:s21] =	ssyncset.done $0x0  }
0x1a: {  	s17 =	simm.s32 $0x200;
	s22 =	rddreg [dreg:$0x8];
	[sflag:s21] =	ssyncadd.s32 $0xFFFFFE00  }
0x1b: {  	[tilespmem:s17], [sflag:$0x9] =	stream.linear.gather [hbm4b:s22+s4], $0x200, $0x38;
	[tilespmem:$0x10E80] =	vst v63  }
0x1c: {  	_ =	swait.ge [sflag:s21], $0x200  }
0x1d: {  	[sflag:s21] =	ssyncset.done $0x0  }
0x1e: {  	[sflag:s21] =	ssyncadd.s32 $0xFFFFFE00  }
0x1f: {  	v3 =	vld [tilespmem:$0x0];
	_ =	sdelay $0x4  }
0x20: {  	v4 =	vld [tilespmem:$0x200];
	(v2sf) =	vpush v3, $0x0;
	_ =	sdelay $0x4  }
0x21: {  	(v2sf) =	vpush v4, $0x0;
	_ =	sdelay $0x9  }
0x22: {  	s18 =	spop (v2sf);
	(v2sf) =	vpush v3, $0x1;
	_ =	sdelay $0x3  }
0x23: {  	(v2sf) =	vpush v4, $0x1  }
0x24: {  	s26 =	sand.u32 $0x1FFFFF80, s18;
	s22 =	spop (v2sf)  }
0x25: {  	s18 =	sshrl.u32 s18, $0x3;
	s21 =	sadd.s32 s1, s26;
	s26 =	sand.u32 $0x1FFFFF80, s22  }
0x26: {  	[tilespmem:s13], [sflag:$0x1] =	stream.strided.gather [hbm4b:s21+s13], $0x1000, s12, s13, $0x38;
	[tilespmem:$0x10E80] =	vst v63  }
0x27: {  	s18 =	sand.u32 $0x1FFFFFF0, s18;
	s21 =	sadd.s32 s2, s26;
	s26 =	simm.s32 $0x8400  }
0x28: {  	[tilespmem:s26], [sflag:$0x1] =	stream.strided.gather [hbm4b:s21+s13], $0x1000, s12, s13, $0x38;
	[tilespmem:$0x10E80] =	vst v63  }
0x29: {  	s22 =	sshrl.u32 s22, $0x3;
	s18 =	sadd.s32 s3, s18  }
0x2a: {  	[tilespmem:s15], [sflag:$0x1] =	stream.linear.gather [hbm4b:s18+s4], $0x80, $0x38;
	[tilespmem:$0x10E80] =	vst v63  }
0x2b: {  	s18 =	sand.u32 $0x1FFFFFF0, s22  }
0x2c: {  	s18 =	sadd.s32 s6, s18  }
0x2d: {  	[tilespmem:s16], [sflag:$0x1] =	stream.linear.gather [hbm4b:s18+s4], $0x80, $0x38;
	[tilespmem:$0x10E80] =	vst v63  }
0x2e: {  	s18 =	spop (v2sf);
	(v2sf) =	vpush v3, $0x2;
	_ =	sdelay $0x3  }
0x2f: {  	s26 =	sand.u32 $0x1FFFFF80, s18;
	s22 =	spop (v2sf);
	(v2sf) =	vpush v4, $0x2  }
0x30: {  	s21 =	sadd.s32 s1, s26;
	s26 =	simm.s32 $0x1400  }
0x31: {  	[tilespmem:s26], [sflag:$0x2] =	stream.strided.gather [hbm4b:s21+s13], $0x1000, s12, s13, $0x38;
	[tilespmem:$0x10E80] =	vst v63  }
0x32: {  	s18 =	sshrl.u32 s18, $0x3;
	s26 =	sand.u32 $0x1FFFFF80, s22  }
0x33: {  	s18 =	sand.u32 $0x1FFFFFF0, s18;
	s21 =	sadd.s32 s2, s26;
	s26 =	simm.s32 $0x9400  }
0x34: {  	[tilespmem:s26], [sflag:$0x2] =	stream.strided.gather [hbm4b:s21+s13], $0x1000, s12, s13, $0x38;
	[tilespmem:$0x10E80] =	vst v63  }
0x35: {  	s18 =	sadd.s32 s3, s18;
	s22 =	sshrl.u32 s22, $0x3  }
0x36: {  	[tilespmem:s31], [sflag:$0x2] =	stream.linear.gather [hbm4b:s18+s4], $0x80, $0x38;
	[tilespmem:$0x10E80] =	vst v63  }
0x37: {  	s18 =	sand.u32 $0x1FFFFFF0, s22  }
0x38: {  	s18 =	sadd.s32 s6, s18  }
0x39: {  	[tilespmem:s7], [sflag:$0x2] =	stream.linear.gather [hbm4b:s18+s4], $0x80, $0x38;
	[tilespmem:$0x10E80] =	vst v63  }
0x3a: {  	s18 =	spop (v2sf);
	(v2sf) =	vpush v3, $0x3;
	_ =	sdelay $0x3  }
0x3b: {  	s31 =	simm.s32 $0x2400;
	s26 =	sand.u32 $0x1FFFFF80, s18;
	s22 =	spop (v2sf);
	(v2sf) =	vpush v4, $0x3  }
0x3c: {  	s18 =	sshrl.u32 s18, $0x3;
	s21 =	sadd.s32 s1, s26;
	s26 =	sand.u32 $0x1FFFFF80, s22  }
0x3d: {  	[tilespmem:s31], [sflag:$0x3] =	stream.strided.gather [hbm4b:s21+s13], $0x1000, s12, s13, $0x38;
	[tilespmem:$0x10E80] =	vst v63  }
0x3e: {  	s18 =	sand.u32 $0x1FFFFFF0, s18;
	s21 =	sadd.s32 s2, s26;
	s31 =	simm.s32 $0xA400  }
0x3f: {  	[tilespmem:s31], [sflag:$0x3] =	stream.strided.gather [hbm4b:s21+s13], $0x1000, s12, s13, $0x38;
	[tilespmem:$0x10E80] =	vst v63  }
0x40: {  	s18 =	sadd.s32 s3, s18  }
0x41: {  	[tilespmem:s8], [sflag:$0x3] =	stream.linear.gather [hbm4b:s18+s4], $0x80, $0x38;
	[tilespmem:$0x10E80] =	vst v63  }
0x42: {  	s8 =	sshrl.u32 s22, $0x3  }
0x43: {  	s18 =	sand.u32 $0x1FFFFFF0, s8  }
0x44: {  	s21 =	simm.s32 $0x10900;
	s18 =	sadd.s32 s6, s18  }
0x45: {  	[tilespmem:s21], [sflag:$0x3] =	stream.linear.gather [hbm4b:s18+s4], $0x80, $0x38;
	[tilespmem:$0x10E80] =	vst v63  }
0x46: {  	s18 =	spop (v2sf);
	(v2sf) =	vpush v3, $0x4;
	_ =	sdelay $0x3  }
0x47: {  	s31 =	simm.s32 $0x3400;
	s22 =	sand.u32 $0x1FFFFF80, s18;
	s26 =	spop (v2sf)  }
0x48: {  	s18 =	sshrl.u32 s18, $0x3;
	s21 =	sadd.s32 s1, s22;
	s7 =	sand.u32 $0x1FFFFF80, s26  }
0x49: {  	[tilespmem:s31], [sflag:$0x4] =	stream.strided.gather [hbm4b:s21+s13], $0x1000, s12, s13, $0x38;
	[tilespmem:$0x10E80] =	vst v63  }
0x4a: {  	s8 =	simm.s32 $0xB400;
	s18 =	sand.u32 $0x1FFFFFF0, s18;
	s21 =	sadd.s32 s2, s7  }
0x4b: {  	(v2sf) =	vpush v4, $0x4;
	[tilespmem:s8], [sflag:$0x4] =	stream.strided.gather [hbm4b:s21+s13], $0x1000, s12, s13, $0x38;
	[tilespmem:$0x10E80] =	vst v63  }
0x4c: {  	s18 =	sadd.s32 s3, s18  }
0x4d: {  	[tilespmem:s11], [sflag:$0x4] =	stream.linear.gather [hbm4b:s18+s4], $0x80, $0x38;
	[tilespmem:$0x10E80] =	vst v63  }
0x4e: {  	s11 =	sshrl.u32 s26, $0x3  }
0x4f: {  	s18 =	sand.u32 $0x1FFFFFF0, s11  }
0x50: {  	s21 =	simm.s32 $0x10980;
	s18 =	sadd.s32 s6, s18  }
0x51: {  	[tilespmem:s21], [sflag:$0x4] =	stream.linear.gather [hbm4b:s18+s4], $0x80, $0x38;
	[tilespmem:$0x10E80] =	vst v63  }
0x52: {  	s18 =	spop (v2sf);
	(v2sf) =	vpush v3, $0x5;
	_ =	sdelay $0x7  }
0x53: {  	s26 =	spop (v2sf);
	(v2sf) =	vpush v4, $0x5;
	_ =	sdelay $0x3  }
0x54: {  	s31 =	simm.s32 $0x4400;
	s11 =	simm.s32 $0xC400;
	s22 =	sand.u32 $0x1FFFFF80, s18  }
0x55: {  	s18 =	sshrl.u32 s18, $0x3;
	s21 =	sadd.s32 s1, s22;
	s8 =	sand.u32 $0x1FFFFF80, s26  }
0x56: {  	[tilespmem:s31], [sflag:$0x5] =	stream.strided.gather [hbm4b:s21+s13], $0x1000, s12, s13, $0x38;
	[tilespmem:$0x10E80] =	vst v63  }
0x57: {  	s18 =	sand.u32 $0x1FFFFFF0, s18;
	s21 =	sadd.s32 s2, s8;
	s22 =	spop (v2sf);
	(v2sf) =	vpush v3, $0x6  }
0x58: {  	[tilespmem:s11], [sflag:$0x5] =	stream.strided.gather [hbm4b:s21+s13], $0x1000, s12, s13, $0x38;
	[tilespmem:$0x10E80] =	vst v63  }
0x59: {  	s18 =	sadd.s32 s3, s18  }
0x5a: {  	[tilespmem:s19], [sflag:$0x5] =	stream.linear.gather [hbm4b:s18+s4], $0x80, $0x38;
	(v2sf) =	vpush v4, $0x6;
	[tilespmem:$0x10E80] =	vst v63  }
0x5b: {  	s19 =	sshrl.u32 s26, $0x3  }
0x5c: {  	s18 =	sand.u32 $0x1FFFFFF0, s19  }
0x5d: {  	s21 =	simm.s32 $0x10A00;
	s18 =	sadd.s32 s6, s18  }
0x5e: {  	[tilespmem:s21], [sflag:$0x5] =	stream.linear.gather [hbm4b:s18+s4], $0x80, $0x38;
	[tilespmem:$0x10E80] =	vst v63  }
0x5f: {  	s8 =	simm.s32 $0x5400;
	s26 =	sand.u32 $0x1FFFFF80, s22;
	s31 =	spop (v2sf)  }
0x60: {  	s18 =	sshrl.u32 s22, $0x3;
	s21 =	sadd.s32 s1, s26;
	s11 =	sand.u32 $0x1FFFFF80, s31  }
0x61: {  	(v2sf) =	vpush v3, $0x7;
	[tilespmem:s8], [sflag:$0x6] =	stream.strided.gather [hbm4b:s21+s13], $0x1000, s12, s13, $0x38;
	[tilespmem:$0x10E80] =	vst v63  }
0x62: {  	s19 =	simm.s32 $0xD400;
	s18 =	sand.u32 $0x1FFFFFF0, s18;
	s21 =	sadd.s32 s2, s11  }
0x63: {  	[tilespmem:s19], [sflag:$0x6] =	stream.strided.gather [hbm4b:s21+s13], $0x1000, s12, s13, $0x38;
	[tilespmem:$0x10E80] =	vst v63  }
0x64: {  	s26 =	sshrl.u32 s31, $0x3;
	s18 =	sadd.s32 s3, s18  }
0x65: {  	[tilespmem:s24], [sflag:$0x6] =	stream.linear.gather [hbm4b:s18+s4], $0x80, $0x38;
	[tilespmem:$0x10E80] =	vst v63  }
0x66: {  	s18 =	sand.u32 $0x1FFFFFF0, s26;
	s8 =	spop (v2sf);
	(v2sf) =	vpush v4, $0x7  }
0x67: {  	s31 =	simm.s32 $0x10A80;
	s18 =	sadd.s32 s6, s18  }
0x68: {  	[tilespmem:s31], [sflag:$0x6] =	stream.linear.gather [hbm4b:s18+s4], $0x80, $0x38;
	[tilespmem:$0x10E80] =	vst v63  }
0x69: {  	s24 =	simm.s32 $0x6400;
	s11 =	sand.u32 $0x1FFFFF80, s8;
	s19 =	spop (v2sf)  }
0x6a: {  	s18 =	sshrl.u32 s8, $0x3;
	s21 =	sadd.s32 s1, s11;
	s26 =	sand.u32 $0x1FFFFF80, s19  }
0x6b: {  	[tilespmem:s24], [sflag:$0x7] =	stream.strided.gather [hbm4b:s21+s13], $0x1000, s12, s13, $0x38;
	[tilespmem:$0x10E80] =	vst v63  }
0x6c: {  	s31 =	simm.s32 $0xE400;
	s18 =	sand.u32 $0x1FFFFFF0, s18;
	s21 =	sadd.s32 s2, s26  }
0x6d: {  	[tilespmem:s31], [sflag:$0x7] =	stream.strided.gather [hbm4b:s21+s13], $0x1000, s12, s13, $0x38;
	[tilespmem:$0x10E80] =	vst v63  }
0x6e: {  	s8 =	sshrl.u32 s19, $0x3;
	s18 =	sadd.s32 s3, s18  }
0x6f: {  	[tilespmem:s28], [sflag:$0x7] =	stream.linear.gather [hbm4b:s18+s4], $0x80, $0x38;
	[tilespmem:$0x10E80] =	vst v63  }
0x70: {  	s11 =	spop (v2sf);
	s18 =	sand.u32 $0x1FFFFFF0, s8  }
0x71: {  	s19 =	simm.s32 $0x10B00;
	s22 =	sand.u32 $0x1FFFFF80, s11;
	s18 =	sadd.s32 s6, s18  }
0x72: {  	[tilespmem:s19], [sflag:$0x7] =	stream.linear.gather [hbm4b:s18+s4], $0x80, $0x38;
	[tilespmem:$0x10E80] =	vst v63  }
0x73: {  	s18 =	sadd.s32 s1, s22  }
0x74: {  	[tilespmem:s25], [sflag:$0x8] =	stream.strided.gather [hbm4b:s18+s13], $0x1000, s12, s13, $0x38;
	[tilespmem:$0x10E80] =	vst v63  }
0x75: {  	s24 =	spop (v2sf)  }
0x76: {  	s25 =	sand.u32 $0x1FFFFF80, s24  }
0x77: {  	s26 =	sshrl.u32 s11, $0x3;
	s18 =	sadd.s32 s2, s25  }
0x78: {  	[tilespmem:s30], [sflag:$0x8] =	stream.strided.gather [hbm4b:s18+s13], $0x1000, s12, s13, $0x38;
	[tilespmem:$0x10E80] =	vst v63  }
0x79: {  	s18 =	sand.u32 $0x1FFFFFF0, s26  }
0x7a: {  	s28 =	simm.s32 $0x10780;
	s30 =	sshrl.u32 s24, $0x3;
	s18 =	sadd.s32 s3, s18  }
0x7b: {  	[tilespmem:s28], [sflag:$0x8] =	stream.linear.gather [hbm4b:s18+s4], $0x80, $0x38;
	[tilespmem:$0x10E80] =	vst v63  }
0x7c: {  	s18 =	sand.u32 $0x1FFFFFF0, s30  }
0x7d: {  	s31 =	simm.s32 $0x10B80;
	s18 =	sadd.s32 s6, s18  }
0x7e: {  	[tilespmem:s31], [sflag:$0x8] =	stream.linear.gather [hbm4b:s18+s4], $0x80, $0x38;
	[tilespmem:$0x10E80] =	vst v63  }
0x7f: {  	s21 =	simm.s32 $0x0;
	s18 =	simm.s32 $0x0  }
.LBB2_2:
0x80: {  	v3 =	vld [tilespmem:s18+$0x0];
	_ =	sdelay $0x1  }
0x81: {  	v4 =	vld [tilespmem:s17+$0x0];
	_ =	sdelay $0x1  }
0x82: {  	_ =	swait.ge [sflag:s5], $0x2100  }
0x83: {  	(v2sf) =	vpush v3, $0x0;
	_ =	sdelay $0x1  }
0x84: {  	(v2sf) =	vpush v4, $0x0;
	_ =	sdelay $0xc  }
0x85: {  	s22 =	spop (v2sf)  }
0x86: {  	s22 =	sand.u32 $0x7F, s22  }
0x87: {  	s25 =	spop (v2sf);
	v5 =	vor.u32 s22, v1  }
0x88: {  	s25 =	sand.u32 $0x7F, s25;
	v6 =	vor.u32 s22, v2  }
0x89: {  	v7 =	vor.u32 s25, v1  }
0x8a: {  	[sflag:s5] =	ssyncset.done $0x0;
	v8 =	vor.u32 s25, v2  }
0x8b: {  	[sflag:s5] =	ssyncadd.s32 $0xFFFFDF00  }
0x8c: {  	v5 =	vld.idx.msk [tilespmem:v5+s13+$0x0], $0xffff  }
0x8d: {  	s31 =	simm.s32 $0x8400;
	v6 =	vld.idx.msk [tilespmem:v6+s13+$0x0], $0xffff  }
0x8e: {  	v7 =	vld.idx.msk [tilespmem:v7+s31+$0x0], $0xffff  }
0x8f: {  	v8 =	vld.idx.msk [tilespmem:v8+s31+$0x0], $0xffff;
	_ =	sdelay $0x4  }
0x90: {  	v5 =	vmul.f32 v7, v5;
	v6 =	vmul.f32 v8, v6;
	_ =	sdelay $0x1  }
0x91: {  	v5 =	vadd.f32 v6, v5;
	_ =	sdelay $0x1  }
0x92: {  	(xrf2) =	vadd.scan.msk.f32 $0xffff, v5;
	_ =	sdelay $0x1  }
0x93: {  	v5 =	vmov s22;
	_ =	sdelay $0x1  }
0x94: {  	v6 =	vmov s25;
	_ =	sdelay $0x2  }
0x95: {  	v5 =	vld.idx.msk [tilespmem:v5+s15+$0x0], $0xffff;
	_ =	sdelay $0x1  }
0x96: {  	v6 =	vld.idx.msk [tilespmem:v6+s16+$0x0], $0xffff  }
0x97: {  	v7, _, _ =	vpop (xrf2)  }
0x98: {  	(v2sf) =	vpush v7, $0xF  }
0x99: {  	(v2sf) =	vpush v5, $0x0;
	_ =	sdelay $0x1  }
0x9a: {  	(v2sf) =	vpush v6, $0x0;
	_ =	sdelay $0x1  }
0x9b: {  	(v2sf) =	vpush v3, $0x8  }
0x9c: {  	(v2sf) =	vpush v4, $0x8;
	_ =	sdelay $0x8  }
0x9d: {  	s30 =	spop (v2sf)  }
0x9e: {  	v5 =	vld [tilespmem:$0x10C00];
	s7 =	spop (v2sf)  }
0x9f: {  	s25 =	sadd.f32 s30, s7  }
0xa0: {  	s22 =	sand.u32 $0x8, s21;
	s26 =	spop (v2sf)  }
0xa1: {  	v6 =	vmov s22;
	s25 =	sadd.f32 s25, s26  }
0xa2: {  	vm0 =	veq.s32 v6, v0;
	s8 =	spop (v2sf)  }
0xa3: {  	s11 =	sand.u32 $0x1FFFFF80, s8;
	s30 =	spop (v2sf);
	v5 =	vsel vm0, s25, v5  }
0xa4: {  	s19 =	sand.u32 $0x1FFFFF80, s30;
	s25 =	sadd.s32 s1, s11;
	[tilespmem:$0x10C00] =	vst v5  }
0xa5: {  	[tilespmem:s13], [sflag:$0x1] =	stream.strided.gather [hbm4b:s25+s13], $0x1000, s12, s13, $0x38;
	[tilespmem:$0x10E80] =	vst v63  }
0xa6: {  	s24 =	sshrl.u32 s8, $0x3;
	s25 =	sadd.s32 s2, s19  }
0xa7: {  	[tilespmem:s31], [sflag:$0x1] =	stream.strided.gather [hbm4b:s25+s13], $0x1000, s12, s13, $0x38;
	[tilespmem:$0x10E80] =	vst v63  }
0xa8: {  	s25 =	sand.u32 $0x1FFFFFF0, s24  }
0xa9: {  	s26 =	sshrl.u32 s30, $0x3;
	s25 =	sadd.s32 s3, s25  }
0xaa: {  	[tilespmem:s15], [sflag:$0x1] =	stream.linear.gather [hbm4b:s25+s4], $0x80, $0x38;
	[tilespmem:$0x10E80] =	vst v63  }
0xab: {  	s25 =	sand.u32 $0x1FFFFFF0, s26  }
0xac: {  	s25 =	sadd.s32 s6, s25  }
0xad: {  	[tilespmem:s16], [sflag:$0x1] =	stream.linear.gather [hbm4b:s25+s4], $0x80, $0x38;
	[tilespmem:$0x10E80] =	vst v63  }
0xae: {  	_ =	swait.ge [sflag:s9], $0x2100  }
0xaf: {  	(v2sf) =	vpush v3, $0x1;
	_ =	sdelay $0x1  }
0xb0: {  	(v2sf) =	vpush v4, $0x1;
	_ =	sdelay $0xc  }
0xb1: {  	s30 =	spop (v2sf)  }
0xb2: {  	s25 =	sand.u32 $0x7F, s30  }
0xb3: {  	s7 =	spop (v2sf);
	v5 =	vor.u32 s25, v1  }
0xb4: {  	s26 =	sand.u32 $0x7F, s7;
	v6 =	vor.u32 s25, v2  }
0xb5: {  	v7 =	vor.u32 s26, v1  }
0xb6: {  	[sflag:s9] =	ssyncset.done $0x0;
	v57 =	vor.u32 s26, v2  }
0xb7: {  	s31 =	simm.s32 $0x1400;
	[sflag:s9] =	ssyncadd.s32 $0xFFFFDF00  }
0xb8: {  	v5 =	vld.idx.msk [tilespmem:v5+s31+$0x0], $0xffff  }
0xb9: {  	s7 =	simm.s32 $0x9400;
	v6 =	vld.idx.msk [tilespmem:v6+s31+$0x0], $0xffff  }
0xba: {  	v7 =	vld.idx.msk [tilespmem:v7+s7+$0x0], $0xffff  }
0xbb: {  	v8 =	vld.idx.msk [tilespmem:v57+s7+$0x0], $0xffff;
	_ =	sdelay $0x4  }
0xbc: {  	v5 =	vmul.f32 v7, v5;
	v6 =	vmul.f32 v8, v6;
	_ =	sdelay $0x1  }
0xbd: {  	v5 =	vadd.f32 v6, v5;
	_ =	sdelay $0x1  }
0xbe: {  	(xrf2) =	vadd.scan.msk.f32 $0xffff, v5  }
0xbf: {  	v5 =	vmov s25  }
0xc0: {  	v5 =	vor.u32 $0x80, v5  }
0xc1: {  	v6 =	vmov s26  }
0xc2: {  	v6 =	vor.u32 $0x80, v6;
	_ =	sdelay $0x2  }
0xc3: {  	v5 =	vld.idx.msk [tilespmem:v5+s15+$0x0], $0xffff;
	_ =	sdelay $0x1  }
0xc4: {  	v6 =	vld.idx.msk [tilespmem:v6+s16+$0x0], $0xffff  }
0xc5: {  	v7, _, _ =	vpop (xrf2)  }
0xc6: {  	(v2sf) =	vpush v7, $0xF  }
0xc7: {  	(v2sf) =	vpush v5, $0x0;
	_ =	sdelay $0x1  }
0xc8: {  	(v2sf) =	vpush v6, $0x0;
	_ =	sdelay $0x1  }
0xc9: {  	(v2sf) =	vpush v3, $0x9  }
0xca: {  	(v2sf) =	vpush v4, $0x9;
	_ =	sdelay $0x8  }
0xcb: {  	s8 =	spop (v2sf)  }
0xcc: {  	v5 =	vld [tilespmem:$0x10C00];
	s11 =	spop (v2sf)  }
0xcd: {  	s25 =	sadd.f32 s8, s11  }
0xce: {  	s24 =	sor.u32 $0x1, s22;
	s19 =	spop (v2sf)  }
0xcf: {  	v6 =	vmov s24;
	s25 =	sadd.f32 s25, s19  }
0xd0: {  	vm9 =	veq.s32 v6, v0;
	s8 =	spop (v2sf)  }
0xd1: {  	s11 =	sand.u32 $0x1FFFFF80, s8;
	s19 =	spop (v2sf);
	v5 =	vsel vm9, s25, v5  }
0xd2: {  	s24 =	sand.u32 $0x1FFFFF80, s19;
	s25 =	sadd.s32 s1, s11;
	[tilespmem:$0x10C00] =	vst v5  }
0xd3: {  	[tilespmem:s31], [sflag:$0x2] =	stream.strided.gather [hbm4b:s25+s13], $0x1000, s12, s13, $0x38;
	[tilespmem:$0x10E80] =	vst v63  }
0xd4: {  	s25 =	sadd.s32 s2, s24  }
0xd5: {  	[tilespmem:s7], [sflag:$0x2] =	stream.strided.gather [hbm4b:s25+s13], $0x1000, s12, s13, $0x38;
	[tilespmem:$0x10E80] =	vst v63  }
0xd6: {  	s7 =	sshrl.u32 s8, $0x3  }
0xd7: {  	s25 =	sand.u32 $0x1FFFFFF0, s7  }
0xd8: {  	s31 =	simm.s32 $0x10480;
	s8 =	sshrl.u32 s19, $0x3;
	s25 =	sadd.s32 s3, s25  }
0xd9: {  	[tilespmem:s31], [sflag:$0x2] =	stream.linear.gather [hbm4b:s25+s4], $0x80, $0x38;
	[tilespmem:$0x10E80] =	vst v63  }
0xda: {  	s25 =	sand.u32 $0x1FFFFFF0, s8  }
0xdb: {  	s11 =	simm.s32 $0x10880;
	s25 =	sadd.s32 s6, s25  }
0xdc: {  	[tilespmem:s11], [sflag:$0x2] =	stream.linear.gather [hbm4b:s25+s4], $0x80, $0x38;
	[tilespmem:$0x10E80] =	vst v63  }
0xdd: {  	_ =	swait.ge [sflag:s10], $0x2100  }
0xde: {  	(v2sf) =	vpush v3, $0x2;
	_ =	sdelay $0x1  }
0xdf: {  	(v2sf) =	vpush v4, $0x2;
	_ =	sdelay $0xc  }
0xe0: {  	s19 =	spop (v2sf)  }
0xe1: {  	s25 =	sand.u32 $0x7F, s19  }
0xe2: {  	s24 =	spop (v2sf);
	v5 =	vor.u32 s25, v1  }
0xe3: {  	s26 =	sand.u32 $0x7F, s24;
	v6 =	vor.u32 s25, v2  }
0xe4: {  	v7 =	vor.u32 s26, v1  }
0xe5: {  	[sflag:s10] =	ssyncset.done $0x0;
	v58 =	vor.u32 s26, v2  }
0xe6: {  	s7 =	simm.s32 $0x2400;
	[sflag:s10] =	ssyncadd.s32 $0xFFFFDF00  }
0xe7: {  	v5 =	vld.idx.msk [tilespmem:v5+s7+$0x0], $0xffff  }
0xe8: {  	s8 =	simm.s32 $0xA400;
	v6 =	vld.idx.msk [tilespmem:v6+s7+$0x0], $0xffff  }
0xe9: {  	v7 =	vld.idx.msk [tilespmem:v7+s8+$0x0], $0xffff  }
0xea: {  	v8 =	vld.idx.msk [tilespmem:v58+s8+$0x0], $0xffff;
	_ =	sdelay $0x4  }
0xeb: {  	v5 =	vmul.f32 v7, v5;
	v6 =	vmul.f32 v8, v6;
	_ =	sdelay $0x1  }
0xec: {  	v5 =	vadd.f32 v6, v5;
	_ =	sdelay $0x1  }
0xed: {  	(xrf2) =	vadd.scan.msk.f32 $0xffff, v5  }
0xee: {  	v5 =	vmov s25  }
0xef: {  	v5 =	vor.u32 $0x100, v5  }
0xf0: {  	v6 =	vmov s26  }
0xf1: {  	v6 =	vor.u32 $0x100, v6;
	_ =	sdelay $0x2  }
0xf2: {  	v5 =	vld.idx.msk [tilespmem:v5+s15+$0x0], $0xffff;
	_ =	sdelay $0x1  }
0xf3: {  	v6 =	vld.idx.msk [tilespmem:v6+s16+$0x0], $0xffff  }
0xf4: {  	v7, _, _ =	vpop (xrf2)  }
0xf5: {  	(v2sf) =	vpush v7, $0xF  }
0xf6: {  	(v2sf) =	vpush v5, $0x0;
	_ =	sdelay $0x1  }
0xf7: {  	(v2sf) =	vpush v6, $0x0;
	_ =	sdelay $0x1  }
0xf8: {  	(v2sf) =	vpush v3, $0xA  }
0xf9: {  	(v2sf) =	vpush v4, $0xA;
	_ =	sdelay $0x8  }
0xfa: {  	s30 =	spop (v2sf)  }
0xfb: {  	v5 =	vld [tilespmem:$0x10C00];
	s11 =	spop (v2sf)  }
0xfc: {  	s25 =	sadd.f32 s30, s11  }
0xfd: {  	s24 =	sor.u32 $0x2, s22;
	s19 =	spop (v2sf)  }
0xfe: {  	v6 =	vmov s24;
	s25 =	sadd.f32 s25, s19  }
0xff: {  	vm10 =	veq.s32 v6, v0;
	s26 =	spop (v2sf)  }
0x100: {  	s11 =	sand.u32 $0x1FFFFF80, s26;
	s19 =	spop (v2sf);
	v5 =	vsel vm10, s25, v5  }
0x101: {  	s24 =	sand.u32 $0x1FFFFF80, s19;
	s25 =	sadd.s32 s1, s11;
	[tilespmem:$0x10C00] =	vst v5  }
0x102: {  	[tilespmem:s7], [sflag:$0x3] =	stream.strided.gather [hbm4b:s25+s13], $0x1000, s12, s13, $0x38;
	[tilespmem:$0x10E80] =	vst v63  }
0x103: {  	s26 =	sshrl.u32 s26, $0x3;
	s25 =	sadd.s32 s2, s24  }
0x104: {  	[tilespmem:s8], [sflag:$0x3] =	stream.strided.gather [hbm4b:s25+s13], $0x1000, s12, s13, $0x38;
	[tilespmem:$0x10E80] =	vst v63  }
0x105: {  	s25 =	sand.u32 $0x1FFFFFF0, s26  }
0x106: {  	s7 =	sshrl.u32 s19, $0x3;
	s8 =	simm.s32 $0x10500;
	s25 =	sadd.s32 s3, s25  }
0x107: {  	[tilespmem:s8], [sflag:$0x3] =	stream.linear.gather [hbm4b:s25+s4], $0x80, $0x38;
	[tilespmem:$0x10E80] =	vst v63  }
0x108: {  	s25 =	sand.u32 $0x1FFFFFF0, s7  }
0x109: {  	s11 =	simm.s32 $0x10900;
	s25 =	sadd.s32 s6, s25  }
0x10a: {  	[tilespmem:s11], [sflag:$0x3] =	stream.linear.gather [hbm4b:s25+s4], $0x80, $0x38;
	[tilespmem:$0x10E80] =	vst v63  }
0x10b: {  	_ =	swait.ge [sflag:s20], $0x2100  }
0x10c: {  	(v2sf) =	vpush v3, $0x3;
	_ =	sdelay $0x1  }
0x10d: {  	(v2sf) =	vpush v4, $0x3;
	_ =	sdelay $0xc  }
0x10e: {  	s19 =	spop (v2sf)  }
0x10f: {  	s25 =	sand.u32 $0x7F, s19  }
0x110: {  	s24 =	spop (v2sf);
	v5 =	vor.u32 s25, v1  }
0x111: {  	s26 =	sand.u32 $0x7F, s24;
	v6 =	vor.u32 s25, v2  }
0x112: {  	v7 =	vor.u32 s26, v1  }
0x113: {  	[sflag:s20] =	ssyncset.done $0x0;
	v59 =	vor.u32 s26, v2  }
0x114: {  	s7 =	simm.s32 $0x3400;
	[sflag:s20] =	ssyncadd.s32 $0xFFFFDF00  }
0x115: {  	v5 =	vld.idx.msk [tilespmem:v5+s7+$0x0], $0xffff  }
0x116: {  	s11 =	simm.s32 $0xB400;
	v6 =	vld.idx.msk [tilespmem:v6+s7+$0x0], $0xffff  }
0x117: {  	v7 =	vld.idx.msk [tilespmem:v7+s11+$0x0], $0xffff  }
0x118: {  	v8 =	vld.idx.msk [tilespmem:v59+s11+$0x0], $0xffff;
	_ =	sdelay $0x4  }
0x119: {  	v5 =	vmul.f32 v7, v5;
	v6 =	vmul.f32 v8, v6;
	_ =	sdelay $0x1  }
0x11a: {  	v5 =	vadd.f32 v6, v5;
	_ =	sdelay $0x1  }
0x11b: {  	(xrf2) =	vadd.scan.msk.f32 $0xffff, v5  }
0x11c: {  	v5 =	vmov s25  }
0x11d: {  	v5 =	vor.u32 $0x180, v5  }
0x11e: {  	v6 =	vmov s26  }
0x11f: {  	v6 =	vor.u32 $0x180, v6;
	_ =	sdelay $0x2  }
0x120: {  	v5 =	vld.idx.msk [tilespmem:v5+s15+$0x0], $0xffff;
	_ =	sdelay $0x1  }
0x121: {  	v6 =	vld.idx.msk [tilespmem:v6+s16+$0x0], $0xffff  }
0x122: {  	v7, _, _ =	vpop (xrf2)  }
0x123: {  	(v2sf) =	vpush v7, $0xF  }
0x124: {  	(v2sf) =	vpush v5, $0x0;
	_ =	sdelay $0x1  }
0x125: {  	(v2sf) =	vpush v6, $0x0;
	_ =	sdelay $0x1  }
0x126: {  	(v2sf) =	vpush v3, $0xB  }
0x127: {  	(v2sf) =	vpush v4, $0xB;
	_ =	sdelay $0x8  }
0x128: {  	s30 =	spop (v2sf)  }
0x129: {  	v5 =	vld [tilespmem:$0x10C00];
	s19 =	spop (v2sf)  }
0x12a: {  	s25 =	sadd.f32 s30, s19  }
0x12b: {  	s24 =	spop (v2sf);
	s19 =	sor.u32 $0x3, s22  }
0x12c: {  	v6 =	vmov s19;
	s25 =	sadd.f32 s25, s24  }
0x12d: {  	s26 =	spop (v2sf);
	vm11 =	veq.s32 v6, v0  }
0x12e: {  	s24 =	sand.u32 $0x1FFFFF80, s26;
	s30 =	spop (v2sf);
	v5 =	vsel vm11, s25, v5  }
0x12f: {  	s19 =	sand.u32 $0x1FFFFF80, s30;
	s25 =	sadd.s32 s1, s24;
	[tilespmem:$0x10C00] =	vst v5  }
0x130: {  	[tilespmem:s7], [sflag:$0x4] =	stream.strided.gather [hbm4b:s25+s13], $0x1000, s12, s13, $0x38;
	[tilespmem:$0x10E80] =	vst v63  }
0x131: {  	s24 =	sshrl.u32 s26, $0x3;
	s25 =	sadd.s32 s2, s19  }
0x132: {  	[tilespmem:s11], [sflag:$0x4] =	stream.strided.gather [hbm4b:s25+s13], $0x1000, s12, s13, $0x38;
	[tilespmem:$0x10E80] =	vst v63  }
0x133: {  	s25 =	sand.u32 $0x1FFFFFF0, s24  }
0x134: {  	s26 =	sshrl.u32 s30, $0x3;
	s11 =	simm.s32 $0x10580;
	s25 =	sadd.s32 s3, s25  }
0x135: {  	[tilespmem:s11], [sflag:$0x4] =	stream.linear.gather [hbm4b:s25+s4], $0x80, $0x38;
	[tilespmem:$0x10E80] =	vst v63  }
0x136: {  	s25 =	sand.u32 $0x1FFFFFF0, s26  }
0x137: {  	s30 =	simm.s32 $0x10980;
	s25 =	sadd.s32 s6, s25  }
0x138: {  	[tilespmem:s30], [sflag:$0x4] =	stream.linear.gather [hbm4b:s25+s4], $0x80, $0x38;
	[tilespmem:$0x10E80] =	vst v63  }
0x139: {  	_ =	swait.ge [sflag:s23], $0x2100  }
0x13a: {  	(v2sf) =	vpush v3, $0x4;
	_ =	sdelay $0x1  }
0x13b: {  	(v2sf) =	vpush v4, $0x4;
	_ =	sdelay $0xc  }
0x13c: {  	s19 =	spop (v2sf)  }
0x13d: {  	s25 =	sand.u32 $0x7F, s19  }
0x13e: {  	s24 =	spop (v2sf);
	v5 =	vor.u32 s25, v1  }
0x13f: {  	s26 =	sand.u32 $0x7F, s24;
	v6 =	vor.u32 s25, v2  }
0x140: {  	v7 =	vor.u32 s26, v1  }
0x141: {  	[sflag:s23] =	ssyncset.done $0x0;
	v60 =	vor.u32 s26, v2  }
0x142: {  	s7 =	simm.s32 $0x4400;
	[sflag:s23] =	ssyncadd.s32 $0xFFFFDF00  }
0x143: {  	v5 =	vld.idx.msk [tilespmem:v5+s7+$0x0], $0xffff  }
0x144: {  	s19 =	simm.s32 $0xC400;
	v6 =	vld.idx.msk [tilespmem:v6+s7+$0x0], $0xffff  }
0x145: {  	v7 =	vld.idx.msk [tilespmem:v7+s19+$0x0], $0xffff  }
0x146: {  	v8 =	vld.idx.msk [tilespmem:v60+s19+$0x0], $0xffff;
	_ =	sdelay $0x4  }
0x147: {  	v5 =	vmul.f32 v7, v5;
	v6 =	vmul.f32 v8, v6;
	_ =	sdelay $0x1  }
0x148: {  	v5 =	vadd.f32 v6, v5;
	_ =	sdelay $0x1  }
0x149: {  	(xrf2) =	vadd.scan.msk.f32 $0xffff, v5  }
0x14a: {  	v5 =	vmov s25  }
0x14b: {  	v5 =	vor.u32 $0x200, v5  }
0x14c: {  	v6 =	vmov s26  }
0x14d: {  	v6 =	vor.u32 $0x200, v6;
	_ =	sdelay $0x2  }
0x14e: {  	v5 =	vld.idx.msk [tilespmem:v5+s15+$0x0], $0xffff;
	_ =	sdelay $0x1  }
0x14f: {  	v6 =	vld.idx.msk [tilespmem:v6+s16+$0x0], $0xffff  }
0x150: {  	v7, _, _ =	vpop (xrf2)  }
0x151: {  	(v2sf) =	vpush v7, $0xF  }
0x152: {  	(v2sf) =	vpush v5, $0x0;
	_ =	sdelay $0x1  }
0x153: {  	(v2sf) =	vpush v6, $0x0;
	_ =	sdelay $0x1  }
0x154: {  	(v2sf) =	vpush v3, $0xC;
	_ =	sdelay $0x1  }
0x155: {  	(v2sf) =	vpush v4, $0xC;
	_ =	sdelay $0x7  }
0x156: {  	s26 =	spop (v2sf)  }
0x157: {  	v5 =	vld [tilespmem:$0x10C00];
	s30 =	spop (v2sf)  }
0x158: {  	s25 =	sadd.f32 s26, s30  }
0x159: {  	s24 =	sor.u32 $0x4, s22;
	s26 =	spop (v2sf)  }
0x15a: {  	v6 =	vmov s24;
	s25 =	sadd.f32 s25, s26  }
0x15b: {  	vm12 =	veq.s32 v6, v0;
	s26 =	spop (v2sf)  }
0x15c: {  	s24 =	sand.u32 $0x1FFFFF80, s26;
	v5 =	vsel vm12, s25, v5  }
0x15d: {  	s30 =	spop (v2sf);
	s25 =	sadd.s32 s1, s24;
	[tilespmem:$0x10C00] =	vst v5  }
0x15e: {  	[tilespmem:s7], [sflag:$0x5] =	stream.strided.gather [hbm4b:s25+s13], $0x1000, s12, s13, $0x38;
	[tilespmem:$0x10E80] =	vst v63  }
0x15f: {  	s7 =	sand.u32 $0x1FFFFF80, s30  }
0x160: {  	s24 =	sshrl.u32 s26, $0x3;
	s25 =	sadd.s32 s2, s7  }
0x161: {  	[tilespmem:s19], [sflag:$0x5] =	stream.strided.gather [hbm4b:s25+s13], $0x1000, s12, s13, $0x38;
	[tilespmem:$0x10E80] =	vst v63  }
0x162: {  	s25 =	sand.u32 $0x1FFFFFF0, s24  }
0x163: {  	s26 =	sshrl.u32 s30, $0x3;
	s19 =	simm.s32 $0x10600;
	s25 =	sadd.s32 s3, s25  }
0x164: {  	[tilespmem:s19], [sflag:$0x5] =	stream.linear.gather [hbm4b:s25+s4], $0x80, $0x38;
	[tilespmem:$0x10E80] =	vst v63  }
0x165: {  	s25 =	sand.u32 $0x1FFFFFF0, s26  }
0x166: {  	s30 =	simm.s32 $0x10A00;
	s25 =	sadd.s32 s6, s25  }
0x167: {  	[tilespmem:s30], [sflag:$0x5] =	stream.linear.gather [hbm4b:s25+s4], $0x80, $0x38;
	[tilespmem:$0x10E80] =	vst v63  }
0x168: {  	_ =	swait.ge [sflag:s29], $0x2100  }
0x169: {  	(v2sf) =	vpush v3, $0x5;
	_ =	sdelay $0x1  }
0x16a: {  	(v2sf) =	vpush v4, $0x5;
	_ =	sdelay $0xc  }
0x16b: {  	s7 =	spop (v2sf)  }
0x16c: {  	s25 =	sand.u32 $0x7F, s7  }
0x16d: {  	s24 =	spop (v2sf);
	v5 =	vor.u32 s25, v1  }
0x16e: {  	s26 =	sand.u32 $0x7F, s24;
	v6 =	vor.u32 s25, v2  }
0x16f: {  	v7 =	vor.u32 s26, v1  }
0x170: {  	[sflag:s29] =	ssyncset.done $0x0;
	v61 =	vor.u32 s26, v2  }
0x171: {  	[sflag:s29] =	ssyncadd.s32 $0xFFFFDF00;
	s7 =	simm.s32 $0x5400  }
0x172: {  	v5 =	vld.idx.msk [tilespmem:v5+s7+$0x0], $0xffff  }
0x173: {  	s24 =	simm.s32 $0xD400;
	v6 =	vld.idx.msk [tilespmem:v6+s7+$0x0], $0xffff  }
0x174: {  	v7 =	vld.idx.msk [tilespmem:v7+s24+$0x0], $0xffff  }
0x175: {  	v8 =	vld.idx.msk [tilespmem:v61+s24+$0x0], $0xffff;
	_ =	sdelay $0x4  }
0x176: {  	v5 =	vmul.f32 v7, v5;
	v6 =	vmul.f32 v8, v6;
	_ =	sdelay $0x1  }
0x177: {  	v5 =	vadd.f32 v6, v5;
	_ =	sdelay $0x1  }
0x178: {  	(xrf2) =	vadd.scan.msk.f32 $0xffff, v5  }
0x179: {  	v5 =	vmov s25  }
0x17a: {  	v5 =	vor.u32 $0x280, v5  }
0x17b: {  	v6 =	vmov s26  }
0x17c: {  	v6 =	vor.u32 $0x280, v6;
	_ =	sdelay $0x2  }
0x17d: {  	v5 =	vld.idx.msk [tilespmem:v5+s15+$0x0], $0xffff;
	_ =	sdelay $0x1  }
0x17e: {  	v6 =	vld.idx.msk [tilespmem:v6+s16+$0x0], $0xffff  }
0x17f: {  	v7, _, _ =	vpop (xrf2)  }
0x180: {  	(v2sf) =	vpush v7, $0xF  }
0x181: {  	(v2sf) =	vpush v5, $0x0;
	_ =	sdelay $0x1  }
0x182: {  	(v2sf) =	vpush v6, $0x0;
	_ =	sdelay $0x1  }
0x183: {  	(v2sf) =	vpush v3, $0xD;
	_ =	sdelay $0x1  }
0x184: {  	(v2sf) =	vpush v4, $0xD;
	_ =	sdelay $0x7  }
0x185: {  	s26 =	spop (v2sf)  }
0x186: {  	v5 =	vld [tilespmem:$0x10C00];
	s30 =	spop (v2sf)  }
0x187: {  	s25 =	sadd.f32 s26, s30  }
0x188: {  	s26 =	spop (v2sf);
	s30 =	sor.u32 $0x5, s22  }
0x189: {  	v6 =	vmov s30;
	s25 =	sadd.f32 s25, s26  }
0x18a: {  	vm13 =	veq.s32 v6, v0;
	s26 =	spop (v2sf)  }
0x18b: {  	v5 =	vsel vm13, s25, v5;
	s25 =	sand.u32 $0x1FFFFF80, s26  }
0x18c: {  	s30 =	spop (v2sf);
	[tilespmem:$0x10C00] =	vst v5;
	s25 =	sadd.s32 s1, s25  }
0x18d: {  	[tilespmem:s7], [sflag:$0x6] =	stream.strided.gather [hbm4b:s25+s13], $0x1000, s12, s13, $0x38;
	[tilespmem:$0x10E80] =	vst v63  }
0x18e: {  	s7 =	sand.u32 $0x1FFFFF80, s30  }
0x18f: {  	s26 =	sshrl.u32 s26, $0x3;
	s25 =	sadd.s32 s2, s7  }
0x190: {  	[tilespmem:s24], [sflag:$0x6] =	stream.strided.gather [hbm4b:s25+s13], $0x1000, s12, s13, $0x38;
	[tilespmem:$0x10E80] =	vst v63  }
0x191: {  	s25 =	sand.u32 $0x1FFFFFF0, s26  }
0x192: {  	s7 =	sshrl.u32 s30, $0x3;
	s24 =	simm.s32 $0x10680;
	s25 =	sadd.s32 s3, s25  }
0x193: {  	[tilespmem:s24], [sflag:$0x6] =	stream.linear.gather [hbm4b:s25+s4], $0x80, $0x38;
	[tilespmem:$0x10E80] =	vst v63  }
0x194: {  	s25 =	sand.u32 $0x1FFFFFF0, s7  }
0x195: {  	s26 =	simm.s32 $0x10A80;
	s25 =	sadd.s32 s6, s25  }
0x196: {  	[tilespmem:s26], [sflag:$0x6] =	stream.linear.gather [hbm4b:s25+s4], $0x80, $0x38;
	[tilespmem:$0x10E80] =	vst v63  }
0x197: {  	_ =	swait.ge [sflag:s0], $0x2100  }
0x198: {  	(v2sf) =	vpush v3, $0x6;
	_ =	sdelay $0x1  }
0x199: {  	(v2sf) =	vpush v4, $0x6;
	_ =	sdelay $0xc  }
0x19a: {  	s30 =	spop (v2sf)  }
0x19b: {  	s25 =	sand.u32 $0x7F, s30  }
0x19c: {  	s7 =	spop (v2sf);
	v5 =	vor.u32 s25, v1  }
0x19d: {  	s26 =	sand.u32 $0x7F, s7;
	v6 =	vor.u32 s25, v2  }
0x19e: {  	v7 =	vor.u32 s26, v1  }
0x19f: {  	[sflag:s0] =	ssyncset.done $0x0;
	v62 =	vor.u32 s26, v2  }
0x1a0: {  	[sflag:s0] =	ssyncadd.s32 $0xFFFFDF00;
	s7 =	simm.s32 $0x6400  }
0x1a1: {  	v5 =	vld.idx.msk [tilespmem:v5+s7+$0x0], $0xffff  }
0x1a2: {  	s28 =	simm.s32 $0xE400;
	v6 =	vld.idx.msk [tilespmem:v6+s7+$0x0], $0xffff  }
0x1a3: {  	v7 =	vld.idx.msk [tilespmem:v7+s28+$0x0], $0xffff  }
0x1a4: {  	v8 =	vld.idx.msk [tilespmem:v62+s28+$0x0], $0xffff;
	_ =	sdelay $0x4  }
0x1a5: {  	v5 =	vmul.f32 v7, v5;
	v6 =	vmul.f32 v8, v6;
	_ =	sdelay $0x1  }
0x1a6: {  	v5 =	vadd.f32 v6, v5;
	_ =	sdelay $0x1  }
0x1a7: {  	(xrf2) =	vadd.scan.msk.f32 $0xffff, v5  }
0x1a8: {  	v5 =	vmov s25  }
0x1a9: {  	v5 =	vor.u32 $0x300, v5  }
0x1aa: {  	v6 =	vmov s26  }
0x1ab: {  	v6 =	vor.u32 $0x300, v6;
	_ =	sdelay $0x2  }
0x1ac: {  	v5 =	vld.idx.msk [tilespmem:v5+s15+$0x0], $0xffff;
	_ =	sdelay $0x1  }
0x1ad: {  	v6 =	vld.idx.msk [tilespmem:v6+s16+$0x0], $0xffff  }
0x1ae: {  	v7, _, _ =	vpop (xrf2)  }
0x1af: {  	(v2sf) =	vpush v7, $0xF  }
0x1b0: {  	(v2sf) =	vpush v5, $0x0;
	_ =	sdelay $0x1  }
0x1b1: {  	(v2sf) =	vpush v6, $0x0;
	_ =	sdelay $0x1  }
0x1b2: {  	(v2sf) =	vpush v3, $0xE;
	_ =	sdelay $0x1  }
0x1b3: {  	(v2sf) =	vpush v4, $0xE;
	_ =	sdelay $0x7  }
0x1b4: {  	s26 =	spop (v2sf)  }
0x1b5: {  	v5 =	vld [tilespmem:$0x10C00];
	s30 =	spop (v2sf)  }
0x1b6: {  	s25 =	sadd.f32 s26, s30  }
0x1b7: {  	s26 =	spop (v2sf);
	s30 =	sor.u32 $0x6, s22  }
0x1b8: {  	v6 =	vmov s30;
	s25 =	sadd.f32 s25, s26  }
0x1b9: {  	vm14 =	veq.s32 v6, v0;
	s26 =	spop (v2sf)  }
0x1ba: {  	v5 =	vsel vm14, s25, v5;
	s25 =	sand.u32 $0x1FFFFF80, s26  }
0x1bb: {  	s30 =	spop (v2sf);
	[tilespmem:$0x10C00] =	vst v5;
	s25 =	sadd.s32 s1, s25  }
0x1bc: {  	[tilespmem:s7], [sflag:$0x7] =	stream.strided.gather [hbm4b:s25+s13], $0x1000, s12, s13, $0x38;
	[tilespmem:$0x10E80] =	vst v63  }
0x1bd: {  	s7 =	sand.u32 $0x1FFFFF80, s30  }
0x1be: {  	s25 =	sadd.s32 s2, s7;
	s7 =	sshrl.u32 s26, $0x3  }
0x1bf: {  	[tilespmem:s28], [sflag:$0x7] =	stream.strided.gather [hbm4b:s25+s13], $0x1000, s12, s13, $0x38;
	[tilespmem:$0x10E80] =	vst v63  }
0x1c0: {  	s25 =	sand.u32 $0x1FFFFFF0, s7  }
0x1c1: {  	s26 =	sshrl.u32 s30, $0x3;
	s28 =	simm.s32 $0x10700;
	s25 =	sadd.s32 s3, s25  }
0x1c2: {  	[tilespmem:s28], [sflag:$0x7] =	stream.linear.gather [hbm4b:s25+s4], $0x80, $0x38;
	[tilespmem:$0x10E80] =	vst v63  }
0x1c3: {  	s25 =	sand.u32 $0x1FFFFFF0, s26  }
0x1c4: {  	s30 =	simm.s32 $0x10B00;
	s25 =	sadd.s32 s6, s25  }
0x1c5: {  	[tilespmem:s30], [sflag:$0x7] =	stream.linear.gather [hbm4b:s25+s4], $0x80, $0x38;
	[tilespmem:$0x10E80] =	vst v63  }
0x1c6: {  	_ =	swait.ge [sflag:s14], $0x2100  }
0x1c7: {  	(v2sf) =	vpush v3, $0x7;
	_ =	sdelay $0x1  }
0x1c8: {  	(v2sf) =	vpush v4, $0x7;
	_ =	sdelay $0xc  }
0x1c9: {  	s26 =	spop (v2sf)  }
0x1ca: {  	s25 =	sand.u32 $0x7F, s26  }
0x1cb: {  	s30 =	spop (v2sf);
	v5 =	vor.u32 s25, v1  }
0x1cc: {  	s26 =	sand.u32 $0x7F, s30;
	v6 =	vor.u32 s25, v2  }
0x1cd: {  	v7 =	vor.u32 s26, v1  }
0x1ce: {  	[sflag:s14] =	ssyncset.done $0x0;
	v63 =	vor.u32 s26, v2  }
0x1cf: {  	s7 =	simm.s32 $0x7400;
	[sflag:s14] =	ssyncadd.s32 $0xFFFFDF00  }
0x1d0: {  	v5 =	vld.idx.msk [tilespmem:v5+s7+$0x0], $0xffff  }
0x1d1: {  	s30 =	simm.s32 $0xF400;
	v6 =	vld.idx.msk [tilespmem:v6+s7+$0x0], $0xffff  }
0x1d2: {  	v7 =	vld.idx.msk [tilespmem:v7+s30+$0x0], $0xffff  }
0x1d3: {  	v8 =	vld.idx.msk [tilespmem:v63+s30+$0x0], $0xffff;
	_ =	sdelay $0x4  }
0x1d4: {  	v5 =	vmul.f32 v7, v5;
	v6 =	vmul.f32 v8, v6;
	_ =	sdelay $0x1  }
0x1d5: {  	v5 =	vadd.f32 v6, v5;
	_ =	sdelay $0x1  }
0x1d6: {  	(xrf2) =	vadd.scan.msk.f32 $0xffff, v5  }
0x1d7: {  	v5 =	vmov s25  }
0x1d8: {  	v5 =	vor.u32 $0x380, v5  }
0x1d9: {  	v6 =	vmov s26  }
0x1da: {  	v6 =	vor.u32 $0x380, v6;
	_ =	sdelay $0x2  }
0x1db: {  	v5 =	vld.idx.msk [tilespmem:v5+s15+$0x0], $0xffff;
	_ =	sdelay $0x1  }
0x1dc: {  	v6 =	vld.idx.msk [tilespmem:v6+s16+$0x0], $0xffff  }
0x1dd: {  	v7, _, _ =	vpop (xrf2)  }
0x1de: {  	(v2sf) =	vpush v7, $0xF  }
0x1df: {  	(v2sf) =	vpush v5, $0x0;
	_ =	sdelay $0x1  }
0x1e0: {  	(v2sf) =	vpush v6, $0x0;
	_ =	sdelay $0x1  }
0x1e1: {  	(v2sf) =	vpush v3, $0xF;
	_ =	sdelay $0x1  }
0x1e2: {  	(v2sf) =	vpush v4, $0xF;
	_ =	sdelay $0x7  }
0x1e3: {  	s25 =	spop (v2sf)  }
0x1e4: {  	v3 =	vld [tilespmem:$0x10C00];
	s26 =	spop (v2sf)  }
0x1e5: {  	s25 =	sadd.f32 s25, s26  }
0x1e6: {  	s22 =	sor.u32 $0x7, s22;
	s26 =	spop (v2sf)  }
0x1e7: {  	v4 =	vmov s22;
	s25 =	sadd.f32 s25, s26  }
0x1e8: {  	vm15 =	veq.s32 v4, v0;
	s22 =	spop (v2sf)  }
0x1e9: {  	v3 =	vsel vm15, s25, v3;
	s25 =	sand.u32 $0x1FFFFF80, s22  }
0x1ea: {  	s26 =	spop (v2sf);
	[tilespmem:$0x10C00] =	vst v3;
	s25 =	sadd.s32 s1, s25  }
0x1eb: {  	[tilespmem:s7], [sflag:$0x8] =	stream.strided.gather [hbm4b:s25+s13], $0x1000, s12, s13, $0x38;
	[tilespmem:$0x10E80] =	vst v63  }
0x1ec: {  	s22 =	sshrl.u32 s22, $0x3;
	s7 =	sand.u32 $0x1FFFFF80, s26  }
0x1ed: {  	s22 =	sand.u32 $0x1FFFFFF0, s22;
	s25 =	sadd.s32 s2, s7  }
0x1ee: {  	[tilespmem:s30], [sflag:$0x8] =	stream.strided.gather [hbm4b:s25+s13], $0x1000, s12, s13, $0x38;
	[tilespmem:$0x10E80] =	vst v63  }
0x1ef: {  	s22 =	sadd.s32 s3, s22;
	s30 =	simm.s32 $0x10780;
	s25 =	sshrl.u32 s26, $0x3  }
0x1f0: {  	[tilespmem:s30], [sflag:$0x8] =	stream.linear.gather [hbm4b:s22+s4], $0x80, $0x38;
	[tilespmem:$0x10E80] =	vst v63  }
0x1f1: {  	s22 =	sand.u32 $0x1FFFFFF0, s25  }
0x1f2: {  	s26 =	simm.s32 $0x10B80;
	s22 =	sadd.s32 s6, s22  }
0x1f3: {  	[tilespmem:s26], [sflag:$0x8] =	stream.linear.gather [hbm4b:s22+s4], $0x80, $0x38;
	[tilespmem:$0x10E80] =	vst v63  }
0x1f4: {  	p0 =	sne.s32 s21, $0x1F0;
	v5 =	vld [tilespmem:$0x10C00]  }
.Ltmp0:
0x1f5: {  	_ = 	snop;
	(pc) =	sbr.rel @p0 .LBB2_2-.Ltmp0, $3  }
0x1f6: {  	_ =	sdelay $0x1  }
0x1f7: {  	s30 =	sand.u32 $0x1F0, s21  }
0x1f8: {  	s18 =	sadd.s32 $0x8, s18;
	s17 =	sadd.s32 $0x8, s17;
	s21 =	sadd.s32 $0x8, s21;
	[tilespmem:s30+$0x10C80] =	vst v5  }
0x1f9: {  	v3 =	vld [tilespmem:$0x1F0];
	_ =	sdelay $0x1  }
0x1fa: {  	v4 =	vld [tilespmem:$0x3F0];
	_ =	sdelay $0x1  }
0x1fb: {  	_ =	swait.ge [sflag:s5], $0x2100  }
0x1fc: {  	(v2sf) =	vpush v3, $0x8;
	_ =	sdelay $0x1  }
0x1fd: {  	(v2sf) =	vpush v4, $0x8;
	_ =	sdelay $0xc  }
0x1fe: {  	s17 =	spop (v2sf)  }
0x1ff: {  	s17 =	sand.u32 $0x7F, s17  }
0x200: {  	s18 =	spop (v2sf);
	v6 =	vor.u32 s17, v1  }
0x201: {  	s18 =	sand.u32 $0x7F, s18;
	v7 =	vor.u32 s17, v2  }
0x202: {  	v8 =	vor.u32 s18, v1  }
0x203: {  	[sflag:s5] =	ssyncset.done $0x0;
	v9 =	vor.u32 s18, v2  }
0x204: {  	[sflag:s5] =	ssyncadd.s32 $0xFFFFDF00  }
0x205: {  	v6 =	vld.idx.msk [tilespmem:v6+s13+$0x0], $0xffff  }
0x206: {  	s21 =	simm.s32 $0x8400;
	v7 =	vld.idx.msk [tilespmem:v7+s13+$0x0], $0xffff  }
0x207: {  	v8 =	vld.idx.msk [tilespmem:v8+s21+$0x0], $0xffff  }
0x208: {  	v9 =	vld.idx.msk [tilespmem:v9+s21+$0x0], $0xffff;
	_ =	sdelay $0x4  }
0x209: {  	v6 =	vmul.f32 v8, v6;
	v7 =	vmul.f32 v9, v7;
	_ =	sdelay $0x1  }
0x20a: {  	v6 =	vadd.f32 v7, v6;
	_ =	sdelay $0x1  }
0x20b: {  	(xrf2) =	vadd.scan.msk.f32 $0xffff, v6;
	_ =	sdelay $0x1  }
0x20c: {  	v14 =	vmov s17;
	_ =	sdelay $0x1  }
0x20d: {  	v15 =	vmov s18;
	_ =	sdelay $0x2  }
0x20e: {  	v6 =	vld.idx.msk [tilespmem:v14+s15+$0x0], $0xffff;
	_ =	sdelay $0x1  }
0x20f: {  	v7 =	vld.idx.msk [tilespmem:v15+s16+$0x0], $0xffff  }
0x210: {  	v16, _, _ =	vpop (xrf2)  }
0x211: {  	(v2sf) =	vpush v16, $0xF  }
0x212: {  	(v2sf) =	vpush v6, $0x0;
	_ =	sdelay $0x1  }
0x213: {  	(v2sf) =	vpush v7, $0x0;
	_ =	sdelay $0xb  }
0x214: {  	s25 =	spop (v2sf)  }
0x215: {  	s26 =	spop (v2sf)  }
0x216: {  	s17 =	sadd.f32 s25, s26  }
0x217: {  	s7 =	spop (v2sf)  }
0x218: {  	s17 =	sadd.f32 s17, s7  }
0x219: {  	vm0 =	veq.s32 v0, $0x8  }
0x21a: {  	v5 =	vsel vm0, s17, v5  }
0x21b: {  	[tilespmem:$0x10C00] =	vst v5  }
0x21c: {  	_ =	swait.ge [sflag:s9], $0x2100  }
0x21d: {  	(v2sf) =	vpush v3, $0x9;
	_ =	sdelay $0x1  }
0x21e: {  	(v2sf) =	vpush v4, $0x9;
	_ =	sdelay $0xc  }
0x21f: {  	s18 =	spop (v2sf)  }
0x220: {  	s17 =	sand.u32 $0x7F, s18  }
0x221: {  	s21 =	spop (v2sf);
	v17 =	vor.u32 s17, v1  }
0x222: {  	s18 =	sand.u32 $0x7F, s21;
	v18 =	vor.u32 s17, v2  }
0x223: {  	v19 =	vor.u32 s18, v1  }
0x224: {  	[sflag:s9] =	ssyncset.done $0x0;
	v20 =	vor.u32 s18, v2  }
0x225: {  	s22 =	simm.s32 $0x1400;
	[sflag:s9] =	ssyncadd.s32 $0xFFFFDF00  }
0x226: {  	v6 =	vld.idx.msk [tilespmem:v17+s22+$0x0], $0xffff  }
0x227: {  	s7 =	simm.s32 $0x9400;
	v7 =	vld.idx.msk [tilespmem:v18+s22+$0x0], $0xffff  }
0x228: {  	v8 =	vld.idx.msk [tilespmem:v19+s7+$0x0], $0xffff  }
0x229: {  	v9 =	vld.idx.msk [tilespmem:v20+s7+$0x0], $0xffff;
	_ =	sdelay $0x4  }
0x22a: {  	v6 =	vmul.f32 v8, v6;
	v7 =	vmul.f32 v9, v7;
	_ =	sdelay $0x1  }
0x22b: {  	v6 =	vadd.f32 v7, v6;
	_ =	sdelay $0x1  }
0x22c: {  	(xrf2) =	vadd.scan.msk.f32 $0xffff, v6  }
0x22d: {  	v21 =	vmov s17  }
0x22e: {  	v6 =	vor.u32 $0x80, v21  }
0x22f: {  	v22 =	vmov s18  }
0x230: {  	v7 =	vor.u32 $0x80, v22;
	_ =	sdelay $0x2  }
0x231: {  	v6 =	vld.idx.msk [tilespmem:v6+s15+$0x0], $0xffff;
	_ =	sdelay $0x1  }
0x232: {  	v7 =	vld.idx.msk [tilespmem:v7+s16+$0x0], $0xffff  }
0x233: {  	v23, _, _ =	vpop (xrf2)  }
0x234: {  	(v2sf) =	vpush v23, $0xF  }
0x235: {  	(v2sf) =	vpush v6, $0x0;
	_ =	sdelay $0x1  }
0x236: {  	(v2sf) =	vpush v7, $0x0;
	_ =	sdelay $0xb  }
0x237: {  	s25 =	spop (v2sf)  }
0x238: {  	s26 =	spop (v2sf)  }
0x239: {  	s17 =	sadd.f32 s25, s26  }
0x23a: {  	s7 =	spop (v2sf)  }
0x23b: {  	s17 =	sadd.f32 s17, s7  }
0x23c: {  	vm9 =	veq.s32 v0, $0x9  }
0x23d: {  	v5 =	vsel vm9, s17, v5  }
0x23e: {  	[tilespmem:$0x10C00] =	vst v5  }
0x23f: {  	_ =	swait.ge [sflag:s10], $0x2100  }
0x240: {  	(v2sf) =	vpush v3, $0xA;
	_ =	sdelay $0x1  }
0x241: {  	(v2sf) =	vpush v4, $0xA;
	_ =	sdelay $0xc  }
0x242: {  	s21 =	spop (v2sf)  }
0x243: {  	s17 =	sand.u32 $0x7F, s21  }
0x244: {  	s22 =	spop (v2sf);
	v24 =	vor.u32 s17, v1  }
0x245: {  	s18 =	sand.u32 $0x7F, s22;
	v25 =	vor.u32 s17, v2  }
0x246: {  	v26 =	vor.u32 s18, v1  }
0x247: {  	[sflag:s10] =	ssyncset.done $0x0;
	v27 =	vor.u32 s18, v2  }
0x248: {  	s25 =	simm.s32 $0x2400;
	[sflag:s10] =	ssyncadd.s32 $0xFFFFDF00  }
0x249: {  	v6 =	vld.idx.msk [tilespmem:v24+s25+$0x0], $0xffff  }
0x24a: {  	s26 =	simm.s32 $0xA400;
	v7 =	vld.idx.msk [tilespmem:v25+s25+$0x0], $0xffff  }
0x24b: {  	v8 =	vld.idx.msk [tilespmem:v26+s26+$0x0], $0xffff  }
0x24c: {  	v9 =	vld.idx.msk [tilespmem:v27+s26+$0x0], $0xffff;
	_ =	sdelay $0x4  }
0x24d: {  	v6 =	vmul.f32 v8, v6;
	v7 =	vmul.f32 v9, v7;
	_ =	sdelay $0x1  }
0x24e: {  	v6 =	vadd.f32 v7, v6;
	_ =	sdelay $0x1  }
0x24f: {  	(xrf2) =	vadd.scan.msk.f32 $0xffff, v6  }
0x250: {  	v28 =	vmov s17  }
0x251: {  	v6 =	vor.u32 $0x100, v28  }
0x252: {  	v29 =	vmov s18  }
0x253: {  	v7 =	vor.u32 $0x100, v29;
	_ =	sdelay $0x2  }
0x254: {  	v6 =	vld.idx.msk [tilespmem:v6+s15+$0x0], $0xffff;
	_ =	sdelay $0x1  }
0x255: {  	v7 =	vld.idx.msk [tilespmem:v7+s16+$0x0], $0xffff  }
0x256: {  	v30, _, _ =	vpop (xrf2)  }
0x257: {  	(v2sf) =	vpush v30, $0xF  }
0x258: {  	(v2sf) =	vpush v6, $0x0;
	_ =	sdelay $0x1  }
0x259: {  	(v2sf) =	vpush v7, $0x0;
	_ =	sdelay $0xb  }
0x25a: {  	s21 =	spop (v2sf)  }
0x25b: {  	s22 =	spop (v2sf)  }
0x25c: {  	s17 =	sadd.f32 s21, s22  }
0x25d: {  	s25 =	spop (v2sf)  }
0x25e: {  	s17 =	sadd.f32 s17, s25  }
0x25f: {  	vm10 =	veq.s32 v0, $0xA  }
0x260: {  	v5 =	vsel vm10, s17, v5  }
0x261: {  	[tilespmem:$0x10C00] =	vst v5  }
0x262: {  	_ =	swait.ge [sflag:s20], $0x2100  }
0x263: {  	(v2sf) =	vpush v3, $0xB;
	_ =	sdelay $0x1  }
0x264: {  	(v2sf) =	vpush v4, $0xB;
	_ =	sdelay $0xc  }
0x265: {  	s26 =	spop (v2sf)  }
0x266: {  	s17 =	sand.u32 $0x7F, s26  }
0x267: {  	s7 =	spop (v2sf);
	v31 =	vor.u32 s17, v1  }
0x268: {  	s18 =	sand.u32 $0x7F, s7;
	v32 =	vor.u32 s17, v2  }
0x269: {  	v33 =	vor.u32 s18, v1  }
0x26a: {  	[sflag:s20] =	ssyncset.done $0x0;
	v34 =	vor.u32 s18, v2  }
0x26b: {  	s21 =	simm.s32 $0x3400;
	[sflag:s20] =	ssyncadd.s32 $0xFFFFDF00  }
0x26c: {  	v6 =	vld.idx.msk [tilespmem:v31+s21+$0x0], $0xffff  }
0x26d: {  	s22 =	simm.s32 $0xB400;
	v7 =	vld.idx.msk [tilespmem:v32+s21+$0x0], $0xffff  }
0x26e: {  	v8 =	vld.idx.msk [tilespmem:v33+s22+$0x0], $0xffff  }
0x26f: {  	v9 =	vld.idx.msk [tilespmem:v34+s22+$0x0], $0xffff;
	_ =	sdelay $0x4  }
0x270: {  	v6 =	vmul.f32 v8, v6;
	v7 =	vmul.f32 v9, v7;
	_ =	sdelay $0x1  }
0x271: {  	v6 =	vadd.f32 v7, v6;
	_ =	sdelay $0x1  }
0x272: {  	(xrf2) =	vadd.scan.msk.f32 $0xffff, v6  }
0x273: {  	v35 =	vmov s17  }
0x274: {  	v6 =	vor.u32 $0x180, v35  }
0x275: {  	v36 =	vmov s18  }
0x276: {  	v7 =	vor.u32 $0x180, v36;
	_ =	sdelay $0x2  }
0x277: {  	v6 =	vld.idx.msk [tilespmem:v6+s15+$0x0], $0xffff;
	_ =	sdelay $0x1  }
0x278: {  	v7 =	vld.idx.msk [tilespmem:v7+s16+$0x0], $0xffff  }
0x279: {  	v37, _, _ =	vpop (xrf2)  }
0x27a: {  	(v2sf) =	vpush v37, $0xF  }
0x27b: {  	(v2sf) =	vpush v6, $0x0;
	_ =	sdelay $0x1  }
0x27c: {  	(v2sf) =	vpush v7, $0x0;
	_ =	sdelay $0xb  }
0x27d: {  	s25 =	spop (v2sf)  }
0x27e: {  	s26 =	spop (v2sf)  }
0x27f: {  	s17 =	sadd.f32 s25, s26  }
0x280: {  	s7 =	spop (v2sf)  }
0x281: {  	s17 =	sadd.f32 s17, s7  }
0x282: {  	vm11 =	veq.s32 v0, $0xB  }
0x283: {  	v5 =	vsel vm11, s17, v5  }
0x284: {  	[tilespmem:$0x10C00] =	vst v5  }
0x285: {  	_ =	swait.ge [sflag:s23], $0x2100  }
0x286: {  	(v2sf) =	vpush v3, $0xC;
	_ =	sdelay $0x1  }
0x287: {  	(v2sf) =	vpush v4, $0xC;
	_ =	sdelay $0xc  }
0x288: {  	s21 =	spop (v2sf)  }
0x289: {  	s17 =	sand.u32 $0x7F, s21  }
0x28a: {  	s22 =	spop (v2sf);
	v38 =	vor.u32 s17, v1  }
0x28b: {  	s18 =	sand.u32 $0x7F, s22;
	v39 =	vor.u32 s17, v2  }
0x28c: {  	v40 =	vor.u32 s18, v1  }
0x28d: {  	[sflag:s23] =	ssyncset.done $0x0;
	v41 =	vor.u32 s18, v2  }
0x28e: {  	s25 =	simm.s32 $0x4400;
	[sflag:s23] =	ssyncadd.s32 $0xFFFFDF00  }
0x28f: {  	v6 =	vld.idx.msk [tilespmem:v38+s25+$0x0], $0xffff  }
0x290: {  	s26 =	simm.s32 $0xC400;
	v7 =	vld.idx.msk [tilespmem:v39+s25+$0x0], $0xffff  }
0x291: {  	v8 =	vld.idx.msk [tilespmem:v40+s26+$0x0], $0xffff  }
0x292: {  	v9 =	vld.idx.msk [tilespmem:v41+s26+$0x0], $0xffff;
	_ =	sdelay $0x4  }
0x293: {  	v6 =	vmul.f32 v8, v6;
	v7 =	vmul.f32 v9, v7;
	_ =	sdelay $0x1  }
0x294: {  	v6 =	vadd.f32 v7, v6;
	_ =	sdelay $0x1  }
0x295: {  	(xrf2) =	vadd.scan.msk.f32 $0xffff, v6  }
0x296: {  	v42 =	vmov s17  }
0x297: {  	v6 =	vor.u32 $0x200, v42  }
0x298: {  	v43 =	vmov s18  }
0x299: {  	v7 =	vor.u32 $0x200, v43;
	_ =	sdelay $0x2  }
0x29a: {  	v6 =	vld.idx.msk [tilespmem:v6+s15+$0x0], $0xffff;
	_ =	sdelay $0x1  }
0x29b: {  	v7 =	vld.idx.msk [tilespmem:v7+s16+$0x0], $0xffff  }
0x29c: {  	v44, _, _ =	vpop (xrf2)  }
0x29d: {  	(v2sf) =	vpush v44, $0xF  }
0x29e: {  	(v2sf) =	vpush v6, $0x0;
	_ =	sdelay $0x1  }
0x29f: {  	(v2sf) =	vpush v7, $0x0;
	_ =	sdelay $0xb  }
0x2a0: {  	s21 =	spop (v2sf)  }
0x2a1: {  	s22 =	spop (v2sf)  }
0x2a2: {  	s17 =	sadd.f32 s21, s22  }
0x2a3: {  	s25 =	spop (v2sf)  }
0x2a4: {  	s17 =	sadd.f32 s17, s25  }
0x2a5: {  	vm12 =	veq.s32 v0, $0xC  }
0x2a6: {  	v5 =	vsel vm12, s17, v5  }
0x2a7: {  	[tilespmem:$0x10C00] =	vst v5  }
0x2a8: {  	_ =	swait.ge [sflag:s29], $0x2100  }
0x2a9: {  	(v2sf) =	vpush v3, $0xD;
	_ =	sdelay $0x1  }
0x2aa: {  	(v2sf) =	vpush v4, $0xD;
	_ =	sdelay $0xc  }
0x2ab: {  	s26 =	spop (v2sf)  }
0x2ac: {  	s17 =	sand.u32 $0x7F, s26  }
0x2ad: {  	s7 =	spop (v2sf);
	v45 =	vor.u32 s17, v1  }
0x2ae: {  	s18 =	sand.u32 $0x7F, s7;
	v46 =	vor.u32 s17, v2  }
0x2af: {  	v47 =	vor.u32 s18, v1  }
0x2b0: {  	[sflag:s29] =	ssyncset.done $0x0;
	v48 =	vor.u32 s18, v2  }
0x2b1: {  	s21 =	simm.s32 $0x5400;
	[sflag:s29] =	ssyncadd.s32 $0xFFFFDF00  }
0x2b2: {  	v6 =	vld.idx.msk [tilespmem:v45+s21+$0x0], $0xffff  }
0x2b3: {  	s22 =	simm.s32 $0xD400;
	v7 =	vld.idx.msk [tilespmem:v46+s21+$0x0], $0xffff  }
0x2b4: {  	v8 =	vld.idx.msk [tilespmem:v47+s22+$0x0], $0xffff  }
0x2b5: {  	v9 =	vld.idx.msk [tilespmem:v48+s22+$0x0], $0xffff;
	_ =	sdelay $0x4  }
0x2b6: {  	v6 =	vmul.f32 v8, v6;
	v7 =	vmul.f32 v9, v7;
	_ =	sdelay $0x1  }
0x2b7: {  	v6 =	vadd.f32 v7, v6;
	_ =	sdelay $0x1  }
0x2b8: {  	(xrf2) =	vadd.scan.msk.f32 $0xffff, v6  }
0x2b9: {  	v49 =	vmov s17  }
0x2ba: {  	v6 =	vor.u32 $0x280, v49  }
0x2bb: {  	v50 =	vmov s18  }
0x2bc: {  	v7 =	vor.u32 $0x280, v50;
	_ =	sdelay $0x2  }
0x2bd: {  	v6 =	vld.idx.msk [tilespmem:v6+s15+$0x0], $0xffff;
	_ =	sdelay $0x1  }
0x2be: {  	v7 =	vld.idx.msk [tilespmem:v7+s16+$0x0], $0xffff  }
0x2bf: {  	v51, _, _ =	vpop (xrf2)  }
0x2c0: {  	(v2sf) =	vpush v51, $0xF  }
0x2c1: {  	(v2sf) =	vpush v6, $0x0;
	_ =	sdelay $0x1  }
0x2c2: {  	(v2sf) =	vpush v7, $0x0;
	_ =	sdelay $0xb  }
0x2c3: {  	s25 =	spop (v2sf)  }
0x2c4: {  	s26 =	spop (v2sf)  }
0x2c5: {  	s17 =	sadd.f32 s25, s26  }
0x2c6: {  	s7 =	spop (v2sf)  }
0x2c7: {  	s17 =	sadd.f32 s17, s7  }
0x2c8: {  	vm13 =	veq.s32 v0, $0xD  }
0x2c9: {  	v5 =	vsel vm13, s17, v5  }
0x2ca: {  	[tilespmem:$0x10C00] =	vst v5  }
0x2cb: {  	_ =	swait.ge [sflag:s0], $0x2100  }
0x2cc: {  	(v2sf) =	vpush v3, $0xE;
	_ =	sdelay $0x1  }
0x2cd: {  	(v2sf) =	vpush v4, $0xE;
	_ =	sdelay $0xc  }
0x2ce: {  	s18 =	spop (v2sf)  }
0x2cf: {  	s17 =	sand.u32 $0x7F, s18  }
0x2d0: {  	s21 =	spop (v2sf);
	v52 =	vor.u32 s17, v1  }
0x2d1: {  	s18 =	sand.u32 $0x7F, s21;
	v53 =	vor.u32 s17, v2  }
0x2d2: {  	v54 =	vor.u32 s18, v1  }
0x2d3: {  	[sflag:s0] =	ssyncset.done $0x0;
	v55 =	vor.u32 s18, v2  }
0x2d4: {  	s22 =	simm.s32 $0x6400;
	[sflag:s0] =	ssyncadd.s32 $0xFFFFDF00  }
0x2d5: {  	v6 =	vld.idx.msk [tilespmem:v52+s22+$0x0], $0xffff  }
0x2d6: {  	s25 =	simm.s32 $0xE400;
	v7 =	vld.idx.msk [tilespmem:v53+s22+$0x0], $0xffff  }
0x2d7: {  	v8 =	vld.idx.msk [tilespmem:v54+s25+$0x0], $0xffff  }
0x2d8: {  	v9 =	vld.idx.msk [tilespmem:v55+s25+$0x0], $0xffff;
	_ =	sdelay $0x4  }
0x2d9: {  	v6 =	vmul.f32 v8, v6;
	v7 =	vmul.f32 v9, v7;
	_ =	sdelay $0x1  }
0x2da: {  	v6 =	vadd.f32 v7, v6;
	_ =	sdelay $0x1  }
0x2db: {  	(xrf2) =	vadd.scan.msk.f32 $0xffff, v6  }
0x2dc: {  	v56 =	vmov s17  }
0x2dd: {  	v6 =	vor.u32 $0x300, v56  }
0x2de: {  	v57 =	vmov s18  }
0x2df: {  	v7 =	vor.u32 $0x300, v57;
	_ =	sdelay $0x2  }
0x2e0: {  	v6 =	vld.idx.msk [tilespmem:v6+s15+$0x0], $0xffff;
	_ =	sdelay $0x1  }
0x2e1: {  	v7 =	vld.idx.msk [tilespmem:v7+s16+$0x0], $0xffff  }
0x2e2: {  	v58, _, _ =	vpop (xrf2)  }
0x2e3: {  	(v2sf) =	vpush v58, $0xF  }
0x2e4: {  	(v2sf) =	vpush v6, $0x0;
	_ =	sdelay $0x1  }
0x2e5: {  	(v2sf) =	vpush v7, $0x0;
	_ =	sdelay $0xb  }
0x2e6: {  	s26 =	spop (v2sf)  }
0x2e7: {  	s7 =	spop (v2sf)  }
0x2e8: {  	s17 =	sadd.f32 s26, s7  }
0x2e9: {  	s21 =	spop (v2sf)  }
0x2ea: {  	s17 =	sadd.f32 s17, s21  }
0x2eb: {  	vm14 =	veq.s32 v0, $0xE  }
0x2ec: {  	v5 =	vsel vm14, s17, v5  }
0x2ed: {  	[tilespmem:$0x10C00] =	vst v5  }
0x2ee: {  	_ =	swait.ge [sflag:s14], $0x2100  }
0x2ef: {  	(v2sf) =	vpush v3, $0xF;
	_ =	sdelay $0x1  }
0x2f0: {  	(v2sf) =	vpush v4, $0xF;
	_ =	sdelay $0xc  }
0x2f1: {  	s22 =	spop (v2sf)  }
0x2f2: {  	s17 =	sand.u32 $0x7F, s22  }
0x2f3: {  	s25 =	spop (v2sf);
	v3 =	vor.u32 s17, v1  }
0x2f4: {  	s18 =	sand.u32 $0x7F, s25;
	v59 =	vor.u32 s17, v2  }
0x2f5: {  	v60 =	vor.u32 s18, v1  }
0x2f6: {  	[sflag:s14] =	ssyncset.done $0x0;
	v61 =	vor.u32 s18, v2  }
0x2f7: {  	s26 =	simm.s32 $0x7400;
	[sflag:s14] =	ssyncadd.s32 $0xFFFFDF00  }
0x2f8: {  	v3 =	vld.idx.msk [tilespmem:v3+s26+$0x0], $0xffff  }
0x2f9: {  	s21 =	simm.s32 $0xF400;
	v4 =	vld.idx.msk [tilespmem:v59+s26+$0x0], $0xffff  }
0x2fa: {  	v6 =	vld.idx.msk [tilespmem:v60+s21+$0x0], $0xffff  }
0x2fb: {  	v7 =	vld.idx.msk [tilespmem:v61+s21+$0x0], $0xffff;
	_ =	sdelay $0x4  }
0x2fc: {  	v3 =	vmul.f32 v6, v3;
	v4 =	vmul.f32 v7, v4;
	_ =	sdelay $0x1  }
0x2fd: {  	v3 =	vadd.f32 v4, v3;
	_ =	sdelay $0x1  }
0x2fe: {  	(xrf2) =	vadd.scan.msk.f32 $0xffff, v3  }
0x2ff: {  	v3 =	vmov s17  }
0x300: {  	v3 =	vor.u32 $0x380, v3  }
0x301: {  	v62 =	vmov s18  }
0x302: {  	v4 =	vor.u32 $0x380, v62;
	_ =	sdelay $0x2  }
0x303: {  	v3 =	vld.idx.msk [tilespmem:v3+s15+$0x0], $0xffff;
	_ =	sdelay $0x1  }
0x304: {  	v4 =	vld.idx.msk [tilespmem:v4+s16+$0x0], $0xffff  }
0x305: {  	v63, _, _ =	vpop (xrf2)  }
0x306: {  	(v2sf) =	vpush v63, $0xF  }
0x307: {  	(v2sf) =	vpush v3, $0x0;
	_ =	sdelay $0x1  }
0x308: {  	(v2sf) =	vpush v4, $0x0;
	_ =	sdelay $0xb  }
0x309: {  	s22 =	spop (v2sf)  }
0x30a: {  	s26 =	spop (v2sf)  }
0x30b: {  	s17 =	sadd.f32 s22, s26  }
0x30c: {  	s7 =	spop (v2sf)  }
0x30d: {  	s17 =	sadd.f32 s17, s7  }
0x30e: {  	vm15 =	veq.s32 v0, $0xF  }
0x30f: {  	v3 =	vsel vm15, s17, v5  }
0x310: {  	[tilespmem:$0x10C00] =	vst v3  }
0x311: {  	s18 =	rddreg [dreg:$0x9];
	s21 =	simm.s32 $0x10C80;
	[tilespmem:$0x10E70] =	vst v3  }
0x312: {  	[hbm4b:s18+s4] =	stream.linear.scatter [tilespmem:s21], [sflag:$0x9], $0x200, $0x38;
	[tilespmem:$0x10E80] =	vst v63  }
0x313: {  	s21 =	simm.s32 $0x9  }
0x314: {  	_ =	swait.ge [sflag:s21], $0x200  }
0x315: {  	s22 =	rddreg [dreg:$0xb]  }
0x316: {  	s26 =	rddreg [dreg:$0xa];
	s18 =	sadd.s32 $0x1, s22  }
0x317: {  	p0 =	sne.s32 s18, s26  }
.Ltmp1:
0x318: {  	_ = 	snop;
	(pc) =	sbr.rel @p0 .LBB2_1-.Ltmp1, $3  }
0x319: {  	_ =	sdelay $0x1  }
0x31a: {  	s30 =	simm.s32 $0xF400;
	[sflag:s21] =	ssyncset.done $0x0  }
0x31b: {  	s25 =	simm.s32 $0x7400;
	s7 =	simm.s32 $0x10880;
	[sflag:s21] =	ssyncadd.s32 $0xFFFFFE00  }
0x31c: {  	_ =	sfence.sel $0x180000  }
0x31d: {  	[bflag:$0x0] =	sbarrier.arrive $0xFFFF  }
0x31e: {  	_ =	strace $0x90000047  }
0x31f: {  	s0 =	stileid.u32;
	[bflag:$0x2] =	sbarrier.arrive $0xFFFF  }
0x320: {  	p0 =	sne.s32 s0, $0x0;
	s0 =	rddreg [dreg:$0x6]  }
0x321: {  	s0 =	sadd.s32 @!p0 $0x100000, s0  }
0x322: {  	[sflag:s0] =	ssyncadd.tile.s32 @!p0 $0x1;
	_ =	shalt  }
.Lfunc_end2:
_tile_overlayer_lowered:
.L_overlay_start_2:
0x323: {  	(tag) =	ssettag $0x2  }
0x324: {  	s0 =	rddreg [dreg:$0x0];
	s2 =	stileid.u32  }
0x325: {  	s1 =	rddreg [dreg:$0x1];
	p0 =	sne.s32 s2, $0x0  }
0x326: {  	s3 =	rddreg [dreg:$0x2];
	[bflag:$0x3] =	sbarrier.arrive $0xFFFF;
	s2 =	simm.s32 @!p0 $0x1C09  }
0x327: {  	[timem:s3], [sflag:s2] =	dma.local @!p0 [hbm:s0], s1  }
0x328: {  	s0 =	simm.s32 @!p0 $0x9  }
0x329: {  	_ =	swait.ge @!p0 [sflag:s0], s1  }
0x32a: {  	s1 =	ssub.s32 @!p0 $0x0, s1;
	[sflag:s0] =	ssyncset.done @!p0 $0x0  }
0x32b: {  	[sflag:s0] =	ssyncadd.s32 @!p0 s1  }
0x32c: {  	[bflag:$0x3] =	sbarrier.arrive $0xFFFF  }
0x32d: {  	_ =	shalt  }

</sc_bundles>
